<compile_context>
chip_gen: v7x
topology: tpu7x:2x2x1
jax: 0.10.2.dev20260603
libtpu: 0.0.44.dev20260713+nightly
codegen_flags: <defaults>
</compile_context>

<pallas_src>
import functools

import jax
import jax.numpy as jnp
import numpy as np
from jax import lax
from jax.experimental import pallas as pl
from jax.experimental.pallas import tpu as pltpu
from jax.experimental.pallas import tpu_sc as plsc

B = 2
SEQ = 1536
PRED = 512
ENC_IN = 7
D_MODEL = 1024
D_FF = 2048
NH = 16
DH = D_MODEL // NH
EL = 2
C_OUT = 7
BUCKET = 32
NHASH = 4
L = SEQ + PRED
N_BUCKETS = L // BUCKET
N = B * NH
BLM = 512
SCALE = DH ** -0.5
BQ = 256
BAND = BQ + BUCKET
SOW = 128
_NROWS = N * NHASH
_SEG = L // 16
_GCH = 128


def _sinusoid_table(n_pos, d=D_MODEL):
    pos = jnp.arange(n_pos, dtype=jnp.float32)[:, None]
    div = jnp.exp(jnp.arange(0, d, 2, dtype=jnp.float32)
                  * jnp.float32(-(np.log(10000.0) / d)))
    ang = pos * div
    return jnp.stack([jnp.sin(ang), jnp.cos(ang)], axis=-1).reshape(n_pos, d)


def _mm(a, b_mat):
    return jax.lax.dot_general(a, b_mat, (((1,), (0,)), ((), ())))


def _embed_kernel(xs_ref, w_ref, t_ref, o_ref):
    o_ref[...] = _mm(xs_ref[...], w_ref[...]) + t_ref[...]


def _embed(xs_pad, w_pad, temp):
    M = xs_pad.shape[0]
    return pl.pallas_call(
        _embed_kernel,
        out_shape=jax.ShapeDtypeStruct((M, D_MODEL), jnp.float32),
        grid=(M // BLM,),
        in_specs=[
            pl.BlockSpec((BLM, 24), lambda i: (i, 0)),
            pl.BlockSpec((24, D_MODEL), lambda i: (0, 0)),
            pl.BlockSpec((BLM, D_MODEL), lambda i: (i, 0)),
        ],
        out_specs=pl.BlockSpec((BLM, D_MODEL), lambda i: (i, 0)),
    )(xs_pad, w_pad, temp)


def _qkv_kernel(x_ref, wqk_ref, wv_ref, qk_ref, v_ref):
    x = x_ref[...]
    qk_ref[...] = _mm(x, wqk_ref[...])
    v_ref[...] = _mm(x, wv_ref[...])


def _qkv(x2d, wqk, wv):
    M = x2d.shape[0]
    return pl.pallas_call(
        _qkv_kernel,
        out_shape=[jax.ShapeDtypeStruct((M, D_MODEL), jnp.float32),
                   jax.ShapeDtypeStruct((M, D_MODEL), jnp.float32)],
        grid=(M // BLM,),
        in_specs=[
            pl.BlockSpec((BLM, D_MODEL), lambda i: (i, 0)),
            pl.BlockSpec((D_MODEL, D_MODEL), lambda i: (0, 0)),
            pl.BlockSpec((D_MODEL, D_MODEL), lambda i: (0, 0)),
        ],
        out_specs=[pl.BlockSpec((BLM, D_MODEL), lambda i: (i, 0)),
                   pl.BlockSpec((BLM, D_MODEL), lambda i: (i, 0))],
    )(x2d, wqk, wv)


def _battn_kernel(q_ref, kx_ref, sq_ref, sx_ref, o_ref):
    qb = pl.program_id(2)
    start = qb * BQ
    q = q_ref[0, 0][:, :DH]
    kv = kx_ref[0, 0, pl.ds(start, BAND), :]
    kb = kv[:, :DH]
    vb = kv[:, DH:]
    stq = sq_ref[0, 0]
    stk = sx_ref[0, 0, :, pl.ds(start, BAND)]
    knorm = jnp.maximum(jnp.sqrt(jnp.sum(kb * kb, axis=1, keepdims=True)),
                        1e-12)
    dots = jax.lax.dot_general(q, kb / knorm,
                               (((1,), (1,)), ((), ()))) * SCALE
    iq = jax.lax.broadcasted_iota(jnp.int32, (BQ, BAND), 0) // BUCKET
    jk = jax.lax.broadcasted_iota(jnp.int32, (BQ, BAND), 1) // BUCKET
    allow = (jk == iq) | (jk == iq + 1)
    dots = jnp.where(allow, jnp.where(stq == stk, -5e4, dots), -1e9)
    m = jnp.max(dots, axis=1, keepdims=True)
    p = jnp.exp(dots - m)
    s = jnp.sum(p, axis=1, keepdims=True)
    o = _mm(p, vb) / s
    lse = m + jnp.log(s)
    o_ref[0, 0] = jnp.concatenate(
        [o, lse, jnp.zeros((BQ, SOW - DH - 1), jnp.float32)], axis=1)


def _battn(qvs4, kx, stq_col, sx_row):
    return pl.pallas_call(
        _battn_kernel,
        out_shape=jax.ShapeDtypeStruct((N, NHASH, L, SOW), jnp.float32),
        grid=(N, NHASH, L // BQ),
        in_specs=[
            pl.BlockSpec((1, 1, BQ, 2 * DH), lambda n, h, q: (n, h, q, 0)),
            pl.BlockSpec((1, 1, L + BUCKET, 2 * DH),
                         lambda n, h, q: (n, h, 0, 0)),
            pl.BlockSpec((1, 1, BQ, 1), lambda n, h, q: (n, h, q, 0)),
            pl.BlockSpec((1, 1, 1, L + BUCKET), lambda n, h, q: (n, h, 0, 0)),
        ],
        out_specs=pl.BlockSpec((1, 1, BQ, SOW), lambda n, h, q: (n, h, q, 0)),
    )(qvs4, kx, stq_col, sx_row)


def _outln_kernel(o_ref, w_ref, b_ref, x_ref, g_ref, gb_ref, y_ref):
    t = _mm(o_ref[...], w_ref[...]) + b_ref[...] + x_ref[...]
    mu = jnp.mean(t, axis=1, keepdims=True)
    var = jnp.mean((t - mu) ** 2, axis=1, keepdims=True)
    y_ref[...] = (t - mu) / jnp.sqrt(var + 1e-5) * g_ref[...] + gb_ref[...]


def _outln(o2d, w, bias, x2d, g, gb):
    M = o2d.shape[0]
    return pl.pallas_call(
        _outln_kernel,
        out_shape=jax.ShapeDtypeStruct((M, D_MODEL), jnp.float32),
        grid=(M // BLM,),
        in_specs=[
            pl.BlockSpec((BLM, D_MODEL), lambda i: (i, 0)),
            pl.BlockSpec((D_MODEL, D_MODEL), lambda i: (0, 0)),
            pl.BlockSpec((D_MODEL,), lambda i: (0,)),
            pl.BlockSpec((BLM, D_MODEL), lambda i: (i, 0)),
            pl.BlockSpec((D_MODEL,), lambda i: (0,)),
            pl.BlockSpec((D_MODEL,), lambda i: (0,)),
        ],
        out_specs=pl.BlockSpec((BLM, D_MODEL), lambda i: (i, 0)),
    )(o2d, w, bias, x2d, g, gb)


def _ffn_kernel(x_ref, w1_ref, b1_ref, w2_ref, b2_ref, g_ref, gb_ref, y_ref):
    x = x_ref[...]
    h = _mm(x, w1_ref[...]) + b1_ref[...]
    h = 0.5 * h * (1.0 + jax.lax.erf(h * 0.7071067811865476))
    t = _mm(h, w2_ref[...]) + b2_ref[...] + x
    mu = jnp.mean(t, axis=1, keepdims=True)
    var = jnp.mean((t - mu) ** 2, axis=1, keepdims=True)
    y_ref[...] = (t - mu) / jnp.sqrt(var + 1e-5) * g_ref[...] + gb_ref[...]


def _ffn(x2d, w1, b1, w2, b2, g, gb):
    M = x2d.shape[0]
    return pl.pallas_call(
        _ffn_kernel,
        out_shape=jax.ShapeDtypeStruct((M, D_MODEL), jnp.float32),
        grid=(M // BLM,),
        in_specs=[
            pl.BlockSpec((BLM, D_MODEL), lambda i: (i, 0)),
            pl.BlockSpec((D_MODEL, D_FF), lambda i: (0, 0)),
            pl.BlockSpec((D_FF,), lambda i: (0,)),
            pl.BlockSpec((D_FF, D_MODEL), lambda i: (0, 0)),
            pl.BlockSpec((D_MODEL,), lambda i: (0,)),
            pl.BlockSpec((D_MODEL,), lambda i: (0,)),
            pl.BlockSpec((D_MODEL,), lambda i: (0,)),
        ],
        out_specs=pl.BlockSpec((BLM, D_MODEL), lambda i: (i, 0)),
    )(x2d, w1, b1, w2, b2, g, gb)


def _finproj_kernel(x_ref, g_ref, gb_ref, w_ref, b_ref, y_ref):
    x = x_ref[...]
    mu = jnp.mean(x, axis=1, keepdims=True)
    var = jnp.mean((x - mu) ** 2, axis=1, keepdims=True)
    t = (x - mu) / jnp.sqrt(var + 1e-5) * g_ref[...] + gb_ref[...]
    y_ref[...] = _mm(t, w_ref[...]) + b_ref[...]


def _finproj(x2d, g, gb, w, bias):
    M = x2d.shape[0]
    wp = jnp.zeros((D_MODEL, 128), jnp.float32).at[:, :C_OUT].set(w)
    bp = jnp.zeros((128,), jnp.float32).at[:C_OUT].set(bias)
    out = pl.pallas_call(
        _finproj_kernel,
        out_shape=jax.ShapeDtypeStruct((M, 128), jnp.float32),
        grid=(M // BLM,),
        in_specs=[
            pl.BlockSpec((BLM, D_MODEL), lambda i: (i, 0)),
            pl.BlockSpec((D_MODEL,), lambda i: (0,)),
            pl.BlockSpec((D_MODEL,), lambda i: (0,)),
            pl.BlockSpec((D_MODEL, 128), lambda i: (0, 0)),
            pl.BlockSpec((128,), lambda i: (0,)),
        ],
        out_specs=pl.BlockSpec((BLM, 128), lambda i: (i, 0)),
    )(x2d, g, gb, wp, bp)
    return out[:, :C_OUT]


_SC_PARAMS = dict(
    compiler_params=pltpu.CompilerParams(needs_layout_passes=False))


def _rank_sc_body(bk_hbm, st_hbm, rk_hbm, row_v, st_v, rk_v, cnt_v, off_v):
    nc = 2
    wid = lax.axis_index("s") * nc + lax.axis_index("c")
    lanes = lax.iota(jnp.int32, 16)
    ones16 = jnp.ones((16,), jnp.int32)
    for j in range(NHASH):
        r = wid * NHASH + j
        qkbase = (r // NHASH) * L
        sobase = r * L
        pltpu.sync_copy(bk_hbm.at[r], row_v)

        def zero_body(b, carry):
            cnt_v[b, :] = jnp.zeros((16,), jnp.int32)
            return carry
        lax.fori_loop(0, N_BUCKETS, zero_body, 0)

        def hist_body(i, carry):
            idx = lanes * _SEG + i
            bkt = plsc.load_gather(row_v, [idx])
            plsc.addupdate_scatter(cnt_v, [bkt, lanes], ones16)
            return carry
        lax.fori_loop(0, _SEG, hist_body, 0)

        def off_body(b, tot):
            crow = cnt_v[b, :]
            csum = plsc.cumsum(crow)
            off_v[b, :] = tot + csum - crow
            return tot + jnp.sum(crow)
        lax.fori_loop(0, N_BUCKETS, off_body, jnp.int32(0))

        def rank_body(i, carry):
            idx = lanes * _SEG + i
            bkt = plsc.load_gather(row_v, [idx])
            rk = plsc.load_gather(off_v, [bkt, lanes])
            plsc.store_scatter(off_v, [bkt, lanes], rk + 1)
            plsc.store_scatter(rk_v, [idx], rk + sobase)
            plsc.store_scatter(st_v, [rk], idx + qkbase)
            return carry
        lax.fori_loop(0, _SEG, rank_body, 0)

        pltpu.sync_copy(st_v, st_hbm.at[r])
        pltpu.sync_copy(rk_v, rk_hbm.at[r])


def _rank_sc(flat_buckets):
    mesh = plsc.VectorSubcoreMesh(core_axis_name="c", subcore_axis_name="s")
    f = pl.kernel(
        _rank_sc_body,
        mesh=mesh,
        out_type=[jax.ShapeDtypeStruct((_NROWS, L), jnp.int32),
                  jax.ShapeDtypeStruct((_NROWS, L), jnp.int32)],
        scratch_types=[pltpu.VMEM((L,), jnp.int32),
                       pltpu.VMEM((L,), jnp.int32),
                       pltpu.VMEM((L,), jnp.int32),
                       pltpu.VMEM((N_BUCKETS, 16), jnp.int32),
                       pltpu.VMEM((N_BUCKETS, 16), jnp.int32)],
        **_SC_PARAMS,
    )
    return f(flat_buckets)


def _gather_sc_body(qv_hbm, st_hbm, qvs_hbm, idx_v, buf, sem1):
    nc = 2
    wid = lax.axis_index("s") * nc + lax.axis_index("c")
    for j in range(NHASH):
        r = wid * NHASH + j

        def chunk_body(c, carry):
            s = c * _GCH
            pltpu.sync_copy(st_hbm.at[r, pl.ds(s, _GCH)], idx_v)
            pltpu.async_copy(qv_hbm.at[idx_v], buf, sem1).wait()
            pltpu.sync_copy(buf, qvs_hbm.at[r, pl.ds(s, _GCH)])
            return carry
        lax.fori_loop(0, L // _GCH, chunk_body, 0)


def _gather_sc(qvflat, stg):
    mesh = plsc.VectorSubcoreMesh(core_axis_name="c", subcore_axis_name="s")
    f = pl.kernel(
        _gather_sc_body,
        mesh=mesh,
        out_type=jax.ShapeDtypeStruct((_NROWS, L, 2 * DH), jnp.float32),
        scratch_types=[pltpu.VMEM((_GCH,), jnp.int32),
                       pltpu.VMEM((_GCH, 2 * DH), jnp.float32),
                       pltpu.SemaphoreType.DMA],
        **_SC_PARAMS,
    )
    return f(qvflat, stg)


def _unsort_sc_body(so_hbm, rk_hbm, og_hbm, idx_v, obuf, sem1):
    nc = 2
    wid = lax.axis_index("s") * nc + lax.axis_index("c")
    for j in range(NHASH):
        r = wid * NHASH + j

        def chunk_body(c, carry):
            s = c * _GCH
            pltpu.sync_copy(rk_hbm.at[r, pl.ds(s, _GCH)], idx_v)
            pltpu.async_copy(so_hbm.at[idx_v], obuf, sem1).wait()
            pltpu.sync_copy(obuf, og_hbm.at[r, pl.ds(s, _GCH)])
            return carry
        lax.fori_loop(0, L // _GCH, chunk_body, 0)


def _unsort_sc(soflat, rkg):
    mesh = plsc.VectorSubcoreMesh(core_axis_name="c", subcore_axis_name="s")
    f = pl.kernel(
        _unsort_sc_body,
        mesh=mesh,
        out_type=jax.ShapeDtypeStruct((_NROWS, L, SOW), jnp.float32),
        scratch_types=[pltpu.VMEM((_GCH,), jnp.int32),
                       pltpu.VMEM((_GCH, SOW), jnp.float32),
                       pltpu.SemaphoreType.DMA],
        **_SC_PARAMS,
    )
    return f(soflat, rkg)


def _lsh_layer(x2d, p, rot):
    qk2d, v2d = _qkv(x2d, p['to_qk'], p['to_v'])
    qkh = (qk2d.reshape(B, L, NH, DH).transpose(0, 2, 1, 3).reshape(N, L, DH))
    vh = (v2d.reshape(B, L, NH, DH).transpose(0, 2, 1, 3).reshape(N, L, DH))

    rv = jnp.einsum('nld,dhr->nhlr', qkh, rot)
    rv = jnp.concatenate([rv, -rv], axis=-1)
    buckets = jnp.argmax(rv, axis=-1).astype(jnp.int32)

    stg, rkg = _rank_sc(buckets.reshape(_NROWS, L))

    qv = jnp.concatenate([qkh, vh], axis=-1)
    qvs = _gather_sc(qv.reshape(N * L, 2 * DH), stg)
    qvs4 = qvs.reshape(N, NHASH, L, 2 * DH)
    stg4 = stg.reshape(N, NHASH, L)

    kx = jnp.concatenate(
        [jnp.roll(qvs4[:, :, L - BUCKET:, :], 1, axis=1), qvs4], axis=2)
    sx = jnp.concatenate(
        [jnp.roll(stg4[:, :, L - BUCKET:], 1, axis=1), stg4], axis=2)

    so = _battn(qvs4, kx, stg4[..., None], sx[:, :, None, :])

    og = _unsort_sc(so.reshape(_NROWS * L, SOW), rkg)
    og4 = og.reshape(N, NHASH, L, SOW)
    o1 = og4[..., :DH]
    l1 = og4[..., DH]

    w = jax.nn.softmax(l1, axis=1)
    out = jnp.einsum('nhl,nhld->nld', w, o1)
    out2d = (out.reshape(B, NH, L, DH).transpose(0, 2, 1, 3)
             .reshape(B * L, D_MODEL))

    x2d = _outln(out2d, p['to_out'], p['b_out'], x2d, p['ln1_g'], p['ln1_b'])
    return _ffn(x2d, p['ff1_w'], p['ff1_b'], p['ff2_w'], p['ff2_b'],
                p['ln2_g'], p['ln2_b'])


def kernel(x_enc, x_mark_enc, x_dec, x_mark_dec, params):
    x = jnp.concatenate([x_enc, x_dec[:, -PRED:, :]], axis=1)
    xm = jnp.concatenate([x_mark_enc, x_mark_dec[:, -PRED:, :]], axis=1)
    temp = (_sinusoid_table(13)[xm[:, :, 0]] + _sinusoid_table(32)[xm[:, :, 1]]
            + _sinusoid_table(7)[xm[:, :, 2]] + _sinusoid_table(24)[xm[:, :, 3]]
            + _sinusoid_table(4)[xm[:, :, 4]])
    temp = temp + _sinusoid_table(L)[None, :, :]
    xp = jnp.concatenate([x[:, -1:, :], x, x[:, :1, :]], axis=1)
    xs = jnp.stack([xp[:, k:k + L, :] for k in range(3)], axis=-1)
    xs = xs.reshape(B * L, ENC_IN * 3)
    xs_pad = jnp.zeros((B * L, 24), jnp.float32).at[:, :21].set(xs)
    w_conv = params['conv_w'].reshape(D_MODEL, 21).T
    w_pad = jnp.zeros((24, D_MODEL), jnp.float32).at[:21, :].set(w_conv)
    x2d = _embed(xs_pad, w_pad, temp.reshape(B * L, D_MODEL))
    for i in range(EL):
        x2d = _lsh_layer(x2d, params['layers'][i], params['rotations'][i])
    rows = x2d.reshape(B, L, D_MODEL)[:, -PRED:, :].reshape(B * PRED, D_MODEL)
    dec = _finproj(rows, params['norm_g'], params['norm_b'],
                   params['proj_w'], params['proj_b'])
    return dec.reshape(B, PRED, C_OUT)

# --- scband reference (transcript-rebuilt; emitter-appended) ---
"""Pipeline reference for scband-model-24146306138598 (READ-ONLY COPY).

The authoritative reference and input builder live on the scoring server;
editing this copy changes nothing except your own understanding.
"""

import jax, jax.numpy as jnp
import numpy as np
from jax.scipy.special import logsumexp

B = 2
SEQ = 1536
PRED = 512
ENC_IN = 7
D_MODEL = 1024
D_FF = 2048
NH = 16
DH = D_MODEL // NH
EL = 2
C_OUT = 7
BUCKET = 32
NHASH = 4
L = SEQ + PRED
N_BUCKETS = L // BUCKET


def sinusoid_table(n_pos, d):
    pe = np.zeros((n_pos, d), dtype=np.float32)
    pos = np.arange(n_pos, dtype=np.float32)[:, None]
    div = np.exp(np.arange(0, d, 2, dtype=np.float32) * -(np.log(10000.0) / d))
    pe[:, 0::2] = np.sin(pos * div)
    pe[:, 1::2] = np.cos(pos * div)
    return jnp.asarray(pe)

MIN_TAB = sinusoid_table(4, D_MODEL)
HOUR_TAB = sinusoid_table(24, D_MODEL)
WD_TAB = sinusoid_table(7, D_MODEL)
DAY_TAB = sinusoid_table(32, D_MODEL)
MON_TAB = sinusoid_table(13, D_MODEL)
POS_TAB = sinusoid_table(L, D_MODEL)


def layer_norm(x, g, b):
    mu = jnp.mean(x, axis=-1, keepdims=True)
    var = jnp.mean((x - mu) ** 2, axis=-1, keepdims=True)
    return (x - mu) / jnp.sqrt(var + 1e-5) * g + b


def token_embed(x, w):
    # Conv1d(enc_in, d_model, kernel=3, padding=1, circular, bias=False)
    Lx = x.shape[1]
    xp = jnp.concatenate([x[:, -1:, :], x, x[:, :1, :]], axis=1)
    xs = jnp.stack([xp[:, k:k + Lx, :] for k in range(3)], axis=-1)  # [B,L,C,3]
    return jnp.einsum('blck,dck->bld', xs, w)


def lsh_attention(x, p, rot):
    Bsz, Lq, D = x.shape
    qk = x @ p['to_qk']
    v = x @ p['to_v']

    def split_heads(t):
        return t.reshape(Bsz, Lq, NH, DH).transpose(0, 2, 1, 3).reshape(Bsz * NH, Lq, DH)

    qk = split_heads(qk)
    v = split_heads(v)
    N = Bsz * NH
    # LSH bucketing: random rotations [DH, NHASH, N_BUCKETS//2]
    rv = jnp.einsum('nld,dhr->nhlr', qk, rot)
    rv = jnp.concatenate([rv, -rv], axis=-1)
    buckets = jnp.argmax(rv, axis=-1)  # [N, NHASH, L]
    offsets = (jnp.arange(NHASH) * N_BUCKETS)[None, :, None]
    buckets = (buckets + offsets).reshape(N, NHASH * Lq)
    ticker = jnp.broadcast_to(jnp.arange(NHASH * Lq)[None, :], (N, NHASH * Lq))
    buckets_and_t = Lq * buckets + (ticker % Lq)
    sticker = jnp.argsort(buckets_and_t, axis=-1)  # stable
    undo_sort = jnp.argsort(sticker, axis=-1)
    st = sticker % Lq
    sqk = jnp.take_along_axis(qk, st[..., None], axis=1)
    sv = jnp.take_along_axis(v, st[..., None], axis=1)
    n_chunks = NHASH * N_BUCKETS
    bq = sqk.reshape(N, n_chunks, BUCKET, DH)
    knorm = jnp.maximum(jnp.linalg.norm(sqk, axis=-1, keepdims=True), 1e-12)
    bk = (sqk / knorm).reshape(N, n_chunks, BUCKET, DH)
    bv = sv.reshape(N, n_chunks, BUCKET, DH)
    bqt = st.reshape(N, n_chunks, BUCKET)

    def look_one_back(t):
        prev = jnp.roll(t, 1, axis=1)
        return jnp.concatenate([t, prev], axis=2)

    bk = look_one_back(bk)
    bv = look_one_back(bv)
    bkt = look_one_back(bqt)
    dots = jnp.einsum('ncid,ncjd->ncij', bq, bk) * (DH ** -0.5)
    self_mask = bqt[:, :, :, None] == bkt[:, :, None, :]
    dots = jnp.where(self_mask, -5e4, dots)  # TOKEN_SELF_ATTN_VALUE
    dots_lse = logsumexp(dots, axis=-1, keepdims=True)
    probs = jnp.exp(dots - dots_lse)
    bo = jnp.einsum('ncij,ncjd->ncid', probs, bv)
    so = bo.reshape(N, NHASH * Lq, DH)
    slogits = dots_lse.reshape(N, NHASH * Lq)
    o = jnp.take_along_axis(so, undo_sort[..., None], axis=1)
    lgt = jnp.take_along_axis(slogits, undo_sort, axis=1)
    o = o.reshape(N, NHASH, Lq, DH)
    lgt = lgt.reshape(N, NHASH, Lq, 1)
    w = jnp.exp(lgt - logsumexp(lgt, axis=1, keepdims=True))
    out = jnp.sum(o * w, axis=1)
    out = out.reshape(Bsz, NH, Lq, DH).transpose(0, 2, 1, 3).reshape(Bsz, Lq, D)
    return out @ p['to_out'] + p['b_out']


def encoder_layer(x, p, rot):
    new_x = lsh_attention(x, p, rot)
    x = x + new_x
    x = layer_norm(x, p['ln1_g'], p['ln1_b'])
    y = jax.nn.gelu(x @ p['ff1_w'] + p['ff1_b'], approximate=False)
    y = y @ p['ff2_w'] + p['ff2_b']
    return layer_norm(x + y, p['ln2_g'], p['ln2_b'])


def model_forward(x_enc, x_mark_enc, x_dec, x_mark_dec, params):
    x = jnp.concatenate([x_enc, x_dec[:, -PRED:, :]], axis=1)
    xm = jnp.concatenate([x_mark_enc, x_mark_dec[:, -PRED:, :]], axis=1)
    temp = (MON_TAB[xm[:, :, 0]] + DAY_TAB[xm[:, :, 1]] + WD_TAB[xm[:, :, 2]]
            + HOUR_TAB[xm[:, :, 3]] + MIN_TAB[xm[:, :, 4]])
    enc = token_embed(x, params['conv_w']) + temp + POS_TAB[None, :x.shape[1], :]
    for i in range(EL):
        enc = encoder_layer(enc, params['layers'][i], params['rotations'][i])
    enc = layer_norm(enc, params['norm_g'], params['norm_b'])
    dec = enc @ params['proj_w'] + params['proj_b']
    return dec[:, -PRED:, :]


def setup_inputs(seed: int = 0):
    key = jax.random.key(seed)
    keys = jax.random.split(key, 16)
    x_enc = jax.random.normal(keys[0], (B, SEQ, ENC_IN), jnp.float32)
    x_dec = jax.random.normal(keys[1], (B, PRED, ENC_IN), jnp.float32)
    x_mark_enc = jax.random.randint(keys[2], (B, SEQ, 5), 0, 4)
    x_mark_dec = jax.random.randint(keys[3], (B, PRED, 5), 0, 4)

    def w(k, shape, s=0.02):
        return jax.random.normal(k, shape, jnp.float32) * s

    layers = []
    for i in range(EL):
        lk = jax.random.split(keys[4 + i], 8)
        layers.append({
            'to_qk': w(lk[0], (D_MODEL, D_MODEL)),
            'to_v': w(lk[1], (D_MODEL, D_MODEL)),
            'to_out': w(lk[2], (D_MODEL, D_MODEL)),
            'b_out': jnp.zeros((D_MODEL,), jnp.float32),
            'ln1_g': jnp.ones((D_MODEL,), jnp.float32),
            'ln1_b': jnp.zeros((D_MODEL,), jnp.float32),
            'ff1_w': w(lk[3], (D_MODEL, D_FF)),
            'ff1_b': jnp.zeros((D_FF,), jnp.float32),
            'ff2_w': w(lk[4], (D_FF, D_MODEL)),
            'ff2_b': jnp.zeros((D_MODEL,), jnp.float32),
            'ln2_g': jnp.ones((D_MODEL,), jnp.float32),
            'ln2_b': jnp.zeros((D_MODEL,), jnp.float32),
        })
    params = {
        'conv_w': w(keys[10], (D_MODEL, ENC_IN, 3)),
        'layers': layers,
        'rotations': jax.random.normal(keys[11], (EL, DH, NHASH, N_BUCKETS // 2), jnp.float32),
        'norm_g': jnp.ones((D_MODEL,), jnp.float32),
        'norm_b': jnp.zeros((D_MODEL,), jnp.float32),
        'proj_w': w(keys[12], (D_MODEL, C_OUT)),
        'proj_b': jnp.zeros((C_OUT,), jnp.float32),
    }
    return {'x_enc': x_enc, 'x_mark_enc': x_mark_enc, 'x_dec': x_dec,
            'x_mark_dec': x_mark_dec, 'params': params}


def reference(x_enc, x_mark_enc, x_dec, x_mark_dec, params):
    return model_forward(x_enc, x_mark_enc, x_dec, x_mark_dec, params)

if __name__ == "__main__":
    import jax
    _d = setup_inputs()
    print(jax.jit(kernel)(*tuple(_d.values())))

</pallas_src>

<mosaic_0001>
#map = affine_map<(d0, d1) -> (0, 0)>
module attributes {stable_mosaic.version = 14 : i64} {
  func.func @_rank_sc_body(%arg0: i32, %arg1: i32, %arg2: memref<128x2048xi32, #tpu.memory_space<hbm>>, %arg3: memref<128x2048xi32, #tpu.memory_space<hbm>>, %arg4: memref<128x2048xi32, #tpu.memory_space<hbm>>, %arg5: memref<2048xi32, #tpu.memory_space<vmem>>, %arg6: memref<2048xi32, #tpu.memory_space<vmem>>, %arg7: memref<2048xi32, #tpu.memory_space<vmem>>, %arg8: memref<64x16xi32, #tpu.memory_space<vmem>>, %arg9: memref<64x16xi32, #tpu.memory_space<vmem>>) attributes {dimension_semantics = [#tpu.dimension_semantics<core_parallel>, #tpu.dimension_semantics<subcore_parallel>], iteration_bounds = array<i64: 2, 16>, scalar_prefetch = 0 : i64, scratch_operands = 5 : i64, tpu.core_type = #tpu.core_type<sc_vector_subcore>, window_params = [{transform_indices = #map}, {transform_indices = #map}, {transform_indices = #map}]} {
    %mul3A = arith.constant 2 : i32
    %mul3A_0 = arith.muli %arg1, %mul3A : i32
    %add3A = arith.addi %mul3A_0, %arg0 : i32
    %iota3A = tpu.iota {dimensions = array<i32: 0>} : vector<16xi32>
    %broadcast_in_dim3A = arith.constant 1 : i32
    %broadcast_in_dim3A_1 = vector.broadcast %broadcast_in_dim3A : i32 to vector<16xi32>
    %mul3A_2 = arith.constant 4 : i32
    %mul3A_3 = arith.muli %add3A, %mul3A_2 : i32
    %add3A_4 = arith.constant 0 : i32
    %add3A_5 = arith.addi %mul3A_3, %add3A_4 : i32
    %jit3A = arith.constant 4 : i32
    %div3A = arith.divsi %add3A_5, %jit3A : i32
    %sign3A = arith.constant 0 : i32
    %sign3A_6 = arith.cmpi sgt, %add3A_5, %sign3A : i32
    %sign3A_7 = arith.extui %sign3A_6 : i1 to i32
    %sign3A_8 = arith.constant 0 : i32
    %sign3A_9 = arith.cmpi slt, %add3A_5, %sign3A_8 : i32
    %sign3A_10 = arith.extui %sign3A_9 : i1 to i32
    %sign3A_11 = arith.subi %sign3A_7, %sign3A_10 : i32
    %sign3A_12 = arith.constant 0 : i32
    %sign3A_13 = arith.cmpi sgt, %jit3A, %sign3A_12 : i32
    %sign3A_14 = arith.extui %sign3A_13 : i1 to i32
    %sign3A_15 = arith.constant 0 : i32
    %sign3A_16 = arith.cmpi slt, %jit3A, %sign3A_15 : i32
    %sign3A_17 = arith.extui %sign3A_16 : i1 to i32
    %sign3A_18 = arith.subi %sign3A_14, %sign3A_17 : i32
    %ne3A = arith.cmpi ne, %sign3A_11, %sign3A_18 : i32
    %rem3A = arith.remsi %add3A_5, %jit3A : i32
    %ne3A_19 = arith.constant 0 : i32
    %ne3A_20 = arith.cmpi ne, %rem3A, %ne3A_19 : i32
    %and3A = arith.andi %ne3A, %ne3A_20 : i1
    %sub3A = arith.constant 1 : i32
    %sub3A_21 = arith.subi %div3A, %sub3A : i32
    %select_n3A = arith.select %and3A, %sub3A_21, %div3A : i32
    %mul3A_22 = arith.constant 2048 : i32
    %mul3A_23 = arith.muli %select_n3A, %mul3A_22 : i32
    %mul3A_24 = arith.constant 2048 : i32
    %mul3A_25 = arith.muli %add3A_5, %mul3A_24 : i32
    "tpu.region"() ({
      %run_scoped3A = tpu.sem_alloc : memref<!tpu.dma_semaphore, #tpu.memory_space<semaphore_mem>>
      %dma_start3A = arith.constant 0 : i32
      %dma_start3A_221 = tpu.memref_slice %arg2[%add3A_5, %dma_start3A] : memref<128x2048xi32, #tpu.memory_space<hbm>> -> memref<1x2048xi32, #tpu.memory_space<hbm>>
      %dma_start3A_222 = tpu.memref_squeeze %dma_start3A_221 : memref<1x2048xi32, #tpu.memory_space<hbm>> -> memref<2048xi32, #tpu.memory_space<hbm>>
      %dma_start3A_223 = arith.constant 0 : i32
      %dma_start3A_224 = tpu.memref_slice %arg2[%add3A_5, %dma_start3A_223] : memref<128x2048xi32, #tpu.memory_space<hbm>> -> memref<1x2048xi32, #tpu.memory_space<hbm>>
      %dma_start3A_225 = tpu.memref_squeeze %dma_start3A_224 : memref<1x2048xi32, #tpu.memory_space<hbm>> -> memref<2048xi32, #tpu.memory_space<hbm>>
      tpu.enqueue_dma source(%dma_start3A_225 : memref<2048xi32, #tpu.memory_space<hbm>>) target(%arg5 : memref<2048xi32, #tpu.memory_space<vmem>>) target_semaphore(%run_scoped3A : memref<!tpu.dma_semaphore, #tpu.memory_space<semaphore_mem>>)
      %dma_wait3A = arith.constant 0 : i32
      %dma_wait3A_226 = tpu.memref_slice %arg2[%add3A_5, %dma_wait3A] : memref<128x2048xi32, #tpu.memory_space<hbm>> -> memref<1x2048xi32, #tpu.memory_space<hbm>>
      %dma_wait3A_227 = tpu.memref_squeeze %dma_wait3A_226 : memref<1x2048xi32, #tpu.memory_space<hbm>> -> memref<2048xi32, #tpu.memory_space<hbm>>
      %dma_wait3A_228 = arith.constant 0 : i32
      %dma_wait3A_229 = tpu.memref_slice %arg2[%add3A_5, %dma_wait3A_228] : memref<128x2048xi32, #tpu.memory_space<hbm>> -> memref<1x2048xi32, #tpu.memory_space<hbm>>
      %dma_wait3A_230 = tpu.memref_squeeze %dma_wait3A_229 : memref<1x2048xi32, #tpu.memory_space<hbm>> -> memref<2048xi32, #tpu.memory_space<hbm>>
      tpu.wait_dma2 semaphore(%run_scoped3A : memref<!tpu.dma_semaphore, #tpu.memory_space<semaphore_mem>>) src(%dma_wait3A_230 : memref<2048xi32, #tpu.memory_space<hbm>>) dst(%arg5 : memref<2048xi32, #tpu.memory_space<vmem>>)
      tpu.yield
    }) : () -> ()
    %scan3A = arith.constant 0 : i32
    %scan3A_26 = arith.constant 0 : i32
    %scan3A_27 = arith.constant 64 : i32
    %scan3A_28 = arith.addi %scan3A_26, %scan3A_27 : i32
    %scan3A_29 = arith.constant 1 : i32
    scf.for %scan3A_221 = %scan3A_26 to %scan3A_28 step %scan3A_29  : i32 {
      %broadcast_in_dim3A_222 = arith.constant 0 : i32
      %broadcast_in_dim3A_223 = vector.broadcast %broadcast_in_dim3A_222 : i32 to vector<16xi32>
      %swap3A = arith.index_cast %scan3A_221 : i32 to index
      %swap3A_224 = arith.constant 0 : index
      %swap3A_225 = tpu.vector_load %arg8[%swap3A, %swap3A_224] {strides = array<i32>} : memref<64x16xi32, #tpu.memory_space<vmem>>, vector<16xi32>,
      tpu.vector_store %arg8[%swap3A, %swap3A_224], %broadcast_in_dim3A_223 {strides = array<i32>} : memref<64x16xi32, #tpu.memory_space<vmem>>, vector<16xi32>,
    }
    %scan3A_30 = arith.constant 64 : i32
    %scan3A_31 = arith.constant 0 : i32
    %scan3A_32 = arith.constant 0 : i32
    %scan3A_33 = arith.constant 128 : i32
    %scan3A_34 = arith.addi %scan3A_32, %scan3A_33 : i32
    %scan3A_35 = arith.constant 1 : i32
    scf.for %scan3A_221 = %scan3A_32 to %scan3A_34 step %scan3A_35  : i32 {
      %mul3A_222 = arith.constant 128 : i32
      %mul3A_223 = vector.broadcast %mul3A_222 : i32 to vector<16xi32>
      %mul3A_224 = arith.muli %iota3A, %mul3A_223 : vector<16xi32>
      %add3A_225 = vector.broadcast %scan3A_221 : i32 to vector<16xi32>
      %add3A_226 = arith.addi %mul3A_224, %add3A_225 : vector<16xi32>
      %gather3A = tpu.vector_load_idx %arg5[%add3A_226] : memref<2048xi32, #tpu.memory_space<vmem>>[vector<16xi32>], vector<16xi32>,
      tpu.vector_store_idx %arg8[%gather3A, %iota3A], %broadcast_in_dim3A_1 {add = true} : memref<64x16xi32, #tpu.memory_space<vmem>>[vector<16xi32>, vector<16xi32>], vector<16xi32>,
    }
    %scan3A_36 = arith.constant 128 : i32
    %scan3A_37 = arith.constant 0 : i32
    %scan3A_38 = arith.constant 0 : i32
    %scan3A_39 = arith.constant 64 : i32
    %scan3A_40 = arith.addi %scan3A_38, %scan3A_39 : i32
    %scan3A_41 = arith.constant 1 : i32
    %scan3A_42 = scf.for %scan3A_221 = %scan3A_38 to %scan3A_40 step %scan3A_41 iter_args(%scan3A_222 = %scan3A_37) -> (i32)  : i32 {
      %get3A = arith.index_cast %scan3A_221 : i32 to index
      %get3A_223 = arith.constant 0 : index
      %get3A_224 = tpu.vector_load %arg8[%get3A, %get3A_223] {strides = array<i32>} : memref<64x16xi32, #tpu.memory_space<vmem>>, vector<16xi32>,
      %broadcast_in_dim3A_225 = arith.constant true
      %broadcast_in_dim3A_226 = vector.broadcast %broadcast_in_dim3A_225 : i1 to vector<16xi1>
      %masked_cumsum3A = tpu.scan <sum>, %get3A_224 masked %broadcast_in_dim3A_226 : vector<16xi32>, vector<16xi1> -> vector<16xi32>
      %add3A_227 = vector.broadcast %scan3A_222 : i32 to vector<16xi32>
      %add3A_228 = arith.addi %add3A_227, %masked_cumsum3A : vector<16xi32>
      %sub3A_229 = arith.subi %add3A_228, %get3A_224 : vector<16xi32>
      %swap3A = arith.index_cast %scan3A_221 : i32 to index
      %swap3A_230 = arith.constant 0 : index
      %swap3A_231 = tpu.vector_load %arg9[%swap3A, %swap3A_230] {strides = array<i32>} : memref<64x16xi32, #tpu.memory_space<vmem>>, vector<16xi32>,
      tpu.vector_store %arg9[%swap3A, %swap3A_230], %sub3A_229 {strides = array<i32>} : memref<64x16xi32, #tpu.memory_space<vmem>>, vector<16xi32>,
      %reduce_sum3A = arith.constant true
      %reduce_sum3A_232 = vector.broadcast %reduce_sum3A : i1 to vector<16xi1>
      %reduce_sum3A_233 = tpu.scan <sum>, %get3A_224 masked %reduce_sum3A_232 : vector<16xi32>, vector<16xi1> -> vector<16xi32>
      %reduce_sum3A_234 = vector.extract %reduce_sum3A_233[15] : i32 from vector<16xi32>
      %add3A_235 = arith.addi %scan3A_222, %reduce_sum3A_234 : i32
      scf.yield %add3A_235 : i32
    }
    %scan3A_43 = arith.constant 64 : i32
    %scan3A_44 = arith.constant 0 : i32
    %scan3A_45 = arith.constant 0 : i32
    %scan3A_46 = arith.constant 128 : i32
    %scan3A_47 = arith.addi %scan3A_45, %scan3A_46 : i32
    %scan3A_48 = arith.constant 1 : i32
    scf.for %scan3A_221 = %scan3A_45 to %scan3A_47 step %scan3A_48  : i32 {
      %mul3A_222 = arith.constant 128 : i32
      %mul3A_223 = vector.broadcast %mul3A_222 : i32 to vector<16xi32>
      %mul3A_224 = arith.muli %iota3A, %mul3A_223 : vector<16xi32>
      %add3A_225 = vector.broadcast %scan3A_221 : i32 to vector<16xi32>
      %add3A_226 = arith.addi %mul3A_224, %add3A_225 : vector<16xi32>
      %gather3A = tpu.vector_load_idx %arg5[%add3A_226] : memref<2048xi32, #tpu.memory_space<vmem>>[vector<16xi32>], vector<16xi32>,
      %gather3A_227 = tpu.vector_load_idx %arg9[%gather3A, %iota3A] : memref<64x16xi32, #tpu.memory_space<vmem>>[vector<16xi32>, vector<16xi32>], vector<16xi32>,
      %add3A_228 = arith.constant 1 : i32
      %add3A_229 = vector.broadcast %add3A_228 : i32 to vector<16xi32>
      %add3A_230 = arith.addi %gather3A_227, %add3A_229 : vector<16xi32>
      tpu.vector_store_idx %arg9[%gather3A, %iota3A], %add3A_230 : memref<64x16xi32, #tpu.memory_space<vmem>>[vector<16xi32>, vector<16xi32>], vector<16xi32>,
      %add3A_231 = vector.broadcast %mul3A_25 : i32 to vector<16xi32>
      %add3A_232 = arith.addi %gather3A_227, %add3A_231 : vector<16xi32>
      tpu.vector_store_idx %arg7[%add3A_226], %add3A_232 : memref<2048xi32, #tpu.memory_space<vmem>>[vector<16xi32>], vector<16xi32>,
      %add3A_233 = vector.broadcast %mul3A_23 : i32 to vector<16xi32>
      %add3A_234 = arith.addi %add3A_226, %add3A_233 : vector<16xi32>
      tpu.vector_store_idx %arg6[%gather3A_227], %add3A_234 : memref<2048xi32, #tpu.memory_space<vmem>>[vector<16xi32>], vector<16xi32>,
    }
    %scan3A_49 = arith.constant 128 : i32
    "tpu.region"() ({
      %run_scoped3A = tpu.sem_alloc : memref<!tpu.dma_semaphore, #tpu.memory_space<semaphore_mem>>
      %dma_start3A = arith.constant 0 : i32
      %dma_start3A_221 = tpu.memref_slice %arg3[%add3A_5, %dma_start3A] : memref<128x2048xi32, #tpu.memory_space<hbm>> -> memref<1x2048xi32, #tpu.memory_space<hbm>>
      %dma_start3A_222 = tpu.memref_squeeze %dma_start3A_221 : memref<1x2048xi32, #tpu.memory_space<hbm>> -> memref<2048xi32, #tpu.memory_space<hbm>>
      %dma_start3A_223 = arith.constant 0 : i32
      %dma_start3A_224 = tpu.memref_slice %arg3[%add3A_5, %dma_start3A_223] : memref<128x2048xi32, #tpu.memory_space<hbm>> -> memref<1x2048xi32, #tpu.memory_space<hbm>>
      %dma_start3A_225 = tpu.memref_squeeze %dma_start3A_224 : memref<1x2048xi32, #tpu.memory_space<hbm>> -> memref<2048xi32, #tpu.memory_space<hbm>>
      tpu.enqueue_dma source(%arg6 : memref<2048xi32, #tpu.memory_space<vmem>>) target(%dma_start3A_225 : memref<2048xi32, #tpu.memory_space<hbm>>) target_semaphore(%run_scoped3A : memref<!tpu.dma_semaphore, #tpu.memory_space<semaphore_mem>>)
      %dma_wait3A = arith.constant 0 : i32
      %dma_wait3A_226 = tpu.memref_slice %arg3[%add3A_5, %dma_wait3A] : memref<128x2048xi32, #tpu.memory_space<hbm>> -> memref<1x2048xi32, #tpu.memory_space<hbm>>
      %dma_wait3A_227 = tpu.memref_squeeze %dma_wait3A_226 : memref<1x2048xi32, #tpu.memory_space<hbm>> -> memref<2048xi32, #tpu.memory_space<hbm>>
      %dma_wait3A_228 = arith.constant 0 : i32
      %dma_wait3A_229 = tpu.memref_slice %arg3[%add3A_5, %dma_wait3A_228] : memref<128x2048xi32, #tpu.memory_space<hbm>> -> memref<1x2048xi32, #tpu.memory_space<hbm>>
      %dma_wait3A_230 = tpu.memref_squeeze %dma_wait3A_229 : memref<1x2048xi32, #tpu.memory_space<hbm>> -> memref<2048xi32, #tpu.memory_space<hbm>>
      tpu.wait_dma2 semaphore(%run_scoped3A : memref<!tpu.dma_semaphore, #tpu.memory_space<semaphore_mem>>) src(%arg6 : memref<2048xi32, #tpu.memory_space<vmem>>) dst(%dma_wait3A_230 : memref<2048xi32, #tpu.memory_space<hbm>>)
      tpu.yield
    }) : () -> ()
    "tpu.region"() ({
      %run_scoped3A = tpu.sem_alloc : memref<!tpu.dma_semaphore, #tpu.memory_space<semaphore_mem>>
      %dma_start3A = arith.constant 0 : i32
      %dma_start3A_221 = tpu.memref_slice %arg4[%add3A_5, %dma_start3A] : memref<128x2048xi32, #tpu.memory_space<hbm>> -> memref<1x2048xi32, #tpu.memory_space<hbm>>
      %dma_start3A_222 = tpu.memref_squeeze %dma_start3A_221 : memref<1x2048xi32, #tpu.memory_space<hbm>> -> memref<2048xi32, #tpu.memory_space<hbm>>
      %dma_start3A_223 = arith.constant 0 : i32
      %dma_start3A_224 = tpu.memref_slice %arg4[%add3A_5, %dma_start3A_223] : memref<128x2048xi32, #tpu.memory_space<hbm>> -> memref<1x2048xi32, #tpu.memory_space<hbm>>
      %dma_start3A_225 = tpu.memref_squeeze %dma_start3A_224 : memref<1x2048xi32, #tpu.memory_space<hbm>> -> memref<2048xi32, #tpu.memory_space<hbm>>
      tpu.enqueue_dma source(%arg7 : memref<2048xi32, #tpu.memory_space<vmem>>) target(%dma_start3A_225 : memref<2048xi32, #tpu.memory_space<hbm>>) target_semaphore(%run_scoped3A : memref<!tpu.dma_semaphore, #tpu.memory_space<semaphore_mem>>)
      %dma_wait3A = arith.constant 0 : i32
      %dma_wait3A_226 = tpu.memref_slice %arg4[%add3A_5, %dma_wait3A] : memref<128x2048xi32, #tpu.memory_space<hbm>> -> memref<1x2048xi32, #tpu.memory_space<hbm>>
      %dma_wait3A_227 = tpu.memref_squeeze %dma_wait3A_226 : memref<1x2048xi32, #tpu.memory_space<hbm>> -> memref<2048xi32, #tpu.memory_space<hbm>>
      %dma_wait3A_228 = arith.constant 0 : i32
      %dma_wait3A_229 = tpu.memref_slice %arg4[%add3A_5, %dma_wait3A_228] : memref<128x2048xi32, #tpu.memory_space<hbm>> -> memref<1x2048xi32, #tpu.memory_space<hbm>>
      %dma_wait3A_230 = tpu.memref_squeeze %dma_wait3A_229 : memref<1x2048xi32, #tpu.memory_space<hbm>> -> memref<2048xi32, #tpu.memory_space<hbm>>
      tpu.wait_dma2 semaphore(%run_scoped3A : memref<!tpu.dma_semaphore, #tpu.memory_space<semaphore_mem>>) src(%arg7 : memref<2048xi32, #tpu.memory_space<vmem>>) dst(%dma_wait3A_230 : memref<2048xi32, #tpu.memory_space<hbm>>)
      tpu.yield
    }) : () -> ()
    %mul3A_50 = arith.constant 4 : i32
    %mul3A_51 = arith.muli %add3A, %mul3A_50 : i32
    %add3A_52 = arith.constant 1 : i32
    %add3A_53 = arith.addi %mul3A_51, %add3A_52 : i32
    %jit3A_54 = arith.constant 4 : i32
    %div3A_55 = arith.divsi %add3A_53, %jit3A_54 : i32
    %sign3A_56 = arith.constant 0 : i32
    %sign3A_57 = arith.cmpi sgt, %add3A_53, %sign3A_56 : i32
    %sign3A_58 = arith.extui %sign3A_57 : i1 to i32
    %sign3A_59 = arith.constant 0 : i32
    %sign3A_60 = arith.cmpi slt, %add3A_53, %sign3A_59 : i32
    %sign3A_61 = arith.extui %sign3A_60 : i1 to i32
    %sign3A_62 = arith.subi %sign3A_58, %sign3A_61 : i32
    %sign3A_63 = arith.constant 0 : i32
    %sign3A_64 = arith.cmpi sgt, %jit3A_54, %sign3A_63 : i32
    %sign3A_65 = arith.extui %sign3A_64 : i1 to i32
    %sign3A_66 = arith.constant 0 : i32
    %sign3A_67 = arith.cmpi slt, %jit3A_54, %sign3A_66 : i32
    %sign3A_68 = arith.extui %sign3A_67 : i1 to i32
    %sign3A_69 = arith.subi %sign3A_65, %sign3A_68 : i32
    %ne3A_70 = arith.cmpi ne, %sign3A_62, %sign3A_69 : i32
    %rem3A_71 = arith.remsi %add3A_53, %jit3A_54 : i32
    %ne3A_72 = arith.constant 0 : i32
    %ne3A_73 = arith.cmpi ne, %rem3A_71, %ne3A_72 : i32
    %and3A_74 = arith.andi %ne3A_70, %ne3A_73 : i1
    %sub3A_75 = arith.constant 1 : i32
    %sub3A_76 = arith.subi %div3A_55, %sub3A_75 : i32
    %select_n3A_77 = arith.select %and3A_74, %sub3A_76, %div3A_55 : i32
    %mul3A_78 = arith.constant 2048 : i32
    %mul3A_79 = arith.muli %select_n3A_77, %mul3A_78 : i32
    %mul3A_80 = arith.constant 2048 : i32
    %mul3A_81 = arith.muli %add3A_53, %mul3A_80 : i32
    "tpu.region"() ({
      %run_scoped3A = tpu.sem_alloc : memref<!tpu.dma_semaphore, #tpu.memory_space<semaphore_mem>>
      %dma_start3A = arith.constant 0 : i32
      %dma_start3A_221 = tpu.memref_slice %arg2[%add3A_53, %dma_start3A] : memref<128x2048xi32, #tpu.memory_space<hbm>> -> memref<1x2048xi32, #tpu.memory_space<hbm>>
      %dma_start3A_222 = tpu.memref_squeeze %dma_start3A_221 : memref<1x2048xi32, #tpu.memory_space<hbm>> -> memref<2048xi32, #tpu.memory_space<hbm>>
      %dma_start3A_223 = arith.constant 0 : i32
      %dma_start3A_224 = tpu.memref_slice %arg2[%add3A_53, %dma_start3A_223] : memref<128x2048xi32, #tpu.memory_space<hbm>> -> memref<1x2048xi32, #tpu.memory_space<hbm>>
      %dma_start3A_225 = tpu.memref_squeeze %dma_start3A_224 : memref<1x2048xi32, #tpu.memory_space<hbm>> -> memref<2048xi32, #tpu.memory_space<hbm>>
      tpu.enqueue_dma source(%dma_start3A_225 : memref<2048xi32, #tpu.memory_space<hbm>>) target(%arg5 : memref<2048xi32, #tpu.memory_space<vmem>>) target_semaphore(%run_scoped3A : memref<!tpu.dma_semaphore, #tpu.memory_space<semaphore_mem>>)
      %dma_wait3A = arith.constant 0 : i32
      %dma_wait3A_226 = tpu.memref_slice %arg2[%add3A_53, %dma_wait3A] : memref<128x2048xi32, #tpu.memory_space<hbm>> -> memref<1x2048xi32, #tpu.memory_space<hbm>>
      %dma_wait3A_227 = tpu.memref_squeeze %dma_wait3A_226 : memref<1x2048xi32, #tpu.memory_space<hbm>> -> memref<2048xi32, #tpu.memory_space<hbm>>
      %dma_wait3A_228 = arith.constant 0 : i32
      %dma_wait3A_229 = tpu.memref_slice %arg2[%add3A_53, %dma_wait3A_228] : memref<128x2048xi32, #tpu.memory_space<hbm>> -> memref<1x2048xi32, #tpu.memory_space<hbm>>
      %dma_wait3A_230 = tpu.memref_squeeze %dma_wait3A_229 : memref<1x2048xi32, #tpu.memory_space<hbm>> -> memref<2048xi32, #tpu.memory_space<hbm>>
      tpu.wait_dma2 semaphore(%run_scoped3A : memref<!tpu.dma_semaphore, #tpu.memory_space<semaphore_mem>>) src(%dma_wait3A_230 : memref<2048xi32, #tpu.memory_space<hbm>>) dst(%arg5 : memref<2048xi32, #tpu.memory_space<vmem>>)
      tpu.yield
    }) : () -> ()
    %scan3A_82 = arith.constant 0 : i32
    %scan3A_83 = arith.constant 0 : i32
    %scan3A_84 = arith.constant 64 : i32
    %scan3A_85 = arith.addi %scan3A_83, %scan3A_84 : i32
    %scan3A_86 = arith.constant 1 : i32
    scf.for %scan3A_221 = %scan3A_83 to %scan3A_85 step %scan3A_86  : i32 {
      %broadcast_in_dim3A_222 = arith.constant 0 : i32
      %broadcast_in_dim3A_223 = vector.broadcast %broadcast_in_dim3A_222 : i32 to vector<16xi32>
      %swap3A = arith.index_cast %scan3A_221 : i32 to index
      %swap3A_224 = arith.constant 0 : index
      %swap3A_225 = tpu.vector_load %arg8[%swap3A, %swap3A_224] {strides = array<i32>} : memref<64x16xi32, #tpu.memory_space<vmem>>, vector<16xi32>,
      tpu.vector_store %arg8[%swap3A, %swap3A_224], %broadcast_in_dim3A_223 {strides = array<i32>} : memref<64x16xi32, #tpu.memory_space<vmem>>, vector<16xi32>,
    }
    %scan3A_87 = arith.constant 64 : i32
    %scan3A_88 = arith.constant 0 : i32
    %scan3A_89 = arith.constant 0 : i32
    %scan3A_90 = arith.constant 128 : i32
    %scan3A_91 = arith.addi %scan3A_89, %scan3A_90 : i32
    %scan3A_92 = arith.constant 1 : i32
    scf.for %scan3A_221 = %scan3A_89 to %scan3A_91 step %scan3A_92  : i32 {
      %mul3A_222 = arith.constant 128 : i32
      %mul3A_223 = vector.broadcast %mul3A_222 : i32 to vector<16xi32>
      %mul3A_224 = arith.muli %iota3A, %mul3A_223 : vector<16xi32>
      %add3A_225 = vector.broadcast %scan3A_221 : i32 to vector<16xi32>
      %add3A_226 = arith.addi %mul3A_224, %add3A_225 : vector<16xi32>
      %gather3A = tpu.vector_load_idx %arg5[%add3A_226] : memref<2048xi32, #tpu.memory_space<vmem>>[vector<16xi32>], vector<16xi32>,
      tpu.vector_store_idx %arg8[%gather3A, %iota3A], %broadcast_in_dim3A_1 {add = true} : memref<64x16xi32, #tpu.memory_space<vmem>>[vector<16xi32>, vector<16xi32>], vector<16xi32>,
    }
    %scan3A_93 = arith.constant 128 : i32
    %scan3A_94 = arith.constant 0 : i32
    %scan3A_95 = arith.constant 0 : i32
    %scan3A_96 = arith.constant 64 : i32
    %scan3A_97 = arith.addi %scan3A_95, %scan3A_96 : i32
    %scan3A_98 = arith.constant 1 : i32
    %scan3A_99 = scf.for %scan3A_221 = %scan3A_95 to %scan3A_97 step %scan3A_98 iter_args(%scan3A_222 = %scan3A_94) -> (i32)  : i32 {
      %get3A = arith.index_cast %scan3A_221 : i32 to index
      %get3A_223 = arith.constant 0 : index
      %get3A_224 = tpu.vector_load %arg8[%get3A, %get3A_223] {strides = array<i32>} : memref<64x16xi32, #tpu.memory_space<vmem>>, vector<16xi32>,
      %broadcast_in_dim3A_225 = arith.constant true
      %broadcast_in_dim3A_226 = vector.broadcast %broadcast_in_dim3A_225 : i1 to vector<16xi1>
      %masked_cumsum3A = tpu.scan <sum>, %get3A_224 masked %broadcast_in_dim3A_226 : vector<16xi32>, vector<16xi1> -> vector<16xi32>
      %add3A_227 = vector.broadcast %scan3A_222 : i32 to vector<16xi32>
      %add3A_228 = arith.addi %add3A_227, %masked_cumsum3A : vector<16xi32>
      %sub3A_229 = arith.subi %add3A_228, %get3A_224 : vector<16xi32>
      %swap3A = arith.index_cast %scan3A_221 : i32 to index
      %swap3A_230 = arith.constant 0 : index
      %swap3A_231 = tpu.vector_load %arg9[%swap3A, %swap3A_230] {strides = array<i32>} : memref<64x16xi32, #tpu.memory_space<vmem>>, vector<16xi32>,
      tpu.vector_store %arg9[%swap3A, %swap3A_230], %sub3A_229 {strides = array<i32>} : memref<64x16xi32, #tpu.memory_space<vmem>>, vector<16xi32>,
      %reduce_sum3A = arith.constant true
      %reduce_sum3A_232 = vector.broadcast %reduce_sum3A : i1 to vector<16xi1>
      %reduce_sum3A_233 = tpu.scan <sum>, %get3A_224 masked %reduce_sum3A_232 : vector<16xi32>, vector<16xi1> -> vector<16xi32>
      %reduce_sum3A_234 = vector.extract %reduce_sum3A_233[15] : i32 from vector<16xi32>
      %add3A_235 = arith.addi %scan3A_222, %reduce_sum3A_234 : i32
      scf.yield %add3A_235 : i32
    }
    %scan3A_100 = arith.constant 64 : i32
    %scan3A_101 = arith.constant 0 : i32
    %scan3A_102 = arith.constant 0 : i32
    %scan3A_103 = arith.constant 128 : i32
    %scan3A_104 = arith.addi %scan3A_102, %scan3A_103 : i32
    %scan3A_105 = arith.constant 1 : i32
    scf.for %scan3A_221 = %scan3A_102 to %scan3A_104 step %scan3A_105  : i32 {
      %mul3A_222 = arith.constant 128 : i32
      %mul3A_223 = vector.broadcast %mul3A_222 : i32 to vector<16xi32>
      %mul3A_224 = arith.muli %iota3A, %mul3A_223 : vector<16xi32>
      %add3A_225 = vector.broadcast %scan3A_221 : i32 to vector<16xi32>
      %add3A_226 = arith.addi %mul3A_224, %add3A_225 : vector<16xi32>
      %gather3A = tpu.vector_load_idx %arg5[%add3A_226] : memref<2048xi32, #tpu.memory_space<vmem>>[vector<16xi32>], vector<16xi32>,
      %gather3A_227 = tpu.vector_load_idx %arg9[%gather3A, %iota3A] : memref<64x16xi32, #tpu.memory_space<vmem>>[vector<16xi32>, vector<16xi32>], vector<16xi32>,
      %add3A_228 = arith.constant 1 : i32
      %add3A_229 = vector.broadcast %add3A_228 : i32 to vector<16xi32>
      %add3A_230 = arith.addi %gather3A_227, %add3A_229 : vector<16xi32>
      tpu.vector_store_idx %arg9[%gather3A, %iota3A], %add3A_230 : memref<64x16xi32, #tpu.memory_space<vmem>>[vector<16xi32>, vector<16xi32>], vector<16xi32>,
      %add3A_231 = vector.broadcast %mul3A_81 : i32 to vector<16xi32>
      %add3A_232 = arith.addi %gather3A_227, %add3A_231 : vector<16xi32>
      tpu.vector_store_idx %arg7[%add3A_226], %add3A_232 : memref<2048xi32, #tpu.memory_space<vmem>>[vector<16xi32>], vector<16xi32>,
      %add3A_233 = vector.broadcast %mul3A_79 : i32 to vector<16xi32>
      %add3A_234 = arith.addi %add3A_226, %add3A_233 : vector<16xi32>
      tpu.vector_store_idx %arg6[%gather3A_227], %add3A_234 : memref<2048xi32, #tpu.memory_space<vmem>>[vector<16xi32>], vector<16xi32>,
    }
    %scan3A_106 = arith.constant 128 : i32
    "tpu.region"() ({
      %run_scoped3A = tpu.sem_alloc : memref<!tpu.dma_semaphore, #tpu.memory_space<semaphore_mem>>
      %dma_start3A = arith.constant 0 : i32
      %dma_start3A_221 = tpu.memref_slice %arg3[%add3A_53, %dma_start3A] : memref<128x2048xi32, #tpu.memory_space<hbm>> -> memref<1x2048xi32, #tpu.memory_space<hbm>>
      %dma_start3A_222 = tpu.memref_squeeze %dma_start3A_221 : memref<1x2048xi32, #tpu.memory_space<hbm>> -> memref<2048xi32, #tpu.memory_space<hbm>>
      %dma_start3A_223 = arith.constant 0 : i32
      %dma_start3A_224 = tpu.memref_slice %arg3[%add3A_53, %dma_start3A_223] : memref<128x2048xi32, #tpu.memory_space<hbm>> -> memref<1x2048xi32, #tpu.memory_space<hbm>>
      %dma_start3A_225 = tpu.memref_squeeze %dma_start3A_224 : memref<1x2048xi32, #tpu.memory_space<hbm>> -> memref<2048xi32, #tpu.memory_space<hbm>>
      tpu.enqueue_dma source(%arg6 : memref<2048xi32, #tpu.memory_space<vmem>>) target(%dma_start3A_225 : memref<2048xi32, #tpu.memory_space<hbm>>) target_semaphore(%run_scoped3A : memref<!tpu.dma_semaphore, #tpu.memory_space<semaphore_mem>>)
      %dma_wait3A = arith.constant 0 : i32
      %dma_wait3A_226 = tpu.memref_slice %arg3[%add3A_53, %dma_wait3A] : memref<128x2048xi32, #tpu.memory_space<hbm>> -> memref<1x2048xi32, #tpu.memory_space<hbm>>
      %dma_wait3A_227 = tpu.memref_squeeze %dma_wait3A_226 : memref<1x2048xi32, #tpu.memory_space<hbm>> -> memref<2048xi32, #tpu.memory_space<hbm>>
      %dma_wait3A_228 = arith.constant 0 : i32
      %dma_wait3A_229 = tpu.memref_slice %arg3[%add3A_53, %dma_wait3A_228] : memref<128x2048xi32, #tpu.memory_space<hbm>> -> memref<1x2048xi32, #tpu.memory_space<hbm>>
      %dma_wait3A_230 = tpu.memref_squeeze %dma_wait3A_229 : memref<1x2048xi32, #tpu.memory_space<hbm>> -> memref<2048xi32, #tpu.memory_space<hbm>>
      tpu.wait_dma2 semaphore(%run_scoped3A : memref<!tpu.dma_semaphore, #tpu.memory_space<semaphore_mem>>) src(%arg6 : memref<2048xi32, #tpu.memory_space<vmem>>) dst(%dma_wait3A_230 : memref<2048xi32, #tpu.memory_space<hbm>>)
      tpu.yield
    }) : () -> ()
    "tpu.region"() ({
      %run_scoped3A = tpu.sem_alloc : memref<!tpu.dma_semaphore, #tpu.memory_space<semaphore_mem>>
      %dma_start3A = arith.constant 0 : i32
      %dma_start3A_221 = tpu.memref_slice %arg4[%add3A_53, %dma_start3A] : memref<128x2048xi32, #tpu.memory_space<hbm>> -> memref<1x2048xi32, #tpu.memory_space<hbm>>
      %dma_start3A_222 = tpu.memref_squeeze %dma_start3A_221 : memref<1x2048xi32, #tpu.memory_space<hbm>> -> memref<2048xi32, #tpu.memory_space<hbm>>
      %dma_start3A_223 = arith.constant 0 : i32
      %dma_start3A_224 = tpu.memref_slice %arg4[%add3A_53, %dma_start3A_223] : memref<128x2048xi32, #tpu.memory_space<hbm>> -> memref<1x2048xi32, #tpu.memory_space<hbm>>
      %dma_start3A_225 = tpu.memref_squeeze %dma_start3A_224 : memref<1x2048xi32, #tpu.memory_space<hbm>> -> memref<2048xi32, #tpu.memory_space<hbm>>
      tpu.enqueue_dma source(%arg7 : memref<2048xi32, #tpu.memory_space<vmem>>) target(%dma_start3A_225 : memref<2048xi32, #tpu.memory_space<hbm>>) target_semaphore(%run_scoped3A : memref<!tpu.dma_semaphore, #tpu.memory_space<semaphore_mem>>)
      %dma_wait3A = arith.constant 0 : i32
      %dma_wait3A_226 = tpu.memref_slice %arg4[%add3A_53, %dma_wait3A] : memref<128x2048xi32, #tpu.memory_space<hbm>> -> memref<1x2048xi32, #tpu.memory_space<hbm>>
      %dma_wait3A_227 = tpu.memref_squeeze %dma_wait3A_226 : memref<1x2048xi32, #tpu.memory_space<hbm>> -> memref<2048xi32, #tpu.memory_space<hbm>>
      %dma_wait3A_228 = arith.constant 0 : i32
      %dma_wait3A_229 = tpu.memref_slice %arg4[%add3A_53, %dma_wait3A_228] : memref<128x2048xi32, #tpu.memory_space<hbm>> -> memref<1x2048xi32, #tpu.memory_space<hbm>>
      %dma_wait3A_230 = tpu.memref_squeeze %dma_wait3A_229 : memref<1x2048xi32, #tpu.memory_space<hbm>> -> memref<2048xi32, #tpu.memory_space<hbm>>
      tpu.wait_dma2 semaphore(%run_scoped3A : memref<!tpu.dma_semaphore, #tpu.memory_space<semaphore_mem>>) src(%arg7 : memref<2048xi32, #tpu.memory_space<vmem>>) dst(%dma_wait3A_230 : memref<2048xi32, #tpu.memory_space<hbm>>)
      tpu.yield
    }) : () -> ()
    %mul3A_107 = arith.constant 4 : i32
    %mul3A_108 = arith.muli %add3A, %mul3A_107 : i32
    %add3A_109 = arith.constant 2 : i32
    %add3A_110 = arith.addi %mul3A_108, %add3A_109 : i32
    %jit3A_111 = arith.constant 4 : i32
    %div3A_112 = arith.divsi %add3A_110, %jit3A_111 : i32
    %sign3A_113 = arith.constant 0 : i32
    %sign3A_114 = arith.cmpi sgt, %add3A_110, %sign3A_113 : i32
    %sign3A_115 = arith.extui %sign3A_114 : i1 to i32
    %sign3A_116 = arith.constant 0 : i32
    %sign3A_117 = arith.cmpi slt, %add3A_110, %sign3A_116 : i32
    %sign3A_118 = arith.extui %sign3A_117 : i1 to i32
    %sign3A_119 = arith.subi %sign3A_115, %sign3A_118 : i32
    %sign3A_120 = arith.constant 0 : i32
    %sign3A_121 = arith.cmpi sgt, %jit3A_111, %sign3A_120 : i32
    %sign3A_122 = arith.extui %sign3A_121 : i1 to i32
    %sign3A_123 = arith.constant 0 : i32
    %sign3A_124 = arith.cmpi slt, %jit3A_111, %sign3A_123 : i32
    %sign3A_125 = arith.extui %sign3A_124 : i1 to i32
    %sign3A_126 = arith.subi %sign3A_122, %sign3A_125 : i32
    %ne3A_127 = arith.cmpi ne, %sign3A_119, %sign3A_126 : i32
    %rem3A_128 = arith.remsi %add3A_110, %jit3A_111 : i32
    %ne3A_129 = arith.constant 0 : i32
    %ne3A_130 = arith.cmpi ne, %rem3A_128, %ne3A_129 : i32
    %and3A_131 = arith.andi %ne3A_127, %ne3A_130 : i1
    %sub3A_132 = arith.constant 1 : i32
    %sub3A_133 = arith.subi %div3A_112, %sub3A_132 : i32
    %select_n3A_134 = arith.select %and3A_131, %sub3A_133, %div3A_112 : i32
    %mul3A_135 = arith.constant 2048 : i32
    %mul3A_136 = arith.muli %select_n3A_134, %mul3A_135 : i32
    %mul3A_137 = arith.constant 2048 : i32
    %mul3A_138 = arith.muli %add3A_110, %mul3A_137 : i32
    "tpu.region"() ({
      %run_scoped3A = tpu.sem_alloc : memref<!tpu.dma_semaphore, #tpu.memory_space<semaphore_mem>>
      %dma_start3A = arith.constant 0 : i32
      %dma_start3A_221 = tpu.memref_slice %arg2[%add3A_110, %dma_start3A] : memref<128x2048xi32, #tpu.memory_space<hbm>> -> memref<1x2048xi32, #tpu.memory_space<hbm>>
      %dma_start3A_222 = tpu.memref_squeeze %dma_start3A_221 : memref<1x2048xi32, #tpu.memory_space<hbm>> -> memref<2048xi32, #tpu.memory_space<hbm>>
      %dma_start3A_223 = arith.constant 0 : i32
      %dma_start3A_224 = tpu.memref_slice %arg2[%add3A_110, %dma_start3A_223] : memref<128x2048xi32, #tpu.memory_space<hbm>> -> memref<1x2048xi32, #tpu.memory_space<hbm>>
      %dma_start3A_225 = tpu.memref_squeeze %dma_start3A_224 : memref<1x2048xi32, #tpu.memory_space<hbm>> -> memref<2048xi32, #tpu.memory_space<hbm>>
      tpu.enqueue_dma source(%dma_start3A_225 : memref<2048xi32, #tpu.memory_space<hbm>>) target(%arg5 : memref<2048xi32, #tpu.memory_space<vmem>>) target_semaphore(%run_scoped3A : memref<!tpu.dma_semaphore, #tpu.memory_space<semaphore_mem>>)
      %dma_wait3A = arith.constant 0 : i32
      %dma_wait3A_226 = tpu.memref_slice %arg2[%add3A_110, %dma_wait3A] : memref<128x2048xi32, #tpu.memory_space<hbm>> -> memref<1x2048xi32, #tpu.memory_space<hbm>>
      %dma_wait3A_227 = tpu.memref_squeeze %dma_wait3A_226 : memref<1x2048xi32, #tpu.memory_space<hbm>> -> memref<2048xi32, #tpu.memory_space<hbm>>
      %dma_wait3A_228 = arith.constant 0 : i32
      %dma_wait3A_229 = tpu.memref_slice %arg2[%add3A_110, %dma_wait3A_228] : memref<128x2048xi32, #tpu.memory_space<hbm>> -> memref<1x2048xi32, #tpu.memory_space<hbm>>
      %dma_wait3A_230 = tpu.memref_squeeze %dma_wait3A_229 : memref<1x2048xi32, #tpu.memory_space<hbm>> -> memref<2048xi32, #tpu.memory_space<hbm>>
      tpu.wait_dma2 semaphore(%run_scoped3A : memref<!tpu.dma_semaphore, #tpu.memory_space<semaphore_mem>>) src(%dma_wait3A_230 : memref<2048xi32, #tpu.memory_space<hbm>>) dst(%arg5 : memref<2048xi32, #tpu.memory_space<vmem>>)
      tpu.yield
    }) : () -> ()
    %scan3A_139 = arith.constant 0 : i32
    %scan3A_140 = arith.constant 0 : i32
    %scan3A_141 = arith.constant 64 : i32
    %scan3A_142 = arith.addi %scan3A_140, %scan3A_141 : i32
    %scan3A_143 = arith.constant 1 : i32
    scf.for %scan3A_221 = %scan3A_140 to %scan3A_142 step %scan3A_143  : i32 {
      %broadcast_in_dim3A_222 = arith.constant 0 : i32
      %broadcast_in_dim3A_223 = vector.broadcast %broadcast_in_dim3A_222 : i32 to vector<16xi32>
      %swap3A = arith.index_cast %scan3A_221 : i32 to index
      %swap3A_224 = arith.constant 0 : index
      %swap3A_225 = tpu.vector_load %arg8[%swap3A, %swap3A_224] {strides = array<i32>} : memref<64x16xi32, #tpu.memory_space<vmem>>, vector<16xi32>,
      tpu.vector_store %arg8[%swap3A, %swap3A_224], %broadcast_in_dim3A_223 {strides = array<i32>} : memref<64x16xi32, #tpu.memory_space<vmem>>, vector<16xi32>,
    }
    %scan3A_144 = arith.constant 64 : i32
    %scan3A_145 = arith.constant 0 : i32
    %scan3A_146 = arith.constant 0 : i32
    %scan3A_147 = arith.constant 128 : i32
    %scan3A_148 = arith.addi %scan3A_146, %scan3A_147 : i32
    %scan3A_149 = arith.constant 1 : i32
    scf.for %scan3A_221 = %scan3A_146 to %scan3A_148 step %scan3A_149  : i32 {
      %mul3A_222 = arith.constant 128 : i32
      %mul3A_223 = vector.broadcast %mul3A_222 : i32 to vector<16xi32>
      %mul3A_224 = arith.muli %iota3A, %mul3A_223 : vector<16xi32>
      %add3A_225 = vector.broadcast %scan3A_221 : i32 to vector<16xi32>
      %add3A_226 = arith.addi %mul3A_224, %add3A_225 : vector<16xi32>
      %gather3A = tpu.vector_load_idx %arg5[%add3A_226] : memref<2048xi32, #tpu.memory_space<vmem>>[vector<16xi32>], vector<16xi32>,
      tpu.vector_store_idx %arg8[%gather3A, %iota3A], %broadcast_in_dim3A_1 {add = true} : memref<64x16xi32, #tpu.memory_space<vmem>>[vector<16xi32>, vector<16xi32>], vector<16xi32>,
    }
    %scan3A_150 = arith.constant 128 : i32
    %scan3A_151 = arith.constant 0 : i32
    %scan3A_152 = arith.constant 0 : i32
    %scan3A_153 = arith.constant 64 : i32
    %scan3A_154 = arith.addi %scan3A_152, %scan3A_153 : i32
    %scan3A_155 = arith.constant 1 : i32
    %scan3A_156 = scf.for %scan3A_221 = %scan3A_152 to %scan3A_154 step %scan3A_155 iter_args(%scan3A_222 = %scan3A_151) -> (i32)  : i32 {
      %get3A = arith.index_cast %scan3A_221 : i32 to index
      %get3A_223 = arith.constant 0 : index
      %get3A_224 = tpu.vector_load %arg8[%get3A, %get3A_223] {strides = array<i32>} : memref<64x16xi32, #tpu.memory_space<vmem>>, vector<16xi32>,
      %broadcast_in_dim3A_225 = arith.constant true
      %broadcast_in_dim3A_226 = vector.broadcast %broadcast_in_dim3A_225 : i1 to vector<16xi1>
      %masked_cumsum3A = tpu.scan <sum>, %get3A_224 masked %broadcast_in_dim3A_226 : vector<16xi32>, vector<16xi1> -> vector<16xi32>
      %add3A_227 = vector.broadcast %scan3A_222 : i32 to vector<16xi32>
      %add3A_228 = arith.addi %add3A_227, %masked_cumsum3A : vector<16xi32>
      %sub3A_229 = arith.subi %add3A_228, %get3A_224 : vector<16xi32>
      %swap3A = arith.index_cast %scan3A_221 : i32 to index
      %swap3A_230 = arith.constant 0 : index
      %swap3A_231 = tpu.vector_load %arg9[%swap3A, %swap3A_230] {strides = array<i32>} : memref<64x16xi32, #tpu.memory_space<vmem>>, vector<16xi32>,
      tpu.vector_store %arg9[%swap3A, %swap3A_230], %sub3A_229 {strides = array<i32>} : memref<64x16xi32, #tpu.memory_space<vmem>>, vector<16xi32>,
      %reduce_sum3A = arith.constant true
      %reduce_sum3A_232 = vector.broadcast %reduce_sum3A : i1 to vector<16xi1>
      %reduce_sum3A_233 = tpu.scan <sum>, %get3A_224 masked %reduce_sum3A_232 : vector<16xi32>, vector<16xi1> -> vector<16xi32>
      %reduce_sum3A_234 = vector.extract %reduce_sum3A_233[15] : i32 from vector<16xi32>
      %add3A_235 = arith.addi %scan3A_222, %reduce_sum3A_234 : i32
      scf.yield %add3A_235 : i32
    }
    %scan3A_157 = arith.constant 64 : i32
    %scan3A_158 = arith.constant 0 : i32
    %scan3A_159 = arith.constant 0 : i32
    %scan3A_160 = arith.constant 128 : i32
    %scan3A_161 = arith.addi %scan3A_159, %scan3A_160 : i32
    %scan3A_162 = arith.constant 1 : i32
    scf.for %scan3A_221 = %scan3A_159 to %scan3A_161 step %scan3A_162  : i32 {
      %mul3A_222 = arith.constant 128 : i32
      %mul3A_223 = vector.broadcast %mul3A_222 : i32 to vector<16xi32>
      %mul3A_224 = arith.muli %iota3A, %mul3A_223 : vector<16xi32>
      %add3A_225 = vector.broadcast %scan3A_221 : i32 to vector<16xi32>
      %add3A_226 = arith.addi %mul3A_224, %add3A_225 : vector<16xi32>
      %gather3A = tpu.vector_load_idx %arg5[%add3A_226] : memref<2048xi32, #tpu.memory_space<vmem>>[vector<16xi32>], vector<16xi32>,
      %gather3A_227 = tpu.vector_load_idx %arg9[%gather3A, %iota3A] : memref<64x16xi32, #tpu.memory_space<vmem>>[vector<16xi32>, vector<16xi32>], vector<16xi32>,
      %add3A_228 = arith.constant 1 : i32
      %add3A_229 = vector.broadcast %add3A_228 : i32 to vector<16xi32>
      %add3A_230 = arith.addi %gather3A_227, %add3A_229 : vector<16xi32>
      tpu.vector_store_idx %arg9[%gather3A, %iota3A], %add3A_230 : memref<64x16xi32, #tpu.memory_space<vmem>>[vector<16xi32>, vector<16xi32>], vector<16xi32>,
      %add3A_231 = vector.broadcast %mul3A_138 : i32 to vector<16xi32>
      %add3A_232 = arith.addi %gather3A_227, %add3A_231 : vector<16xi32>
      tpu.vector_store_idx %arg7[%add3A_226], %add3A_232 : memref<2048xi32, #tpu.memory_space<vmem>>[vector<16xi32>], vector<16xi32>,
      %add3A_233 = vector.broadcast %mul3A_136 : i32 to vector<16xi32>
      %add3A_234 = arith.addi %add3A_226, %add3A_233 : vector<16xi32>
      tpu.vector_store_idx %arg6[%gather3A_227], %add3A_234 : memref<2048xi32, #tpu.memory_space<vmem>>[vector<16xi32>], vector<16xi32>,
    }
    %scan3A_163 = arith.constant 128 : i32
    "tpu.region"() ({
      %run_scoped3A = tpu.sem_alloc : memref<!tpu.dma_semaphore, #tpu.memory_space<semaphore_mem>>
      %dma_start3A = arith.constant 0 : i32
      %dma_start3A_221 = tpu.memref_slice %arg3[%add3A_110, %dma_start3A] : memref<128x2048xi32, #tpu.memory_space<hbm>> -> memref<1x2048xi32, #tpu.memory_space<hbm>>
      %dma_start3A_222 = tpu.memref_squeeze %dma_start3A_221 : memref<1x2048xi32, #tpu.memory_space<hbm>> -> memref<2048xi32, #tpu.memory_space<hbm>>
      %dma_start3A_223 = arith.constant 0 : i32
      %dma_start3A_224 = tpu.memref_slice %arg3[%add3A_110, %dma_start3A_223] : memref<128x2048xi32, #tpu.memory_space<hbm>> -> memref<1x2048xi32, #tpu.memory_space<hbm>>
      %dma_start3A_225 = tpu.memref_squeeze %dma_start3A_224 : memref<1x2048xi32, #tpu.memory_space<hbm>> -> memref<2048xi32, #tpu.memory_space<hbm>>
      tpu.enqueue_dma source(%arg6 : memref<2048xi32, #tpu.memory_space<vmem>>) target(%dma_start3A_225 : memref<2048xi32, #tpu.memory_space<hbm>>) target_semaphore(%run_scoped3A : memref<!tpu.dma_semaphore, #tpu.memory_space<semaphore_mem>>)
      %dma_wait3A = arith.constant 0 : i32
      %dma_wait3A_226 = tpu.memref_slice %arg3[%add3A_110, %dma_wait3A] : memref<128x2048xi32, #tpu.memory_space<hbm>> -> memref<1x2048xi32, #tpu.memory_space<hbm>>
      %dma_wait3A_227 = tpu.memref_squeeze %dma_wait3A_226 : memref<1x2048xi32, #tpu.memory_space<hbm>> -> memref<2048xi32, #tpu.memory_space<hbm>>
      %dma_wait3A_228 = arith.constant 0 : i32
      %dma_wait3A_229 = tpu.memref_slice %arg3[%add3A_110, %dma_wait3A_228] : memref<128x2048xi32, #tpu.memory_space<hbm>> -> memref<1x2048xi32, #tpu.memory_space<hbm>>
      %dma_wait3A_230 = tpu.memref_squeeze %dma_wait3A_229 : memref<1x2048xi32, #tpu.memory_space<hbm>> -> memref<2048xi32, #tpu.memory_space<hbm>>
      tpu.wait_dma2 semaphore(%run_scoped3A : memref<!tpu.dma_semaphore, #tpu.memory_space<semaphore_mem>>) src(%arg6 : memref<2048xi32, #tpu.memory_space<vmem>>) dst(%dma_wait3A_230 : memref<2048xi32, #tpu.memory_space<hbm>>)
      tpu.yield
    }) : () -> ()
    "tpu.region"() ({
      %run_scoped3A = tpu.sem_alloc : memref<!tpu.dma_semaphore, #tpu.memory_space<semaphore_mem>>
      %dma_start3A = arith.constant 0 : i32
      %dma_start3A_221 = tpu.memref_slice %arg4[%add3A_110, %dma_start3A] : memref<128x2048xi32, #tpu.memory_space<hbm>> -> memref<1x2048xi32, #tpu.memory_space<hbm>>
      %dma_start3A_222 = tpu.memref_squeeze %dma_start3A_221 : memref<1x2048xi32, #tpu.memory_space<hbm>> -> memref<2048xi32, #tpu.memory_space<hbm>>
      %dma_start3A_223 = arith.constant 0 : i32
      %dma_start3A_224 = tpu.memref_slice %arg4[%add3A_110, %dma_start3A_223] : memref<128x2048xi32, #tpu.memory_space<hbm>> -> memref<1x2048xi32, #tpu.memory_space<hbm>>
      %dma_start3A_225 = tpu.memref_squeeze %dma_start3A_224 : memref<1x2048xi32, #tpu.memory_space<hbm>> -> memref<2048xi32, #tpu.memory_space<hbm>>
      tpu.enqueue_dma source(%arg7 : memref<2048xi32, #tpu.memory_space<vmem>>) target(%dma_start3A_225 : memref<2048xi32, #tpu.memory_space<hbm>>) target_semaphore(%run_scoped3A : memref<!tpu.dma_semaphore, #tpu.memory_space<semaphore_mem>>)
      %dma_wait3A = arith.constant 0 : i32
      %dma_wait3A_226 = tpu.memref_slice %arg4[%add3A_110, %dma_wait3A] : memref<128x2048xi32, #tpu.memory_space<hbm>> -> memref<1x2048xi32, #tpu.memory_space<hbm>>
      %dma_wait3A_227 = tpu.memref_squeeze %dma_wait3A_226 : memref<1x2048xi32, #tpu.memory_space<hbm>> -> memref<2048xi32, #tpu.memory_space<hbm>>
      %dma_wait3A_228 = arith.constant 0 : i32
      %dma_wait3A_229 = tpu.memref_slice %arg4[%add3A_110, %dma_wait3A_228] : memref<128x2048xi32, #tpu.memory_space<hbm>> -> memref<1x2048xi32, #tpu.memory_space<hbm>>
      %dma_wait3A_230 = tpu.memref_squeeze %dma_wait3A_229 : memref<1x2048xi32, #tpu.memory_space<hbm>> -> memref<2048xi32, #tpu.memory_space<hbm>>
      tpu.wait_dma2 semaphore(%run_scoped3A : memref<!tpu.dma_semaphore, #tpu.memory_space<semaphore_mem>>) src(%arg7 : memref<2048xi32, #tpu.memory_space<vmem>>) dst(%dma_wait3A_230 : memref<2048xi32, #tpu.memory_space<hbm>>)
      tpu.yield
    }) : () -> ()
    %mul3A_164 = arith.constant 4 : i32
    %mul3A_165 = arith.muli %add3A, %mul3A_164 : i32
    %add3A_166 = arith.constant 3 : i32
    %add3A_167 = arith.addi %mul3A_165, %add3A_166 : i32
    %jit3A_168 = arith.constant 4 : i32
    %div3A_169 = arith.divsi %add3A_167, %jit3A_168 : i32
    %sign3A_170 = arith.constant 0 : i32
    %sign3A_171 = arith.cmpi sgt, %add3A_167, %sign3A_170 : i32
    %sign3A_172 = arith.extui %sign3A_171 : i1 to i32
    %sign3A_173 = arith.constant 0 : i32
    %sign3A_174 = arith.cmpi slt, %add3A_167, %sign3A_173 : i32
    %sign3A_175 = arith.extui %sign3A_174 : i1 to i32
    %sign3A_176 = arith.subi %sign3A_172, %sign3A_175 : i32
    %sign3A_177 = arith.constant 0 : i32
    %sign3A_178 = arith.cmpi sgt, %jit3A_168, %sign3A_177 : i32
    %sign3A_179 = arith.extui %sign3A_178 : i1 to i32
    %sign3A_180 = arith.constant 0 : i32
    %sign3A_181 = arith.cmpi slt, %jit3A_168, %sign3A_180 : i32
    %sign3A_182 = arith.extui %sign3A_181 : i1 to i32
    %sign3A_183 = arith.subi %sign3A_179, %sign3A_182 : i32
    %ne3A_184 = arith.cmpi ne, %sign3A_176, %sign3A_183 : i32
    %rem3A_185 = arith.remsi %add3A_167, %jit3A_168 : i32
    %ne3A_186 = arith.constant 0 : i32
    %ne3A_187 = arith.cmpi ne, %rem3A_185, %ne3A_186 : i32
    %and3A_188 = arith.andi %ne3A_184, %ne3A_187 : i1
    %sub3A_189 = arith.constant 1 : i32
    %sub3A_190 = arith.subi %div3A_169, %sub3A_189 : i32
    %select_n3A_191 = arith.select %and3A_188, %sub3A_190, %div3A_169 : i32
    %mul3A_192 = arith.constant 2048 : i32
    %mul3A_193 = arith.muli %select_n3A_191, %mul3A_192 : i32
    %mul3A_194 = arith.constant 2048 : i32
    %mul3A_195 = arith.muli %add3A_167, %mul3A_194 : i32
    "tpu.region"() ({
      %run_scoped3A = tpu.sem_alloc : memref<!tpu.dma_semaphore, #tpu.memory_space<semaphore_mem>>
      %dma_start3A = arith.constant 0 : i32
      %dma_start3A_221 = tpu.memref_slice %arg2[%add3A_167, %dma_start3A] : memref<128x2048xi32, #tpu.memory_space<hbm>> -> memref<1x2048xi32, #tpu.memory_space<hbm>>
      %dma_start3A_222 = tpu.memref_squeeze %dma_start3A_221 : memref<1x2048xi32, #tpu.memory_space<hbm>> -> memref<2048xi32, #tpu.memory_space<hbm>>
      %dma_start3A_223 = arith.constant 0 : i32
      %dma_start3A_224 = tpu.memref_slice %arg2[%add3A_167, %dma_start3A_223] : memref<128x2048xi32, #tpu.memory_space<hbm>> -> memref<1x2048xi32, #tpu.memory_space<hbm>>
      %dma_start3A_225 = tpu.memref_squeeze %dma_start3A_224 : memref<1x2048xi32, #tpu.memory_space<hbm>> -> memref<2048xi32, #tpu.memory_space<hbm>>
      tpu.enqueue_dma source(%dma_start3A_225 : memref<2048xi32, #tpu.memory_space<hbm>>) target(%arg5 : memref<2048xi32, #tpu.memory_space<vmem>>) target_semaphore(%run_scoped3A : memref<!tpu.dma_semaphore, #tpu.memory_space<semaphore_mem>>)
      %dma_wait3A = arith.constant 0 : i32
      %dma_wait3A_226 = tpu.memref_slice %arg2[%add3A_167, %dma_wait3A] : memref<128x2048xi32, #tpu.memory_space<hbm>> -> memref<1x2048xi32, #tpu.memory_space<hbm>>
      %dma_wait3A_227 = tpu.memref_squeeze %dma_wait3A_226 : memref<1x2048xi32, #tpu.memory_space<hbm>> -> memref<2048xi32, #tpu.memory_space<hbm>>
      %dma_wait3A_228 = arith.constant 0 : i32
      %dma_wait3A_229 = tpu.memref_slice %arg2[%add3A_167, %dma_wait3A_228] : memref<128x2048xi32, #tpu.memory_space<hbm>> -> memref<1x2048xi32, #tpu.memory_space<hbm>>
      %dma_wait3A_230 = tpu.memref_squeeze %dma_wait3A_229 : memref<1x2048xi32, #tpu.memory_space<hbm>> -> memref<2048xi32, #tpu.memory_space<hbm>>
      tpu.wait_dma2 semaphore(%run_scoped3A : memref<!tpu.dma_semaphore, #tpu.memory_space<semaphore_mem>>) src(%dma_wait3A_230 : memref<2048xi32, #tpu.memory_space<hbm>>) dst(%arg5 : memref<2048xi32, #tpu.memory_space<vmem>>)
      tpu.yield
    }) : () -> ()
    %scan3A_196 = arith.constant 0 : i32
    %scan3A_197 = arith.constant 0 : i32
    %scan3A_198 = arith.constant 64 : i32
    %scan3A_199 = arith.addi %scan3A_197, %scan3A_198 : i32
    %scan3A_200 = arith.constant 1 : i32
    scf.for %scan3A_221 = %scan3A_197 to %scan3A_199 step %scan3A_200  : i32 {
      %broadcast_in_dim3A_222 = arith.constant 0 : i32
      %broadcast_in_dim3A_223 = vector.broadcast %broadcast_in_dim3A_222 : i32 to vector<16xi32>
      %swap3A = arith.index_cast %scan3A_221 : i32 to index
      %swap3A_224 = arith.constant 0 : index
      %swap3A_225 = tpu.vector_load %arg8[%swap3A, %swap3A_224] {strides = array<i32>} : memref<64x16xi32, #tpu.memory_space<vmem>>, vector<16xi32>,
      tpu.vector_store %arg8[%swap3A, %swap3A_224], %broadcast_in_dim3A_223 {strides = array<i32>} : memref<64x16xi32, #tpu.memory_space<vmem>>, vector<16xi32>,
    }
    %scan3A_201 = arith.constant 64 : i32
    %scan3A_202 = arith.constant 0 : i32
    %scan3A_203 = arith.constant 0 : i32
    %scan3A_204 = arith.constant 128 : i32
    %scan3A_205 = arith.addi %scan3A_203, %scan3A_204 : i32
    %scan3A_206 = arith.constant 1 : i32
    scf.for %scan3A_221 = %scan3A_203 to %scan3A_205 step %scan3A_206  : i32 {
      %mul3A_222 = arith.constant 128 : i32
      %mul3A_223 = vector.broadcast %mul3A_222 : i32 to vector<16xi32>
      %mul3A_224 = arith.muli %iota3A, %mul3A_223 : vector<16xi32>
      %add3A_225 = vector.broadcast %scan3A_221 : i32 to vector<16xi32>
      %add3A_226 = arith.addi %mul3A_224, %add3A_225 : vector<16xi32>
      %gather3A = tpu.vector_load_idx %arg5[%add3A_226] : memref<2048xi32, #tpu.memory_space<vmem>>[vector<16xi32>], vector<16xi32>,
      tpu.vector_store_idx %arg8[%gather3A, %iota3A], %broadcast_in_dim3A_1 {add = true} : memref<64x16xi32, #tpu.memory_space<vmem>>[vector<16xi32>, vector<16xi32>], vector<16xi32>,
    }
    %scan3A_207 = arith.constant 128 : i32
    %scan3A_208 = arith.constant 0 : i32
    %scan3A_209 = arith.constant 0 : i32
    %scan3A_210 = arith.constant 64 : i32
    %scan3A_211 = arith.addi %scan3A_209, %scan3A_210 : i32
    %scan3A_212 = arith.constant 1 : i32
    %scan3A_213 = scf.for %scan3A_221 = %scan3A_209 to %scan3A_211 step %scan3A_212 iter_args(%scan3A_222 = %scan3A_208) -> (i32)  : i32 {
      %get3A = arith.index_cast %scan3A_221 : i32 to index
      %get3A_223 = arith.constant 0 : index
      %get3A_224 = tpu.vector_load %arg8[%get3A, %get3A_223] {strides = array<i32>} : memref<64x16xi32, #tpu.memory_space<vmem>>, vector<16xi32>,
      %broadcast_in_dim3A_225 = arith.constant true
      %broadcast_in_dim3A_226 = vector.broadcast %broadcast_in_dim3A_225 : i1 to vector<16xi1>
      %masked_cumsum3A = tpu.scan <sum>, %get3A_224 masked %broadcast_in_dim3A_226 : vector<16xi32>, vector<16xi1> -> vector<16xi32>
      %add3A_227 = vector.broadcast %scan3A_222 : i32 to vector<16xi32>
      %add3A_228 = arith.addi %add3A_227, %masked_cumsum3A : vector<16xi32>
      %sub3A_229 = arith.subi %add3A_228, %get3A_224 : vector<16xi32>
      %swap3A = arith.index_cast %scan3A_221 : i32 to index
      %swap3A_230 = arith.constant 0 : index
      %swap3A_231 = tpu.vector_load %arg9[%swap3A, %swap3A_230] {strides = array<i32>} : memref<64x16xi32, #tpu.memory_space<vmem>>, vector<16xi32>,
      tpu.vector_store %arg9[%swap3A, %swap3A_230], %sub3A_229 {strides = array<i32>} : memref<64x16xi32, #tpu.memory_space<vmem>>, vector<16xi32>,
      %reduce_sum3A = arith.constant true
      %reduce_sum3A_232 = vector.broadcast %reduce_sum3A : i1 to vector<16xi1>
      %reduce_sum3A_233 = tpu.scan <sum>, %get3A_224 masked %reduce_sum3A_232 : vector<16xi32>, vector<16xi1> -> vector<16xi32>
      %reduce_sum3A_234 = vector.extract %reduce_sum3A_233[15] : i32 from vector<16xi32>
      %add3A_235 = arith.addi %scan3A_222, %reduce_sum3A_234 : i32
      scf.yield %add3A_235 : i32
    }
    %scan3A_214 = arith.constant 64 : i32
    %scan3A_215 = arith.constant 0 : i32
    %scan3A_216 = arith.constant 0 : i32
    %scan3A_217 = arith.constant 128 : i32
    %scan3A_218 = arith.addi %scan3A_216, %scan3A_217 : i32
    %scan3A_219 = arith.constant 1 : i32
    scf.for %scan3A_221 = %scan3A_216 to %scan3A_218 step %scan3A_219  : i32 {
      %mul3A_222 = arith.constant 128 : i32
      %mul3A_223 = vector.broadcast %mul3A_222 : i32 to vector<16xi32>
      %mul3A_224 = arith.muli %iota3A, %mul3A_223 : vector<16xi32>
      %add3A_225 = vector.broadcast %scan3A_221 : i32 to vector<16xi32>
      %add3A_226 = arith.addi %mul3A_224, %add3A_225 : vector<16xi32>
      %gather3A = tpu.vector_load_idx %arg5[%add3A_226] : memref<2048xi32, #tpu.memory_space<vmem>>[vector<16xi32>], vector<16xi32>,
      %gather3A_227 = tpu.vector_load_idx %arg9[%gather3A, %iota3A] : memref<64x16xi32, #tpu.memory_space<vmem>>[vector<16xi32>, vector<16xi32>], vector<16xi32>,
      %add3A_228 = arith.constant 1 : i32
      %add3A_229 = vector.broadcast %add3A_228 : i32 to vector<16xi32>
      %add3A_230 = arith.addi %gather3A_227, %add3A_229 : vector<16xi32>
      tpu.vector_store_idx %arg9[%gather3A, %iota3A], %add3A_230 : memref<64x16xi32, #tpu.memory_space<vmem>>[vector<16xi32>, vector<16xi32>], vector<16xi32>,
      %add3A_231 = vector.broadcast %mul3A_195 : i32 to vector<16xi32>
      %add3A_232 = arith.addi %gather3A_227, %add3A_231 : vector<16xi32>
      tpu.vector_store_idx %arg7[%add3A_226], %add3A_232 : memref<2048xi32, #tpu.memory_space<vmem>>[vector<16xi32>], vector<16xi32>,
      %add3A_233 = vector.broadcast %mul3A_193 : i32 to vector<16xi32>
      %add3A_234 = arith.addi %add3A_226, %add3A_233 : vector<16xi32>
      tpu.vector_store_idx %arg6[%gather3A_227], %add3A_234 : memref<2048xi32, #tpu.memory_space<vmem>>[vector<16xi32>], vector<16xi32>,
    }
    %scan3A_220 = arith.constant 128 : i32
    "tpu.region"() ({
      %run_scoped3A = tpu.sem_alloc : memref<!tpu.dma_semaphore, #tpu.memory_space<semaphore_mem>>
      %dma_start3A = arith.constant 0 : i32
      %dma_start3A_221 = tpu.memref_slice %arg3[%add3A_167, %dma_start3A] : memref<128x2048xi32, #tpu.memory_space<hbm>> -> memref<1x2048xi32, #tpu.memory_space<hbm>>
      %dma_start3A_222 = tpu.memref_squeeze %dma_start3A_221 : memref<1x2048xi32, #tpu.memory_space<hbm>> -> memref<2048xi32, #tpu.memory_space<hbm>>
      %dma_start3A_223 = arith.constant 0 : i32
      %dma_start3A_224 = tpu.memref_slice %arg3[%add3A_167, %dma_start3A_223] : memref<128x2048xi32, #tpu.memory_space<hbm>> -> memref<1x2048xi32, #tpu.memory_space<hbm>>
      %dma_start3A_225 = tpu.memref_squeeze %dma_start3A_224 : memref<1x2048xi32, #tpu.memory_space<hbm>> -> memref<2048xi32, #tpu.memory_space<hbm>>
      tpu.enqueue_dma source(%arg6 : memref<2048xi32, #tpu.memory_space<vmem>>) target(%dma_start3A_225 : memref<2048xi32, #tpu.memory_space<hbm>>) target_semaphore(%run_scoped3A : memref<!tpu.dma_semaphore, #tpu.memory_space<semaphore_mem>>)
      %dma_wait3A = arith.constant 0 : i32
      %dma_wait3A_226 = tpu.memref_slice %arg3[%add3A_167, %dma_wait3A] : memref<128x2048xi32, #tpu.memory_space<hbm>> -> memref<1x2048xi32, #tpu.memory_space<hbm>>
      %dma_wait3A_227 = tpu.memref_squeeze %dma_wait3A_226 : memref<1x2048xi32, #tpu.memory_space<hbm>> -> memref<2048xi32, #tpu.memory_space<hbm>>
      %dma_wait3A_228 = arith.constant 0 : i32
      %dma_wait3A_229 = tpu.memref_slice %arg3[%add3A_167, %dma_wait3A_228] : memref<128x2048xi32, #tpu.memory_space<hbm>> -> memref<1x2048xi32, #tpu.memory_space<hbm>>
      %dma_wait3A_230 = tpu.memref_squeeze %dma_wait3A_229 : memref<1x2048xi32, #tpu.memory_space<hbm>> -> memref<2048xi32, #tpu.memory_space<hbm>>
      tpu.wait_dma2 semaphore(%run_scoped3A : memref<!tpu.dma_semaphore, #tpu.memory_space<semaphore_mem>>) src(%arg6 : memref<2048xi32, #tpu.memory_space<vmem>>) dst(%dma_wait3A_230 : memref<2048xi32, #tpu.memory_space<hbm>>)
      tpu.yield
    }) : () -> ()
    "tpu.region"() ({
      %run_scoped3A = tpu.sem_alloc : memref<!tpu.dma_semaphore, #tpu.memory_space<semaphore_mem>>
      %dma_start3A = arith.constant 0 : i32
      %dma_start3A_221 = tpu.memref_slice %arg4[%add3A_167, %dma_start3A] : memref<128x2048xi32, #tpu.memory_space<hbm>> -> memref<1x2048xi32, #tpu.memory_space<hbm>>
      %dma_start3A_222 = tpu.memref_squeeze %dma_start3A_221 : memref<1x2048xi32, #tpu.memory_space<hbm>> -> memref<2048xi32, #tpu.memory_space<hbm>>
      %dma_start3A_223 = arith.constant 0 : i32
      %dma_start3A_224 = tpu.memref_slice %arg4[%add3A_167, %dma_start3A_223] : memref<128x2048xi32, #tpu.memory_space<hbm>> -> memref<1x2048xi32, #tpu.memory_space<hbm>>
      %dma_start3A_225 = tpu.memref_squeeze %dma_start3A_224 : memref<1x2048xi32, #tpu.memory_space<hbm>> -> memref<2048xi32, #tpu.memory_space<hbm>>
      tpu.enqueue_dma source(%arg7 : memref<2048xi32, #tpu.memory_space<vmem>>) target(%dma_start3A_225 : memref<2048xi32, #tpu.memory_space<hbm>>) target_semaphore(%run_scoped3A : memref<!tpu.dma_semaphore, #tpu.memory_space<semaphore_mem>>)
      %dma_wait3A = arith.constant 0 : i32
      %dma_wait3A_226 = tpu.memref_slice %arg4[%add3A_167, %dma_wait3A] : memref<128x2048xi32, #tpu.memory_space<hbm>> -> memref<1x2048xi32, #tpu.memory_space<hbm>>
      %dma_wait3A_227 = tpu.memref_squeeze %dma_wait3A_226 : memref<1x2048xi32, #tpu.memory_space<hbm>> -> memref<2048xi32, #tpu.memory_space<hbm>>
      %dma_wait3A_228 = arith.constant 0 : i32
      %dma_wait3A_229 = tpu.memref_slice %arg4[%add3A_167, %dma_wait3A_228] : memref<128x2048xi32, #tpu.memory_space<hbm>> -> memref<1x2048xi32, #tpu.memory_space<hbm>>
      %dma_wait3A_230 = tpu.memref_squeeze %dma_wait3A_229 : memref<1x2048xi32, #tpu.memory_space<hbm>> -> memref<2048xi32, #tpu.memory_space<hbm>>
      tpu.wait_dma2 semaphore(%run_scoped3A : memref<!tpu.dma_semaphore, #tpu.memory_space<semaphore_mem>>) src(%arg7 : memref<2048xi32, #tpu.memory_space<vmem>>) dst(%dma_wait3A_230 : memref<2048xi32, #tpu.memory_space<hbm>>)
      tpu.yield
    }) : () -> ()
    return
  }
}

#map = affine_map<(d0, d1) -> (0, 0)>
#map1 = affine_map<(d0, d1) -> (0, 0, 0)>
module attributes {stable_mosaic.version = 14 : i64} {
  func.func @_unsort_sc_body(%arg0: i32, %arg1: i32, %arg2: memref<262144x128xf32, #tpu.memory_space<hbm>>, %arg3: memref<128x2048xi32, #tpu.memory_space<hbm>>, %arg4: memref<128x2048x128xf32, #tpu.memory_space<hbm>>, %arg5: memref<128xi32, #tpu.memory_space<vmem>>, %arg6: memref<128x128xf32, #tpu.memory_space<vmem>>, %arg7: memref<!tpu.dma_semaphore, #tpu.memory_space<semaphore_mem>>) attributes {dimension_semantics = [#tpu.dimension_semantics<core_parallel>, #tpu.dimension_semantics<subcore_parallel>], iteration_bounds = array<i64: 2, 16>, scalar_prefetch = 0 : i64, scratch_operands = 3 : i64, tpu.core_type = #tpu.core_type<sc_vector_subcore>, window_params = [{transform_indices = #map}, {transform_indices = #map}, {transform_indices = #map1}]} {
    %mul3A = arith.constant 2 : i32
    %mul3A_0 = arith.muli %arg1, %mul3A : i32
    %add3A = arith.addi %mul3A_0, %arg0 : i32
    %mul3A_1 = arith.constant 4 : i32
    %mul3A_2 = arith.muli %add3A, %mul3A_1 : i32
    %add3A_3 = arith.constant 0 : i32
    %add3A_4 = arith.addi %mul3A_2, %add3A_3 : i32
    %scan3A = arith.constant 0 : i32
    %scan3A_5 = arith.constant 0 : i32
    %scan3A_6 = arith.constant 16 : i32
    %scan3A_7 = arith.addi %scan3A_5, %scan3A_6 : i32
    %scan3A_8 = arith.constant 1 : i32
    scf.for %scan3A_40 = %scan3A_5 to %scan3A_7 step %scan3A_8  : i32 {
      %mul3A_41 = arith.constant 128 : i32
      %mul3A_42 = arith.muli %scan3A_40, %mul3A_41 : i32
      "tpu.region"() ({
        %run_scoped3A = tpu.sem_alloc : memref<!tpu.dma_semaphore, #tpu.memory_space<semaphore_mem>>
        %dma_start3A_47 = tpu.memref_slice %arg3[%add3A_4, %mul3A_42] : memref<128x2048xi32, #tpu.memory_space<hbm>> -> memref<1x128xi32, #tpu.memory_space<hbm>>
        %dma_start3A_48 = tpu.memref_squeeze %dma_start3A_47 : memref<1x128xi32, #tpu.memory_space<hbm>> -> memref<128xi32, #tpu.memory_space<hbm>>
        %dma_start3A_49 = tpu.memref_slice %arg3[%add3A_4, %mul3A_42] : memref<128x2048xi32, #tpu.memory_space<hbm>> -> memref<1x128xi32, #tpu.memory_space<hbm>>
        %dma_start3A_50 = tpu.memref_squeeze %dma_start3A_49 : memref<1x128xi32, #tpu.memory_space<hbm>> -> memref<128xi32, #tpu.memory_space<hbm>>
        tpu.enqueue_dma source(%dma_start3A_50 : memref<128xi32, #tpu.memory_space<hbm>>) target(%arg5 : memref<128xi32, #tpu.memory_space<vmem>>) target_semaphore(%run_scoped3A : memref<!tpu.dma_semaphore, #tpu.memory_space<semaphore_mem>>)
        %dma_wait3A_51 = tpu.memref_slice %arg3[%add3A_4, %mul3A_42] : memref<128x2048xi32, #tpu.memory_space<hbm>> -> memref<1x128xi32, #tpu.memory_space<hbm>>
        %dma_wait3A_52 = tpu.memref_squeeze %dma_wait3A_51 : memref<1x128xi32, #tpu.memory_space<hbm>> -> memref<128xi32, #tpu.memory_space<hbm>>
        %dma_wait3A_53 = tpu.memref_slice %arg3[%add3A_4, %mul3A_42] : memref<128x2048xi32, #tpu.memory_space<hbm>> -> memref<1x128xi32, #tpu.memory_space<hbm>>
        %dma_wait3A_54 = tpu.memref_squeeze %dma_wait3A_53 : memref<1x128xi32, #tpu.memory_space<hbm>> -> memref<128xi32, #tpu.memory_space<hbm>>
        tpu.wait_dma2 semaphore(%run_scoped3A : memref<!tpu.dma_semaphore, #tpu.memory_space<semaphore_mem>>) src(%dma_wait3A_54 : memref<128xi32, #tpu.memory_space<hbm>>) dst(%arg5 : memref<128xi32, #tpu.memory_space<vmem>>)
        tpu.yield
      }) : () -> ()
      %dma_start3A = arith.constant 0 : i32
      %dma_start3A_43 = arith.constant 0 : i32
      %dma_start3A_44 = tpu.memref_slice %arg2[%dma_start3A, %dma_start3A_43] : memref<262144x128xf32, #tpu.memory_space<hbm>> -> memref<262144x128xf32, #tpu.memory_space<hbm>>
      tpu.enqueue_indirect_dma source(%dma_start3A_44 : memref<262144x128xf32, #tpu.memory_space<hbm>>) target(%arg6 : memref<128x128xf32, #tpu.memory_space<vmem>>) offsets(%arg5 : memref<128xi32, #tpu.memory_space<vmem>>) semaphore(%arg7 : memref<!tpu.dma_semaphore, #tpu.memory_space<semaphore_mem>>)
      %dma_wait3A = arith.constant 0 : i32
      %dma_wait3A_45 = arith.constant 0 : i32
      %dma_wait3A_46 = tpu.memref_slice %arg2[%dma_wait3A, %dma_wait3A_45] : memref<262144x128xf32, #tpu.memory_space<hbm>> -> memref<262144x128xf32, #tpu.memory_space<hbm>>
      tpu.wait_indirect_dma semaphore(%arg7 : memref<!tpu.dma_semaphore, #tpu.memory_space<semaphore_mem>>) src(%dma_wait3A_46 : memref<262144x128xf32, #tpu.memory_space<hbm>>) dst(%arg6 : memref<128x128xf32, #tpu.memory_space<vmem>>)
      "tpu.region"() ({
        %run_scoped3A = tpu.sem_alloc : memref<!tpu.dma_semaphore, #tpu.memory_space<semaphore_mem>>
        %dma_start3A_47 = arith.constant 0 : i32
        %dma_start3A_48 = tpu.memref_slice %arg4[%add3A_4, %mul3A_42, %dma_start3A_47] : memref<128x2048x128xf32, #tpu.memory_space<hbm>> -> memref<1x128x128xf32, #tpu.memory_space<hbm>>
        %dma_start3A_49 = tpu.memref_squeeze %dma_start3A_48 : memref<1x128x128xf32, #tpu.memory_space<hbm>> -> memref<128x128xf32, #tpu.memory_space<hbm>>
        %dma_start3A_50 = arith.constant 0 : i32
        %dma_start3A_51 = tpu.memref_slice %arg4[%add3A_4, %mul3A_42, %dma_start3A_50] : memref<128x2048x128xf32, #tpu.memory_space<hbm>> -> memref<1x128x128xf32, #tpu.memory_space<hbm>>
        %dma_start3A_52 = tpu.memref_squeeze %dma_start3A_51 : memref<1x128x128xf32, #tpu.memory_space<hbm>> -> memref<128x128xf32, #tpu.memory_space<hbm>>
        tpu.enqueue_dma source(%arg6 : memref<128x128xf32, #tpu.memory_space<vmem>>) target(%dma_start3A_52 : memref<128x128xf32, #tpu.memory_space<hbm>>) target_semaphore(%run_scoped3A : memref<!tpu.dma_semaphore, #tpu.memory_space<semaphore_mem>>)
        %dma_wait3A_53 = arith.constant 0 : i32
        %dma_wait3A_54 = tpu.memref_slice %arg4[%add3A_4, %mul3A_42, %dma_wait3A_53] : memref<128x2048x128xf32, #tpu.memory_space<hbm>> -> memref<1x128x128xf32, #tpu.memory_space<hbm>>
        %dma_wait3A_55 = tpu.memref_squeeze %dma_wait3A_54 : memref<1x128x128xf32, #tpu.memory_space<hbm>> -> memref<128x128xf32, #tpu.memory_space<hbm>>
        %dma_wait3A_56 = arith.constant 0 : i32
        %dma_wait3A_57 = tpu.memref_slice %arg4[%add3A_4, %mul3A_42, %dma_wait3A_56] : memref<128x2048x128xf32, #tpu.memory_space<hbm>> -> memref<1x128x128xf32, #tpu.memory_space<hbm>>
        %dma_wait3A_58 = tpu.memref_squeeze %dma_wait3A_57 : memref<1x128x128xf32, #tpu.memory_space<hbm>> -> memref<128x128xf32, #tpu.memory_space<hbm>>
        tpu.wait_dma2 semaphore(%run_scoped3A : memref<!tpu.dma_semaphore, #tpu.memory_space<semaphore_mem>>) src(%arg6 : memref<128x128xf32, #tpu.memory_space<vmem>>) dst(%dma_wait3A_58 : memref<128x128xf32, #tpu.memory_space<hbm>>)
        tpu.yield
      }) : () -> ()
    }
    %scan3A_9 = arith.constant 16 : i32
    %mul3A_10 = arith.constant 4 : i32
    %mul3A_11 = arith.muli %add3A, %mul3A_10 : i32
    %add3A_12 = arith.constant 1 : i32
    %add3A_13 = arith.addi %mul3A_11, %add3A_12 : i32
    %scan3A_14 = arith.constant 0 : i32
    %scan3A_15 = arith.constant 0 : i32
    %scan3A_16 = arith.constant 16 : i32
    %scan3A_17 = arith.addi %scan3A_15, %scan3A_16 : i32
    %scan3A_18 = arith.constant 1 : i32
    scf.for %scan3A_40 = %scan3A_15 to %scan3A_17 step %scan3A_18  : i32 {
      %mul3A_41 = arith.constant 128 : i32
      %mul3A_42 = arith.muli %scan3A_40, %mul3A_41 : i32
      "tpu.region"() ({
        %run_scoped3A = tpu.sem_alloc : memref<!tpu.dma_semaphore, #tpu.memory_space<semaphore_mem>>
        %dma_start3A_47 = tpu.memref_slice %arg3[%add3A_13, %mul3A_42] : memref<128x2048xi32, #tpu.memory_space<hbm>> -> memref<1x128xi32, #tpu.memory_space<hbm>>
        %dma_start3A_48 = tpu.memref_squeeze %dma_start3A_47 : memref<1x128xi32, #tpu.memory_space<hbm>> -> memref<128xi32, #tpu.memory_space<hbm>>
        %dma_start3A_49 = tpu.memref_slice %arg3[%add3A_13, %mul3A_42] : memref<128x2048xi32, #tpu.memory_space<hbm>> -> memref<1x128xi32, #tpu.memory_space<hbm>>
        %dma_start3A_50 = tpu.memref_squeeze %dma_start3A_49 : memref<1x128xi32, #tpu.memory_space<hbm>> -> memref<128xi32, #tpu.memory_space<hbm>>
        tpu.enqueue_dma source(%dma_start3A_50 : memref<128xi32, #tpu.memory_space<hbm>>) target(%arg5 : memref<128xi32, #tpu.memory_space<vmem>>) target_semaphore(%run_scoped3A : memref<!tpu.dma_semaphore, #tpu.memory_space<semaphore_mem>>)
        %dma_wait3A_51 = tpu.memref_slice %arg3[%add3A_13, %mul3A_42] : memref<128x2048xi32, #tpu.memory_space<hbm>> -> memref<1x128xi32, #tpu.memory_space<hbm>>
        %dma_wait3A_52 = tpu.memref_squeeze %dma_wait3A_51 : memref<1x128xi32, #tpu.memory_space<hbm>> -> memref<128xi32, #tpu.memory_space<hbm>>
        %dma_wait3A_53 = tpu.memref_slice %arg3[%add3A_13, %mul3A_42] : memref<128x2048xi32, #tpu.memory_space<hbm>> -> memref<1x128xi32, #tpu.memory_space<hbm>>
        %dma_wait3A_54 = tpu.memref_squeeze %dma_wait3A_53 : memref<1x128xi32, #tpu.memory_space<hbm>> -> memref<128xi32, #tpu.memory_space<hbm>>
        tpu.wait_dma2 semaphore(%run_scoped3A : memref<!tpu.dma_semaphore, #tpu.memory_space<semaphore_mem>>) src(%dma_wait3A_54 : memref<128xi32, #tpu.memory_space<hbm>>) dst(%arg5 : memref<128xi32, #tpu.memory_space<vmem>>)
        tpu.yield
      }) : () -> ()
      %dma_start3A = arith.constant 0 : i32
      %dma_start3A_43 = arith.constant 0 : i32
      %dma_start3A_44 = tpu.memref_slice %arg2[%dma_start3A, %dma_start3A_43] : memref<262144x128xf32, #tpu.memory_space<hbm>> -> memref<262144x128xf32, #tpu.memory_space<hbm>>
      tpu.enqueue_indirect_dma source(%dma_start3A_44 : memref<262144x128xf32, #tpu.memory_space<hbm>>) target(%arg6 : memref<128x128xf32, #tpu.memory_space<vmem>>) offsets(%arg5 : memref<128xi32, #tpu.memory_space<vmem>>) semaphore(%arg7 : memref<!tpu.dma_semaphore, #tpu.memory_space<semaphore_mem>>)
      %dma_wait3A = arith.constant 0 : i32
      %dma_wait3A_45 = arith.constant 0 : i32
      %dma_wait3A_46 = tpu.memref_slice %arg2[%dma_wait3A, %dma_wait3A_45] : memref<262144x128xf32, #tpu.memory_space<hbm>> -> memref<262144x128xf32, #tpu.memory_space<hbm>>
      tpu.wait_indirect_dma semaphore(%arg7 : memref<!tpu.dma_semaphore, #tpu.memory_space<semaphore_mem>>) src(%dma_wait3A_46 : memref<262144x128xf32, #tpu.memory_space<hbm>>) dst(%arg6 : memref<128x128xf32, #tpu.memory_space<vmem>>)
      "tpu.region"() ({
        %run_scoped3A = tpu.sem_alloc : memref<!tpu.dma_semaphore, #tpu.memory_space<semaphore_mem>>
        %dma_start3A_47 = arith.constant 0 : i32
        %dma_start3A_48 = tpu.memref_slice %arg4[%add3A_13, %mul3A_42, %dma_start3A_47] : memref<128x2048x128xf32, #tpu.memory_space<hbm>> -> memref<1x128x128xf32, #tpu.memory_space<hbm>>
        %dma_start3A_49 = tpu.memref_squeeze %dma_start3A_48 : memref<1x128x128xf32, #tpu.memory_space<hbm>> -> memref<128x128xf32, #tpu.memory_space<hbm>>
        %dma_start3A_50 = arith.constant 0 : i32
        %dma_start3A_51 = tpu.memref_slice %arg4[%add3A_13, %mul3A_42, %dma_start3A_50] : memref<128x2048x128xf32, #tpu.memory_space<hbm>> -> memref<1x128x128xf32, #tpu.memory_space<hbm>>
        %dma_start3A_52 = tpu.memref_squeeze %dma_start3A_51 : memref<1x128x128xf32, #tpu.memory_space<hbm>> -> memref<128x128xf32, #tpu.memory_space<hbm>>
        tpu.enqueue_dma source(%arg6 : memref<128x128xf32, #tpu.memory_space<vmem>>) target(%dma_start3A_52 : memref<128x128xf32, #tpu.memory_space<hbm>>) target_semaphore(%run_scoped3A : memref<!tpu.dma_semaphore, #tpu.memory_space<semaphore_mem>>)
        %dma_wait3A_53 = arith.constant 0 : i32
        %dma_wait3A_54 = tpu.memref_slice %arg4[%add3A_13, %mul3A_42, %dma_wait3A_53] : memref<128x2048x128xf32, #tpu.memory_space<hbm>> -> memref<1x128x128xf32, #tpu.memory_space<hbm>>
        %dma_wait3A_55 = tpu.memref_squeeze %dma_wait3A_54 : memref<1x128x128xf32, #tpu.memory_space<hbm>> -> memref<128x128xf32, #tpu.memory_space<hbm>>
        %dma_wait3A_56 = arith.constant 0 : i32
        %dma_wait3A_57 = tpu.memref_slice %arg4[%add3A_13, %mul3A_42, %dma_wait3A_56] : memref<128x2048x128xf32, #tpu.memory_space<hbm>> -> memref<1x128x128xf32, #tpu.memory_space<hbm>>
        %dma_wait3A_58 = tpu.memref_squeeze %dma_wait3A_57 : memref<1x128x128xf32, #tpu.memory_space<hbm>> -> memref<128x128xf32, #tpu.memory_space<hbm>>
        tpu.wait_dma2 semaphore(%run_scoped3A : memref<!tpu.dma_semaphore, #tpu.memory_space<semaphore_mem>>) src(%arg6 : memref<128x128xf32, #tpu.memory_space<vmem>>) dst(%dma_wait3A_58 : memref<128x128xf32, #tpu.memory_space<hbm>>)
        tpu.yield
      }) : () -> ()
    }
    %scan3A_19 = arith.constant 16 : i32
    %mul3A_20 = arith.constant 4 : i32
    %mul3A_21 = arith.muli %add3A, %mul3A_20 : i32
    %add3A_22 = arith.constant 2 : i32
    %add3A_23 = arith.addi %mul3A_21, %add3A_22 : i32
    %scan3A_24 = arith.constant 0 : i32
    %scan3A_25 = arith.constant 0 : i32
    %scan3A_26 = arith.constant 16 : i32
    %scan3A_27 = arith.addi %scan3A_25, %scan3A_26 : i32
    %scan3A_28 = arith.constant 1 : i32
    scf.for %scan3A_40 = %scan3A_25 to %scan3A_27 step %scan3A_28  : i32 {
      %mul3A_41 = arith.constant 128 : i32
      %mul3A_42 = arith.muli %scan3A_40, %mul3A_41 : i32
      "tpu.region"() ({
        %run_scoped3A = tpu.sem_alloc : memref<!tpu.dma_semaphore, #tpu.memory_space<semaphore_mem>>
        %dma_start3A_47 = tpu.memref_slice %arg3[%add3A_23, %mul3A_42] : memref<128x2048xi32, #tpu.memory_space<hbm>> -> memref<1x128xi32, #tpu.memory_space<hbm>>
        %dma_start3A_48 = tpu.memref_squeeze %dma_start3A_47 : memref<1x128xi32, #tpu.memory_space<hbm>> -> memref<128xi32, #tpu.memory_space<hbm>>
        %dma_start3A_49 = tpu.memref_slice %arg3[%add3A_23, %mul3A_42] : memref<128x2048xi32, #tpu.memory_space<hbm>> -> memref<1x128xi32, #tpu.memory_space<hbm>>
        %dma_start3A_50 = tpu.memref_squeeze %dma_start3A_49 : memref<1x128xi32, #tpu.memory_space<hbm>> -> memref<128xi32, #tpu.memory_space<hbm>>
        tpu.enqueue_dma source(%dma_start3A_50 : memref<128xi32, #tpu.memory_space<hbm>>) target(%arg5 : memref<128xi32, #tpu.memory_space<vmem>>) target_semaphore(%run_scoped3A : memref<!tpu.dma_semaphore, #tpu.memory_space<semaphore_mem>>)
        %dma_wait3A_51 = tpu.memref_slice %arg3[%add3A_23, %mul3A_42] : memref<128x2048xi32, #tpu.memory_space<hbm>> -> memref<1x128xi32, #tpu.memory_space<hbm>>
        %dma_wait3A_52 = tpu.memref_squeeze %dma_wait3A_51 : memref<1x128xi32, #tpu.memory_space<hbm>> -> memref<128xi32, #tpu.memory_space<hbm>>
        %dma_wait3A_53 = tpu.memref_slice %arg3[%add3A_23, %mul3A_42] : memref<128x2048xi32, #tpu.memory_space<hbm>> -> memref<1x128xi32, #tpu.memory_space<hbm>>
        %dma_wait3A_54 = tpu.memref_squeeze %dma_wait3A_53 : memref<1x128xi32, #tpu.memory_space<hbm>> -> memref<128xi32, #tpu.memory_space<hbm>>
        tpu.wait_dma2 semaphore(%run_scoped3A : memref<!tpu.dma_semaphore, #tpu.memory_space<semaphore_mem>>) src(%dma_wait3A_54 : memref<128xi32, #tpu.memory_space<hbm>>) dst(%arg5 : memref<128xi32, #tpu.memory_space<vmem>>)
        tpu.yield
      }) : () -> ()
      %dma_start3A = arith.constant 0 : i32
      %dma_start3A_43 = arith.constant 0 : i32
      %dma_start3A_44 = tpu.memref_slice %arg2[%dma_start3A, %dma_start3A_43] : memref<262144x128xf32, #tpu.memory_space<hbm>> -> memref<262144x128xf32, #tpu.memory_space<hbm>>
      tpu.enqueue_indirect_dma source(%dma_start3A_44 : memref<262144x128xf32, #tpu.memory_space<hbm>>) target(%arg6 : memref<128x128xf32, #tpu.memory_space<vmem>>) offsets(%arg5 : memref<128xi32, #tpu.memory_space<vmem>>) semaphore(%arg7 : memref<!tpu.dma_semaphore, #tpu.memory_space<semaphore_mem>>)
      %dma_wait3A = arith.constant 0 : i32
      %dma_wait3A_45 = arith.constant 0 : i32
      %dma_wait3A_46 = tpu.memref_slice %arg2[%dma_wait3A, %dma_wait3A_45] : memref<262144x128xf32, #tpu.memory_space<hbm>> -> memref<262144x128xf32, #tpu.memory_space<hbm>>
      tpu.wait_indirect_dma semaphore(%arg7 : memref<!tpu.dma_semaphore, #tpu.memory_space<semaphore_mem>>) src(%dma_wait3A_46 : memref<262144x128xf32, #tpu.memory_space<hbm>>) dst(%arg6 : memref<128x128xf32, #tpu.memory_space<vmem>>)
      "tpu.region"() ({
        %run_scoped3A = tpu.sem_alloc : memref<!tpu.dma_semaphore, #tpu.memory_space<semaphore_mem>>
        %dma_start3A_47 = arith.constant 0 : i32
        %dma_start3A_48 = tpu.memref_slice %arg4[%add3A_23, %mul3A_42, %dma_start3A_47] : memref<128x2048x128xf32, #tpu.memory_space<hbm>> -> memref<1x128x128xf32, #tpu.memory_space<hbm>>
        %dma_start3A_49 = tpu.memref_squeeze %dma_start3A_48 : memref<1x128x128xf32, #tpu.memory_space<hbm>> -> memref<128x128xf32, #tpu.memory_space<hbm>>
        %dma_start3A_50 = arith.constant 0 : i32
        %dma_start3A_51 = tpu.memref_slice %arg4[%add3A_23, %mul3A_42, %dma_start3A_50] : memref<128x2048x128xf32, #tpu.memory_space<hbm>> -> memref<1x128x128xf32, #tpu.memory_space<hbm>>
        %dma_start3A_52 = tpu.memref_squeeze %dma_start3A_51 : memref<1x128x128xf32, #tpu.memory_space<hbm>> -> memref<128x128xf32, #tpu.memory_space<hbm>>
        tpu.enqueue_dma source(%arg6 : memref<128x128xf32, #tpu.memory_space<vmem>>) target(%dma_start3A_52 : memref<128x128xf32, #tpu.memory_space<hbm>>) target_semaphore(%run_scoped3A : memref<!tpu.dma_semaphore, #tpu.memory_space<semaphore_mem>>)
        %dma_wait3A_53 = arith.constant 0 : i32
        %dma_wait3A_54 = tpu.memref_slice %arg4[%add3A_23, %mul3A_42, %dma_wait3A_53] : memref<128x2048x128xf32, #tpu.memory_space<hbm>> -> memref<1x128x128xf32, #tpu.memory_space<hbm>>
        %dma_wait3A_55 = tpu.memref_squeeze %dma_wait3A_54 : memref<1x128x128xf32, #tpu.memory_space<hbm>> -> memref<128x128xf32, #tpu.memory_space<hbm>>
        %dma_wait3A_56 = arith.constant 0 : i32
        %dma_wait3A_57 = tpu.memref_slice %arg4[%add3A_23, %mul3A_42, %dma_wait3A_56] : memref<128x2048x128xf32, #tpu.memory_space<hbm>> -> memref<1x128x128xf32, #tpu.memory_space<hbm>>
        %dma_wait3A_58 = tpu.memref_squeeze %dma_wait3A_57 : memref<1x128x128xf32, #tpu.memory_space<hbm>> -> memref<128x128xf32, #tpu.memory_space<hbm>>
        tpu.wait_dma2 semaphore(%run_scoped3A : memref<!tpu.dma_semaphore, #tpu.memory_space<semaphore_mem>>) src(%arg6 : memref<128x128xf32, #tpu.memory_space<vmem>>) dst(%dma_wait3A_58 : memref<128x128xf32, #tpu.memory_space<hbm>>)
        tpu.yield
      }) : () -> ()
    }
    %scan3A_29 = arith.constant 16 : i32
    %mul3A_30 = arith.constant 4 : i32
    %mul3A_31 = arith.muli %add3A, %mul3A_30 : i32
    %add3A_32 = arith.constant 3 : i32
    %add3A_33 = arith.addi %mul3A_31, %add3A_32 : i32
    %scan3A_34 = arith.constant 0 : i32
    %scan3A_35 = arith.constant 0 : i32
    %scan3A_36 = arith.constant 16 : i32
    %scan3A_37 = arith.addi %scan3A_35, %scan3A_36 : i32
    %scan3A_38 = arith.constant 1 : i32
    scf.for %scan3A_40 = %scan3A_35 to %scan3A_37 step %scan3A_38  : i32 {
      %mul3A_41 = arith.constant 128 : i32
      %mul3A_42 = arith.muli %scan3A_40, %mul3A_41 : i32
      "tpu.region"() ({
        %run_scoped3A = tpu.sem_alloc : memref<!tpu.dma_semaphore, #tpu.memory_space<semaphore_mem>>
        %dma_start3A_47 = tpu.memref_slice %arg3[%add3A_33, %mul3A_42] : memref<128x2048xi32, #tpu.memory_space<hbm>> -> memref<1x128xi32, #tpu.memory_space<hbm>>
        %dma_start3A_48 = tpu.memref_squeeze %dma_start3A_47 : memref<1x128xi32, #tpu.memory_space<hbm>> -> memref<128xi32, #tpu.memory_space<hbm>>
        %dma_start3A_49 = tpu.memref_slice %arg3[%add3A_33, %mul3A_42] : memref<128x2048xi32, #tpu.memory_space<hbm>> -> memref<1x128xi32, #tpu.memory_space<hbm>>
        %dma_start3A_50 = tpu.memref_squeeze %dma_start3A_49 : memref<1x128xi32, #tpu.memory_space<hbm>> -> memref<128xi32, #tpu.memory_space<hbm>>
        tpu.enqueue_dma source(%dma_start3A_50 : memref<128xi32, #tpu.memory_space<hbm>>) target(%arg5 : memref<128xi32, #tpu.memory_space<vmem>>) target_semaphore(%run_scoped3A : memref<!tpu.dma_semaphore, #tpu.memory_space<semaphore_mem>>)
        %dma_wait3A_51 = tpu.memref_slice %arg3[%add3A_33, %mul3A_42] : memref<128x2048xi32, #tpu.memory_space<hbm>> -> memref<1x128xi32, #tpu.memory_space<hbm>>
        %dma_wait3A_52 = tpu.memref_squeeze %dma_wait3A_51 : memref<1x128xi32, #tpu.memory_space<hbm>> -> memref<128xi32, #tpu.memory_space<hbm>>
        %dma_wait3A_53 = tpu.memref_slice %arg3[%add3A_33, %mul3A_42] : memref<128x2048xi32, #tpu.memory_space<hbm>> -> memref<1x128xi32, #tpu.memory_space<hbm>>
        %dma_wait3A_54 = tpu.memref_squeeze %dma_wait3A_53 : memref<1x128xi32, #tpu.memory_space<hbm>> -> memref<128xi32, #tpu.memory_space<hbm>>
        tpu.wait_dma2 semaphore(%run_scoped3A : memref<!tpu.dma_semaphore, #tpu.memory_space<semaphore_mem>>) src(%dma_wait3A_54 : memref<128xi32, #tpu.memory_space<hbm>>) dst(%arg5 : memref<128xi32, #tpu.memory_space<vmem>>)
        tpu.yield
      }) : () -> ()
      %dma_start3A = arith.constant 0 : i32
      %dma_start3A_43 = arith.constant 0 : i32
      %dma_start3A_44 = tpu.memref_slice %arg2[%dma_start3A, %dma_start3A_43] : memref<262144x128xf32, #tpu.memory_space<hbm>> -> memref<262144x128xf32, #tpu.memory_space<hbm>>
      tpu.enqueue_indirect_dma source(%dma_start3A_44 : memref<262144x128xf32, #tpu.memory_space<hbm>>) target(%arg6 : memref<128x128xf32, #tpu.memory_space<vmem>>) offsets(%arg5 : memref<128xi32, #tpu.memory_space<vmem>>) semaphore(%arg7 : memref<!tpu.dma_semaphore, #tpu.memory_space<semaphore_mem>>)
      %dma_wait3A = arith.constant 0 : i32
      %dma_wait3A_45 = arith.constant 0 : i32
      %dma_wait3A_46 = tpu.memref_slice %arg2[%dma_wait3A, %dma_wait3A_45] : memref<262144x128xf32, #tpu.memory_space<hbm>> -> memref<262144x128xf32, #tpu.memory_space<hbm>>
      tpu.wait_indirect_dma semaphore(%arg7 : memref<!tpu.dma_semaphore, #tpu.memory_space<semaphore_mem>>) src(%dma_wait3A_46 : memref<262144x128xf32, #tpu.memory_space<hbm>>) dst(%arg6 : memref<128x128xf32, #tpu.memory_space<vmem>>)
      "tpu.region"() ({
        %run_scoped3A = tpu.sem_alloc : memref<!tpu.dma_semaphore, #tpu.memory_space<semaphore_mem>>
        %dma_start3A_47 = arith.constant 0 : i32
        %dma_start3A_48 = tpu.memref_slice %arg4[%add3A_33, %mul3A_42, %dma_start3A_47] : memref<128x2048x128xf32, #tpu.memory_space<hbm>> -> memref<1x128x128xf32, #tpu.memory_space<hbm>>
        %dma_start3A_49 = tpu.memref_squeeze %dma_start3A_48 : memref<1x128x128xf32, #tpu.memory_space<hbm>> -> memref<128x128xf32, #tpu.memory_space<hbm>>
        %dma_start3A_50 = arith.constant 0 : i32
        %dma_start3A_51 = tpu.memref_slice %arg4[%add3A_33, %mul3A_42, %dma_start3A_50] : memref<128x2048x128xf32, #tpu.memory_space<hbm>> -> memref<1x128x128xf32, #tpu.memory_space<hbm>>
        %dma_start3A_52 = tpu.memref_squeeze %dma_start3A_51 : memref<1x128x128xf32, #tpu.memory_space<hbm>> -> memref<128x128xf32, #tpu.memory_space<hbm>>
        tpu.enqueue_dma source(%arg6 : memref<128x128xf32, #tpu.memory_space<vmem>>) target(%dma_start3A_52 : memref<128x128xf32, #tpu.memory_space<hbm>>) target_semaphore(%run_scoped3A : memref<!tpu.dma_semaphore, #tpu.memory_space<semaphore_mem>>)
        %dma_wait3A_53 = arith.constant 0 : i32
        %dma_wait3A_54 = tpu.memref_slice %arg4[%add3A_33, %mul3A_42, %dma_wait3A_53] : memref<128x2048x128xf32, #tpu.memory_space<hbm>> -> memref<1x128x128xf32, #tpu.memory_space<hbm>>
        %dma_wait3A_55 = tpu.memref_squeeze %dma_wait3A_54 : memref<1x128x128xf32, #tpu.memory_space<hbm>> -> memref<128x128xf32, #tpu.memory_space<hbm>>
        %dma_wait3A_56 = arith.constant 0 : i32
        %dma_wait3A_57 = tpu.memref_slice %arg4[%add3A_33, %mul3A_42, %dma_wait3A_56] : memref<128x2048x128xf32, #tpu.memory_space<hbm>> -> memref<1x128x128xf32, #tpu.memory_space<hbm>>
        %dma_wait3A_58 = tpu.memref_squeeze %dma_wait3A_57 : memref<1x128x128xf32, #tpu.memory_space<hbm>> -> memref<128x128xf32, #tpu.memory_space<hbm>>
        tpu.wait_dma2 semaphore(%run_scoped3A : memref<!tpu.dma_semaphore, #tpu.memory_space<semaphore_mem>>) src(%arg6 : memref<128x128xf32, #tpu.memory_space<vmem>>) dst(%dma_wait3A_58 : memref<128x128xf32, #tpu.memory_space<hbm>>)
        tpu.yield
      }) : () -> ()
    }
    %scan3A_39 = arith.constant 16 : i32
    return
  }
}

#map = affine_map<(d0, d1) -> (0, 0)>
#map1 = affine_map<(d0, d1) -> (0, 0, 0)>
module attributes {stable_mosaic.version = 14 : i64} {
  func.func @_gather_sc_body(%arg0: i32, %arg1: i32, %arg2: memref<65536x128xf32, #tpu.memory_space<hbm>>, %arg3: memref<128x2048xi32, #tpu.memory_space<hbm>>, %arg4: memref<128x2048x128xf32, #tpu.memory_space<hbm>>, %arg5: memref<128xi32, #tpu.memory_space<vmem>>, %arg6: memref<128x128xf32, #tpu.memory_space<vmem>>, %arg7: memref<!tpu.dma_semaphore, #tpu.memory_space<semaphore_mem>>) attributes {dimension_semantics = [#tpu.dimension_semantics<core_parallel>, #tpu.dimension_semantics<subcore_parallel>], iteration_bounds = array<i64: 2, 16>, scalar_prefetch = 0 : i64, scratch_operands = 3 : i64, tpu.core_type = #tpu.core_type<sc_vector_subcore>, window_params = [{transform_indices = #map}, {transform_indices = #map}, {transform_indices = #map1}]} {
    %mul3A = arith.constant 2 : i32
    %mul3A_0 = arith.muli %arg1, %mul3A : i32
    %add3A = arith.addi %mul3A_0, %arg0 : i32
    %mul3A_1 = arith.constant 4 : i32
    %mul3A_2 = arith.muli %add3A, %mul3A_1 : i32
    %add3A_3 = arith.constant 0 : i32
    %add3A_4 = arith.addi %mul3A_2, %add3A_3 : i32
    %scan3A = arith.constant 0 : i32
    %scan3A_5 = arith.constant 0 : i32
    %scan3A_6 = arith.constant 16 : i32
    %scan3A_7 = arith.addi %scan3A_5, %scan3A_6 : i32
    %scan3A_8 = arith.constant 1 : i32
    scf.for %scan3A_40 = %scan3A_5 to %scan3A_7 step %scan3A_8  : i32 {
      %mul3A_41 = arith.constant 128 : i32
      %mul3A_42 = arith.muli %scan3A_40, %mul3A_41 : i32
      "tpu.region"() ({
        %run_scoped3A = tpu.sem_alloc : memref<!tpu.dma_semaphore, #tpu.memory_space<semaphore_mem>>
        %dma_start3A_47 = tpu.memref_slice %arg3[%add3A_4, %mul3A_42] : memref<128x2048xi32, #tpu.memory_space<hbm>> -> memref<1x128xi32, #tpu.memory_space<hbm>>
        %dma_start3A_48 = tpu.memref_squeeze %dma_start3A_47 : memref<1x128xi32, #tpu.memory_space<hbm>> -> memref<128xi32, #tpu.memory_space<hbm>>
        %dma_start3A_49 = tpu.memref_slice %arg3[%add3A_4, %mul3A_42] : memref<128x2048xi32, #tpu.memory_space<hbm>> -> memref<1x128xi32, #tpu.memory_space<hbm>>
        %dma_start3A_50 = tpu.memref_squeeze %dma_start3A_49 : memref<1x128xi32, #tpu.memory_space<hbm>> -> memref<128xi32, #tpu.memory_space<hbm>>
        tpu.enqueue_dma source(%dma_start3A_50 : memref<128xi32, #tpu.memory_space<hbm>>) target(%arg5 : memref<128xi32, #tpu.memory_space<vmem>>) target_semaphore(%run_scoped3A : memref<!tpu.dma_semaphore, #tpu.memory_space<semaphore_mem>>)
        %dma_wait3A_51 = tpu.memref_slice %arg3[%add3A_4, %mul3A_42] : memref<128x2048xi32, #tpu.memory_space<hbm>> -> memref<1x128xi32, #tpu.memory_space<hbm>>
        %dma_wait3A_52 = tpu.memref_squeeze %dma_wait3A_51 : memref<1x128xi32, #tpu.memory_space<hbm>> -> memref<128xi32, #tpu.memory_space<hbm>>
        %dma_wait3A_53 = tpu.memref_slice %arg3[%add3A_4, %mul3A_42] : memref<128x2048xi32, #tpu.memory_space<hbm>> -> memref<1x128xi32, #tpu.memory_space<hbm>>
        %dma_wait3A_54 = tpu.memref_squeeze %dma_wait3A_53 : memref<1x128xi32, #tpu.memory_space<hbm>> -> memref<128xi32, #tpu.memory_space<hbm>>
        tpu.wait_dma2 semaphore(%run_scoped3A : memref<!tpu.dma_semaphore, #tpu.memory_space<semaphore_mem>>) src(%dma_wait3A_54 : memref<128xi32, #tpu.memory_space<hbm>>) dst(%arg5 : memref<128xi32, #tpu.memory_space<vmem>>)
        tpu.yield
      }) : () -> ()
      %dma_start3A = arith.constant 0 : i32
      %dma_start3A_43 = arith.constant 0 : i32
      %dma_start3A_44 = tpu.memref_slice %arg2[%dma_start3A, %dma_start3A_43] : memref<65536x128xf32, #tpu.memory_space<hbm>> -> memref<65536x128xf32, #tpu.memory_space<hbm>>
      tpu.enqueue_indirect_dma source(%dma_start3A_44 : memref<65536x128xf32, #tpu.memory_space<hbm>>) target(%arg6 : memref<128x128xf32, #tpu.memory_space<vmem>>) offsets(%arg5 : memref<128xi32, #tpu.memory_space<vmem>>) semaphore(%arg7 : memref<!tpu.dma_semaphore, #tpu.memory_space<semaphore_mem>>)
      %dma_wait3A = arith.constant 0 : i32
      %dma_wait3A_45 = arith.constant 0 : i32
      %dma_wait3A_46 = tpu.memref_slice %arg2[%dma_wait3A, %dma_wait3A_45] : memref<65536x128xf32, #tpu.memory_space<hbm>> -> memref<65536x128xf32, #tpu.memory_space<hbm>>
      tpu.wait_indirect_dma semaphore(%arg7 : memref<!tpu.dma_semaphore, #tpu.memory_space<semaphore_mem>>) src(%dma_wait3A_46 : memref<65536x128xf32, #tpu.memory_space<hbm>>) dst(%arg6 : memref<128x128xf32, #tpu.memory_space<vmem>>)
      "tpu.region"() ({
        %run_scoped3A = tpu.sem_alloc : memref<!tpu.dma_semaphore, #tpu.memory_space<semaphore_mem>>
        %dma_start3A_47 = arith.constant 0 : i32
        %dma_start3A_48 = tpu.memref_slice %arg4[%add3A_4, %mul3A_42, %dma_start3A_47] : memref<128x2048x128xf32, #tpu.memory_space<hbm>> -> memref<1x128x128xf32, #tpu.memory_space<hbm>>
        %dma_start3A_49 = tpu.memref_squeeze %dma_start3A_48 : memref<1x128x128xf32, #tpu.memory_space<hbm>> -> memref<128x128xf32, #tpu.memory_space<hbm>>
        %dma_start3A_50 = arith.constant 0 : i32
        %dma_start3A_51 = tpu.memref_slice %arg4[%add3A_4, %mul3A_42, %dma_start3A_50] : memref<128x2048x128xf32, #tpu.memory_space<hbm>> -> memref<1x128x128xf32, #tpu.memory_space<hbm>>
        %dma_start3A_52 = tpu.memref_squeeze %dma_start3A_51 : memref<1x128x128xf32, #tpu.memory_space<hbm>> -> memref<128x128xf32, #tpu.memory_space<hbm>>
        tpu.enqueue_dma source(%arg6 : memref<128x128xf32, #tpu.memory_space<vmem>>) target(%dma_start3A_52 : memref<128x128xf32, #tpu.memory_space<hbm>>) target_semaphore(%run_scoped3A : memref<!tpu.dma_semaphore, #tpu.memory_space<semaphore_mem>>)
        %dma_wait3A_53 = arith.constant 0 : i32
        %dma_wait3A_54 = tpu.memref_slice %arg4[%add3A_4, %mul3A_42, %dma_wait3A_53] : memref<128x2048x128xf32, #tpu.memory_space<hbm>> -> memref<1x128x128xf32, #tpu.memory_space<hbm>>
        %dma_wait3A_55 = tpu.memref_squeeze %dma_wait3A_54 : memref<1x128x128xf32, #tpu.memory_space<hbm>> -> memref<128x128xf32, #tpu.memory_space<hbm>>
        %dma_wait3A_56 = arith.constant 0 : i32
        %dma_wait3A_57 = tpu.memref_slice %arg4[%add3A_4, %mul3A_42, %dma_wait3A_56] : memref<128x2048x128xf32, #tpu.memory_space<hbm>> -> memref<1x128x128xf32, #tpu.memory_space<hbm>>
        %dma_wait3A_58 = tpu.memref_squeeze %dma_wait3A_57 : memref<1x128x128xf32, #tpu.memory_space<hbm>> -> memref<128x128xf32, #tpu.memory_space<hbm>>
        tpu.wait_dma2 semaphore(%run_scoped3A : memref<!tpu.dma_semaphore, #tpu.memory_space<semaphore_mem>>) src(%arg6 : memref<128x128xf32, #tpu.memory_space<vmem>>) dst(%dma_wait3A_58 : memref<128x128xf32, #tpu.memory_space<hbm>>)
        tpu.yield
      }) : () -> ()
    }
    %scan3A_9 = arith.constant 16 : i32
    %mul3A_10 = arith.constant 4 : i32
    %mul3A_11 = arith.muli %add3A, %mul3A_10 : i32
    %add3A_12 = arith.constant 1 : i32
    %add3A_13 = arith.addi %mul3A_11, %add3A_12 : i32
    %scan3A_14 = arith.constant 0 : i32
    %scan3A_15 = arith.constant 0 : i32
    %scan3A_16 = arith.constant 16 : i32
    %scan3A_17 = arith.addi %scan3A_15, %scan3A_16 : i32
    %scan3A_18 = arith.constant 1 : i32
    scf.for %scan3A_40 = %scan3A_15 to %scan3A_17 step %scan3A_18  : i32 {
      %mul3A_41 = arith.constant 128 : i32
      %mul3A_42 = arith.muli %scan3A_40, %mul3A_41 : i32
      "tpu.region"() ({
        %run_scoped3A = tpu.sem_alloc : memref<!tpu.dma_semaphore, #tpu.memory_space<semaphore_mem>>
        %dma_start3A_47 = tpu.memref_slice %arg3[%add3A_13, %mul3A_42] : memref<128x2048xi32, #tpu.memory_space<hbm>> -> memref<1x128xi32, #tpu.memory_space<hbm>>
        %dma_start3A_48 = tpu.memref_squeeze %dma_start3A_47 : memref<1x128xi32, #tpu.memory_space<hbm>> -> memref<128xi32, #tpu.memory_space<hbm>>
        %dma_start3A_49 = tpu.memref_slice %arg3[%add3A_13, %mul3A_42] : memref<128x2048xi32, #tpu.memory_space<hbm>> -> memref<1x128xi32, #tpu.memory_space<hbm>>
        %dma_start3A_50 = tpu.memref_squeeze %dma_start3A_49 : memref<1x128xi32, #tpu.memory_space<hbm>> -> memref<128xi32, #tpu.memory_space<hbm>>
        tpu.enqueue_dma source(%dma_start3A_50 : memref<128xi32, #tpu.memory_space<hbm>>) target(%arg5 : memref<128xi32, #tpu.memory_space<vmem>>) target_semaphore(%run_scoped3A : memref<!tpu.dma_semaphore, #tpu.memory_space<semaphore_mem>>)
        %dma_wait3A_51 = tpu.memref_slice %arg3[%add3A_13, %mul3A_42] : memref<128x2048xi32, #tpu.memory_space<hbm>> -> memref<1x128xi32, #tpu.memory_space<hbm>>
        %dma_wait3A_52 = tpu.memref_squeeze %dma_wait3A_51 : memref<1x128xi32, #tpu.memory_space<hbm>> -> memref<128xi32, #tpu.memory_space<hbm>>
        %dma_wait3A_53 = tpu.memref_slice %arg3[%add3A_13, %mul3A_42] : memref<128x2048xi32, #tpu.memory_space<hbm>> -> memref<1x128xi32, #tpu.memory_space<hbm>>
        %dma_wait3A_54 = tpu.memref_squeeze %dma_wait3A_53 : memref<1x128xi32, #tpu.memory_space<hbm>> -> memref<128xi32, #tpu.memory_space<hbm>>
        tpu.wait_dma2 semaphore(%run_scoped3A : memref<!tpu.dma_semaphore, #tpu.memory_space<semaphore_mem>>) src(%dma_wait3A_54 : memref<128xi32, #tpu.memory_space<hbm>>) dst(%arg5 : memref<128xi32, #tpu.memory_space<vmem>>)
        tpu.yield
      }) : () -> ()
      %dma_start3A = arith.constant 0 : i32
      %dma_start3A_43 = arith.constant 0 : i32
      %dma_start3A_44 = tpu.memref_slice %arg2[%dma_start3A, %dma_start3A_43] : memref<65536x128xf32, #tpu.memory_space<hbm>> -> memref<65536x128xf32, #tpu.memory_space<hbm>>
      tpu.enqueue_indirect_dma source(%dma_start3A_44 : memref<65536x128xf32, #tpu.memory_space<hbm>>) target(%arg6 : memref<128x128xf32, #tpu.memory_space<vmem>>) offsets(%arg5 : memref<128xi32, #tpu.memory_space<vmem>>) semaphore(%arg7 : memref<!tpu.dma_semaphore, #tpu.memory_space<semaphore_mem>>)
      %dma_wait3A = arith.constant 0 : i32
      %dma_wait3A_45 = arith.constant 0 : i32
      %dma_wait3A_46 = tpu.memref_slice %arg2[%dma_wait3A, %dma_wait3A_45] : memref<65536x128xf32, #tpu.memory_space<hbm>> -> memref<65536x128xf32, #tpu.memory_space<hbm>>
      tpu.wait_indirect_dma semaphore(%arg7 : memref<!tpu.dma_semaphore, #tpu.memory_space<semaphore_mem>>) src(%dma_wait3A_46 : memref<65536x128xf32, #tpu.memory_space<hbm>>) dst(%arg6 : memref<128x128xf32, #tpu.memory_space<vmem>>)
      "tpu.region"() ({
        %run_scoped3A = tpu.sem_alloc : memref<!tpu.dma_semaphore, #tpu.memory_space<semaphore_mem>>
        %dma_start3A_47 = arith.constant 0 : i32
        %dma_start3A_48 = tpu.memref_slice %arg4[%add3A_13, %mul3A_42, %dma_start3A_47] : memref<128x2048x128xf32, #tpu.memory_space<hbm>> -> memref<1x128x128xf32, #tpu.memory_space<hbm>>
        %dma_start3A_49 = tpu.memref_squeeze %dma_start3A_48 : memref<1x128x128xf32, #tpu.memory_space<hbm>> -> memref<128x128xf32, #tpu.memory_space<hbm>>
        %dma_start3A_50 = arith.constant 0 : i32
        %dma_start3A_51 = tpu.memref_slice %arg4[%add3A_13, %mul3A_42, %dma_start3A_50] : memref<128x2048x128xf32, #tpu.memory_space<hbm>> -> memref<1x128x128xf32, #tpu.memory_space<hbm>>
        %dma_start3A_52 = tpu.memref_squeeze %dma_start3A_51 : memref<1x128x128xf32, #tpu.memory_space<hbm>> -> memref<128x128xf32, #tpu.memory_space<hbm>>
        tpu.enqueue_dma source(%arg6 : memref<128x128xf32, #tpu.memory_space<vmem>>) target(%dma_start3A_52 : memref<128x128xf32, #tpu.memory_space<hbm>>) target_semaphore(%run_scoped3A : memref<!tpu.dma_semaphore, #tpu.memory_space<semaphore_mem>>)
        %dma_wait3A_53 = arith.constant 0 : i32
        %dma_wait3A_54 = tpu.memref_slice %arg4[%add3A_13, %mul3A_42, %dma_wait3A_53] : memref<128x2048x128xf32, #tpu.memory_space<hbm>> -> memref<1x128x128xf32, #tpu.memory_space<hbm>>
        %dma_wait3A_55 = tpu.memref_squeeze %dma_wait3A_54 : memref<1x128x128xf32, #tpu.memory_space<hbm>> -> memref<128x128xf32, #tpu.memory_space<hbm>>
        %dma_wait3A_56 = arith.constant 0 : i32
        %dma_wait3A_57 = tpu.memref_slice %arg4[%add3A_13, %mul3A_42, %dma_wait3A_56] : memref<128x2048x128xf32, #tpu.memory_space<hbm>> -> memref<1x128x128xf32, #tpu.memory_space<hbm>>
        %dma_wait3A_58 = tpu.memref_squeeze %dma_wait3A_57 : memref<1x128x128xf32, #tpu.memory_space<hbm>> -> memref<128x128xf32, #tpu.memory_space<hbm>>
        tpu.wait_dma2 semaphore(%run_scoped3A : memref<!tpu.dma_semaphore, #tpu.memory_space<semaphore_mem>>) src(%arg6 : memref<128x128xf32, #tpu.memory_space<vmem>>) dst(%dma_wait3A_58 : memref<128x128xf32, #tpu.memory_space<hbm>>)
        tpu.yield
      }) : () -> ()
    }
    %scan3A_19 = arith.constant 16 : i32
    %mul3A_20 = arith.constant 4 : i32
    %mul3A_21 = arith.muli %add3A, %mul3A_20 : i32
    %add3A_22 = arith.constant 2 : i32
    %add3A_23 = arith.addi %mul3A_21, %add3A_22 : i32
    %scan3A_24 = arith.constant 0 : i32
    %scan3A_25 = arith.constant 0 : i32
    %scan3A_26 = arith.constant 16 : i32
    %scan3A_27 = arith.addi %scan3A_25, %scan3A_26 : i32
    %scan3A_28 = arith.constant 1 : i32
    scf.for %scan3A_40 = %scan3A_25 to %scan3A_27 step %scan3A_28  : i32 {
      %mul3A_41 = arith.constant 128 : i32
      %mul3A_42 = arith.muli %scan3A_40, %mul3A_41 : i32
      "tpu.region"() ({
        %run_scoped3A = tpu.sem_alloc : memref<!tpu.dma_semaphore, #tpu.memory_space<semaphore_mem>>
        %dma_start3A_47 = tpu.memref_slice %arg3[%add3A_23, %mul3A_42] : memref<128x2048xi32, #tpu.memory_space<hbm>> -> memref<1x128xi32, #tpu.memory_space<hbm>>
        %dma_start3A_48 = tpu.memref_squeeze %dma_start3A_47 : memref<1x128xi32, #tpu.memory_space<hbm>> -> memref<128xi32, #tpu.memory_space<hbm>>
        %dma_start3A_49 = tpu.memref_slice %arg3[%add3A_23, %mul3A_42] : memref<128x2048xi32, #tpu.memory_space<hbm>> -> memref<1x128xi32, #tpu.memory_space<hbm>>
        %dma_start3A_50 = tpu.memref_squeeze %dma_start3A_49 : memref<1x128xi32, #tpu.memory_space<hbm>> -> memref<128xi32, #tpu.memory_space<hbm>>
        tpu.enqueue_dma source(%dma_start3A_50 : memref<128xi32, #tpu.memory_space<hbm>>) target(%arg5 : memref<128xi32, #tpu.memory_space<vmem>>) target_semaphore(%run_scoped3A : memref<!tpu.dma_semaphore, #tpu.memory_space<semaphore_mem>>)
        %dma_wait3A_51 = tpu.memref_slice %arg3[%add3A_23, %mul3A_42] : memref<128x2048xi32, #tpu.memory_space<hbm>> -> memref<1x128xi32, #tpu.memory_space<hbm>>
        %dma_wait3A_52 = tpu.memref_squeeze %dma_wait3A_51 : memref<1x128xi32, #tpu.memory_space<hbm>> -> memref<128xi32, #tpu.memory_space<hbm>>
        %dma_wait3A_53 = tpu.memref_slice %arg3[%add3A_23, %mul3A_42] : memref<128x2048xi32, #tpu.memory_space<hbm>> -> memref<1x128xi32, #tpu.memory_space<hbm>>
        %dma_wait3A_54 = tpu.memref_squeeze %dma_wait3A_53 : memref<1x128xi32, #tpu.memory_space<hbm>> -> memref<128xi32, #tpu.memory_space<hbm>>
        tpu.wait_dma2 semaphore(%run_scoped3A : memref<!tpu.dma_semaphore, #tpu.memory_space<semaphore_mem>>) src(%dma_wait3A_54 : memref<128xi32, #tpu.memory_space<hbm>>) dst(%arg5 : memref<128xi32, #tpu.memory_space<vmem>>)
        tpu.yield
      }) : () -> ()
      %dma_start3A = arith.constant 0 : i32
      %dma_start3A_43 = arith.constant 0 : i32
      %dma_start3A_44 = tpu.memref_slice %arg2[%dma_start3A, %dma_start3A_43] : memref<65536x128xf32, #tpu.memory_space<hbm>> -> memref<65536x128xf32, #tpu.memory_space<hbm>>
      tpu.enqueue_indirect_dma source(%dma_start3A_44 : memref<65536x128xf32, #tpu.memory_space<hbm>>) target(%arg6 : memref<128x128xf32, #tpu.memory_space<vmem>>) offsets(%arg5 : memref<128xi32, #tpu.memory_space<vmem>>) semaphore(%arg7 : memref<!tpu.dma_semaphore, #tpu.memory_space<semaphore_mem>>)
      %dma_wait3A = arith.constant 0 : i32
      %dma_wait3A_45 = arith.constant 0 : i32
      %dma_wait3A_46 = tpu.memref_slice %arg2[%dma_wait3A, %dma_wait3A_45] : memref<65536x128xf32, #tpu.memory_space<hbm>> -> memref<65536x128xf32, #tpu.memory_space<hbm>>
      tpu.wait_indirect_dma semaphore(%arg7 : memref<!tpu.dma_semaphore, #tpu.memory_space<semaphore_mem>>) src(%dma_wait3A_46 : memref<65536x128xf32, #tpu.memory_space<hbm>>) dst(%arg6 : memref<128x128xf32, #tpu.memory_space<vmem>>)
      "tpu.region"() ({
        %run_scoped3A = tpu.sem_alloc : memref<!tpu.dma_semaphore, #tpu.memory_space<semaphore_mem>>
        %dma_start3A_47 = arith.constant 0 : i32
        %dma_start3A_48 = tpu.memref_slice %arg4[%add3A_23, %mul3A_42, %dma_start3A_47] : memref<128x2048x128xf32, #tpu.memory_space<hbm>> -> memref<1x128x128xf32, #tpu.memory_space<hbm>>
        %dma_start3A_49 = tpu.memref_squeeze %dma_start3A_48 : memref<1x128x128xf32, #tpu.memory_space<hbm>> -> memref<128x128xf32, #tpu.memory_space<hbm>>
        %dma_start3A_50 = arith.constant 0 : i32
        %dma_start3A_51 = tpu.memref_slice %arg4[%add3A_23, %mul3A_42, %dma_start3A_50] : memref<128x2048x128xf32, #tpu.memory_space<hbm>> -> memref<1x128x128xf32, #tpu.memory_space<hbm>>
        %dma_start3A_52 = tpu.memref_squeeze %dma_start3A_51 : memref<1x128x128xf32, #tpu.memory_space<hbm>> -> memref<128x128xf32, #tpu.memory_space<hbm>>
        tpu.enqueue_dma source(%arg6 : memref<128x128xf32, #tpu.memory_space<vmem>>) target(%dma_start3A_52 : memref<128x128xf32, #tpu.memory_space<hbm>>) target_semaphore(%run_scoped3A : memref<!tpu.dma_semaphore, #tpu.memory_space<semaphore_mem>>)
        %dma_wait3A_53 = arith.constant 0 : i32
        %dma_wait3A_54 = tpu.memref_slice %arg4[%add3A_23, %mul3A_42, %dma_wait3A_53] : memref<128x2048x128xf32, #tpu.memory_space<hbm>> -> memref<1x128x128xf32, #tpu.memory_space<hbm>>
        %dma_wait3A_55 = tpu.memref_squeeze %dma_wait3A_54 : memref<1x128x128xf32, #tpu.memory_space<hbm>> -> memref<128x128xf32, #tpu.memory_space<hbm>>
        %dma_wait3A_56 = arith.constant 0 : i32
        %dma_wait3A_57 = tpu.memref_slice %arg4[%add3A_23, %mul3A_42, %dma_wait3A_56] : memref<128x2048x128xf32, #tpu.memory_space<hbm>> -> memref<1x128x128xf32, #tpu.memory_space<hbm>>
        %dma_wait3A_58 = tpu.memref_squeeze %dma_wait3A_57 : memref<1x128x128xf32, #tpu.memory_space<hbm>> -> memref<128x128xf32, #tpu.memory_space<hbm>>
        tpu.wait_dma2 semaphore(%run_scoped3A : memref<!tpu.dma_semaphore, #tpu.memory_space<semaphore_mem>>) src(%arg6 : memref<128x128xf32, #tpu.memory_space<vmem>>) dst(%dma_wait3A_58 : memref<128x128xf32, #tpu.memory_space<hbm>>)
        tpu.yield
      }) : () -> ()
    }
    %scan3A_29 = arith.constant 16 : i32
    %mul3A_30 = arith.constant 4 : i32
    %mul3A_31 = arith.muli %add3A, %mul3A_30 : i32
    %add3A_32 = arith.constant 3 : i32
    %add3A_33 = arith.addi %mul3A_31, %add3A_32 : i32
    %scan3A_34 = arith.constant 0 : i32
    %scan3A_35 = arith.constant 0 : i32
    %scan3A_36 = arith.constant 16 : i32
    %scan3A_37 = arith.addi %scan3A_35, %scan3A_36 : i32
    %scan3A_38 = arith.constant 1 : i32
    scf.for %scan3A_40 = %scan3A_35 to %scan3A_37 step %scan3A_38  : i32 {
      %mul3A_41 = arith.constant 128 : i32
      %mul3A_42 = arith.muli %scan3A_40, %mul3A_41 : i32
      "tpu.region"() ({
        %run_scoped3A = tpu.sem_alloc : memref<!tpu.dma_semaphore, #tpu.memory_space<semaphore_mem>>
        %dma_start3A_47 = tpu.memref_slice %arg3[%add3A_33, %mul3A_42] : memref<128x2048xi32, #tpu.memory_space<hbm>> -> memref<1x128xi32, #tpu.memory_space<hbm>>
        %dma_start3A_48 = tpu.memref_squeeze %dma_start3A_47 : memref<1x128xi32, #tpu.memory_space<hbm>> -> memref<128xi32, #tpu.memory_space<hbm>>
        %dma_start3A_49 = tpu.memref_slice %arg3[%add3A_33, %mul3A_42] : memref<128x2048xi32, #tpu.memory_space<hbm>> -> memref<1x128xi32, #tpu.memory_space<hbm>>
        %dma_start3A_50 = tpu.memref_squeeze %dma_start3A_49 : memref<1x128xi32, #tpu.memory_space<hbm>> -> memref<128xi32, #tpu.memory_space<hbm>>
        tpu.enqueue_dma source(%dma_start3A_50 : memref<128xi32, #tpu.memory_space<hbm>>) target(%arg5 : memref<128xi32, #tpu.memory_space<vmem>>) target_semaphore(%run_scoped3A : memref<!tpu.dma_semaphore, #tpu.memory_space<semaphore_mem>>)
        %dma_wait3A_51 = tpu.memref_slice %arg3[%add3A_33, %mul3A_42] : memref<128x2048xi32, #tpu.memory_space<hbm>> -> memref<1x128xi32, #tpu.memory_space<hbm>>
        %dma_wait3A_52 = tpu.memref_squeeze %dma_wait3A_51 : memref<1x128xi32, #tpu.memory_space<hbm>> -> memref<128xi32, #tpu.memory_space<hbm>>
        %dma_wait3A_53 = tpu.memref_slice %arg3[%add3A_33, %mul3A_42] : memref<128x2048xi32, #tpu.memory_space<hbm>> -> memref<1x128xi32, #tpu.memory_space<hbm>>
        %dma_wait3A_54 = tpu.memref_squeeze %dma_wait3A_53 : memref<1x128xi32, #tpu.memory_space<hbm>> -> memref<128xi32, #tpu.memory_space<hbm>>
        tpu.wait_dma2 semaphore(%run_scoped3A : memref<!tpu.dma_semaphore, #tpu.memory_space<semaphore_mem>>) src(%dma_wait3A_54 : memref<128xi32, #tpu.memory_space<hbm>>) dst(%arg5 : memref<128xi32, #tpu.memory_space<vmem>>)
        tpu.yield
      }) : () -> ()
      %dma_start3A = arith.constant 0 : i32
      %dma_start3A_43 = arith.constant 0 : i32
      %dma_start3A_44 = tpu.memref_slice %arg2[%dma_start3A, %dma_start3A_43] : memref<65536x128xf32, #tpu.memory_space<hbm>> -> memref<65536x128xf32, #tpu.memory_space<hbm>>
      tpu.enqueue_indirect_dma source(%dma_start3A_44 : memref<65536x128xf32, #tpu.memory_space<hbm>>) target(%arg6 : memref<128x128xf32, #tpu.memory_space<vmem>>) offsets(%arg5 : memref<128xi32, #tpu.memory_space<vmem>>) semaphore(%arg7 : memref<!tpu.dma_semaphore, #tpu.memory_space<semaphore_mem>>)
      %dma_wait3A = arith.constant 0 : i32
      %dma_wait3A_45 = arith.constant 0 : i32
      %dma_wait3A_46 = tpu.memref_slice %arg2[%dma_wait3A, %dma_wait3A_45] : memref<65536x128xf32, #tpu.memory_space<hbm>> -> memref<65536x128xf32, #tpu.memory_space<hbm>>
      tpu.wait_indirect_dma semaphore(%arg7 : memref<!tpu.dma_semaphore, #tpu.memory_space<semaphore_mem>>) src(%dma_wait3A_46 : memref<65536x128xf32, #tpu.memory_space<hbm>>) dst(%arg6 : memref<128x128xf32, #tpu.memory_space<vmem>>)
      "tpu.region"() ({
        %run_scoped3A = tpu.sem_alloc : memref<!tpu.dma_semaphore, #tpu.memory_space<semaphore_mem>>
        %dma_start3A_47 = arith.constant 0 : i32
        %dma_start3A_48 = tpu.memref_slice %arg4[%add3A_33, %mul3A_42, %dma_start3A_47] : memref<128x2048x128xf32, #tpu.memory_space<hbm>> -> memref<1x128x128xf32, #tpu.memory_space<hbm>>
        %dma_start3A_49 = tpu.memref_squeeze %dma_start3A_48 : memref<1x128x128xf32, #tpu.memory_space<hbm>> -> memref<128x128xf32, #tpu.memory_space<hbm>>
        %dma_start3A_50 = arith.constant 0 : i32
        %dma_start3A_51 = tpu.memref_slice %arg4[%add3A_33, %mul3A_42, %dma_start3A_50] : memref<128x2048x128xf32, #tpu.memory_space<hbm>> -> memref<1x128x128xf32, #tpu.memory_space<hbm>>
        %dma_start3A_52 = tpu.memref_squeeze %dma_start3A_51 : memref<1x128x128xf32, #tpu.memory_space<hbm>> -> memref<128x128xf32, #tpu.memory_space<hbm>>
        tpu.enqueue_dma source(%arg6 : memref<128x128xf32, #tpu.memory_space<vmem>>) target(%dma_start3A_52 : memref<128x128xf32, #tpu.memory_space<hbm>>) target_semaphore(%run_scoped3A : memref<!tpu.dma_semaphore, #tpu.memory_space<semaphore_mem>>)
        %dma_wait3A_53 = arith.constant 0 : i32
        %dma_wait3A_54 = tpu.memref_slice %arg4[%add3A_33, %mul3A_42, %dma_wait3A_53] : memref<128x2048x128xf32, #tpu.memory_space<hbm>> -> memref<1x128x128xf32, #tpu.memory_space<hbm>>
        %dma_wait3A_55 = tpu.memref_squeeze %dma_wait3A_54 : memref<1x128x128xf32, #tpu.memory_space<hbm>> -> memref<128x128xf32, #tpu.memory_space<hbm>>
        %dma_wait3A_56 = arith.constant 0 : i32
        %dma_wait3A_57 = tpu.memref_slice %arg4[%add3A_33, %mul3A_42, %dma_wait3A_56] : memref<128x2048x128xf32, #tpu.memory_space<hbm>> -> memref<1x128x128xf32, #tpu.memory_space<hbm>>
        %dma_wait3A_58 = tpu.memref_squeeze %dma_wait3A_57 : memref<1x128x128xf32, #tpu.memory_space<hbm>> -> memref<128x128xf32, #tpu.memory_space<hbm>>
        tpu.wait_dma2 semaphore(%run_scoped3A : memref<!tpu.dma_semaphore, #tpu.memory_space<semaphore_mem>>) src(%arg6 : memref<128x128xf32, #tpu.memory_space<vmem>>) dst(%dma_wait3A_58 : memref<128x128xf32, #tpu.memory_space<hbm>>)
        tpu.yield
      }) : () -> ()
    }
    %scan3A_39 = arith.constant 16 : i32
    return
  }
}

#map = affine_map<(d0, d1) -> (0, 0)>
module attributes {stable_mosaic.version = 14 : i64} {
  func.func @_rank_sc_body(%arg0: i32, %arg1: i32, %arg2: memref<128x2048xi32, #tpu.memory_space<hbm>>, %arg3: memref<128x2048xi32, #tpu.memory_space<hbm>>, %arg4: memref<128x2048xi32, #tpu.memory_space<hbm>>, %arg5: memref<2048xi32, #tpu.memory_space<vmem>>, %arg6: memref<2048xi32, #tpu.memory_space<vmem>>, %arg7: memref<2048xi32, #tpu.memory_space<vmem>>, %arg8: memref<64x16xi32, #tpu.memory_space<vmem>>, %arg9: memref<64x16xi32, #tpu.memory_space<vmem>>) attributes {dimension_semantics = [#tpu.dimension_semantics<core_parallel>, #tpu.dimension_semantics<subcore_parallel>], iteration_bounds = array<i64: 2, 16>, scalar_prefetch = 0 : i64, scratch_operands = 5 : i64, tpu.core_type = #tpu.core_type<sc_vector_subcore>, window_params = [{transform_indices = #map}, {transform_indices = #map}, {transform_indices = #map}]} {
    %mul3A = arith.constant 2 : i32
    %mul3A_0 = arith.muli %arg1, %mul3A : i32
    %add3A = arith.addi %mul3A_0, %arg0 : i32
    %iota3A = tpu.iota {dimensions = array<i32: 0>} : vector<16xi32>
    %broadcast_in_dim3A = arith.constant 1 : i32
    %broadcast_in_dim3A_1 = vector.broadcast %broadcast_in_dim3A : i32 to vector<16xi32>
    %mul3A_2 = arith.constant 4 : i32
    %mul3A_3 = arith.muli %add3A, %mul3A_2 : i32
    %add3A_4 = arith.constant 0 : i32
    %add3A_5 = arith.addi %mul3A_3, %add3A_4 : i32
    %jit3A = arith.constant 4 : i32
    %div3A = arith.divsi %add3A_5, %jit3A : i32
    %sign3A = arith.constant 0 : i32
    %sign3A_6 = arith.cmpi sgt, %add3A_5, %sign3A : i32
    %sign3A_7 = arith.extui %sign3A_6 : i1 to i32
    %sign3A_8 = arith.constant 0 : i32
    %sign3A_9 = arith.cmpi slt, %add3A_5, %sign3A_8 : i32
    %sign3A_10 = arith.extui %sign3A_9 : i1 to i32
    %sign3A_11 = arith.subi %sign3A_7, %sign3A_10 : i32
    %sign3A_12 = arith.constant 0 : i32
    %sign3A_13 = arith.cmpi sgt, %jit3A, %sign3A_12 : i32
    %sign3A_14 = arith.extui %sign3A_13 : i1 to i32
    %sign3A_15 = arith.constant 0 : i32
    %sign3A_16 = arith.cmpi slt, %jit3A, %sign3A_15 : i32
    %sign3A_17 = arith.extui %sign3A_16 : i1 to i32
    %sign3A_18 = arith.subi %sign3A_14, %sign3A_17 : i32
    %ne3A = arith.cmpi ne, %sign3A_11, %sign3A_18 : i32
    %rem3A = arith.remsi %add3A_5, %jit3A : i32
    %ne3A_19 = arith.constant 0 : i32
    %ne3A_20 = arith.cmpi ne, %rem3A, %ne3A_19 : i32
    %and3A = arith.andi %ne3A, %ne3A_20 : i1
    %sub3A = arith.constant 1 : i32
    %sub3A_21 = arith.subi %div3A, %sub3A : i32
    %select_n3A = arith.select %and3A, %sub3A_21, %div3A : i32
    %mul3A_22 = arith.constant 2048 : i32
    %mul3A_23 = arith.muli %select_n3A, %mul3A_22 : i32
    %mul3A_24 = arith.constant 2048 : i32
    %mul3A_25 = arith.muli %add3A_5, %mul3A_24 : i32
    "tpu.region"() ({
      %run_scoped3A = tpu.sem_alloc : memref<!tpu.dma_semaphore, #tpu.memory_space<semaphore_mem>>
      %dma_start3A = arith.constant 0 : i32
      %dma_start3A_221 = tpu.memref_slice %arg2[%add3A_5, %dma_start3A] : memref<128x2048xi32, #tpu.memory_space<hbm>> -> memref<1x2048xi32, #tpu.memory_space<hbm>>
      %dma_start3A_222 = tpu.memref_squeeze %dma_start3A_221 : memref<1x2048xi32, #tpu.memory_space<hbm>> -> memref<2048xi32, #tpu.memory_space<hbm>>
      %dma_start3A_223 = arith.constant 0 : i32
      %dma_start3A_224 = tpu.memref_slice %arg2[%add3A_5, %dma_start3A_223] : memref<128x2048xi32, #tpu.memory_space<hbm>> -> memref<1x2048xi32, #tpu.memory_space<hbm>>
      %dma_start3A_225 = tpu.memref_squeeze %dma_start3A_224 : memref<1x2048xi32, #tpu.memory_space<hbm>> -> memref<2048xi32, #tpu.memory_space<hbm>>
      tpu.enqueue_dma source(%dma_start3A_225 : memref<2048xi32, #tpu.memory_space<hbm>>) target(%arg5 : memref<2048xi32, #tpu.memory_space<vmem>>) target_semaphore(%run_scoped3A : memref<!tpu.dma_semaphore, #tpu.memory_space<semaphore_mem>>)
      %dma_wait3A = arith.constant 0 : i32
      %dma_wait3A_226 = tpu.memref_slice %arg2[%add3A_5, %dma_wait3A] : memref<128x2048xi32, #tpu.memory_space<hbm>> -> memref<1x2048xi32, #tpu.memory_space<hbm>>
      %dma_wait3A_227 = tpu.memref_squeeze %dma_wait3A_226 : memref<1x2048xi32, #tpu.memory_space<hbm>> -> memref<2048xi32, #tpu.memory_space<hbm>>
      %dma_wait3A_228 = arith.constant 0 : i32
      %dma_wait3A_229 = tpu.memref_slice %arg2[%add3A_5, %dma_wait3A_228] : memref<128x2048xi32, #tpu.memory_space<hbm>> -> memref<1x2048xi32, #tpu.memory_space<hbm>>
      %dma_wait3A_230 = tpu.memref_squeeze %dma_wait3A_229 : memref<1x2048xi32, #tpu.memory_space<hbm>> -> memref<2048xi32, #tpu.memory_space<hbm>>
      tpu.wait_dma2 semaphore(%run_scoped3A : memref<!tpu.dma_semaphore, #tpu.memory_space<semaphore_mem>>) src(%dma_wait3A_230 : memref<2048xi32, #tpu.memory_space<hbm>>) dst(%arg5 : memref<2048xi32, #tpu.memory_space<vmem>>)
      tpu.yield
    }) : () -> ()
    %scan3A = arith.constant 0 : i32
    %scan3A_26 = arith.constant 0 : i32
    %scan3A_27 = arith.constant 64 : i32
    %scan3A_28 = arith.addi %scan3A_26, %scan3A_27 : i32
    %scan3A_29 = arith.constant 1 : i32
    scf.for %scan3A_221 = %scan3A_26 to %scan3A_28 step %scan3A_29  : i32 {
      %broadcast_in_dim3A_222 = arith.constant 0 : i32
      %broadcast_in_dim3A_223 = vector.broadcast %broadcast_in_dim3A_222 : i32 to vector<16xi32>
      %swap3A = arith.index_cast %scan3A_221 : i32 to index
      %swap3A_224 = arith.constant 0 : index
      %swap3A_225 = tpu.vector_load %arg8[%swap3A, %swap3A_224] {strides = array<i32>} : memref<64x16xi32, #tpu.memory_space<vmem>>, vector<16xi32>,
      tpu.vector_store %arg8[%swap3A, %swap3A_224], %broadcast_in_dim3A_223 {strides = array<i32>} : memref<64x16xi32, #tpu.memory_space<vmem>>, vector<16xi32>,
    }
    %scan3A_30 = arith.constant 64 : i32
    %scan3A_31 = arith.constant 0 : i32
    %scan3A_32 = arith.constant 0 : i32
    %scan3A_33 = arith.constant 128 : i32
    %scan3A_34 = arith.addi %scan3A_32, %scan3A_33 : i32
    %scan3A_35 = arith.constant 1 : i32
    scf.for %scan3A_221 = %scan3A_32 to %scan3A_34 step %scan3A_35  : i32 {
      %mul3A_222 = arith.constant 128 : i32
      %mul3A_223 = vector.broadcast %mul3A_222 : i32 to vector<16xi32>
      %mul3A_224 = arith.muli %iota3A, %mul3A_223 : vector<16xi32>
      %add3A_225 = vector.broadcast %scan3A_221 : i32 to vector<16xi32>
      %add3A_226 = arith.addi %mul3A_224, %add3A_225 : vector<16xi32>
      %gather3A = tpu.vector_load_idx %arg5[%add3A_226] : memref<2048xi32, #tpu.memory_space<vmem>>[vector<16xi32>], vector<16xi32>,
      tpu.vector_store_idx %arg8[%gather3A, %iota3A], %broadcast_in_dim3A_1 {add = true} : memref<64x16xi32, #tpu.memory_space<vmem>>[vector<16xi32>, vector<16xi32>], vector<16xi32>,
    }
    %scan3A_36 = arith.constant 128 : i32
    %scan3A_37 = arith.constant 0 : i32
    %scan3A_38 = arith.constant 0 : i32
    %scan3A_39 = arith.constant 64 : i32
    %scan3A_40 = arith.addi %scan3A_38, %scan3A_39 : i32
    %scan3A_41 = arith.constant 1 : i32
    %scan3A_42 = scf.for %scan3A_221 = %scan3A_38 to %scan3A_40 step %scan3A_41 iter_args(%scan3A_222 = %scan3A_37) -> (i32)  : i32 {
      %get3A = arith.index_cast %scan3A_221 : i32 to index
      %get3A_223 = arith.constant 0 : index
      %get3A_224 = tpu.vector_load %arg8[%get3A, %get3A_223] {strides = array<i32>} : memref<64x16xi32, #tpu.memory_space<vmem>>, vector<16xi32>,
      %broadcast_in_dim3A_225 = arith.constant true
      %broadcast_in_dim3A_226 = vector.broadcast %broadcast_in_dim3A_225 : i1 to vector<16xi1>
      %masked_cumsum3A = tpu.scan <sum>, %get3A_224 masked %broadcast_in_dim3A_226 : vector<16xi32>, vector<16xi1> -> vector<16xi32>
      %add3A_227 = vector.broadcast %scan3A_222 : i32 to vector<16xi32>
      %add3A_228 = arith.addi %add3A_227, %masked_cumsum3A : vector<16xi32>
      %sub3A_229 = arith.subi %add3A_228, %get3A_224 : vector<16xi32>
      %swap3A = arith.index_cast %scan3A_221 : i32 to index
      %swap3A_230 = arith.constant 0 : index
      %swap3A_231 = tpu.vector_load %arg9[%swap3A, %swap3A_230] {strides = array<i32>} : memref<64x16xi32, #tpu.memory_space<vmem>>, vector<16xi32>,
      tpu.vector_store %arg9[%swap3A, %swap3A_230], %sub3A_229 {strides = array<i32>} : memref<64x16xi32, #tpu.memory_space<vmem>>, vector<16xi32>,
      %reduce_sum3A = arith.constant true
      %reduce_sum3A_232 = vector.broadcast %reduce_sum3A : i1 to vector<16xi1>
      %reduce_sum3A_233 = tpu.scan <sum>, %get3A_224 masked %reduce_sum3A_232 : vector<16xi32>, vector<16xi1> -> vector<16xi32>
      %reduce_sum3A_234 = vector.extract %reduce_sum3A_233[15] : i32 from vector<16xi32>
      %add3A_235 = arith.addi %scan3A_222, %reduce_sum3A_234 : i32
      scf.yield %add3A_235 : i32
    }
    %scan3A_43 = arith.constant 64 : i32
    %scan3A_44 = arith.constant 0 : i32
    %scan3A_45 = arith.constant 0 : i32
    %scan3A_46 = arith.constant 128 : i32
    %scan3A_47 = arith.addi %scan3A_45, %scan3A_46 : i32
    %scan3A_48 = arith.constant 1 : i32
    scf.for %scan3A_221 = %scan3A_45 to %scan3A_47 step %scan3A_48  : i32 {
      %mul3A_222 = arith.constant 128 : i32
      %mul3A_223 = vector.broadcast %mul3A_222 : i32 to vector<16xi32>
      %mul3A_224 = arith.muli %iota3A, %mul3A_223 : vector<16xi32>
      %add3A_225 = vector.broadcast %scan3A_221 : i32 to vector<16xi32>
      %add3A_226 = arith.addi %mul3A_224, %add3A_225 : vector<16xi32>
      %gather3A = tpu.vector_load_idx %arg5[%add3A_226] : memref<2048xi32, #tpu.memory_space<vmem>>[vector<16xi32>], vector<16xi32>,
      %gather3A_227 = tpu.vector_load_idx %arg9[%gather3A, %iota3A] : memref<64x16xi32, #tpu.memory_space<vmem>>[vector<16xi32>, vector<16xi32>], vector<16xi32>,
      %add3A_228 = arith.constant 1 : i32
      %add3A_229 = vector.broadcast %add3A_228 : i32 to vector<16xi32>
      %add3A_230 = arith.addi %gather3A_227, %add3A_229 : vector<16xi32>
      tpu.vector_store_idx %arg9[%gather3A, %iota3A], %add3A_230 : memref<64x16xi32, #tpu.memory_space<vmem>>[vector<16xi32>, vector<16xi32>], vector<16xi32>,
      %add3A_231 = vector.broadcast %mul3A_25 : i32 to vector<16xi32>
      %add3A_232 = arith.addi %gather3A_227, %add3A_231 : vector<16xi32>
      tpu.vector_store_idx %arg7[%add3A_226], %add3A_232 : memref<2048xi32, #tpu.memory_space<vmem>>[vector<16xi32>], vector<16xi32>,
      %add3A_233 = vector.broadcast %mul3A_23 : i32 to vector<16xi32>
      %add3A_234 = arith.addi %add3A_226, %add3A_233 : vector<16xi32>
      tpu.vector_store_idx %arg6[%gather3A_227], %add3A_234 : memref<2048xi32, #tpu.memory_space<vmem>>[vector<16xi32>], vector<16xi32>,
    }
    %scan3A_49 = arith.constant 128 : i32
    "tpu.region"() ({
      %run_scoped3A = tpu.sem_alloc : memref<!tpu.dma_semaphore, #tpu.memory_space<semaphore_mem>>
      %dma_start3A = arith.constant 0 : i32
      %dma_start3A_221 = tpu.memref_slice %arg3[%add3A_5, %dma_start3A] : memref<128x2048xi32, #tpu.memory_space<hbm>> -> memref<1x2048xi32, #tpu.memory_space<hbm>>
      %dma_start3A_222 = tpu.memref_squeeze %dma_start3A_221 : memref<1x2048xi32, #tpu.memory_space<hbm>> -> memref<2048xi32, #tpu.memory_space<hbm>>
      %dma_start3A_223 = arith.constant 0 : i32
      %dma_start3A_224 = tpu.memref_slice %arg3[%add3A_5, %dma_start3A_223] : memref<128x2048xi32, #tpu.memory_space<hbm>> -> memref<1x2048xi32, #tpu.memory_space<hbm>>
      %dma_start3A_225 = tpu.memref_squeeze %dma_start3A_224 : memref<1x2048xi32, #tpu.memory_space<hbm>> -> memref<2048xi32, #tpu.memory_space<hbm>>
      tpu.enqueue_dma source(%arg6 : memref<2048xi32, #tpu.memory_space<vmem>>) target(%dma_start3A_225 : memref<2048xi32, #tpu.memory_space<hbm>>) target_semaphore(%run_scoped3A : memref<!tpu.dma_semaphore, #tpu.memory_space<semaphore_mem>>)
      %dma_wait3A = arith.constant 0 : i32
      %dma_wait3A_226 = tpu.memref_slice %arg3[%add3A_5, %dma_wait3A] : memref<128x2048xi32, #tpu.memory_space<hbm>> -> memref<1x2048xi32, #tpu.memory_space<hbm>>
      %dma_wait3A_227 = tpu.memref_squeeze %dma_wait3A_226 : memref<1x2048xi32, #tpu.memory_space<hbm>> -> memref<2048xi32, #tpu.memory_space<hbm>>
      %dma_wait3A_228 = arith.constant 0 : i32
      %dma_wait3A_229 = tpu.memref_slice %arg3[%add3A_5, %dma_wait3A_228] : memref<128x2048xi32, #tpu.memory_space<hbm>> -> memref<1x2048xi32, #tpu.memory_space<hbm>>
      %dma_wait3A_230 = tpu.memref_squeeze %dma_wait3A_229 : memref<1x2048xi32, #tpu.memory_space<hbm>> -> memref<2048xi32, #tpu.memory_space<hbm>>
      tpu.wait_dma2 semaphore(%run_scoped3A : memref<!tpu.dma_semaphore, #tpu.memory_space<semaphore_mem>>) src(%arg6 : memref<2048xi32, #tpu.memory_space<vmem>>) dst(%dma_wait3A_230 : memref<2048xi32, #tpu.memory_space<hbm>>)
      tpu.yield
    }) : () -> ()
    "tpu.region"() ({
      %run_scoped3A = tpu.sem_alloc : memref<!tpu.dma_semaphore, #tpu.memory_space<semaphore_mem>>
      %dma_start3A = arith.constant 0 : i32
      %dma_start3A_221 = tpu.memref_slice %arg4[%add3A_5, %dma_start3A] : memref<128x2048xi32, #tpu.memory_space<hbm>> -> memref<1x2048xi32, #tpu.memory_space<hbm>>
      %dma_start3A_222 = tpu.memref_squeeze %dma_start3A_221 : memref<1x2048xi32, #tpu.memory_space<hbm>> -> memref<2048xi32, #tpu.memory_space<hbm>>
      %dma_start3A_223 = arith.constant 0 : i32
      %dma_start3A_224 = tpu.memref_slice %arg4[%add3A_5, %dma_start3A_223] : memref<128x2048xi32, #tpu.memory_space<hbm>> -> memref<1x2048xi32, #tpu.memory_space<hbm>>
      %dma_start3A_225 = tpu.memref_squeeze %dma_start3A_224 : memref<1x2048xi32, #tpu.memory_space<hbm>> -> memref<2048xi32, #tpu.memory_space<hbm>>
      tpu.enqueue_dma source(%arg7 : memref<2048xi32, #tpu.memory_space<vmem>>) target(%dma_start3A_225 : memref<2048xi32, #tpu.memory_space<hbm>>) target_semaphore(%run_scoped3A : memref<!tpu.dma_semaphore, #tpu.memory_space<semaphore_mem>>)
      %dma_wait3A = arith.constant 0 : i32
      %dma_wait3A_226 = tpu.memref_slice %arg4[%add3A_5, %dma_wait3A] : memref<128x2048xi32, #tpu.memory_space<hbm>> -> memref<1x2048xi32, #tpu.memory_space<hbm>>
      %dma_wait3A_227 = tpu.memref_squeeze %dma_wait3A_226 : memref<1x2048xi32, #tpu.memory_space<hbm>> -> memref<2048xi32, #tpu.memory_space<hbm>>
      %dma_wait3A_228 = arith.constant 0 : i32
      %dma_wait3A_229 = tpu.memref_slice %arg4[%add3A_5, %dma_wait3A_228] : memref<128x2048xi32, #tpu.memory_space<hbm>> -> memref<1x2048xi32, #tpu.memory_space<hbm>>
      %dma_wait3A_230 = tpu.memref_squeeze %dma_wait3A_229 : memref<1x2048xi32, #tpu.memory_space<hbm>> -> memref<2048xi32, #tpu.memory_space<hbm>>
      tpu.wait_dma2 semaphore(%run_scoped3A : memref<!tpu.dma_semaphore, #tpu.memory_space<semaphore_mem>>) src(%arg7 : memref<2048xi32, #tpu.memory_space<vmem>>) dst(%dma_wait3A_230 : memref<2048xi32, #tpu.memory_space<hbm>>)
      tpu.yield
    }) : () -> ()
    %mul3A_50 = arith.constant 4 : i32
    %mul3A_51 = arith.muli %add3A, %mul3A_50 : i32
    %add3A_52 = arith.constant 1 : i32
    %add3A_53 = arith.addi %mul3A_51, %add3A_52 : i32
    %jit3A_54 = arith.constant 4 : i32
    %div3A_55 = arith.divsi %add3A_53, %jit3A_54 : i32
    %sign3A_56 = arith.constant 0 : i32
    %sign3A_57 = arith.cmpi sgt, %add3A_53, %sign3A_56 : i32
    %sign3A_58 = arith.extui %sign3A_57 : i1 to i32
    %sign3A_59 = arith.constant 0 : i32
    %sign3A_60 = arith.cmpi slt, %add3A_53, %sign3A_59 : i32
    %sign3A_61 = arith.extui %sign3A_60 : i1 to i32
    %sign3A_62 = arith.subi %sign3A_58, %sign3A_61 : i32
    %sign3A_63 = arith.constant 0 : i32
    %sign3A_64 = arith.cmpi sgt, %jit3A_54, %sign3A_63 : i32
    %sign3A_65 = arith.extui %sign3A_64 : i1 to i32
    %sign3A_66 = arith.constant 0 : i32
    %sign3A_67 = arith.cmpi slt, %jit3A_54, %sign3A_66 : i32
    %sign3A_68 = arith.extui %sign3A_67 : i1 to i32
    %sign3A_69 = arith.subi %sign3A_65, %sign3A_68 : i32
    %ne3A_70 = arith.cmpi ne, %sign3A_62, %sign3A_69 : i32
    %rem3A_71 = arith.remsi %add3A_53, %jit3A_54 : i32
    %ne3A_72 = arith.constant 0 : i32
    %ne3A_73 = arith.cmpi ne, %rem3A_71, %ne3A_72 : i32
    %and3A_74 = arith.andi %ne3A_70, %ne3A_73 : i1
    %sub3A_75 = arith.constant 1 : i32
    %sub3A_76 = arith.subi %div3A_55, %sub3A_75 : i32
    %select_n3A_77 = arith.select %and3A_74, %sub3A_76, %div3A_55 : i32
    %mul3A_78 = arith.constant 2048 : i32
    %mul3A_79 = arith.muli %select_n3A_77, %mul3A_78 : i32
    %mul3A_80 = arith.constant 2048 : i32
    %mul3A_81 = arith.muli %add3A_53, %mul3A_80 : i32
    "tpu.region"() ({
      %run_scoped3A = tpu.sem_alloc : memref<!tpu.dma_semaphore, #tpu.memory_space<semaphore_mem>>
      %dma_start3A = arith.constant 0 : i32
      %dma_start3A_221 = tpu.memref_slice %arg2[%add3A_53, %dma_start3A] : memref<128x2048xi32, #tpu.memory_space<hbm>> -> memref<1x2048xi32, #tpu.memory_space<hbm>>
      %dma_start3A_222 = tpu.memref_squeeze %dma_start3A_221 : memref<1x2048xi32, #tpu.memory_space<hbm>> -> memref<2048xi32, #tpu.memory_space<hbm>>
      %dma_start3A_223 = arith.constant 0 : i32
      %dma_start3A_224 = tpu.memref_slice %arg2[%add3A_53, %dma_start3A_223] : memref<128x2048xi32, #tpu.memory_space<hbm>> -> memref<1x2048xi32, #tpu.memory_space<hbm>>
      %dma_start3A_225 = tpu.memref_squeeze %dma_start3A_224 : memref<1x2048xi32, #tpu.memory_space<hbm>> -> memref<2048xi32, #tpu.memory_space<hbm>>
      tpu.enqueue_dma source(%dma_start3A_225 : memref<2048xi32, #tpu.memory_space<hbm>>) target(%arg5 : memref<2048xi32, #tpu.memory_space<vmem>>) target_semaphore(%run_scoped3A : memref<!tpu.dma_semaphore, #tpu.memory_space<semaphore_mem>>)
      %dma_wait3A = arith.constant 0 : i32
      %dma_wait3A_226 = tpu.memref_slice %arg2[%add3A_53, %dma_wait3A] : memref<128x2048xi32, #tpu.memory_space<hbm>> -> memref<1x2048xi32, #tpu.memory_space<hbm>>
      %dma_wait3A_227 = tpu.memref_squeeze %dma_wait3A_226 : memref<1x2048xi32, #tpu.memory_space<hbm>> -> memref<2048xi32, #tpu.memory_space<hbm>>
      %dma_wait3A_228 = arith.constant 0 : i32
      %dma_wait3A_229 = tpu.memref_slice %arg2[%add3A_53, %dma_wait3A_228] : memref<128x2048xi32, #tpu.memory_space<hbm>> -> memref<1x2048xi32, #tpu.memory_space<hbm>>
      %dma_wait3A_230 = tpu.memref_squeeze %dma_wait3A_229 : memref<1x2048xi32, #tpu.memory_space<hbm>> -> memref<2048xi32, #tpu.memory_space<hbm>>
      tpu.wait_dma2 semaphore(%run_scoped3A : memref<!tpu.dma_semaphore, #tpu.memory_space<semaphore_mem>>) src(%dma_wait3A_230 : memref<2048xi32, #tpu.memory_space<hbm>>) dst(%arg5 : memref<2048xi32, #tpu.memory_space<vmem>>)
      tpu.yield
    }) : () -> ()
    %scan3A_82 = arith.constant 0 : i32
    %scan3A_83 = arith.constant 0 : i32
    %scan3A_84 = arith.constant 64 : i32
    %scan3A_85 = arith.addi %scan3A_83, %scan3A_84 : i32
    %scan3A_86 = arith.constant 1 : i32
    scf.for %scan3A_221 = %scan3A_83 to %scan3A_85 step %scan3A_86  : i32 {
      %broadcast_in_dim3A_222 = arith.constant 0 : i32
      %broadcast_in_dim3A_223 = vector.broadcast %broadcast_in_dim3A_222 : i32 to vector<16xi32>
      %swap3A = arith.index_cast %scan3A_221 : i32 to index
      %swap3A_224 = arith.constant 0 : index
      %swap3A_225 = tpu.vector_load %arg8[%swap3A, %swap3A_224] {strides = array<i32>} : memref<64x16xi32, #tpu.memory_space<vmem>>, vector<16xi32>,
      tpu.vector_store %arg8[%swap3A, %swap3A_224], %broadcast_in_dim3A_223 {strides = array<i32>} : memref<64x16xi32, #tpu.memory_space<vmem>>, vector<16xi32>,
    }
    %scan3A_87 = arith.constant 64 : i32
    %scan3A_88 = arith.constant 0 : i32
    %scan3A_89 = arith.constant 0 : i32
    %scan3A_90 = arith.constant 128 : i32
    %scan3A_91 = arith.addi %scan3A_89, %scan3A_90 : i32
    %scan3A_92 = arith.constant 1 : i32
    scf.for %scan3A_221 = %scan3A_89 to %scan3A_91 step %scan3A_92  : i32 {
      %mul3A_222 = arith.constant 128 : i32
      %mul3A_223 = vector.broadcast %mul3A_222 : i32 to vector<16xi32>
      %mul3A_224 = arith.muli %iota3A, %mul3A_223 : vector<16xi32>
      %add3A_225 = vector.broadcast %scan3A_221 : i32 to vector<16xi32>
      %add3A_226 = arith.addi %mul3A_224, %add3A_225 : vector<16xi32>
      %gather3A = tpu.vector_load_idx %arg5[%add3A_226] : memref<2048xi32, #tpu.memory_space<vmem>>[vector<16xi32>], vector<16xi32>,
      tpu.vector_store_idx %arg8[%gather3A, %iota3A], %broadcast_in_dim3A_1 {add = true} : memref<64x16xi32, #tpu.memory_space<vmem>>[vector<16xi32>, vector<16xi32>], vector<16xi32>,
    }
    %scan3A_93 = arith.constant 128 : i32
    %scan3A_94 = arith.constant 0 : i32
    %scan3A_95 = arith.constant 0 : i32
    %scan3A_96 = arith.constant 64 : i32
    %scan3A_97 = arith.addi %scan3A_95, %scan3A_96 : i32
    %scan3A_98 = arith.constant 1 : i32
    %scan3A_99 = scf.for %scan3A_221 = %scan3A_95 to %scan3A_97 step %scan3A_98 iter_args(%scan3A_222 = %scan3A_94) -> (i32)  : i32 {
      %get3A = arith.index_cast %scan3A_221 : i32 to index
      %get3A_223 = arith.constant 0 : index
      %get3A_224 = tpu.vector_load %arg8[%get3A, %get3A_223] {strides = array<i32>} : memref<64x16xi32, #tpu.memory_space<vmem>>, vector<16xi32>,
      %broadcast_in_dim3A_225 = arith.constant true
      %broadcast_in_dim3A_226 = vector.broadcast %broadcast_in_dim3A_225 : i1 to vector<16xi1>
      %masked_cumsum3A = tpu.scan <sum>, %get3A_224 masked %broadcast_in_dim3A_226 : vector<16xi32>, vector<16xi1> -> vector<16xi32>
      %add3A_227 = vector.broadcast %scan3A_222 : i32 to vector<16xi32>
      %add3A_228 = arith.addi %add3A_227, %masked_cumsum3A : vector<16xi32>
      %sub3A_229 = arith.subi %add3A_228, %get3A_224 : vector<16xi32>
      %swap3A = arith.index_cast %scan3A_221 : i32 to index
      %swap3A_230 = arith.constant 0 : index
      %swap3A_231 = tpu.vector_load %arg9[%swap3A, %swap3A_230] {strides = array<i32>} : memref<64x16xi32, #tpu.memory_space<vmem>>, vector<16xi32>,
      tpu.vector_store %arg9[%swap3A, %swap3A_230], %sub3A_229 {strides = array<i32>} : memref<64x16xi32, #tpu.memory_space<vmem>>, vector<16xi32>,
      %reduce_sum3A = arith.constant true
      %reduce_sum3A_232 = vector.broadcast %reduce_sum3A : i1 to vector<16xi1>
      %reduce_sum3A_233 = tpu.scan <sum>, %get3A_224 masked %reduce_sum3A_232 : vector<16xi32>, vector<16xi1> -> vector<16xi32>
      %reduce_sum3A_234 = vector.extract %reduce_sum3A_233[15] : i32 from vector<16xi32>
      %add3A_235 = arith.addi %scan3A_222, %reduce_sum3A_234 : i32
      scf.yield %add3A_235 : i32
    }
    %scan3A_100 = arith.constant 64 : i32
    %scan3A_101 = arith.constant 0 : i32
    %scan3A_102 = arith.constant 0 : i32
    %scan3A_103 = arith.constant 128 : i32
    %scan3A_104 = arith.addi %scan3A_102, %scan3A_103 : i32
    %scan3A_105 = arith.constant 1 : i32
    scf.for %scan3A_221 = %scan3A_102 to %scan3A_104 step %scan3A_105  : i32 {
      %mul3A_222 = arith.constant 128 : i32
      %mul3A_223 = vector.broadcast %mul3A_222 : i32 to vector<16xi32>
      %mul3A_224 = arith.muli %iota3A, %mul3A_223 : vector<16xi32>
      %add3A_225 = vector.broadcast %scan3A_221 : i32 to vector<16xi32>
      %add3A_226 = arith.addi %mul3A_224, %add3A_225 : vector<16xi32>
      %gather3A = tpu.vector_load_idx %arg5[%add3A_226] : memref<2048xi32, #tpu.memory_space<vmem>>[vector<16xi32>], vector<16xi32>,
      %gather3A_227 = tpu.vector_load_idx %arg9[%gather3A, %iota3A] : memref<64x16xi32, #tpu.memory_space<vmem>>[vector<16xi32>, vector<16xi32>], vector<16xi32>,
      %add3A_228 = arith.constant 1 : i32
      %add3A_229 = vector.broadcast %add3A_228 : i32 to vector<16xi32>
      %add3A_230 = arith.addi %gather3A_227, %add3A_229 : vector<16xi32>
      tpu.vector_store_idx %arg9[%gather3A, %iota3A], %add3A_230 : memref<64x16xi32, #tpu.memory_space<vmem>>[vector<16xi32>, vector<16xi32>], vector<16xi32>,
      %add3A_231 = vector.broadcast %mul3A_81 : i32 to vector<16xi32>
      %add3A_232 = arith.addi %gather3A_227, %add3A_231 : vector<16xi32>
      tpu.vector_store_idx %arg7[%add3A_226], %add3A_232 : memref<2048xi32, #tpu.memory_space<vmem>>[vector<16xi32>], vector<16xi32>,
      %add3A_233 = vector.broadcast %mul3A_79 : i32 to vector<16xi32>
      %add3A_234 = arith.addi %add3A_226, %add3A_233 : vector<16xi32>
      tpu.vector_store_idx %arg6[%gather3A_227], %add3A_234 : memref<2048xi32, #tpu.memory_space<vmem>>[vector<16xi32>], vector<16xi32>,
    }
    %scan3A_106 = arith.constant 128 : i32
    "tpu.region"() ({
      %run_scoped3A = tpu.sem_alloc : memref<!tpu.dma_semaphore, #tpu.memory_space<semaphore_mem>>
      %dma_start3A = arith.constant 0 : i32
      %dma_start3A_221 = tpu.memref_slice %arg3[%add3A_53, %dma_start3A] : memref<128x2048xi32, #tpu.memory_space<hbm>> -> memref<1x2048xi32, #tpu.memory_space<hbm>>
      %dma_start3A_222 = tpu.memref_squeeze %dma_start3A_221 : memref<1x2048xi32, #tpu.memory_space<hbm>> -> memref<2048xi32, #tpu.memory_space<hbm>>
      %dma_start3A_223 = arith.constant 0 : i32
      %dma_start3A_224 = tpu.memref_slice %arg3[%add3A_53, %dma_start3A_223] : memref<128x2048xi32, #tpu.memory_space<hbm>> -> memref<1x2048xi32, #tpu.memory_space<hbm>>
      %dma_start3A_225 = tpu.memref_squeeze %dma_start3A_224 : memref<1x2048xi32, #tpu.memory_space<hbm>> -> memref<2048xi32, #tpu.memory_space<hbm>>
      tpu.enqueue_dma source(%arg6 : memref<2048xi32, #tpu.memory_space<vmem>>) target(%dma_start3A_225 : memref<2048xi32, #tpu.memory_space<hbm>>) target_semaphore(%run_scoped3A : memref<!tpu.dma_semaphore, #tpu.memory_space<semaphore_mem>>)
      %dma_wait3A = arith.constant 0 : i32
      %dma_wait3A_226 = tpu.memref_slice %arg3[%add3A_53, %dma_wait3A] : memref<128x2048xi32, #tpu.memory_space<hbm>> -> memref<1x2048xi32, #tpu.memory_space<hbm>>
      %dma_wait3A_227 = tpu.memref_squeeze %dma_wait3A_226 : memref<1x2048xi32, #tpu.memory_space<hbm>> -> memref<2048xi32, #tpu.memory_space<hbm>>
      %dma_wait3A_228 = arith.constant 0 : i32
      %dma_wait3A_229 = tpu.memref_slice %arg3[%add3A_53, %dma_wait3A_228] : memref<128x2048xi32, #tpu.memory_space<hbm>> -> memref<1x2048xi32, #tpu.memory_space<hbm>>
      %dma_wait3A_230 = tpu.memref_squeeze %dma_wait3A_229 : memref<1x2048xi32, #tpu.memory_space<hbm>> -> memref<2048xi32, #tpu.memory_space<hbm>>
      tpu.wait_dma2 semaphore(%run_scoped3A : memref<!tpu.dma_semaphore, #tpu.memory_space<semaphore_mem>>) src(%arg6 : memref<2048xi32, #tpu.memory_space<vmem>>) dst(%dma_wait3A_230 : memref<2048xi32, #tpu.memory_space<hbm>>)
      tpu.yield
    }) : () -> ()
    "tpu.region"() ({
      %run_scoped3A = tpu.sem_alloc : memref<!tpu.dma_semaphore, #tpu.memory_space<semaphore_mem>>
      %dma_start3A = arith.constant 0 : i32
      %dma_start3A_221 = tpu.memref_slice %arg4[%add3A_53, %dma_start3A] : memref<128x2048xi32, #tpu.memory_space<hbm>> -> memref<1x2048xi32, #tpu.memory_space<hbm>>
      %dma_start3A_222 = tpu.memref_squeeze %dma_start3A_221 : memref<1x2048xi32, #tpu.memory_space<hbm>> -> memref<2048xi32, #tpu.memory_space<hbm>>
      %dma_start3A_223 = arith.constant 0 : i32
      %dma_start3A_224 = tpu.memref_slice %arg4[%add3A_53, %dma_start3A_223] : memref<128x2048xi32, #tpu.memory_space<hbm>> -> memref<1x2048xi32, #tpu.memory_space<hbm>>
      %dma_start3A_225 = tpu.memref_squeeze %dma_start3A_224 : memref<1x2048xi32, #tpu.memory_space<hbm>> -> memref<2048xi32, #tpu.memory_space<hbm>>
      tpu.enqueue_dma source(%arg7 : memref<2048xi32, #tpu.memory_space<vmem>>) target(%dma_start3A_225 : memref<2048xi32, #tpu.memory_space<hbm>>) target_semaphore(%run_scoped3A : memref<!tpu.dma_semaphore, #tpu.memory_space<semaphore_mem>>)
      %dma_wait3A = arith.constant 0 : i32
      %dma_wait3A_226 = tpu.memref_slice %arg4[%add3A_53, %dma_wait3A] : memref<128x2048xi32, #tpu.memory_space<hbm>> -> memref<1x2048xi32, #tpu.memory_space<hbm>>
      %dma_wait3A_227 = tpu.memref_squeeze %dma_wait3A_226 : memref<1x2048xi32, #tpu.memory_space<hbm>> -> memref<2048xi32, #tpu.memory_space<hbm>>
      %dma_wait3A_228 = arith.constant 0 : i32
      %dma_wait3A_229 = tpu.memref_slice %arg4[%add3A_53, %dma_wait3A_228] : memref<128x2048xi32, #tpu.memory_space<hbm>> -> memref<1x2048xi32, #tpu.memory_space<hbm>>
      %dma_wait3A_230 = tpu.memref_squeeze %dma_wait3A_229 : memref<1x2048xi32, #tpu.memory_space<hbm>> -> memref<2048xi32, #tpu.memory_space<hbm>>
      tpu.wait_dma2 semaphore(%run_scoped3A : memref<!tpu.dma_semaphore, #tpu.memory_space<semaphore_mem>>) src(%arg7 : memref<2048xi32, #tpu.memory_space<vmem>>) dst(%dma_wait3A_230 : memref<2048xi32, #tpu.memory_space<hbm>>)
      tpu.yield
    }) : () -> ()
    %mul3A_107 = arith.constant 4 : i32
    %mul3A_108 = arith.muli %add3A, %mul3A_107 : i32
    %add3A_109 = arith.constant 2 : i32
    %add3A_110 = arith.addi %mul3A_108, %add3A_109 : i32
    %jit3A_111 = arith.constant 4 : i32
    %div3A_112 = arith.divsi %add3A_110, %jit3A_111 : i32
    %sign3A_113 = arith.constant 0 : i32
    %sign3A_114 = arith.cmpi sgt, %add3A_110, %sign3A_113 : i32
    %sign3A_115 = arith.extui %sign3A_114 : i1 to i32
    %sign3A_116 = arith.constant 0 : i32
    %sign3A_117 = arith.cmpi slt, %add3A_110, %sign3A_116 : i32
    %sign3A_118 = arith.extui %sign3A_117 : i1 to i32
    %sign3A_119 = arith.subi %sign3A_115, %sign3A_118 : i32
    %sign3A_120 = arith.constant 0 : i32
    %sign3A_121 = arith.cmpi sgt, %jit3A_111, %sign3A_120 : i32
    %sign3A_122 = arith.extui %sign3A_121 : i1 to i32
    %sign3A_123 = arith.constant 0 : i32
    %sign3A_124 = arith.cmpi slt, %jit3A_111, %sign3A_123 : i32
    %sign3A_125 = arith.extui %sign3A_124 : i1 to i32
    %sign3A_126 = arith.subi %sign3A_122, %sign3A_125 : i32
    %ne3A_127 = arith.cmpi ne, %sign3A_119, %sign3A_126 : i32
    %rem3A_128 = arith.remsi %add3A_110, %jit3A_111 : i32
    %ne3A_129 = arith.constant 0 : i32
    %ne3A_130 = arith.cmpi ne, %rem3A_128, %ne3A_129 : i32
    %and3A_131 = arith.andi %ne3A_127, %ne3A_130 : i1
    %sub3A_132 = arith.constant 1 : i32
    %sub3A_133 = arith.subi %div3A_112, %sub3A_132 : i32
    %select_n3A_134 = arith.select %and3A_131, %sub3A_133, %div3A_112 : i32
    %mul3A_135 = arith.constant 2048 : i32
    %mul3A_136 = arith.muli %select_n3A_134, %mul3A_135 : i32
    %mul3A_137 = arith.constant 2048 : i32
    %mul3A_138 = arith.muli %add3A_110, %mul3A_137 : i32
    "tpu.region"() ({
      %run_scoped3A = tpu.sem_alloc : memref<!tpu.dma_semaphore, #tpu.memory_space<semaphore_mem>>
      %dma_start3A = arith.constant 0 : i32
      %dma_start3A_221 = tpu.memref_slice %arg2[%add3A_110, %dma_start3A] : memref<128x2048xi32, #tpu.memory_space<hbm>> -> memref<1x2048xi32, #tpu.memory_space<hbm>>
      %dma_start3A_222 = tpu.memref_squeeze %dma_start3A_221 : memref<1x2048xi32, #tpu.memory_space<hbm>> -> memref<2048xi32, #tpu.memory_space<hbm>>
      %dma_start3A_223 = arith.constant 0 : i32
      %dma_start3A_224 = tpu.memref_slice %arg2[%add3A_110, %dma_start3A_223] : memref<128x2048xi32, #tpu.memory_space<hbm>> -> memref<1x2048xi32, #tpu.memory_space<hbm>>
      %dma_start3A_225 = tpu.memref_squeeze %dma_start3A_224 : memref<1x2048xi32, #tpu.memory_space<hbm>> -> memref<2048xi32, #tpu.memory_space<hbm>>
      tpu.enqueue_dma source(%dma_start3A_225 : memref<2048xi32, #tpu.memory_space<hbm>>) target(%arg5 : memref<2048xi32, #tpu.memory_space<vmem>>) target_semaphore(%run_scoped3A : memref<!tpu.dma_semaphore, #tpu.memory_space<semaphore_mem>>)
      %dma_wait3A = arith.constant 0 : i32
      %dma_wait3A_226 = tpu.memref_slice %arg2[%add3A_110, %dma_wait3A] : memref<128x2048xi32, #tpu.memory_space<hbm>> -> memref<1x2048xi32, #tpu.memory_space<hbm>>
      %dma_wait3A_227 = tpu.memref_squeeze %dma_wait3A_226 : memref<1x2048xi32, #tpu.memory_space<hbm>> -> memref<2048xi32, #tpu.memory_space<hbm>>
      %dma_wait3A_228 = arith.constant 0 : i32
      %dma_wait3A_229 = tpu.memref_slice %arg2[%add3A_110, %dma_wait3A_228] : memref<128x2048xi32, #tpu.memory_space<hbm>> -> memref<1x2048xi32, #tpu.memory_space<hbm>>
      %dma_wait3A_230 = tpu.memref_squeeze %dma_wait3A_229 : memref<1x2048xi32, #tpu.memory_space<hbm>> -> memref<2048xi32, #tpu.memory_space<hbm>>
      tpu.wait_dma2 semaphore(%run_scoped3A : memref<!tpu.dma_semaphore, #tpu.memory_space<semaphore_mem>>) src(%dma_wait3A_230 : memref<2048xi32, #tpu.memory_space<hbm>>) dst(%arg5 : memref<2048xi32, #tpu.memory_space<vmem>>)
      tpu.yield
    }) : () -> ()
    %scan3A_139 = arith.constant 0 : i32
    %scan3A_140 = arith.constant 0 : i32
    %scan3A_141 = arith.constant 64 : i32
    %scan3A_142 = arith.addi %scan3A_140, %scan3A_141 : i32
    %scan3A_143 = arith.constant 1 : i32
    scf.for %scan3A_221 = %scan3A_140 to %scan3A_142 step %scan3A_143  : i32 {
      %broadcast_in_dim3A_222 = arith.constant 0 : i32
      %broadcast_in_dim3A_223 = vector.broadcast %broadcast_in_dim3A_222 : i32 to vector<16xi32>
      %swap3A = arith.index_cast %scan3A_221 : i32 to index
      %swap3A_224 = arith.constant 0 : index
      %swap3A_225 = tpu.vector_load %arg8[%swap3A, %swap3A_224] {strides = array<i32>} : memref<64x16xi32, #tpu.memory_space<vmem>>, vector<16xi32>,
      tpu.vector_store %arg8[%swap3A, %swap3A_224], %broadcast_in_dim3A_223 {strides = array<i32>} : memref<64x16xi32, #tpu.memory_space<vmem>>, vector<16xi32>,
    }
    %scan3A_144 = arith.constant 64 : i32
    %scan3A_145 = arith.constant 0 : i32
    %scan3A_146 = arith.constant 0 : i32
    %scan3A_147 = arith.constant 128 : i32
    %scan3A_148 = arith.addi %scan3A_146, %scan3A_147 : i32
    %scan3A_149 = arith.constant 1 : i32
    scf.for %scan3A_221 = %scan3A_146 to %scan3A_148 step %scan3A_149  : i32 {
      %mul3A_222 = arith.constant 128 : i32
      %mul3A_223 = vector.broadcast %mul3A_222 : i32 to vector<16xi32>
      %mul3A_224 = arith.muli %iota3A, %mul3A_223 : vector<16xi32>
      %add3A_225 = vector.broadcast %scan3A_221 : i32 to vector<16xi32>
      %add3A_226 = arith.addi %mul3A_224, %add3A_225 : vector<16xi32>
      %gather3A = tpu.vector_load_idx %arg5[%add3A_226] : memref<2048xi32, #tpu.memory_space<vmem>>[vector<16xi32>], vector<16xi32>,
      tpu.vector_store_idx %arg8[%gather3A, %iota3A], %broadcast_in_dim3A_1 {add = true} : memref<64x16xi32, #tpu.memory_space<vmem>>[vector<16xi32>, vector<16xi32>], vector<16xi32>,
    }
    %scan3A_150 = arith.constant 128 : i32
    %scan3A_151 = arith.constant 0 : i32
    %scan3A_152 = arith.constant 0 : i32
    %scan3A_153 = arith.constant 64 : i32
    %scan3A_154 = arith.addi %scan3A_152, %scan3A_153 : i32
    %scan3A_155 = arith.constant 1 : i32
    %scan3A_156 = scf.for %scan3A_221 = %scan3A_152 to %scan3A_154 step %scan3A_155 iter_args(%scan3A_222 = %scan3A_151) -> (i32)  : i32 {
      %get3A = arith.index_cast %scan3A_221 : i32 to index
      %get3A_223 = arith.constant 0 : index
      %get3A_224 = tpu.vector_load %arg8[%get3A, %get3A_223] {strides = array<i32>} : memref<64x16xi32, #tpu.memory_space<vmem>>, vector<16xi32>,
      %broadcast_in_dim3A_225 = arith.constant true
      %broadcast_in_dim3A_226 = vector.broadcast %broadcast_in_dim3A_225 : i1 to vector<16xi1>
      %masked_cumsum3A = tpu.scan <sum>, %get3A_224 masked %broadcast_in_dim3A_226 : vector<16xi32>, vector<16xi1> -> vector<16xi32>
      %add3A_227 = vector.broadcast %scan3A_222 : i32 to vector<16xi32>
      %add3A_228 = arith.addi %add3A_227, %masked_cumsum3A : vector<16xi32>
      %sub3A_229 = arith.subi %add3A_228, %get3A_224 : vector<16xi32>
      %swap3A = arith.index_cast %scan3A_221 : i32 to index
      %swap3A_230 = arith.constant 0 : index
      %swap3A_231 = tpu.vector_load %arg9[%swap3A, %swap3A_230] {strides = array<i32>} : memref<64x16xi32, #tpu.memory_space<vmem>>, vector<16xi32>,
      tpu.vector_store %arg9[%swap3A, %swap3A_230], %sub3A_229 {strides = array<i32>} : memref<64x16xi32, #tpu.memory_space<vmem>>, vector<16xi32>,
      %reduce_sum3A = arith.constant true
      %reduce_sum3A_232 = vector.broadcast %reduce_sum3A : i1 to vector<16xi1>
      %reduce_sum3A_233 = tpu.scan <sum>, %get3A_224 masked %reduce_sum3A_232 : vector<16xi32>, vector<16xi1> -> vector<16xi32>
      %reduce_sum3A_234 = vector.extract %reduce_sum3A_233[15] : i32 from vector<16xi32>
      %add3A_235 = arith.addi %scan3A_222, %reduce_sum3A_234 : i32
      scf.yield %add3A_235 : i32
    }
    %scan3A_157 = arith.constant 64 : i32
    %scan3A_158 = arith.constant 0 : i32
    %scan3A_159 = arith.constant 0 : i32
    %scan3A_160 = arith.constant 128 : i32
    %scan3A_161 = arith.addi %scan3A_159, %scan3A_160 : i32
    %scan3A_162 = arith.constant 1 : i32
    scf.for %scan3A_221 = %scan3A_159 to %scan3A_161 step %scan3A_162  : i32 {
      %mul3A_222 = arith.constant 128 : i32
      %mul3A_223 = vector.broadcast %mul3A_222 : i32 to vector<16xi32>
      %mul3A_224 = arith.muli %iota3A, %mul3A_223 : vector<16xi32>
      %add3A_225 = vector.broadcast %scan3A_221 : i32 to vector<16xi32>
      %add3A_226 = arith.addi %mul3A_224, %add3A_225 : vector<16xi32>
      %gather3A = tpu.vector_load_idx %arg5[%add3A_226] : memref<2048xi32, #tpu.memory_space<vmem>>[vector<16xi32>], vector<16xi32>,
      %gather3A_227 = tpu.vector_load_idx %arg9[%gather3A, %iota3A] : memref<64x16xi32, #tpu.memory_space<vmem>>[vector<16xi32>, vector<16xi32>], vector<16xi32>,
      %add3A_228 = arith.constant 1 : i32
      %add3A_229 = vector.broadcast %add3A_228 : i32 to vector<16xi32>
      %add3A_230 = arith.addi %gather3A_227, %add3A_229 : vector<16xi32>
      tpu.vector_store_idx %arg9[%gather3A, %iota3A], %add3A_230 : memref<64x16xi32, #tpu.memory_space<vmem>>[vector<16xi32>, vector<16xi32>], vector<16xi32>,
      %add3A_231 = vector.broadcast %mul3A_138 : i32 to vector<16xi32>
      %add3A_232 = arith.addi %gather3A_227, %add3A_231 : vector<16xi32>
      tpu.vector_store_idx %arg7[%add3A_226], %add3A_232 : memref<2048xi32, #tpu.memory_space<vmem>>[vector<16xi32>], vector<16xi32>,
      %add3A_233 = vector.broadcast %mul3A_136 : i32 to vector<16xi32>
      %add3A_234 = arith.addi %add3A_226, %add3A_233 : vector<16xi32>
      tpu.vector_store_idx %arg6[%gather3A_227], %add3A_234 : memref<2048xi32, #tpu.memory_space<vmem>>[vector<16xi32>], vector<16xi32>,
    }
    %scan3A_163 = arith.constant 128 : i32
    "tpu.region"() ({
      %run_scoped3A = tpu.sem_alloc : memref<!tpu.dma_semaphore, #tpu.memory_space<semaphore_mem>>
      %dma_start3A = arith.constant 0 : i32
      %dma_start3A_221 = tpu.memref_slice %arg3[%add3A_110, %dma_start3A] : memref<128x2048xi32, #tpu.memory_space<hbm>> -> memref<1x2048xi32, #tpu.memory_space<hbm>>
      %dma_start3A_222 = tpu.memref_squeeze %dma_start3A_221 : memref<1x2048xi32, #tpu.memory_space<hbm>> -> memref<2048xi32, #tpu.memory_space<hbm>>
      %dma_start3A_223 = arith.constant 0 : i32
      %dma_start3A_224 = tpu.memref_slice %arg3[%add3A_110, %dma_start3A_223] : memref<128x2048xi32, #tpu.memory_space<hbm>> -> memref<1x2048xi32, #tpu.memory_space<hbm>>
      %dma_start3A_225 = tpu.memref_squeeze %dma_start3A_224 : memref<1x2048xi32, #tpu.memory_space<hbm>> -> memref<2048xi32, #tpu.memory_space<hbm>>
      tpu.enqueue_dma source(%arg6 : memref<2048xi32, #tpu.memory_space<vmem>>) target(%dma_start3A_225 : memref<2048xi32, #tpu.memory_space<hbm>>) target_semaphore(%run_scoped3A : memref<!tpu.dma_semaphore, #tpu.memory_space<semaphore_mem>>)
      %dma_wait3A = arith.constant 0 : i32
      %dma_wait3A_226 = tpu.memref_slice %arg3[%add3A_110, %dma_wait3A] : memref<128x2048xi32, #tpu.memory_space<hbm>> -> memref<1x2048xi32, #tpu.memory_space<hbm>>
      %dma_wait3A_227 = tpu.memref_squeeze %dma_wait3A_226 : memref<1x2048xi32, #tpu.memory_space<hbm>> -> memref<2048xi32, #tpu.memory_space<hbm>>
      %dma_wait3A_228 = arith.constant 0 : i32
      %dma_wait3A_229 = tpu.memref_slice %arg3[%add3A_110, %dma_wait3A_228] : memref<128x2048xi32, #tpu.memory_space<hbm>> -> memref<1x2048xi32, #tpu.memory_space<hbm>>
      %dma_wait3A_230 = tpu.memref_squeeze %dma_wait3A_229 : memref<1x2048xi32, #tpu.memory_space<hbm>> -> memref<2048xi32, #tpu.memory_space<hbm>>
      tpu.wait_dma2 semaphore(%run_scoped3A : memref<!tpu.dma_semaphore, #tpu.memory_space<semaphore_mem>>) src(%arg6 : memref<2048xi32, #tpu.memory_space<vmem>>) dst(%dma_wait3A_230 : memref<2048xi32, #tpu.memory_space<hbm>>)
      tpu.yield
    }) : () -> ()
    "tpu.region"() ({
      %run_scoped3A = tpu.sem_alloc : memref<!tpu.dma_semaphore, #tpu.memory_space<semaphore_mem>>
      %dma_start3A = arith.constant 0 : i32
      %dma_start3A_221 = tpu.memref_slice %arg4[%add3A_110, %dma_start3A] : memref<128x2048xi32, #tpu.memory_space<hbm>> -> memref<1x2048xi32, #tpu.memory_space<hbm>>
      %dma_start3A_222 = tpu.memref_squeeze %dma_start3A_221 : memref<1x2048xi32, #tpu.memory_space<hbm>> -> memref<2048xi32, #tpu.memory_space<hbm>>
      %dma_start3A_223 = arith.constant 0 : i32
      %dma_start3A_224 = tpu.memref_slice %arg4[%add3A_110, %dma_start3A_223] : memref<128x2048xi32, #tpu.memory_space<hbm>> -> memref<1x2048xi32, #tpu.memory_space<hbm>>
      %dma_start3A_225 = tpu.memref_squeeze %dma_start3A_224 : memref<1x2048xi32, #tpu.memory_space<hbm>> -> memref<2048xi32, #tpu.memory_space<hbm>>
      tpu.enqueue_dma source(%arg7 : memref<2048xi32, #tpu.memory_space<vmem>>) target(%dma_start3A_225 : memref<2048xi32, #tpu.memory_space<hbm>>) target_semaphore(%run_scoped3A : memref<!tpu.dma_semaphore, #tpu.memory_space<semaphore_mem>>)
      %dma_wait3A = arith.constant 0 : i32
      %dma_wait3A_226 = tpu.memref_slice %arg4[%add3A_110, %dma_wait3A] : memref<128x2048xi32, #tpu.memory_space<hbm>> -> memref<1x2048xi32, #tpu.memory_space<hbm>>
      %dma_wait3A_227 = tpu.memref_squeeze %dma_wait3A_226 : memref<1x2048xi32, #tpu.memory_space<hbm>> -> memref<2048xi32, #tpu.memory_space<hbm>>
      %dma_wait3A_228 = arith.constant 0 : i32
      %dma_wait3A_229 = tpu.memref_slice %arg4[%add3A_110, %dma_wait3A_228] : memref<128x2048xi32, #tpu.memory_space<hbm>> -> memref<1x2048xi32, #tpu.memory_space<hbm>>
      %dma_wait3A_230 = tpu.memref_squeeze %dma_wait3A_229 : memref<1x2048xi32, #tpu.memory_space<hbm>> -> memref<2048xi32, #tpu.memory_space<hbm>>
      tpu.wait_dma2 semaphore(%run_scoped3A : memref<!tpu.dma_semaphore, #tpu.memory_space<semaphore_mem>>) src(%arg7 : memref<2048xi32, #tpu.memory_space<vmem>>) dst(%dma_wait3A_230 : memref<2048xi32, #tpu.memory_space<hbm>>)
      tpu.yield
    }) : () -> ()
    %mul3A_164 = arith.constant 4 : i32
    %mul3A_165 = arith.muli %add3A, %mul3A_164 : i32
    %add3A_166 = arith.constant 3 : i32
    %add3A_167 = arith.addi %mul3A_165, %add3A_166 : i32
    %jit3A_168 = arith.constant 4 : i32
    %div3A_169 = arith.divsi %add3A_167, %jit3A_168 : i32
    %sign3A_170 = arith.constant 0 : i32
    %sign3A_171 = arith.cmpi sgt, %add3A_167, %sign3A_170 : i32
    %sign3A_172 = arith.extui %sign3A_171 : i1 to i32
    %sign3A_173 = arith.constant 0 : i32
    %sign3A_174 = arith.cmpi slt, %add3A_167, %sign3A_173 : i32
    %sign3A_175 = arith.extui %sign3A_174 : i1 to i32
    %sign3A_176 = arith.subi %sign3A_172, %sign3A_175 : i32
    %sign3A_177 = arith.constant 0 : i32
    %sign3A_178 = arith.cmpi sgt, %jit3A_168, %sign3A_177 : i32
    %sign3A_179 = arith.extui %sign3A_178 : i1 to i32
    %sign3A_180 = arith.constant 0 : i32
    %sign3A_181 = arith.cmpi slt, %jit3A_168, %sign3A_180 : i32
    %sign3A_182 = arith.extui %sign3A_181 : i1 to i32
    %sign3A_183 = arith.subi %sign3A_179, %sign3A_182 : i32
    %ne3A_184 = arith.cmpi ne, %sign3A_176, %sign3A_183 : i32
    %rem3A_185 = arith.remsi %add3A_167, %jit3A_168 : i32
    %ne3A_186 = arith.constant 0 : i32
    %ne3A_187 = arith.cmpi ne, %rem3A_185, %ne3A_186 : i32
    %and3A_188 = arith.andi %ne3A_184, %ne3A_187 : i1
    %sub3A_189 = arith.constant 1 : i32
    %sub3A_190 = arith.subi %div3A_169, %sub3A_189 : i32
    %select_n3A_191 = arith.select %and3A_188, %sub3A_190, %div3A_169 : i32
    %mul3A_192 = arith.constant 2048 : i32
    %mul3A_193 = arith.muli %select_n3A_191, %mul3A_192 : i32
    %mul3A_194 = arith.constant 2048 : i32
    %mul3A_195 = arith.muli %add3A_167, %mul3A_194 : i32
    "tpu.region"() ({
      %run_scoped3A = tpu.sem_alloc : memref<!tpu.dma_semaphore, #tpu.memory_space<semaphore_mem>>
      %dma_start3A = arith.constant 0 : i32
      %dma_start3A_221 = tpu.memref_slice %arg2[%add3A_167, %dma_start3A] : memref<128x2048xi32, #tpu.memory_space<hbm>> -> memref<1x2048xi32, #tpu.memory_space<hbm>>
      %dma_start3A_222 = tpu.memref_squeeze %dma_start3A_221 : memref<1x2048xi32, #tpu.memory_space<hbm>> -> memref<2048xi32, #tpu.memory_space<hbm>>
      %dma_start3A_223 = arith.constant 0 : i32
      %dma_start3A_224 = tpu.memref_slice %arg2[%add3A_167, %dma_start3A_223] : memref<128x2048xi32, #tpu.memory_space<hbm>> -> memref<1x2048xi32, #tpu.memory_space<hbm>>
      %dma_start3A_225 = tpu.memref_squeeze %dma_start3A_224 : memref<1x2048xi32, #tpu.memory_space<hbm>> -> memref<2048xi32, #tpu.memory_space<hbm>>
      tpu.enqueue_dma source(%dma_start3A_225 : memref<2048xi32, #tpu.memory_space<hbm>>) target(%arg5 : memref<2048xi32, #tpu.memory_space<vmem>>) target_semaphore(%run_scoped3A : memref<!tpu.dma_semaphore, #tpu.memory_space<semaphore_mem>>)
      %dma_wait3A = arith.constant 0 : i32
      %dma_wait3A_226 = tpu.memref_slice %arg2[%add3A_167, %dma_wait3A] : memref<128x2048xi32, #tpu.memory_space<hbm>> -> memref<1x2048xi32, #tpu.memory_space<hbm>>
      %dma_wait3A_227 = tpu.memref_squeeze %dma_wait3A_226 : memref<1x2048xi32, #tpu.memory_space<hbm>> -> memref<2048xi32, #tpu.memory_space<hbm>>
      %dma_wait3A_228 = arith.constant 0 : i32
      %dma_wait3A_229 = tpu.memref_slice %arg2[%add3A_167, %dma_wait3A_228] : memref<128x2048xi32, #tpu.memory_space<hbm>> -> memref<1x2048xi32, #tpu.memory_space<hbm>>
      %dma_wait3A_230 = tpu.memref_squeeze %dma_wait3A_229 : memref<1x2048xi32, #tpu.memory_space<hbm>> -> memref<2048xi32, #tpu.memory_space<hbm>>
      tpu.wait_dma2 semaphore(%run_scoped3A : memref<!tpu.dma_semaphore, #tpu.memory_space<semaphore_mem>>) src(%dma_wait3A_230 : memref<2048xi32, #tpu.memory_space<hbm>>) dst(%arg5 : memref<2048xi32, #tpu.memory_space<vmem>>)
      tpu.yield
    }) : () -> ()
    %scan3A_196 = arith.constant 0 : i32
    %scan3A_197 = arith.constant 0 : i32
    %scan3A_198 = arith.constant 64 : i32
    %scan3A_199 = arith.addi %scan3A_197, %scan3A_198 : i32
    %scan3A_200 = arith.constant 1 : i32
    scf.for %scan3A_221 = %scan3A_197 to %scan3A_199 step %scan3A_200  : i32 {
      %broadcast_in_dim3A_222 = arith.constant 0 : i32
      %broadcast_in_dim3A_223 = vector.broadcast %broadcast_in_dim3A_222 : i32 to vector<16xi32>
      %swap3A = arith.index_cast %scan3A_221 : i32 to index
      %swap3A_224 = arith.constant 0 : index
      %swap3A_225 = tpu.vector_load %arg8[%swap3A, %swap3A_224] {strides = array<i32>} : memref<64x16xi32, #tpu.memory_space<vmem>>, vector<16xi32>,
      tpu.vector_store %arg8[%swap3A, %swap3A_224], %broadcast_in_dim3A_223 {strides = array<i32>} : memref<64x16xi32, #tpu.memory_space<vmem>>, vector<16xi32>,
    }
    %scan3A_201 = arith.constant 64 : i32
    %scan3A_202 = arith.constant 0 : i32
    %scan3A_203 = arith.constant 0 : i32
    %scan3A_204 = arith.constant 128 : i32
    %scan3A_205 = arith.addi %scan3A_203, %scan3A_204 : i32
    %scan3A_206 = arith.constant 1 : i32
    scf.for %scan3A_221 = %scan3A_203 to %scan3A_205 step %scan3A_206  : i32 {
      %mul3A_222 = arith.constant 128 : i32
      %mul3A_223 = vector.broadcast %mul3A_222 : i32 to vector<16xi32>
      %mul3A_224 = arith.muli %iota3A, %mul3A_223 : vector<16xi32>
      %add3A_225 = vector.broadcast %scan3A_221 : i32 to vector<16xi32>
      %add3A_226 = arith.addi %mul3A_224, %add3A_225 : vector<16xi32>
      %gather3A = tpu.vector_load_idx %arg5[%add3A_226] : memref<2048xi32, #tpu.memory_space<vmem>>[vector<16xi32>], vector<16xi32>,
      tpu.vector_store_idx %arg8[%gather3A, %iota3A], %broadcast_in_dim3A_1 {add = true} : memref<64x16xi32, #tpu.memory_space<vmem>>[vector<16xi32>, vector<16xi32>], vector<16xi32>,
    }
    %scan3A_207 = arith.constant 128 : i32
    %scan3A_208 = arith.constant 0 : i32
    %scan3A_209 = arith.constant 0 : i32
    %scan3A_210 = arith.constant 64 : i32
    %scan3A_211 = arith.addi %scan3A_209, %scan3A_210 : i32
    %scan3A_212 = arith.constant 1 : i32
    %scan3A_213 = scf.for %scan3A_221 = %scan3A_209 to %scan3A_211 step %scan3A_212 iter_args(%scan3A_222 = %scan3A_208) -> (i32)  : i32 {
      %get3A = arith.index_cast %scan3A_221 : i32 to index
      %get3A_223 = arith.constant 0 : index
      %get3A_224 = tpu.vector_load %arg8[%get3A, %get3A_223] {strides = array<i32>} : memref<64x16xi32, #tpu.memory_space<vmem>>, vector<16xi32>,
      %broadcast_in_dim3A_225 = arith.constant true
      %broadcast_in_dim3A_226 = vector.broadcast %broadcast_in_dim3A_225 : i1 to vector<16xi1>
      %masked_cumsum3A = tpu.scan <sum>, %get3A_224 masked %broadcast_in_dim3A_226 : vector<16xi32>, vector<16xi1> -> vector<16xi32>
      %add3A_227 = vector.broadcast %scan3A_222 : i32 to vector<16xi32>
      %add3A_228 = arith.addi %add3A_227, %masked_cumsum3A : vector<16xi32>
      %sub3A_229 = arith.subi %add3A_228, %get3A_224 : vector<16xi32>
      %swap3A = arith.index_cast %scan3A_221 : i32 to index
      %swap3A_230 = arith.constant 0 : index
      %swap3A_231 = tpu.vector_load %arg9[%swap3A, %swap3A_230] {strides = array<i32>} : memref<64x16xi32, #tpu.memory_space<vmem>>, vector<16xi32>,
      tpu.vector_store %arg9[%swap3A, %swap3A_230], %sub3A_229 {strides = array<i32>} : memref<64x16xi32, #tpu.memory_space<vmem>>, vector<16xi32>,
      %reduce_sum3A = arith.constant true
      %reduce_sum3A_232 = vector.broadcast %reduce_sum3A : i1 to vector<16xi1>
      %reduce_sum3A_233 = tpu.scan <sum>, %get3A_224 masked %reduce_sum3A_232 : vector<16xi32>, vector<16xi1> -> vector<16xi32>
      %reduce_sum3A_234 = vector.extract %reduce_sum3A_233[15] : i32 from vector<16xi32>
      %add3A_235 = arith.addi %scan3A_222, %reduce_sum3A_234 : i32
      scf.yield %add3A_235 : i32
    }
    %scan3A_214 = arith.constant 64 : i32
    %scan3A_215 = arith.constant 0 : i32
    %scan3A_216 = arith.constant 0 : i32
    %scan3A_217 = arith.constant 128 : i32
    %scan3A_218 = arith.addi %scan3A_216, %scan3A_217 : i32
    %scan3A_219 = arith.constant 1 : i32
    scf.for %scan3A_221 = %scan3A_216 to %scan3A_218 step %scan3A_219  : i32 {
      %mul3A_222 = arith.constant 128 : i32
      %mul3A_223 = vector.broadcast %mul3A_222 : i32 to vector<16xi32>
      %mul3A_224 = arith.muli %iota3A, %mul3A_223 : vector<16xi32>
      %add3A_225 = vector.broadcast %scan3A_221 : i32 to vector<16xi32>
      %add3A_226 = arith.addi %mul3A_224, %add3A_225 : vector<16xi32>
      %gather3A = tpu.vector_load_idx %arg5[%add3A_226] : memref<2048xi32, #tpu.memory_space<vmem>>[vector<16xi32>], vector<16xi32>,
      %gather3A_227 = tpu.vector_load_idx %arg9[%gather3A, %iota3A] : memref<64x16xi32, #tpu.memory_space<vmem>>[vector<16xi32>, vector<16xi32>], vector<16xi32>,
      %add3A_228 = arith.constant 1 : i32
      %add3A_229 = vector.broadcast %add3A_228 : i32 to vector<16xi32>
      %add3A_230 = arith.addi %gather3A_227, %add3A_229 : vector<16xi32>
      tpu.vector_store_idx %arg9[%gather3A, %iota3A], %add3A_230 : memref<64x16xi32, #tpu.memory_space<vmem>>[vector<16xi32>, vector<16xi32>], vector<16xi32>,
      %add3A_231 = vector.broadcast %mul3A_195 : i32 to vector<16xi32>
      %add3A_232 = arith.addi %gather3A_227, %add3A_231 : vector<16xi32>
      tpu.vector_store_idx %arg7[%add3A_226], %add3A_232 : memref<2048xi32, #tpu.memory_space<vmem>>[vector<16xi32>], vector<16xi32>,
      %add3A_233 = vector.broadcast %mul3A_193 : i32 to vector<16xi32>
      %add3A_234 = arith.addi %add3A_226, %add3A_233 : vector<16xi32>
      tpu.vector_store_idx %arg6[%gather3A_227], %add3A_234 : memref<2048xi32, #tpu.memory_space<vmem>>[vector<16xi32>], vector<16xi32>,
    }
    %scan3A_220 = arith.constant 128 : i32
    "tpu.region"() ({
      %run_scoped3A = tpu.sem_alloc : memref<!tpu.dma_semaphore, #tpu.memory_space<semaphore_mem>>
      %dma_start3A = arith.constant 0 : i32
      %dma_start3A_221 = tpu.memref_slice %arg3[%add3A_167, %dma_start3A] : memref<128x2048xi32, #tpu.memory_space<hbm>> -> memref<1x2048xi32, #tpu.memory_space<hbm>>
      %dma_start3A_222 = tpu.memref_squeeze %dma_start3A_221 : memref<1x2048xi32, #tpu.memory_space<hbm>> -> memref<2048xi32, #tpu.memory_space<hbm>>
      %dma_start3A_223 = arith.constant 0 : i32
      %dma_start3A_224 = tpu.memref_slice %arg3[%add3A_167, %dma_start3A_223] : memref<128x2048xi32, #tpu.memory_space<hbm>> -> memref<1x2048xi32, #tpu.memory_space<hbm>>
      %dma_start3A_225 = tpu.memref_squeeze %dma_start3A_224 : memref<1x2048xi32, #tpu.memory_space<hbm>> -> memref<2048xi32, #tpu.memory_space<hbm>>
      tpu.enqueue_dma source(%arg6 : memref<2048xi32, #tpu.memory_space<vmem>>) target(%dma_start3A_225 : memref<2048xi32, #tpu.memory_space<hbm>>) target_semaphore(%run_scoped3A : memref<!tpu.dma_semaphore, #tpu.memory_space<semaphore_mem>>)
      %dma_wait3A = arith.constant 0 : i32
      %dma_wait3A_226 = tpu.memref_slice %arg3[%add3A_167, %dma_wait3A] : memref<128x2048xi32, #tpu.memory_space<hbm>> -> memref<1x2048xi32, #tpu.memory_space<hbm>>
      %dma_wait3A_227 = tpu.memref_squeeze %dma_wait3A_226 : memref<1x2048xi32, #tpu.memory_space<hbm>> -> memref<2048xi32, #tpu.memory_space<hbm>>
      %dma_wait3A_228 = arith.constant 0 : i32
      %dma_wait3A_229 = tpu.memref_slice %arg3[%add3A_167, %dma_wait3A_228] : memref<128x2048xi32, #tpu.memory_space<hbm>> -> memref<1x2048xi32, #tpu.memory_space<hbm>>
      %dma_wait3A_230 = tpu.memref_squeeze %dma_wait3A_229 : memref<1x2048xi32, #tpu.memory_space<hbm>> -> memref<2048xi32, #tpu.memory_space<hbm>>
      tpu.wait_dma2 semaphore(%run_scoped3A : memref<!tpu.dma_semaphore, #tpu.memory_space<semaphore_mem>>) src(%arg6 : memref<2048xi32, #tpu.memory_space<vmem>>) dst(%dma_wait3A_230 : memref<2048xi32, #tpu.memory_space<hbm>>)
      tpu.yield
    }) : () -> ()
    "tpu.region"() ({
      %run_scoped3A = tpu.sem_alloc : memref<!tpu.dma_semaphore, #tpu.memory_space<semaphore_mem>>
      %dma_start3A = arith.constant 0 : i32
      %dma_start3A_221 = tpu.memref_slice %arg4[%add3A_167, %dma_start3A] : memref<128x2048xi32, #tpu.memory_space<hbm>> -> memref<1x2048xi32, #tpu.memory_space<hbm>>
      %dma_start3A_222 = tpu.memref_squeeze %dma_start3A_221 : memref<1x2048xi32, #tpu.memory_space<hbm>> -> memref<2048xi32, #tpu.memory_space<hbm>>
      %dma_start3A_223 = arith.constant 0 : i32
      %dma_start3A_224 = tpu.memref_slice %arg4[%add3A_167, %dma_start3A_223] : memref<128x2048xi32, #tpu.memory_space<hbm>> -> memref<1x2048xi32, #tpu.memory_space<hbm>>
      %dma_start3A_225 = tpu.memref_squeeze %dma_start3A_224 : memref<1x2048xi32, #tpu.memory_space<hbm>> -> memref<2048xi32, #tpu.memory_space<hbm>>
      tpu.enqueue_dma source(%arg7 : memref<2048xi32, #tpu.memory_space<vmem>>) target(%dma_start3A_225 : memref<2048xi32, #tpu.memory_space<hbm>>) target_semaphore(%run_scoped3A : memref<!tpu.dma_semaphore, #tpu.memory_space<semaphore_mem>>)
      %dma_wait3A = arith.constant 0 : i32
      %dma_wait3A_226 = tpu.memref_slice %arg4[%add3A_167, %dma_wait3A] : memref<128x2048xi32, #tpu.memory_space<hbm>> -> memref<1x2048xi32, #tpu.memory_space<hbm>>
      %dma_wait3A_227 = tpu.memref_squeeze %dma_wait3A_226 : memref<1x2048xi32, #tpu.memory_space<hbm>> -> memref<2048xi32, #tpu.memory_space<hbm>>
      %dma_wait3A_228 = arith.constant 0 : i32
      %dma_wait3A_229 = tpu.memref_slice %arg4[%add3A_167, %dma_wait3A_228] : memref<128x2048xi32, #tpu.memory_space<hbm>> -> memref<1x2048xi32, #tpu.memory_space<hbm>>
      %dma_wait3A_230 = tpu.memref_squeeze %dma_wait3A_229 : memref<1x2048xi32, #tpu.memory_space<hbm>> -> memref<2048xi32, #tpu.memory_space<hbm>>
      tpu.wait_dma2 semaphore(%run_scoped3A : memref<!tpu.dma_semaphore, #tpu.memory_space<semaphore_mem>>) src(%arg7 : memref<2048xi32, #tpu.memory_space<vmem>>) dst(%dma_wait3A_230 : memref<2048xi32, #tpu.memory_space<hbm>>)
      tpu.yield
    }) : () -> ()
    return
  }
}

#map = affine_map<(d0, d1) -> (0, 0)>
#map1 = affine_map<(d0, d1) -> (0, 0, 0)>
module attributes {stable_mosaic.version = 14 : i64} {
  func.func @_gather_sc_body(%arg0: i32, %arg1: i32, %arg2: memref<65536x128xf32, #tpu.memory_space<hbm>>, %arg3: memref<128x2048xi32, #tpu.memory_space<hbm>>, %arg4: memref<128x2048x128xf32, #tpu.memory_space<hbm>>, %arg5: memref<128xi32, #tpu.memory_space<vmem>>, %arg6: memref<128x128xf32, #tpu.memory_space<vmem>>, %arg7: memref<!tpu.dma_semaphore, #tpu.memory_space<semaphore_mem>>) attributes {dimension_semantics = [#tpu.dimension_semantics<core_parallel>, #tpu.dimension_semantics<subcore_parallel>], iteration_bounds = array<i64: 2, 16>, scalar_prefetch = 0 : i64, scratch_operands = 3 : i64, tpu.core_type = #tpu.core_type<sc_vector_subcore>, window_params = [{transform_indices = #map}, {transform_indices = #map}, {transform_indices = #map1}]} {
    %mul3A = arith.constant 2 : i32
    %mul3A_0 = arith.muli %arg1, %mul3A : i32
    %add3A = arith.addi %mul3A_0, %arg0 : i32
    %mul3A_1 = arith.constant 4 : i32
    %mul3A_2 = arith.muli %add3A, %mul3A_1 : i32
    %add3A_3 = arith.constant 0 : i32
    %add3A_4 = arith.addi %mul3A_2, %add3A_3 : i32
    %scan3A = arith.constant 0 : i32
    %scan3A_5 = arith.constant 0 : i32
    %scan3A_6 = arith.constant 16 : i32
    %scan3A_7 = arith.addi %scan3A_5, %scan3A_6 : i32
    %scan3A_8 = arith.constant 1 : i32
    scf.for %scan3A_40 = %scan3A_5 to %scan3A_7 step %scan3A_8  : i32 {
      %mul3A_41 = arith.constant 128 : i32
      %mul3A_42 = arith.muli %scan3A_40, %mul3A_41 : i32
      "tpu.region"() ({
        %run_scoped3A = tpu.sem_alloc : memref<!tpu.dma_semaphore, #tpu.memory_space<semaphore_mem>>
        %dma_start3A_47 = tpu.memref_slice %arg3[%add3A_4, %mul3A_42] : memref<128x2048xi32, #tpu.memory_space<hbm>> -> memref<1x128xi32, #tpu.memory_space<hbm>>
        %dma_start3A_48 = tpu.memref_squeeze %dma_start3A_47 : memref<1x128xi32, #tpu.memory_space<hbm>> -> memref<128xi32, #tpu.memory_space<hbm>>
        %dma_start3A_49 = tpu.memref_slice %arg3[%add3A_4, %mul3A_42] : memref<128x2048xi32, #tpu.memory_space<hbm>> -> memref<1x128xi32, #tpu.memory_space<hbm>>
        %dma_start3A_50 = tpu.memref_squeeze %dma_start3A_49 : memref<1x128xi32, #tpu.memory_space<hbm>> -> memref<128xi32, #tpu.memory_space<hbm>>
        tpu.enqueue_dma source(%dma_start3A_50 : memref<128xi32, #tpu.memory_space<hbm>>) target(%arg5 : memref<128xi32, #tpu.memory_space<vmem>>) target_semaphore(%run_scoped3A : memref<!tpu.dma_semaphore, #tpu.memory_space<semaphore_mem>>)
        %dma_wait3A_51 = tpu.memref_slice %arg3[%add3A_4, %mul3A_42] : memref<128x2048xi32, #tpu.memory_space<hbm>> -> memref<1x128xi32, #tpu.memory_space<hbm>>
        %dma_wait3A_52 = tpu.memref_squeeze %dma_wait3A_51 : memref<1x128xi32, #tpu.memory_space<hbm>> -> memref<128xi32, #tpu.memory_space<hbm>>
        %dma_wait3A_53 = tpu.memref_slice %arg3[%add3A_4, %mul3A_42] : memref<128x2048xi32, #tpu.memory_space<hbm>> -> memref<1x128xi32, #tpu.memory_space<hbm>>
        %dma_wait3A_54 = tpu.memref_squeeze %dma_wait3A_53 : memref<1x128xi32, #tpu.memory_space<hbm>> -> memref<128xi32, #tpu.memory_space<hbm>>
        tpu.wait_dma2 semaphore(%run_scoped3A : memref<!tpu.dma_semaphore, #tpu.memory_space<semaphore_mem>>) src(%dma_wait3A_54 : memref<128xi32, #tpu.memory_space<hbm>>) dst(%arg5 : memref<128xi32, #tpu.memory_space<vmem>>)
        tpu.yield
      }) : () -> ()
      %dma_start3A = arith.constant 0 : i32
      %dma_start3A_43 = arith.constant 0 : i32
      %dma_start3A_44 = tpu.memref_slice %arg2[%dma_start3A, %dma_start3A_43] : memref<65536x128xf32, #tpu.memory_space<hbm>> -> memref<65536x128xf32, #tpu.memory_space<hbm>>
      tpu.enqueue_indirect_dma source(%dma_start3A_44 : memref<65536x128xf32, #tpu.memory_space<hbm>>) target(%arg6 : memref<128x128xf32, #tpu.memory_space<vmem>>) offsets(%arg5 : memref<128xi32, #tpu.memory_space<vmem>>) semaphore(%arg7 : memref<!tpu.dma_semaphore, #tpu.memory_space<semaphore_mem>>)
      %dma_wait3A = arith.constant 0 : i32
      %dma_wait3A_45 = arith.constant 0 : i32
      %dma_wait3A_46 = tpu.memref_slice %arg2[%dma_wait3A, %dma_wait3A_45] : memref<65536x128xf32, #tpu.memory_space<hbm>> -> memref<65536x128xf32, #tpu.memory_space<hbm>>
      tpu.wait_indirect_dma semaphore(%arg7 : memref<!tpu.dma_semaphore, #tpu.memory_space<semaphore_mem>>) src(%dma_wait3A_46 : memref<65536x128xf32, #tpu.memory_space<hbm>>) dst(%arg6 : memref<128x128xf32, #tpu.memory_space<vmem>>)
      "tpu.region"() ({
        %run_scoped3A = tpu.sem_alloc : memref<!tpu.dma_semaphore, #tpu.memory_space<semaphore_mem>>
        %dma_start3A_47 = arith.constant 0 : i32
        %dma_start3A_48 = tpu.memref_slice %arg4[%add3A_4, %mul3A_42, %dma_start3A_47] : memref<128x2048x128xf32, #tpu.memory_space<hbm>> -> memref<1x128x128xf32, #tpu.memory_space<hbm>>
        %dma_start3A_49 = tpu.memref_squeeze %dma_start3A_48 : memref<1x128x128xf32, #tpu.memory_space<hbm>> -> memref<128x128xf32, #tpu.memory_space<hbm>>
        %dma_start3A_50 = arith.constant 0 : i32
        %dma_start3A_51 = tpu.memref_slice %arg4[%add3A_4, %mul3A_42, %dma_start3A_50] : memref<128x2048x128xf32, #tpu.memory_space<hbm>> -> memref<1x128x128xf32, #tpu.memory_space<hbm>>
        %dma_start3A_52 = tpu.memref_squeeze %dma_start3A_51 : memref<1x128x128xf32, #tpu.memory_space<hbm>> -> memref<128x128xf32, #tpu.memory_space<hbm>>
        tpu.enqueue_dma source(%arg6 : memref<128x128xf32, #tpu.memory_space<vmem>>) target(%dma_start3A_52 : memref<128x128xf32, #tpu.memory_space<hbm>>) target_semaphore(%run_scoped3A : memref<!tpu.dma_semaphore, #tpu.memory_space<semaphore_mem>>)
        %dma_wait3A_53 = arith.constant 0 : i32
        %dma_wait3A_54 = tpu.memref_slice %arg4[%add3A_4, %mul3A_42, %dma_wait3A_53] : memref<128x2048x128xf32, #tpu.memory_space<hbm>> -> memref<1x128x128xf32, #tpu.memory_space<hbm>>
        %dma_wait3A_55 = tpu.memref_squeeze %dma_wait3A_54 : memref<1x128x128xf32, #tpu.memory_space<hbm>> -> memref<128x128xf32, #tpu.memory_space<hbm>>
        %dma_wait3A_56 = arith.constant 0 : i32
        %dma_wait3A_57 = tpu.memref_slice %arg4[%add3A_4, %mul3A_42, %dma_wait3A_56] : memref<128x2048x128xf32, #tpu.memory_space<hbm>> -> memref<1x128x128xf32, #tpu.memory_space<hbm>>
        %dma_wait3A_58 = tpu.memref_squeeze %dma_wait3A_57 : memref<1x128x128xf32, #tpu.memory_space<hbm>> -> memref<128x128xf32, #tpu.memory_space<hbm>>
        tpu.wait_dma2 semaphore(%run_scoped3A : memref<!tpu.dma_semaphore, #tpu.memory_space<semaphore_mem>>) src(%arg6 : memref<128x128xf32, #tpu.memory_space<vmem>>) dst(%dma_wait3A_58 : memref<128x128xf32, #tpu.memory_space<hbm>>)
        tpu.yield
      }) : () -> ()
    }
    %scan3A_9 = arith.constant 16 : i32
    %mul3A_10 = arith.constant 4 : i32
    %mul3A_11 = arith.muli %add3A, %mul3A_10 : i32
    %add3A_12 = arith.constant 1 : i32
    %add3A_13 = arith.addi %mul3A_11, %add3A_12 : i32
    %scan3A_14 = arith.constant 0 : i32
    %scan3A_15 = arith.constant 0 : i32
    %scan3A_16 = arith.constant 16 : i32
    %scan3A_17 = arith.addi %scan3A_15, %scan3A_16 : i32
    %scan3A_18 = arith.constant 1 : i32
    scf.for %scan3A_40 = %scan3A_15 to %scan3A_17 step %scan3A_18  : i32 {
      %mul3A_41 = arith.constant 128 : i32
      %mul3A_42 = arith.muli %scan3A_40, %mul3A_41 : i32
      "tpu.region"() ({
        %run_scoped3A = tpu.sem_alloc : memref<!tpu.dma_semaphore, #tpu.memory_space<semaphore_mem>>
        %dma_start3A_47 = tpu.memref_slice %arg3[%add3A_13, %mul3A_42] : memref<128x2048xi32, #tpu.memory_space<hbm>> -> memref<1x128xi32, #tpu.memory_space<hbm>>
        %dma_start3A_48 = tpu.memref_squeeze %dma_start3A_47 : memref<1x128xi32, #tpu.memory_space<hbm>> -> memref<128xi32, #tpu.memory_space<hbm>>
        %dma_start3A_49 = tpu.memref_slice %arg3[%add3A_13, %mul3A_42] : memref<128x2048xi32, #tpu.memory_space<hbm>> -> memref<1x128xi32, #tpu.memory_space<hbm>>
        %dma_start3A_50 = tpu.memref_squeeze %dma_start3A_49 : memref<1x128xi32, #tpu.memory_space<hbm>> -> memref<128xi32, #tpu.memory_space<hbm>>
        tpu.enqueue_dma source(%dma_start3A_50 : memref<128xi32, #tpu.memory_space<hbm>>) target(%arg5 : memref<128xi32, #tpu.memory_space<vmem>>) target_semaphore(%run_scoped3A : memref<!tpu.dma_semaphore, #tpu.memory_space<semaphore_mem>>)
        %dma_wait3A_51 = tpu.memref_slice %arg3[%add3A_13, %mul3A_42] : memref<128x2048xi32, #tpu.memory_space<hbm>> -> memref<1x128xi32, #tpu.memory_space<hbm>>
        %dma_wait3A_52 = tpu.memref_squeeze %dma_wait3A_51 : memref<1x128xi32, #tpu.memory_space<hbm>> -> memref<128xi32, #tpu.memory_space<hbm>>
        %dma_wait3A_53 = tpu.memref_slice %arg3[%add3A_13, %mul3A_42] : memref<128x2048xi32, #tpu.memory_space<hbm>> -> memref<1x128xi32, #tpu.memory_space<hbm>>
        %dma_wait3A_54 = tpu.memref_squeeze %dma_wait3A_53 : memref<1x128xi32, #tpu.memory_space<hbm>> -> memref<128xi32, #tpu.memory_space<hbm>>
        tpu.wait_dma2 semaphore(%run_scoped3A : memref<!tpu.dma_semaphore, #tpu.memory_space<semaphore_mem>>) src(%dma_wait3A_54 : memref<128xi32, #tpu.memory_space<hbm>>) dst(%arg5 : memref<128xi32, #tpu.memory_space<vmem>>)
        tpu.yield
      }) : () -> ()
      %dma_start3A = arith.constant 0 : i32
      %dma_start3A_43 = arith.constant 0 : i32
      %dma_start3A_44 = tpu.memref_slice %arg2[%dma_start3A, %dma_start3A_43] : memref<65536x128xf32, #tpu.memory_space<hbm>> -> memref<65536x128xf32, #tpu.memory_space<hbm>>
      tpu.enqueue_indirect_dma source(%dma_start3A_44 : memref<65536x128xf32, #tpu.memory_space<hbm>>) target(%arg6 : memref<128x128xf32, #tpu.memory_space<vmem>>) offsets(%arg5 : memref<128xi32, #tpu.memory_space<vmem>>) semaphore(%arg7 : memref<!tpu.dma_semaphore, #tpu.memory_space<semaphore_mem>>)
      %dma_wait3A = arith.constant 0 : i32
      %dma_wait3A_45 = arith.constant 0 : i32
      %dma_wait3A_46 = tpu.memref_slice %arg2[%dma_wait3A, %dma_wait3A_45] : memref<65536x128xf32, #tpu.memory_space<hbm>> -> memref<65536x128xf32, #tpu.memory_space<hbm>>
      tpu.wait_indirect_dma semaphore(%arg7 : memref<!tpu.dma_semaphore, #tpu.memory_space<semaphore_mem>>) src(%dma_wait3A_46 : memref<65536x128xf32, #tpu.memory_space<hbm>>) dst(%arg6 : memref<128x128xf32, #tpu.memory_space<vmem>>)
      "tpu.region"() ({
        %run_scoped3A = tpu.sem_alloc : memref<!tpu.dma_semaphore, #tpu.memory_space<semaphore_mem>>
        %dma_start3A_47 = arith.constant 0 : i32
        %dma_start3A_48 = tpu.memref_slice %arg4[%add3A_13, %mul3A_42, %dma_start3A_47] : memref<128x2048x128xf32, #tpu.memory_space<hbm>> -> memref<1x128x128xf32, #tpu.memory_space<hbm>>
        %dma_start3A_49 = tpu.memref_squeeze %dma_start3A_48 : memref<1x128x128xf32, #tpu.memory_space<hbm>> -> memref<128x128xf32, #tpu.memory_space<hbm>>
        %dma_start3A_50 = arith.constant 0 : i32
        %dma_start3A_51 = tpu.memref_slice %arg4[%add3A_13, %mul3A_42, %dma_start3A_50] : memref<128x2048x128xf32, #tpu.memory_space<hbm>> -> memref<1x128x128xf32, #tpu.memory_space<hbm>>
        %dma_start3A_52 = tpu.memref_squeeze %dma_start3A_51 : memref<1x128x128xf32, #tpu.memory_space<hbm>> -> memref<128x128xf32, #tpu.memory_space<hbm>>
        tpu.enqueue_dma source(%arg6 : memref<128x128xf32, #tpu.memory_space<vmem>>) target(%dma_start3A_52 : memref<128x128xf32, #tpu.memory_space<hbm>>) target_semaphore(%run_scoped3A : memref<!tpu.dma_semaphore, #tpu.memory_space<semaphore_mem>>)
        %dma_wait3A_53 = arith.constant 0 : i32
        %dma_wait3A_54 = tpu.memref_slice %arg4[%add3A_13, %mul3A_42, %dma_wait3A_53] : memref<128x2048x128xf32, #tpu.memory_space<hbm>> -> memref<1x128x128xf32, #tpu.memory_space<hbm>>
        %dma_wait3A_55 = tpu.memref_squeeze %dma_wait3A_54 : memref<1x128x128xf32, #tpu.memory_space<hbm>> -> memref<128x128xf32, #tpu.memory_space<hbm>>
        %dma_wait3A_56 = arith.constant 0 : i32
        %dma_wait3A_57 = tpu.memref_slice %arg4[%add3A_13, %mul3A_42, %dma_wait3A_56] : memref<128x2048x128xf32, #tpu.memory_space<hbm>> -> memref<1x128x128xf32, #tpu.memory_space<hbm>>
        %dma_wait3A_58 = tpu.memref_squeeze %dma_wait3A_57 : memref<1x128x128xf32, #tpu.memory_space<hbm>> -> memref<128x128xf32, #tpu.memory_space<hbm>>
        tpu.wait_dma2 semaphore(%run_scoped3A : memref<!tpu.dma_semaphore, #tpu.memory_space<semaphore_mem>>) src(%arg6 : memref<128x128xf32, #tpu.memory_space<vmem>>) dst(%dma_wait3A_58 : memref<128x128xf32, #tpu.memory_space<hbm>>)
        tpu.yield
      }) : () -> ()
    }
    %scan3A_19 = arith.constant 16 : i32
    %mul3A_20 = arith.constant 4 : i32
    %mul3A_21 = arith.muli %add3A, %mul3A_20 : i32
    %add3A_22 = arith.constant 2 : i32
    %add3A_23 = arith.addi %mul3A_21, %add3A_22 : i32
    %scan3A_24 = arith.constant 0 : i32
    %scan3A_25 = arith.constant 0 : i32
    %scan3A_26 = arith.constant 16 : i32
    %scan3A_27 = arith.addi %scan3A_25, %scan3A_26 : i32
    %scan3A_28 = arith.constant 1 : i32
    scf.for %scan3A_40 = %scan3A_25 to %scan3A_27 step %scan3A_28  : i32 {
      %mul3A_41 = arith.constant 128 : i32
      %mul3A_42 = arith.muli %scan3A_40, %mul3A_41 : i32
      "tpu.region"() ({
        %run_scoped3A = tpu.sem_alloc : memref<!tpu.dma_semaphore, #tpu.memory_space<semaphore_mem>>
        %dma_start3A_47 = tpu.memref_slice %arg3[%add3A_23, %mul3A_42] : memref<128x2048xi32, #tpu.memory_space<hbm>> -> memref<1x128xi32, #tpu.memory_space<hbm>>
        %dma_start3A_48 = tpu.memref_squeeze %dma_start3A_47 : memref<1x128xi32, #tpu.memory_space<hbm>> -> memref<128xi32, #tpu.memory_space<hbm>>
        %dma_start3A_49 = tpu.memref_slice %arg3[%add3A_23, %mul3A_42] : memref<128x2048xi32, #tpu.memory_space<hbm>> -> memref<1x128xi32, #tpu.memory_space<hbm>>
        %dma_start3A_50 = tpu.memref_squeeze %dma_start3A_49 : memref<1x128xi32, #tpu.memory_space<hbm>> -> memref<128xi32, #tpu.memory_space<hbm>>
        tpu.enqueue_dma source(%dma_start3A_50 : memref<128xi32, #tpu.memory_space<hbm>>) target(%arg5 : memref<128xi32, #tpu.memory_space<vmem>>) target_semaphore(%run_scoped3A : memref<!tpu.dma_semaphore, #tpu.memory_space<semaphore_mem>>)
        %dma_wait3A_51 = tpu.memref_slice %arg3[%add3A_23, %mul3A_42] : memref<128x2048xi32, #tpu.memory_space<hbm>> -> memref<1x128xi32, #tpu.memory_space<hbm>>
        %dma_wait3A_52 = tpu.memref_squeeze %dma_wait3A_51 : memref<1x128xi32, #tpu.memory_space<hbm>> -> memref<128xi32, #tpu.memory_space<hbm>>
        %dma_wait3A_53 = tpu.memref_slice %arg3[%add3A_23, %mul3A_42] : memref<128x2048xi32, #tpu.memory_space<hbm>> -> memref<1x128xi32, #tpu.memory_space<hbm>>
        %dma_wait3A_54 = tpu.memref_squeeze %dma_wait3A_53 : memref<1x128xi32, #tpu.memory_space<hbm>> -> memref<128xi32, #tpu.memory_space<hbm>>
        tpu.wait_dma2 semaphore(%run_scoped3A : memref<!tpu.dma_semaphore, #tpu.memory_space<semaphore_mem>>) src(%dma_wait3A_54 : memref<128xi32, #tpu.memory_space<hbm>>) dst(%arg5 : memref<128xi32, #tpu.memory_space<vmem>>)
        tpu.yield
      }) : () -> ()
      %dma_start3A = arith.constant 0 : i32
      %dma_start3A_43 = arith.constant 0 : i32
      %dma_start3A_44 = tpu.memref_slice %arg2[%dma_start3A, %dma_start3A_43] : memref<65536x128xf32, #tpu.memory_space<hbm>> -> memref<65536x128xf32, #tpu.memory_space<hbm>>
      tpu.enqueue_indirect_dma source(%dma_start3A_44 : memref<65536x128xf32, #tpu.memory_space<hbm>>) target(%arg6 : memref<128x128xf32, #tpu.memory_space<vmem>>) offsets(%arg5 : memref<128xi32, #tpu.memory_space<vmem>>) semaphore(%arg7 : memref<!tpu.dma_semaphore, #tpu.memory_space<semaphore_mem>>)
      %dma_wait3A = arith.constant 0 : i32
      %dma_wait3A_45 = arith.constant 0 : i32
      %dma_wait3A_46 = tpu.memref_slice %arg2[%dma_wait3A, %dma_wait3A_45] : memref<65536x128xf32, #tpu.memory_space<hbm>> -> memref<65536x128xf32, #tpu.memory_space<hbm>>
      tpu.wait_indirect_dma semaphore(%arg7 : memref<!tpu.dma_semaphore, #tpu.memory_space<semaphore_mem>>) src(%dma_wait3A_46 : memref<65536x128xf32, #tpu.memory_space<hbm>>) dst(%arg6 : memref<128x128xf32, #tpu.memory_space<vmem>>)
      "tpu.region"() ({
        %run_scoped3A = tpu.sem_alloc : memref<!tpu.dma_semaphore, #tpu.memory_space<semaphore_mem>>
        %dma_start3A_47 = arith.constant 0 : i32
        %dma_start3A_48 = tpu.memref_slice %arg4[%add3A_23, %mul3A_42, %dma_start3A_47] : memref<128x2048x128xf32, #tpu.memory_space<hbm>> -> memref<1x128x128xf32, #tpu.memory_space<hbm>>
        %dma_start3A_49 = tpu.memref_squeeze %dma_start3A_48 : memref<1x128x128xf32, #tpu.memory_space<hbm>> -> memref<128x128xf32, #tpu.memory_space<hbm>>
        %dma_start3A_50 = arith.constant 0 : i32
        %dma_start3A_51 = tpu.memref_slice %arg4[%add3A_23, %mul3A_42, %dma_start3A_50] : memref<128x2048x128xf32, #tpu.memory_space<hbm>> -> memref<1x128x128xf32, #tpu.memory_space<hbm>>
        %dma_start3A_52 = tpu.memref_squeeze %dma_start3A_51 : memref<1x128x128xf32, #tpu.memory_space<hbm>> -> memref<128x128xf32, #tpu.memory_space<hbm>>
        tpu.enqueue_dma source(%arg6 : memref<128x128xf32, #tpu.memory_space<vmem>>) target(%dma_start3A_52 : memref<128x128xf32, #tpu.memory_space<hbm>>) target_semaphore(%run_scoped3A : memref<!tpu.dma_semaphore, #tpu.memory_space<semaphore_mem>>)
        %dma_wait3A_53 = arith.constant 0 : i32
        %dma_wait3A_54 = tpu.memref_slice %arg4[%add3A_23, %mul3A_42, %dma_wait3A_53] : memref<128x2048x128xf32, #tpu.memory_space<hbm>> -> memref<1x128x128xf32, #tpu.memory_space<hbm>>
        %dma_wait3A_55 = tpu.memref_squeeze %dma_wait3A_54 : memref<1x128x128xf32, #tpu.memory_space<hbm>> -> memref<128x128xf32, #tpu.memory_space<hbm>>
        %dma_wait3A_56 = arith.constant 0 : i32
        %dma_wait3A_57 = tpu.memref_slice %arg4[%add3A_23, %mul3A_42, %dma_wait3A_56] : memref<128x2048x128xf32, #tpu.memory_space<hbm>> -> memref<1x128x128xf32, #tpu.memory_space<hbm>>
        %dma_wait3A_58 = tpu.memref_squeeze %dma_wait3A_57 : memref<1x128x128xf32, #tpu.memory_space<hbm>> -> memref<128x128xf32, #tpu.memory_space<hbm>>
        tpu.wait_dma2 semaphore(%run_scoped3A : memref<!tpu.dma_semaphore, #tpu.memory_space<semaphore_mem>>) src(%arg6 : memref<128x128xf32, #tpu.memory_space<vmem>>) dst(%dma_wait3A_58 : memref<128x128xf32, #tpu.memory_space<hbm>>)
        tpu.yield
      }) : () -> ()
    }
    %scan3A_29 = arith.constant 16 : i32
    %mul3A_30 = arith.constant 4 : i32
    %mul3A_31 = arith.muli %add3A, %mul3A_30 : i32
    %add3A_32 = arith.constant 3 : i32
    %add3A_33 = arith.addi %mul3A_31, %add3A_32 : i32
    %scan3A_34 = arith.constant 0 : i32
    %scan3A_35 = arith.constant 0 : i32
    %scan3A_36 = arith.constant 16 : i32
    %scan3A_37 = arith.addi %scan3A_35, %scan3A_36 : i32
    %scan3A_38 = arith.constant 1 : i32
    scf.for %scan3A_40 = %scan3A_35 to %scan3A_37 step %scan3A_38  : i32 {
      %mul3A_41 = arith.constant 128 : i32
      %mul3A_42 = arith.muli %scan3A_40, %mul3A_41 : i32
      "tpu.region"() ({
        %run_scoped3A = tpu.sem_alloc : memref<!tpu.dma_semaphore, #tpu.memory_space<semaphore_mem>>
        %dma_start3A_47 = tpu.memref_slice %arg3[%add3A_33, %mul3A_42] : memref<128x2048xi32, #tpu.memory_space<hbm>> -> memref<1x128xi32, #tpu.memory_space<hbm>>
        %dma_start3A_48 = tpu.memref_squeeze %dma_start3A_47 : memref<1x128xi32, #tpu.memory_space<hbm>> -> memref<128xi32, #tpu.memory_space<hbm>>
        %dma_start3A_49 = tpu.memref_slice %arg3[%add3A_33, %mul3A_42] : memref<128x2048xi32, #tpu.memory_space<hbm>> -> memref<1x128xi32, #tpu.memory_space<hbm>>
        %dma_start3A_50 = tpu.memref_squeeze %dma_start3A_49 : memref<1x128xi32, #tpu.memory_space<hbm>> -> memref<128xi32, #tpu.memory_space<hbm>>
        tpu.enqueue_dma source(%dma_start3A_50 : memref<128xi32, #tpu.memory_space<hbm>>) target(%arg5 : memref<128xi32, #tpu.memory_space<vmem>>) target_semaphore(%run_scoped3A : memref<!tpu.dma_semaphore, #tpu.memory_space<semaphore_mem>>)
        %dma_wait3A_51 = tpu.memref_slice %arg3[%add3A_33, %mul3A_42] : memref<128x2048xi32, #tpu.memory_space<hbm>> -> memref<1x128xi32, #tpu.memory_space<hbm>>
        %dma_wait3A_52 = tpu.memref_squeeze %dma_wait3A_51 : memref<1x128xi32, #tpu.memory_space<hbm>> -> memref<128xi32, #tpu.memory_space<hbm>>
        %dma_wait3A_53 = tpu.memref_slice %arg3[%add3A_33, %mul3A_42] : memref<128x2048xi32, #tpu.memory_space<hbm>> -> memref<1x128xi32, #tpu.memory_space<hbm>>
        %dma_wait3A_54 = tpu.memref_squeeze %dma_wait3A_53 : memref<1x128xi32, #tpu.memory_space<hbm>> -> memref<128xi32, #tpu.memory_space<hbm>>
        tpu.wait_dma2 semaphore(%run_scoped3A : memref<!tpu.dma_semaphore, #tpu.memory_space<semaphore_mem>>) src(%dma_wait3A_54 : memref<128xi32, #tpu.memory_space<hbm>>) dst(%arg5 : memref<128xi32, #tpu.memory_space<vmem>>)
        tpu.yield
      }) : () -> ()
      %dma_start3A = arith.constant 0 : i32
      %dma_start3A_43 = arith.constant 0 : i32
      %dma_start3A_44 = tpu.memref_slice %arg2[%dma_start3A, %dma_start3A_43] : memref<65536x128xf32, #tpu.memory_space<hbm>> -> memref<65536x128xf32, #tpu.memory_space<hbm>>
      tpu.enqueue_indirect_dma source(%dma_start3A_44 : memref<65536x128xf32, #tpu.memory_space<hbm>>) target(%arg6 : memref<128x128xf32, #tpu.memory_space<vmem>>) offsets(%arg5 : memref<128xi32, #tpu.memory_space<vmem>>) semaphore(%arg7 : memref<!tpu.dma_semaphore, #tpu.memory_space<semaphore_mem>>)
      %dma_wait3A = arith.constant 0 : i32
      %dma_wait3A_45 = arith.constant 0 : i32
      %dma_wait3A_46 = tpu.memref_slice %arg2[%dma_wait3A, %dma_wait3A_45] : memref<65536x128xf32, #tpu.memory_space<hbm>> -> memref<65536x128xf32, #tpu.memory_space<hbm>>
      tpu.wait_indirect_dma semaphore(%arg7 : memref<!tpu.dma_semaphore, #tpu.memory_space<semaphore_mem>>) src(%dma_wait3A_46 : memref<65536x128xf32, #tpu.memory_space<hbm>>) dst(%arg6 : memref<128x128xf32, #tpu.memory_space<vmem>>)
      "tpu.region"() ({
        %run_scoped3A = tpu.sem_alloc : memref<!tpu.dma_semaphore, #tpu.memory_space<semaphore_mem>>
        %dma_start3A_47 = arith.constant 0 : i32
        %dma_start3A_48 = tpu.memref_slice %arg4[%add3A_33, %mul3A_42, %dma_start3A_47] : memref<128x2048x128xf32, #tpu.memory_space<hbm>> -> memref<1x128x128xf32, #tpu.memory_space<hbm>>
        %dma_start3A_49 = tpu.memref_squeeze %dma_start3A_48 : memref<1x128x128xf32, #tpu.memory_space<hbm>> -> memref<128x128xf32, #tpu.memory_space<hbm>>
        %dma_start3A_50 = arith.constant 0 : i32
        %dma_start3A_51 = tpu.memref_slice %arg4[%add3A_33, %mul3A_42, %dma_start3A_50] : memref<128x2048x128xf32, #tpu.memory_space<hbm>> -> memref<1x128x128xf32, #tpu.memory_space<hbm>>
        %dma_start3A_52 = tpu.memref_squeeze %dma_start3A_51 : memref<1x128x128xf32, #tpu.memory_space<hbm>> -> memref<128x128xf32, #tpu.memory_space<hbm>>
        tpu.enqueue_dma source(%arg6 : memref<128x128xf32, #tpu.memory_space<vmem>>) target(%dma_start3A_52 : memref<128x128xf32, #tpu.memory_space<hbm>>) target_semaphore(%run_scoped3A : memref<!tpu.dma_semaphore, #tpu.memory_space<semaphore_mem>>)
        %dma_wait3A_53 = arith.constant 0 : i32
        %dma_wait3A_54 = tpu.memref_slice %arg4[%add3A_33, %mul3A_42, %dma_wait3A_53] : memref<128x2048x128xf32, #tpu.memory_space<hbm>> -> memref<1x128x128xf32, #tpu.memory_space<hbm>>
        %dma_wait3A_55 = tpu.memref_squeeze %dma_wait3A_54 : memref<1x128x128xf32, #tpu.memory_space<hbm>> -> memref<128x128xf32, #tpu.memory_space<hbm>>
        %dma_wait3A_56 = arith.constant 0 : i32
        %dma_wait3A_57 = tpu.memref_slice %arg4[%add3A_33, %mul3A_42, %dma_wait3A_56] : memref<128x2048x128xf32, #tpu.memory_space<hbm>> -> memref<1x128x128xf32, #tpu.memory_space<hbm>>
        %dma_wait3A_58 = tpu.memref_squeeze %dma_wait3A_57 : memref<1x128x128xf32, #tpu.memory_space<hbm>> -> memref<128x128xf32, #tpu.memory_space<hbm>>
        tpu.wait_dma2 semaphore(%run_scoped3A : memref<!tpu.dma_semaphore, #tpu.memory_space<semaphore_mem>>) src(%arg6 : memref<128x128xf32, #tpu.memory_space<vmem>>) dst(%dma_wait3A_58 : memref<128x128xf32, #tpu.memory_space<hbm>>)
        tpu.yield
      }) : () -> ()
    }
    %scan3A_39 = arith.constant 16 : i32
    return
  }
}

#map = affine_map<(d0, d1) -> (0, 0)>
#map1 = affine_map<(d0, d1) -> (0, 0, 0)>
module attributes {stable_mosaic.version = 14 : i64} {
  func.func @_unsort_sc_body(%arg0: i32, %arg1: i32, %arg2: memref<262144x128xf32, #tpu.memory_space<hbm>>, %arg3: memref<128x2048xi32, #tpu.memory_space<hbm>>, %arg4: memref<128x2048x128xf32, #tpu.memory_space<hbm>>, %arg5: memref<128xi32, #tpu.memory_space<vmem>>, %arg6: memref<128x128xf32, #tpu.memory_space<vmem>>, %arg7: memref<!tpu.dma_semaphore, #tpu.memory_space<semaphore_mem>>) attributes {dimension_semantics = [#tpu.dimension_semantics<core_parallel>, #tpu.dimension_semantics<subcore_parallel>], iteration_bounds = array<i64: 2, 16>, scalar_prefetch = 0 : i64, scratch_operands = 3 : i64, tpu.core_type = #tpu.core_type<sc_vector_subcore>, window_params = [{transform_indices = #map}, {transform_indices = #map}, {transform_indices = #map1}]} {
    %mul3A = arith.constant 2 : i32
    %mul3A_0 = arith.muli %arg1, %mul3A : i32
    %add3A = arith.addi %mul3A_0, %arg0 : i32
    %mul3A_1 = arith.constant 4 : i32
    %mul3A_2 = arith.muli %add3A, %mul3A_1 : i32
    %add3A_3 = arith.constant 0 : i32
    %add3A_4 = arith.addi %mul3A_2, %add3A_3 : i32
    %scan3A = arith.constant 0 : i32
    %scan3A_5 = arith.constant 0 : i32
    %scan3A_6 = arith.constant 16 : i32
    %scan3A_7 = arith.addi %scan3A_5, %scan3A_6 : i32
    %scan3A_8 = arith.constant 1 : i32
    scf.for %scan3A_40 = %scan3A_5 to %scan3A_7 step %scan3A_8  : i32 {
      %mul3A_41 = arith.constant 128 : i32
      %mul3A_42 = arith.muli %scan3A_40, %mul3A_41 : i32
      "tpu.region"() ({
        %run_scoped3A = tpu.sem_alloc : memref<!tpu.dma_semaphore, #tpu.memory_space<semaphore_mem>>
        %dma_start3A_47 = tpu.memref_slice %arg3[%add3A_4, %mul3A_42] : memref<128x2048xi32, #tpu.memory_space<hbm>> -> memref<1x128xi32, #tpu.memory_space<hbm>>
        %dma_start3A_48 = tpu.memref_squeeze %dma_start3A_47 : memref<1x128xi32, #tpu.memory_space<hbm>> -> memref<128xi32, #tpu.memory_space<hbm>>
        %dma_start3A_49 = tpu.memref_slice %arg3[%add3A_4, %mul3A_42] : memref<128x2048xi32, #tpu.memory_space<hbm>> -> memref<1x128xi32, #tpu.memory_space<hbm>>
        %dma_start3A_50 = tpu.memref_squeeze %dma_start3A_49 : memref<1x128xi32, #tpu.memory_space<hbm>> -> memref<128xi32, #tpu.memory_space<hbm>>
        tpu.enqueue_dma source(%dma_start3A_50 : memref<128xi32, #tpu.memory_space<hbm>>) target(%arg5 : memref<128xi32, #tpu.memory_space<vmem>>) target_semaphore(%run_scoped3A : memref<!tpu.dma_semaphore, #tpu.memory_space<semaphore_mem>>)
        %dma_wait3A_51 = tpu.memref_slice %arg3[%add3A_4, %mul3A_42] : memref<128x2048xi32, #tpu.memory_space<hbm>> -> memref<1x128xi32, #tpu.memory_space<hbm>>
        %dma_wait3A_52 = tpu.memref_squeeze %dma_wait3A_51 : memref<1x128xi32, #tpu.memory_space<hbm>> -> memref<128xi32, #tpu.memory_space<hbm>>
        %dma_wait3A_53 = tpu.memref_slice %arg3[%add3A_4, %mul3A_42] : memref<128x2048xi32, #tpu.memory_space<hbm>> -> memref<1x128xi32, #tpu.memory_space<hbm>>
        %dma_wait3A_54 = tpu.memref_squeeze %dma_wait3A_53 : memref<1x128xi32, #tpu.memory_space<hbm>> -> memref<128xi32, #tpu.memory_space<hbm>>
        tpu.wait_dma2 semaphore(%run_scoped3A : memref<!tpu.dma_semaphore, #tpu.memory_space<semaphore_mem>>) src(%dma_wait3A_54 : memref<128xi32, #tpu.memory_space<hbm>>) dst(%arg5 : memref<128xi32, #tpu.memory_space<vmem>>)
        tpu.yield
      }) : () -> ()
      %dma_start3A = arith.constant 0 : i32
      %dma_start3A_43 = arith.constant 0 : i32
      %dma_start3A_44 = tpu.memref_slice %arg2[%dma_start3A, %dma_start3A_43] : memref<262144x128xf32, #tpu.memory_space<hbm>> -> memref<262144x128xf32, #tpu.memory_space<hbm>>
      tpu.enqueue_indirect_dma source(%dma_start3A_44 : memref<262144x128xf32, #tpu.memory_space<hbm>>) target(%arg6 : memref<128x128xf32, #tpu.memory_space<vmem>>) offsets(%arg5 : memref<128xi32, #tpu.memory_space<vmem>>) semaphore(%arg7 : memref<!tpu.dma_semaphore, #tpu.memory_space<semaphore_mem>>)
      %dma_wait3A = arith.constant 0 : i32
      %dma_wait3A_45 = arith.constant 0 : i32
      %dma_wait3A_46 = tpu.memref_slice %arg2[%dma_wait3A, %dma_wait3A_45] : memref<262144x128xf32, #tpu.memory_space<hbm>> -> memref<262144x128xf32, #tpu.memory_space<hbm>>
      tpu.wait_indirect_dma semaphore(%arg7 : memref<!tpu.dma_semaphore, #tpu.memory_space<semaphore_mem>>) src(%dma_wait3A_46 : memref<262144x128xf32, #tpu.memory_space<hbm>>) dst(%arg6 : memref<128x128xf32, #tpu.memory_space<vmem>>)
      "tpu.region"() ({
        %run_scoped3A = tpu.sem_alloc : memref<!tpu.dma_semaphore, #tpu.memory_space<semaphore_mem>>
        %dma_start3A_47 = arith.constant 0 : i32
        %dma_start3A_48 = tpu.memref_slice %arg4[%add3A_4, %mul3A_42, %dma_start3A_47] : memref<128x2048x128xf32, #tpu.memory_space<hbm>> -> memref<1x128x128xf32, #tpu.memory_space<hbm>>
        %dma_start3A_49 = tpu.memref_squeeze %dma_start3A_48 : memref<1x128x128xf32, #tpu.memory_space<hbm>> -> memref<128x128xf32, #tpu.memory_space<hbm>>
        %dma_start3A_50 = arith.constant 0 : i32
        %dma_start3A_51 = tpu.memref_slice %arg4[%add3A_4, %mul3A_42, %dma_start3A_50] : memref<128x2048x128xf32, #tpu.memory_space<hbm>> -> memref<1x128x128xf32, #tpu.memory_space<hbm>>
        %dma_start3A_52 = tpu.memref_squeeze %dma_start3A_51 : memref<1x128x128xf32, #tpu.memory_space<hbm>> -> memref<128x128xf32, #tpu.memory_space<hbm>>
        tpu.enqueue_dma source(%arg6 : memref<128x128xf32, #tpu.memory_space<vmem>>) target(%dma_start3A_52 : memref<128x128xf32, #tpu.memory_space<hbm>>) target_semaphore(%run_scoped3A : memref<!tpu.dma_semaphore, #tpu.memory_space<semaphore_mem>>)
        %dma_wait3A_53 = arith.constant 0 : i32
        %dma_wait3A_54 = tpu.memref_slice %arg4[%add3A_4, %mul3A_42, %dma_wait3A_53] : memref<128x2048x128xf32, #tpu.memory_space<hbm>> -> memref<1x128x128xf32, #tpu.memory_space<hbm>>
        %dma_wait3A_55 = tpu.memref_squeeze %dma_wait3A_54 : memref<1x128x128xf32, #tpu.memory_space<hbm>> -> memref<128x128xf32, #tpu.memory_space<hbm>>
        %dma_wait3A_56 = arith.constant 0 : i32
        %dma_wait3A_57 = tpu.memref_slice %arg4[%add3A_4, %mul3A_42, %dma_wait3A_56] : memref<128x2048x128xf32, #tpu.memory_space<hbm>> -> memref<1x128x128xf32, #tpu.memory_space<hbm>>
        %dma_wait3A_58 = tpu.memref_squeeze %dma_wait3A_57 : memref<1x128x128xf32, #tpu.memory_space<hbm>> -> memref<128x128xf32, #tpu.memory_space<hbm>>
        tpu.wait_dma2 semaphore(%run_scoped3A : memref<!tpu.dma_semaphore, #tpu.memory_space<semaphore_mem>>) src(%arg6 : memref<128x128xf32, #tpu.memory_space<vmem>>) dst(%dma_wait3A_58 : memref<128x128xf32, #tpu.memory_space<hbm>>)
        tpu.yield
      }) : () -> ()
    }
    %scan3A_9 = arith.constant 16 : i32
    %mul3A_10 = arith.constant 4 : i32
    %mul3A_11 = arith.muli %add3A, %mul3A_10 : i32
    %add3A_12 = arith.constant 1 : i32
    %add3A_13 = arith.addi %mul3A_11, %add3A_12 : i32
    %scan3A_14 = arith.constant 0 : i32
    %scan3A_15 = arith.constant 0 : i32
    %scan3A_16 = arith.constant 16 : i32
    %scan3A_17 = arith.addi %scan3A_15, %scan3A_16 : i32
    %scan3A_18 = arith.constant 1 : i32
    scf.for %scan3A_40 = %scan3A_15 to %scan3A_17 step %scan3A_18  : i32 {
      %mul3A_41 = arith.constant 128 : i32
      %mul3A_42 = arith.muli %scan3A_40, %mul3A_41 : i32
      "tpu.region"() ({
        %run_scoped3A = tpu.sem_alloc : memref<!tpu.dma_semaphore, #tpu.memory_space<semaphore_mem>>
        %dma_start3A_47 = tpu.memref_slice %arg3[%add3A_13, %mul3A_42] : memref<128x2048xi32, #tpu.memory_space<hbm>> -> memref<1x128xi32, #tpu.memory_space<hbm>>
        %dma_start3A_48 = tpu.memref_squeeze %dma_start3A_47 : memref<1x128xi32, #tpu.memory_space<hbm>> -> memref<128xi32, #tpu.memory_space<hbm>>
        %dma_start3A_49 = tpu.memref_slice %arg3[%add3A_13, %mul3A_42] : memref<128x2048xi32, #tpu.memory_space<hbm>> -> memref<1x128xi32, #tpu.memory_space<hbm>>
        %dma_start3A_50 = tpu.memref_squeeze %dma_start3A_49 : memref<1x128xi32, #tpu.memory_space<hbm>> -> memref<128xi32, #tpu.memory_space<hbm>>
        tpu.enqueue_dma source(%dma_start3A_50 : memref<128xi32, #tpu.memory_space<hbm>>) target(%arg5 : memref<128xi32, #tpu.memory_space<vmem>>) target_semaphore(%run_scoped3A : memref<!tpu.dma_semaphore, #tpu.memory_space<semaphore_mem>>)
        %dma_wait3A_51 = tpu.memref_slice %arg3[%add3A_13, %mul3A_42] : memref<128x2048xi32, #tpu.memory_space<hbm>> -> memref<1x128xi32, #tpu.memory_space<hbm>>
        %dma_wait3A_52 = tpu.memref_squeeze %dma_wait3A_51 : memref<1x128xi32, #tpu.memory_space<hbm>> -> memref<128xi32, #tpu.memory_space<hbm>>
        %dma_wait3A_53 = tpu.memref_slice %arg3[%add3A_13, %mul3A_42] : memref<128x2048xi32, #tpu.memory_space<hbm>> -> memref<1x128xi32, #tpu.memory_space<hbm>>
        %dma_wait3A_54 = tpu.memref_squeeze %dma_wait3A_53 : memref<1x128xi32, #tpu.memory_space<hbm>> -> memref<128xi32, #tpu.memory_space<hbm>>
        tpu.wait_dma2 semaphore(%run_scoped3A : memref<!tpu.dma_semaphore, #tpu.memory_space<semaphore_mem>>) src(%dma_wait3A_54 : memref<128xi32, #tpu.memory_space<hbm>>) dst(%arg5 : memref<128xi32, #tpu.memory_space<vmem>>)
        tpu.yield
      }) : () -> ()
      %dma_start3A = arith.constant 0 : i32
      %dma_start3A_43 = arith.constant 0 : i32
      %dma_start3A_44 = tpu.memref_slice %arg2[%dma_start3A, %dma_start3A_43] : memref<262144x128xf32, #tpu.memory_space<hbm>> -> memref<262144x128xf32, #tpu.memory_space<hbm>>
      tpu.enqueue_indirect_dma source(%dma_start3A_44 : memref<262144x128xf32, #tpu.memory_space<hbm>>) target(%arg6 : memref<128x128xf32, #tpu.memory_space<vmem>>) offsets(%arg5 : memref<128xi32, #tpu.memory_space<vmem>>) semaphore(%arg7 : memref<!tpu.dma_semaphore, #tpu.memory_space<semaphore_mem>>)
      %dma_wait3A = arith.constant 0 : i32
      %dma_wait3A_45 = arith.constant 0 : i32
      %dma_wait3A_46 = tpu.memref_slice %arg2[%dma_wait3A, %dma_wait3A_45] : memref<262144x128xf32, #tpu.memory_space<hbm>> -> memref<262144x128xf32, #tpu.memory_space<hbm>>
      tpu.wait_indirect_dma semaphore(%arg7 : memref<!tpu.dma_semaphore, #tpu.memory_space<semaphore_mem>>) src(%dma_wait3A_46 : memref<262144x128xf32, #tpu.memory_space<hbm>>) dst(%arg6 : memref<128x128xf32, #tpu.memory_space<vmem>>)
      "tpu.region"() ({
        %run_scoped3A = tpu.sem_alloc : memref<!tpu.dma_semaphore, #tpu.memory_space<semaphore_mem>>
        %dma_start3A_47 = arith.constant 0 : i32
        %dma_start3A_48 = tpu.memref_slice %arg4[%add3A_13, %mul3A_42, %dma_start3A_47] : memref<128x2048x128xf32, #tpu.memory_space<hbm>> -> memref<1x128x128xf32, #tpu.memory_space<hbm>>
        %dma_start3A_49 = tpu.memref_squeeze %dma_start3A_48 : memref<1x128x128xf32, #tpu.memory_space<hbm>> -> memref<128x128xf32, #tpu.memory_space<hbm>>
        %dma_start3A_50 = arith.constant 0 : i32
        %dma_start3A_51 = tpu.memref_slice %arg4[%add3A_13, %mul3A_42, %dma_start3A_50] : memref<128x2048x128xf32, #tpu.memory_space<hbm>> -> memref<1x128x128xf32, #tpu.memory_space<hbm>>
        %dma_start3A_52 = tpu.memref_squeeze %dma_start3A_51 : memref<1x128x128xf32, #tpu.memory_space<hbm>> -> memref<128x128xf32, #tpu.memory_space<hbm>>
        tpu.enqueue_dma source(%arg6 : memref<128x128xf32, #tpu.memory_space<vmem>>) target(%dma_start3A_52 : memref<128x128xf32, #tpu.memory_space<hbm>>) target_semaphore(%run_scoped3A : memref<!tpu.dma_semaphore, #tpu.memory_space<semaphore_mem>>)
        %dma_wait3A_53 = arith.constant 0 : i32
        %dma_wait3A_54 = tpu.memref_slice %arg4[%add3A_13, %mul3A_42, %dma_wait3A_53] : memref<128x2048x128xf32, #tpu.memory_space<hbm>> -> memref<1x128x128xf32, #tpu.memory_space<hbm>>
        %dma_wait3A_55 = tpu.memref_squeeze %dma_wait3A_54 : memref<1x128x128xf32, #tpu.memory_space<hbm>> -> memref<128x128xf32, #tpu.memory_space<hbm>>
        %dma_wait3A_56 = arith.constant 0 : i32
        %dma_wait3A_57 = tpu.memref_slice %arg4[%add3A_13, %mul3A_42, %dma_wait3A_56] : memref<128x2048x128xf32, #tpu.memory_space<hbm>> -> memref<1x128x128xf32, #tpu.memory_space<hbm>>
        %dma_wait3A_58 = tpu.memref_squeeze %dma_wait3A_57 : memref<1x128x128xf32, #tpu.memory_space<hbm>> -> memref<128x128xf32, #tpu.memory_space<hbm>>
        tpu.wait_dma2 semaphore(%run_scoped3A : memref<!tpu.dma_semaphore, #tpu.memory_space<semaphore_mem>>) src(%arg6 : memref<128x128xf32, #tpu.memory_space<vmem>>) dst(%dma_wait3A_58 : memref<128x128xf32, #tpu.memory_space<hbm>>)
        tpu.yield
      }) : () -> ()
    }
    %scan3A_19 = arith.constant 16 : i32
    %mul3A_20 = arith.constant 4 : i32
    %mul3A_21 = arith.muli %add3A, %mul3A_20 : i32
    %add3A_22 = arith.constant 2 : i32
    %add3A_23 = arith.addi %mul3A_21, %add3A_22 : i32
    %scan3A_24 = arith.constant 0 : i32
    %scan3A_25 = arith.constant 0 : i32
    %scan3A_26 = arith.constant 16 : i32
    %scan3A_27 = arith.addi %scan3A_25, %scan3A_26 : i32
    %scan3A_28 = arith.constant 1 : i32
    scf.for %scan3A_40 = %scan3A_25 to %scan3A_27 step %scan3A_28  : i32 {
      %mul3A_41 = arith.constant 128 : i32
      %mul3A_42 = arith.muli %scan3A_40, %mul3A_41 : i32
      "tpu.region"() ({
        %run_scoped3A = tpu.sem_alloc : memref<!tpu.dma_semaphore, #tpu.memory_space<semaphore_mem>>
        %dma_start3A_47 = tpu.memref_slice %arg3[%add3A_23, %mul3A_42] : memref<128x2048xi32, #tpu.memory_space<hbm>> -> memref<1x128xi32, #tpu.memory_space<hbm>>
        %dma_start3A_48 = tpu.memref_squeeze %dma_start3A_47 : memref<1x128xi32, #tpu.memory_space<hbm>> -> memref<128xi32, #tpu.memory_space<hbm>>
        %dma_start3A_49 = tpu.memref_slice %arg3[%add3A_23, %mul3A_42] : memref<128x2048xi32, #tpu.memory_space<hbm>> -> memref<1x128xi32, #tpu.memory_space<hbm>>
        %dma_start3A_50 = tpu.memref_squeeze %dma_start3A_49 : memref<1x128xi32, #tpu.memory_space<hbm>> -> memref<128xi32, #tpu.memory_space<hbm>>
        tpu.enqueue_dma source(%dma_start3A_50 : memref<128xi32, #tpu.memory_space<hbm>>) target(%arg5 : memref<128xi32, #tpu.memory_space<vmem>>) target_semaphore(%run_scoped3A : memref<!tpu.dma_semaphore, #tpu.memory_space<semaphore_mem>>)
        %dma_wait3A_51 = tpu.memref_slice %arg3[%add3A_23, %mul3A_42] : memref<128x2048xi32, #tpu.memory_space<hbm>> -> memref<1x128xi32, #tpu.memory_space<hbm>>
        %dma_wait3A_52 = tpu.memref_squeeze %dma_wait3A_51 : memref<1x128xi32, #tpu.memory_space<hbm>> -> memref<128xi32, #tpu.memory_space<hbm>>
        %dma_wait3A_53 = tpu.memref_slice %arg3[%add3A_23, %mul3A_42] : memref<128x2048xi32, #tpu.memory_space<hbm>> -> memref<1x128xi32, #tpu.memory_space<hbm>>
        %dma_wait3A_54 = tpu.memref_squeeze %dma_wait3A_53 : memref<1x128xi32, #tpu.memory_space<hbm>> -> memref<128xi32, #tpu.memory_space<hbm>>
        tpu.wait_dma2 semaphore(%run_scoped3A : memref<!tpu.dma_semaphore, #tpu.memory_space<semaphore_mem>>) src(%dma_wait3A_54 : memref<128xi32, #tpu.memory_space<hbm>>) dst(%arg5 : memref<128xi32, #tpu.memory_space<vmem>>)
        tpu.yield
      }) : () -> ()
      %dma_start3A = arith.constant 0 : i32
      %dma_start3A_43 = arith.constant 0 : i32
      %dma_start3A_44 = tpu.memref_slice %arg2[%dma_start3A, %dma_start3A_43] : memref<262144x128xf32, #tpu.memory_space<hbm>> -> memref<262144x128xf32, #tpu.memory_space<hbm>>
      tpu.enqueue_indirect_dma source(%dma_start3A_44 : memref<262144x128xf32, #tpu.memory_space<hbm>>) target(%arg6 : memref<128x128xf32, #tpu.memory_space<vmem>>) offsets(%arg5 : memref<128xi32, #tpu.memory_space<vmem>>) semaphore(%arg7 : memref<!tpu.dma_semaphore, #tpu.memory_space<semaphore_mem>>)
      %dma_wait3A = arith.constant 0 : i32
      %dma_wait3A_45 = arith.constant 0 : i32
      %dma_wait3A_46 = tpu.memref_slice %arg2[%dma_wait3A, %dma_wait3A_45] : memref<262144x128xf32, #tpu.memory_space<hbm>> -> memref<262144x128xf32, #tpu.memory_space<hbm>>
      tpu.wait_indirect_dma semaphore(%arg7 : memref<!tpu.dma_semaphore, #tpu.memory_space<semaphore_mem>>) src(%dma_wait3A_46 : memref<262144x128xf32, #tpu.memory_space<hbm>>) dst(%arg6 : memref<128x128xf32, #tpu.memory_space<vmem>>)
      "tpu.region"() ({
        %run_scoped3A = tpu.sem_alloc : memref<!tpu.dma_semaphore, #tpu.memory_space<semaphore_mem>>
        %dma_start3A_47 = arith.constant 0 : i32
        %dma_start3A_48 = tpu.memref_slice %arg4[%add3A_23, %mul3A_42, %dma_start3A_47] : memref<128x2048x128xf32, #tpu.memory_space<hbm>> -> memref<1x128x128xf32, #tpu.memory_space<hbm>>
        %dma_start3A_49 = tpu.memref_squeeze %dma_start3A_48 : memref<1x128x128xf32, #tpu.memory_space<hbm>> -> memref<128x128xf32, #tpu.memory_space<hbm>>
        %dma_start3A_50 = arith.constant 0 : i32
        %dma_start3A_51 = tpu.memref_slice %arg4[%add3A_23, %mul3A_42, %dma_start3A_50] : memref<128x2048x128xf32, #tpu.memory_space<hbm>> -> memref<1x128x128xf32, #tpu.memory_space<hbm>>
        %dma_start3A_52 = tpu.memref_squeeze %dma_start3A_51 : memref<1x128x128xf32, #tpu.memory_space<hbm>> -> memref<128x128xf32, #tpu.memory_space<hbm>>
        tpu.enqueue_dma source(%arg6 : memref<128x128xf32, #tpu.memory_space<vmem>>) target(%dma_start3A_52 : memref<128x128xf32, #tpu.memory_space<hbm>>) target_semaphore(%run_scoped3A : memref<!tpu.dma_semaphore, #tpu.memory_space<semaphore_mem>>)
        %dma_wait3A_53 = arith.constant 0 : i32
        %dma_wait3A_54 = tpu.memref_slice %arg4[%add3A_23, %mul3A_42, %dma_wait3A_53] : memref<128x2048x128xf32, #tpu.memory_space<hbm>> -> memref<1x128x128xf32, #tpu.memory_space<hbm>>
        %dma_wait3A_55 = tpu.memref_squeeze %dma_wait3A_54 : memref<1x128x128xf32, #tpu.memory_space<hbm>> -> memref<128x128xf32, #tpu.memory_space<hbm>>
        %dma_wait3A_56 = arith.constant 0 : i32
        %dma_wait3A_57 = tpu.memref_slice %arg4[%add3A_23, %mul3A_42, %dma_wait3A_56] : memref<128x2048x128xf32, #tpu.memory_space<hbm>> -> memref<1x128x128xf32, #tpu.memory_space<hbm>>
        %dma_wait3A_58 = tpu.memref_squeeze %dma_wait3A_57 : memref<1x128x128xf32, #tpu.memory_space<hbm>> -> memref<128x128xf32, #tpu.memory_space<hbm>>
        tpu.wait_dma2 semaphore(%run_scoped3A : memref<!tpu.dma_semaphore, #tpu.memory_space<semaphore_mem>>) src(%arg6 : memref<128x128xf32, #tpu.memory_space<vmem>>) dst(%dma_wait3A_58 : memref<128x128xf32, #tpu.memory_space<hbm>>)
        tpu.yield
      }) : () -> ()
    }
    %scan3A_29 = arith.constant 16 : i32
    %mul3A_30 = arith.constant 4 : i32
    %mul3A_31 = arith.muli %add3A, %mul3A_30 : i32
    %add3A_32 = arith.constant 3 : i32
    %add3A_33 = arith.addi %mul3A_31, %add3A_32 : i32
    %scan3A_34 = arith.constant 0 : i32
    %scan3A_35 = arith.constant 0 : i32
    %scan3A_36 = arith.constant 16 : i32
    %scan3A_37 = arith.addi %scan3A_35, %scan3A_36 : i32
    %scan3A_38 = arith.constant 1 : i32
    scf.for %scan3A_40 = %scan3A_35 to %scan3A_37 step %scan3A_38  : i32 {
      %mul3A_41 = arith.constant 128 : i32
      %mul3A_42 = arith.muli %scan3A_40, %mul3A_41 : i32
      "tpu.region"() ({
        %run_scoped3A = tpu.sem_alloc : memref<!tpu.dma_semaphore, #tpu.memory_space<semaphore_mem>>
        %dma_start3A_47 = tpu.memref_slice %arg3[%add3A_33, %mul3A_42] : memref<128x2048xi32, #tpu.memory_space<hbm>> -> memref<1x128xi32, #tpu.memory_space<hbm>>
        %dma_start3A_48 = tpu.memref_squeeze %dma_start3A_47 : memref<1x128xi32, #tpu.memory_space<hbm>> -> memref<128xi32, #tpu.memory_space<hbm>>
        %dma_start3A_49 = tpu.memref_slice %arg3[%add3A_33, %mul3A_42] : memref<128x2048xi32, #tpu.memory_space<hbm>> -> memref<1x128xi32, #tpu.memory_space<hbm>>
        %dma_start3A_50 = tpu.memref_squeeze %dma_start3A_49 : memref<1x128xi32, #tpu.memory_space<hbm>> -> memref<128xi32, #tpu.memory_space<hbm>>
        tpu.enqueue_dma source(%dma_start3A_50 : memref<128xi32, #tpu.memory_space<hbm>>) target(%arg5 : memref<128xi32, #tpu.memory_space<vmem>>) target_semaphore(%run_scoped3A : memref<!tpu.dma_semaphore, #tpu.memory_space<semaphore_mem>>)
        %dma_wait3A_51 = tpu.memref_slice %arg3[%add3A_33, %mul3A_42] : memref<128x2048xi32, #tpu.memory_space<hbm>> -> memref<1x128xi32, #tpu.memory_space<hbm>>
        %dma_wait3A_52 = tpu.memref_squeeze %dma_wait3A_51 : memref<1x128xi32, #tpu.memory_space<hbm>> -> memref<128xi32, #tpu.memory_space<hbm>>
        %dma_wait3A_53 = tpu.memref_slice %arg3[%add3A_33, %mul3A_42] : memref<128x2048xi32, #tpu.memory_space<hbm>> -> memref<1x128xi32, #tpu.memory_space<hbm>>
        %dma_wait3A_54 = tpu.memref_squeeze %dma_wait3A_53 : memref<1x128xi32, #tpu.memory_space<hbm>> -> memref<128xi32, #tpu.memory_space<hbm>>
        tpu.wait_dma2 semaphore(%run_scoped3A : memref<!tpu.dma_semaphore, #tpu.memory_space<semaphore_mem>>) src(%dma_wait3A_54 : memref<128xi32, #tpu.memory_space<hbm>>) dst(%arg5 : memref<128xi32, #tpu.memory_space<vmem>>)
        tpu.yield
      }) : () -> ()
      %dma_start3A = arith.constant 0 : i32
      %dma_start3A_43 = arith.constant 0 : i32
      %dma_start3A_44 = tpu.memref_slice %arg2[%dma_start3A, %dma_start3A_43] : memref<262144x128xf32, #tpu.memory_space<hbm>> -> memref<262144x128xf32, #tpu.memory_space<hbm>>
      tpu.enqueue_indirect_dma source(%dma_start3A_44 : memref<262144x128xf32, #tpu.memory_space<hbm>>) target(%arg6 : memref<128x128xf32, #tpu.memory_space<vmem>>) offsets(%arg5 : memref<128xi32, #tpu.memory_space<vmem>>) semaphore(%arg7 : memref<!tpu.dma_semaphore, #tpu.memory_space<semaphore_mem>>)
      %dma_wait3A = arith.constant 0 : i32
      %dma_wait3A_45 = arith.constant 0 : i32
      %dma_wait3A_46 = tpu.memref_slice %arg2[%dma_wait3A, %dma_wait3A_45] : memref<262144x128xf32, #tpu.memory_space<hbm>> -> memref<262144x128xf32, #tpu.memory_space<hbm>>
      tpu.wait_indirect_dma semaphore(%arg7 : memref<!tpu.dma_semaphore, #tpu.memory_space<semaphore_mem>>) src(%dma_wait3A_46 : memref<262144x128xf32, #tpu.memory_space<hbm>>) dst(%arg6 : memref<128x128xf32, #tpu.memory_space<vmem>>)
      "tpu.region"() ({
        %run_scoped3A = tpu.sem_alloc : memref<!tpu.dma_semaphore, #tpu.memory_space<semaphore_mem>>
        %dma_start3A_47 = arith.constant 0 : i32
        %dma_start3A_48 = tpu.memref_slice %arg4[%add3A_33, %mul3A_42, %dma_start3A_47] : memref<128x2048x128xf32, #tpu.memory_space<hbm>> -> memref<1x128x128xf32, #tpu.memory_space<hbm>>
        %dma_start3A_49 = tpu.memref_squeeze %dma_start3A_48 : memref<1x128x128xf32, #tpu.memory_space<hbm>> -> memref<128x128xf32, #tpu.memory_space<hbm>>
        %dma_start3A_50 = arith.constant 0 : i32
        %dma_start3A_51 = tpu.memref_slice %arg4[%add3A_33, %mul3A_42, %dma_start3A_50] : memref<128x2048x128xf32, #tpu.memory_space<hbm>> -> memref<1x128x128xf32, #tpu.memory_space<hbm>>
        %dma_start3A_52 = tpu.memref_squeeze %dma_start3A_51 : memref<1x128x128xf32, #tpu.memory_space<hbm>> -> memref<128x128xf32, #tpu.memory_space<hbm>>
        tpu.enqueue_dma source(%arg6 : memref<128x128xf32, #tpu.memory_space<vmem>>) target(%dma_start3A_52 : memref<128x128xf32, #tpu.memory_space<hbm>>) target_semaphore(%run_scoped3A : memref<!tpu.dma_semaphore, #tpu.memory_space<semaphore_mem>>)
        %dma_wait3A_53 = arith.constant 0 : i32
        %dma_wait3A_54 = tpu.memref_slice %arg4[%add3A_33, %mul3A_42, %dma_wait3A_53] : memref<128x2048x128xf32, #tpu.memory_space<hbm>> -> memref<1x128x128xf32, #tpu.memory_space<hbm>>
        %dma_wait3A_55 = tpu.memref_squeeze %dma_wait3A_54 : memref<1x128x128xf32, #tpu.memory_space<hbm>> -> memref<128x128xf32, #tpu.memory_space<hbm>>
        %dma_wait3A_56 = arith.constant 0 : i32
        %dma_wait3A_57 = tpu.memref_slice %arg4[%add3A_33, %mul3A_42, %dma_wait3A_56] : memref<128x2048x128xf32, #tpu.memory_space<hbm>> -> memref<1x128x128xf32, #tpu.memory_space<hbm>>
        %dma_wait3A_58 = tpu.memref_squeeze %dma_wait3A_57 : memref<1x128x128xf32, #tpu.memory_space<hbm>> -> memref<128x128xf32, #tpu.memory_space<hbm>>
        tpu.wait_dma2 semaphore(%run_scoped3A : memref<!tpu.dma_semaphore, #tpu.memory_space<semaphore_mem>>) src(%arg6 : memref<128x128xf32, #tpu.memory_space<vmem>>) dst(%dma_wait3A_58 : memref<128x128xf32, #tpu.memory_space<hbm>>)
        tpu.yield
      }) : () -> ()
    }
    %scan3A_39 = arith.constant 16 : i32
    return
  }
}

module attributes {stable_mosaic.version = 14 : i64} {
  func.func @_embed_kernel(%arg0: i32, %arg1: memref<512x24xf32, #tpu.memory_space<vmem>>, %arg2: memref<24x1024xf32, #tpu.memory_space<vmem>>, %arg3: memref<512x1024xf32, #tpu.memory_space<vmem>>, %arg4: memref<512x1024xf32, #tpu.memory_space<vmem>>) attributes {dimension_semantics = [#tpu.dimension_semantics<arbitrary>], iteration_bounds = array<i64: 8>, scalar_prefetch = 0 : i64, scratch_operands = 0 : i64, tpu.core_type = #tpu.core_type<tc>, window_params = [{transform_indices = @transform_0, window_bounds = array<i64: 512, 24>}, {pipeline_mode = #tpu.pipeline_mode<synchronous>, transform_indices = @transform_1, window_bounds = array<i64: 24, 1024>}, {transform_indices = @transform_2, window_bounds = array<i64: 512, 1024>}, {transform_indices = @transform_3, window_bounds = array<i64: 512, 1024>}]} {
    %get3A = arith.constant 0 : index
    %get3A_0 = arith.constant 0 : index
    %get3A_1 = vector.load %arg1[%get3A, %get3A_0] : memref<512x24xf32, #tpu.memory_space<vmem>>, vector<512x24xf32>
    %get3A_2 = arith.constant 0 : index
    %get3A_3 = arith.constant 0 : index
    %get3A_4 = vector.load %arg2[%get3A_2, %get3A_3] : memref<24x1024xf32, #tpu.memory_space<vmem>>, vector<24x1024xf32>
    %dot_general3A = arith.constant dense<0.000000e+00> : vector<512x1024xf32>
    %dot_general3A_5 = tpu.matmul %get3A_1, %get3A_4, %dot_general3A {dimension_numbers = #tpu.dot_dimension_numbers<[1], [0], [0], [1], [0, 0, 1, 1], [], []>, transpose_lhs_hint = false} : vector<512x24xf32>, vector<24x1024xf32>, vector<512x1024xf32> -> vector<512x1024xf32>
    %get3A_6 = arith.constant 0 : index
    %get3A_7 = arith.constant 0 : index
    %get3A_8 = vector.load %arg3[%get3A_6, %get3A_7] : memref<512x1024xf32, #tpu.memory_space<vmem>>, vector<512x1024xf32>
    %add3A = arith.addf %dot_general3A_5, %get3A_8 : vector<512x1024xf32>
    %swap3A = arith.constant 0 : index
    %swap3A_9 = arith.constant 0 : index
    %swap3A_10 = vector.load %arg4[%swap3A, %swap3A_9] : memref<512x1024xf32, #tpu.memory_space<vmem>>, vector<512x1024xf32>
    tpu.vector_store %arg4[%swap3A, %swap3A_9], %add3A {strides = array<i32>} : memref<512x1024xf32, #tpu.memory_space<vmem>>, vector<512x1024xf32>,
    return
  }
  func.func @transform_0(%arg0: i32) -> (i32, i32) {
    %c0_i32 = arith.constant 0 : i32
    %c0_i32_0 = arith.constant 0 : i32
    return %arg0, %c0_i32 : i32, i32
  }
  func.func @transform_1(%arg0: i32) -> (i32, i32) {
    %c0_i32 = arith.constant 0 : i32
    %c0_i32_0 = arith.constant 0 : i32
    %c0_i32_1 = arith.constant 0 : i32
    return %c0_i32, %c0_i32_0 : i32, i32
  }
  func.func @transform_2(%arg0: i32) -> (i32, i32) {
    %c0_i32 = arith.constant 0 : i32
    %c0_i32_0 = arith.constant 0 : i32
    return %arg0, %c0_i32 : i32, i32
  }
  func.func @transform_3(%arg0: i32) -> (i32, i32) {
    %c0_i32 = arith.constant 0 : i32
    %c0_i32_0 = arith.constant 0 : i32
    return %arg0, %c0_i32 : i32, i32
  }
}

module attributes {stable_mosaic.version = 14 : i64} {
  func.func @_qkv_kernel(%arg0: i32, %arg1: memref<512x1024xf32, #tpu.memory_space<vmem>>, %arg2: memref<1024x1024xf32, #tpu.memory_space<vmem>>, %arg3: memref<1024x1024xf32, #tpu.memory_space<vmem>>, %arg4: memref<512x1024xf32, #tpu.memory_space<vmem>>, %arg5: memref<512x1024xf32, #tpu.memory_space<vmem>>) attributes {dimension_semantics = [#tpu.dimension_semantics<arbitrary>], iteration_bounds = array<i64: 8>, scalar_prefetch = 0 : i64, scratch_operands = 0 : i64, tpu.core_type = #tpu.core_type<tc>, window_params = [{transform_indices = @transform_0, window_bounds = array<i64: 512, 1024>}, {pipeline_mode = #tpu.pipeline_mode<synchronous>, transform_indices = @transform_1, window_bounds = array<i64: 1024, 1024>}, {pipeline_mode = #tpu.pipeline_mode<synchronous>, transform_indices = @transform_2, window_bounds = array<i64: 1024, 1024>}, {transform_indices = @transform_3, window_bounds = array<i64: 512, 1024>}, {transform_indices = @transform_4, window_bounds = array<i64: 512, 1024>}]} {
    %get3A = arith.constant 0 : index
    %get3A_0 = arith.constant 0 : index
    %get3A_1 = vector.load %arg1[%get3A, %get3A_0] : memref<512x1024xf32, #tpu.memory_space<vmem>>, vector<512x1024xf32>
    %get3A_2 = arith.constant 0 : index
    %get3A_3 = arith.constant 0 : index
    %get3A_4 = vector.load %arg2[%get3A_2, %get3A_3] : memref<1024x1024xf32, #tpu.memory_space<vmem>>, vector<1024x1024xf32>
    %dot_general3A = arith.constant dense<0.000000e+00> : vector<512x1024xf32>
    %dot_general3A_5 = tpu.matmul %get3A_1, %get3A_4, %dot_general3A {dimension_numbers = #tpu.dot_dimension_numbers<[1], [0], [0], [1], [0, 0, 1, 1], [], []>, transpose_lhs_hint = false} : vector<512x1024xf32>, vector<1024x1024xf32>, vector<512x1024xf32> -> vector<512x1024xf32>
    %swap3A = arith.constant 0 : index
    %swap3A_6 = arith.constant 0 : index
    %swap3A_7 = vector.load %arg4[%swap3A, %swap3A_6] : memref<512x1024xf32, #tpu.memory_space<vmem>>, vector<512x1024xf32>
    tpu.vector_store %arg4[%swap3A, %swap3A_6], %dot_general3A_5 {strides = array<i32>} : memref<512x1024xf32, #tpu.memory_space<vmem>>, vector<512x1024xf32>,
    %get3A_8 = arith.constant 0 : index
    %get3A_9 = arith.constant 0 : index
    %get3A_10 = vector.load %arg3[%get3A_8, %get3A_9] : memref<1024x1024xf32, #tpu.memory_space<vmem>>, vector<1024x1024xf32>
    %dot_general3A_11 = arith.constant dense<0.000000e+00> : vector<512x1024xf32>
    %dot_general3A_12 = tpu.matmul %get3A_1, %get3A_10, %dot_general3A_11 {dimension_numbers = #tpu.dot_dimension_numbers<[1], [0], [0], [1], [0, 0, 1, 1], [], []>, transpose_lhs_hint = false} : vector<512x1024xf32>, vector<1024x1024xf32>, vector<512x1024xf32> -> vector<512x1024xf32>
    %swap3A_13 = arith.constant 0 : index
    %swap3A_14 = arith.constant 0 : index
    %swap3A_15 = vector.load %arg5[%swap3A_13, %swap3A_14] : memref<512x1024xf32, #tpu.memory_space<vmem>>, vector<512x1024xf32>
    tpu.vector_store %arg5[%swap3A_13, %swap3A_14], %dot_general3A_12 {strides = array<i32>} : memref<512x1024xf32, #tpu.memory_space<vmem>>, vector<512x1024xf32>,
    return
  }
  func.func @transform_0(%arg0: i32) -> (i32, i32) {
    %c0_i32 = arith.constant 0 : i32
    %c0_i32_0 = arith.constant 0 : i32
    return %arg0, %c0_i32 : i32, i32
  }
  func.func @transform_1(%arg0: i32) -> (i32, i32) {
    %c0_i32 = arith.constant 0 : i32
    %c0_i32_0 = arith.constant 0 : i32
    %c0_i32_1 = arith.constant 0 : i32
    return %c0_i32, %c0_i32_0 : i32, i32
  }
  func.func @transform_2(%arg0: i32) -> (i32, i32) {
    %c0_i32 = arith.constant 0 : i32
    %c0_i32_0 = arith.constant 0 : i32
    %c0_i32_1 = arith.constant 0 : i32
    return %c0_i32, %c0_i32_0 : i32, i32
  }
  func.func @transform_3(%arg0: i32) -> (i32, i32) {
    %c0_i32 = arith.constant 0 : i32
    %c0_i32_0 = arith.constant 0 : i32
    return %arg0, %c0_i32 : i32, i32
  }
  func.func @transform_4(%arg0: i32) -> (i32, i32) {
    %c0_i32 = arith.constant 0 : i32
    %c0_i32_0 = arith.constant 0 : i32
    return %arg0, %c0_i32 : i32, i32
  }
}

module attributes {stable_mosaic.version = 14 : i64} {
  func.func @_battn_kernel(%arg0: i32, %arg1: i32, %arg2: i32, %arg3: memref<1x1x256x128xf32, #tpu.memory_space<vmem>>, %arg4: memref<1x1x2080x128xf32, #tpu.memory_space<vmem>>, %arg5: memref<1x1x256x1xi32, #tpu.memory_space<vmem>>, %arg6: memref<1x1x1x2080xi32, #tpu.memory_space<vmem>>, %arg7: memref<1x1x256x128xf32, #tpu.memory_space<vmem>>) attributes {dimension_semantics = [#tpu.dimension_semantics<arbitrary>, #tpu.dimension_semantics<arbitrary>, #tpu.dimension_semantics<arbitrary>], iteration_bounds = array<i64: 32, 4, 8>, scalar_prefetch = 0 : i64, scratch_operands = 0 : i64, tpu.core_type = #tpu.core_type<tc>, window_params = [{transform_indices = @transform_0, window_bounds = array<i64: 1, 1, 256, 128>}, {transform_indices = @transform_1, window_bounds = array<i64: 1, 1, 2080, 128>}, {transform_indices = @transform_2, window_bounds = array<i64: 1, 1, 256, 1>}, {transform_indices = @transform_3, window_bounds = array<i64: 1, 1, 1, 2080>}, {transform_indices = @transform_4, window_bounds = array<i64: 1, 1, 256, 128>}]} {
    %mul3A = arith.constant 256 : i32
    %mul3A_0 = arith.muli %arg2, %mul3A : i32
    %get3A = arith.constant 0 : index
    %get3A_1 = arith.constant 0 : index
    %get3A_2 = arith.constant 0 : index
    %get3A_3 = arith.constant 0 : index
    %get3A_4 = vector.load %arg3[%get3A, %get3A_1, %get3A_2, %get3A_3] : memref<1x1x256x128xf32, #tpu.memory_space<vmem>>, vector<1x1x256x128xf32>
    %get3A_5 = vector.shape_cast %get3A_4 : vector<1x1x256x128xf32> to vector<256x128xf32>
    %slice3A = vector.extract_strided_slice %get3A_5 {offsets = [0, 0], sizes = [256, 64], strides = [1, 1]} : vector<256x128xf32> to vector<256x64xf32>
    %get3A_6 = arith.constant 0 : index
    %get3A_7 = arith.constant 0 : index
    %get3A_8 = arith.index_cast %mul3A_0 : i32 to index
    %get3A_9 = arith.constant 0 : index
    %get3A_10 = vector.load %arg4[%get3A_6, %get3A_7, %get3A_8, %get3A_9] : memref<1x1x2080x128xf32, #tpu.memory_space<vmem>>, vector<1x1x288x128xf32>
    %get3A_11 = vector.shape_cast %get3A_10 : vector<1x1x288x128xf32> to vector<288x128xf32>
    %slice3A_12 = vector.extract_strided_slice %get3A_11 {offsets = [0, 0], sizes = [288, 64], strides = [1, 1]} : vector<288x128xf32> to vector<288x64xf32>
    %slice3A_13 = vector.extract_strided_slice %get3A_11 {offsets = [0, 64], sizes = [288, 64], strides = [1, 1]} : vector<288x128xf32> to vector<288x64xf32>
    %get3A_14 = arith.constant 0 : index
    %get3A_15 = arith.constant 0 : index
    %get3A_16 = arith.constant 0 : index
    %get3A_17 = arith.constant 0 : index
    %get3A_18 = vector.load %arg5[%get3A_14, %get3A_15, %get3A_16, %get3A_17] : memref<1x1x256x1xi32, #tpu.memory_space<vmem>>, vector<1x1x256x1xi32>
    %get3A_19 = vector.shape_cast %get3A_18 : vector<1x1x256x1xi32> to vector<256x1xi32>
    %get3A_20 = arith.constant 0 : index
    %get3A_21 = arith.constant 0 : index
    %get3A_22 = arith.constant 0 : index
    %get3A_23 = arith.index_cast %mul3A_0 : i32 to index
    %get3A_24 = vector.load %arg6[%get3A_20, %get3A_21, %get3A_22, %get3A_23] : memref<1x1x1x2080xi32, #tpu.memory_space<vmem>>, vector<1x1x1x288xi32>
    %get3A_25 = vector.shape_cast %get3A_24 : vector<1x1x1x288xi32> to vector<1x288xi32>
    %mul3A_26 = arith.mulf %slice3A_12, %slice3A_12 : vector<288x64xf32>
    %reduce_sum3A = arith.constant dense<0.000000e+00> : vector<288xf32>
    %reduce_sum3A_27 = vector.multi_reduction <add>, %mul3A_26, %reduce_sum3A [1] : vector<288x64xf32> to vector<288xf32>
    %broadcast_in_dim3A = vector.shape_cast %reduce_sum3A_27 : vector<288xf32> to vector<288x1xf32>
    %sqrt3A = math.sqrt %broadcast_in_dim3A : vector<288x1xf32>
    %max3A = arith.constant 9.99999996E-13 : f32
    %max3A_28 = vector.broadcast %max3A : f32 to vector<288x1xf32>
    %max3A_29 = arith.maximumf %sqrt3A, %max3A_28 : vector<288x1xf32>
    %div3A = vector.broadcast %max3A_29 : vector<288x1xf32> to vector<288x64xf32>
    %div3A_30 = arith.divf %slice3A_12, %div3A : vector<288x64xf32>
    %dot_general3A = arith.constant dense<0.000000e+00> : vector<256x288xf32>
    %dot_general3A_31 = tpu.matmul %slice3A, %div3A_30, %dot_general3A {dimension_numbers = #tpu.dot_dimension_numbers<[1], [1], [0], [0], [0, 0, 1, 0], [], []>, transpose_lhs_hint = false} : vector<256x64xf32>, vector<288x64xf32>, vector<256x288xf32> -> vector<256x288xf32>
    %mul3A_32 = arith.constant 1.250000e-01 : f32
    %mul3A_33 = vector.broadcast %mul3A_32 : f32 to vector<256x288xf32>
    %mul3A_34 = arith.mulf %dot_general3A_31, %mul3A_33 : vector<256x288xf32>
    %iota3A = tpu.iota {dimensions = array<i32: 0>} : vector<256x288xi32>
    %jit3A = arith.constant 32 : i32
    %div3A_35 = vector.broadcast %jit3A : i32 to vector<256x288xi32>
    %div3A_36 = arith.divsi %iota3A, %div3A_35 : vector<256x288xi32>
    %sign3A = arith.constant 0 : i32
    %sign3A_37 = vector.broadcast %sign3A : i32 to vector<256x288xi32>
    %sign3A_38 = arith.cmpi sgt, %iota3A, %sign3A_37 : vector<256x288xi32>
    %sign3A_39 = arith.extui %sign3A_38 : vector<256x288xi1> to vector<256x288xi32>
    %sign3A_40 = arith.constant 0 : i32
    %sign3A_41 = vector.broadcast %sign3A_40 : i32 to vector<256x288xi32>
    %sign3A_42 = arith.cmpi slt, %iota3A, %sign3A_41 : vector<256x288xi32>
    %sign3A_43 = arith.extui %sign3A_42 : vector<256x288xi1> to vector<256x288xi32>
    %sign3A_44 = arith.subi %sign3A_39, %sign3A_43 : vector<256x288xi32>
    %sign3A_45 = arith.constant 0 : i32
    %sign3A_46 = arith.cmpi sgt, %jit3A, %sign3A_45 : i32
    %sign3A_47 = arith.extui %sign3A_46 : i1 to i32
    %sign3A_48 = arith.constant 0 : i32
    %sign3A_49 = arith.cmpi slt, %jit3A, %sign3A_48 : i32
    %sign3A_50 = arith.extui %sign3A_49 : i1 to i32
    %sign3A_51 = arith.subi %sign3A_47, %sign3A_50 : i32
    %ne3A = vector.broadcast %sign3A_51 : i32 to vector<256x288xi32>
    %ne3A_52 = arith.cmpi ne, %sign3A_44, %ne3A : vector<256x288xi32>
    %rem3A = vector.broadcast %jit3A : i32 to vector<256x288xi32>
    %rem3A_53 = arith.remsi %iota3A, %rem3A : vector<256x288xi32>
    %ne3A_54 = arith.constant 0 : i32
    %ne3A_55 = vector.broadcast %ne3A_54 : i32 to vector<256x288xi32>
    %ne3A_56 = arith.cmpi ne, %rem3A_53, %ne3A_55 : vector<256x288xi32>
    %and3A = arith.andi %ne3A_52, %ne3A_56 : vector<256x288xi1>
    %sub3A = arith.constant 1 : i32
    %sub3A_57 = vector.broadcast %sub3A : i32 to vector<256x288xi32>
    %sub3A_58 = arith.subi %div3A_36, %sub3A_57 : vector<256x288xi32>
    %select_n3A = arith.select %and3A, %sub3A_58, %div3A_36 : vector<256x288xi1>, vector<256x288xi32>
    %iota3A_59 = tpu.iota {dimensions = array<i32: 1>} : vector<256x288xi32>
    %jit3A_60 = arith.constant 32 : i32
    %div3A_61 = vector.broadcast %jit3A_60 : i32 to vector<256x288xi32>
    %div3A_62 = arith.divsi %iota3A_59, %div3A_61 : vector<256x288xi32>
    %sign3A_63 = arith.constant 0 : i32
    %sign3A_64 = vector.broadcast %sign3A_63 : i32 to vector<256x288xi32>
    %sign3A_65 = arith.cmpi sgt, %iota3A_59, %sign3A_64 : vector<256x288xi32>
    %sign3A_66 = arith.extui %sign3A_65 : vector<256x288xi1> to vector<256x288xi32>
    %sign3A_67 = arith.constant 0 : i32
    %sign3A_68 = vector.broadcast %sign3A_67 : i32 to vector<256x288xi32>
    %sign3A_69 = arith.cmpi slt, %iota3A_59, %sign3A_68 : vector<256x288xi32>
    %sign3A_70 = arith.extui %sign3A_69 : vector<256x288xi1> to vector<256x288xi32>
    %sign3A_71 = arith.subi %sign3A_66, %sign3A_70 : vector<256x288xi32>
    %sign3A_72 = arith.constant 0 : i32
    %sign3A_73 = arith.cmpi sgt, %jit3A_60, %sign3A_72 : i32
    %sign3A_74 = arith.extui %sign3A_73 : i1 to i32
    %sign3A_75 = arith.constant 0 : i32
    %sign3A_76 = arith.cmpi slt, %jit3A_60, %sign3A_75 : i32
    %sign3A_77 = arith.extui %sign3A_76 : i1 to i32
    %sign3A_78 = arith.subi %sign3A_74, %sign3A_77 : i32
    %ne3A_79 = vector.broadcast %sign3A_78 : i32 to vector<256x288xi32>
    %ne3A_80 = arith.cmpi ne, %sign3A_71, %ne3A_79 : vector<256x288xi32>
    %rem3A_81 = vector.broadcast %jit3A_60 : i32 to vector<256x288xi32>
    %rem3A_82 = arith.remsi %iota3A_59, %rem3A_81 : vector<256x288xi32>
    %ne3A_83 = arith.constant 0 : i32
    %ne3A_84 = vector.broadcast %ne3A_83 : i32 to vector<256x288xi32>
    %ne3A_85 = arith.cmpi ne, %rem3A_82, %ne3A_84 : vector<256x288xi32>
    %and3A_86 = arith.andi %ne3A_80, %ne3A_85 : vector<256x288xi1>
    %sub3A_87 = arith.constant 1 : i32
    %sub3A_88 = vector.broadcast %sub3A_87 : i32 to vector<256x288xi32>
    %sub3A_89 = arith.subi %div3A_62, %sub3A_88 : vector<256x288xi32>
    %select_n3A_90 = arith.select %and3A_86, %sub3A_89, %div3A_62 : vector<256x288xi1>, vector<256x288xi32>
    %eq3A = arith.cmpi eq, %select_n3A_90, %select_n3A : vector<256x288xi32>
    %add3A = arith.constant 1 : i32
    %add3A_91 = vector.broadcast %add3A : i32 to vector<256x288xi32>
    %add3A_92 = arith.addi %select_n3A, %add3A_91 : vector<256x288xi32>
    %eq3A_93 = arith.cmpi eq, %select_n3A_90, %add3A_92 : vector<256x288xi32>
    %or3A = arith.ori %eq3A, %eq3A_93 : vector<256x288xi1>
    %eq3A_94 = vector.broadcast %get3A_19 : vector<256x1xi32> to vector<256x288xi32>
    %eq3A_95 = vector.broadcast %get3A_25 : vector<1x288xi32> to vector<256x288xi32>
    %eq3A_96 = arith.cmpi eq, %eq3A_94, %eq3A_95 : vector<256x288xi32>
    %jit3A_97 = arith.constant -5.000000e+04 : f32
    %broadcast_in_dim3A_98 = vector.broadcast %jit3A_97 : f32 to vector<256x288xf32>
    %select_n3A_99 = arith.select %eq3A_96, %broadcast_in_dim3A_98, %mul3A_34 : vector<256x288xi1>, vector<256x288xf32>
    %jit3A_100 = arith.constant -1.000000e+09 : f32
    %broadcast_in_dim3A_101 = vector.broadcast %jit3A_100 : f32 to vector<256x288xf32>
    %select_n3A_102 = arith.select %or3A, %select_n3A_99, %broadcast_in_dim3A_101 : vector<256x288xi1>, vector<256x288xf32>
    %reduce_max3A = arith.constant dense<0xFF800000> : vector<256xf32>
    %reduce_max3A_103 = vector.multi_reduction <maximumf>, %select_n3A_102, %reduce_max3A [1] : vector<256x288xf32> to vector<256xf32>
    %broadcast_in_dim3A_104 = vector.shape_cast %reduce_max3A_103 : vector<256xf32> to vector<256x1xf32>
    %sub3A_105 = vector.broadcast %broadcast_in_dim3A_104 : vector<256x1xf32> to vector<256x288xf32>
    %sub3A_106 = arith.subf %select_n3A_102, %sub3A_105 : vector<256x288xf32>
    %exp3A = math.exp %sub3A_106 : vector<256x288xf32>
    %reduce_sum3A_107 = arith.constant dense<0.000000e+00> : vector<256xf32>
    %reduce_sum3A_108 = vector.multi_reduction <add>, %exp3A, %reduce_sum3A_107 [1] : vector<256x288xf32> to vector<256xf32>
    %broadcast_in_dim3A_109 = vector.shape_cast %reduce_sum3A_108 : vector<256xf32> to vector<256x1xf32>
    %dot_general3A_110 = arith.constant dense<0.000000e+00> : vector<256x64xf32>
    %dot_general3A_111 = tpu.matmul %exp3A, %slice3A_13, %dot_general3A_110 {dimension_numbers = #tpu.dot_dimension_numbers<[1], [0], [0], [1], [0, 0, 1, 1], [], []>, transpose_lhs_hint = false} : vector<256x288xf32>, vector<288x64xf32>, vector<256x64xf32> -> vector<256x64xf32>
    %div3A_112 = vector.broadcast %broadcast_in_dim3A_109 : vector<256x1xf32> to vector<256x64xf32>
    %div3A_113 = arith.divf %dot_general3A_111, %div3A_112 : vector<256x64xf32>
    %log3A = math.log %broadcast_in_dim3A_109 : vector<256x1xf32>
    %add3A_114 = arith.addf %broadcast_in_dim3A_104, %log3A : vector<256x1xf32>
    %broadcast_in_dim3A_115 = arith.constant 0.000000e+00 : f32
    %broadcast_in_dim3A_116 = vector.broadcast %broadcast_in_dim3A_115 : f32 to vector<256x63xf32>
    %concatenate3A = tpu.concatenate %div3A_113, %add3A_114, %broadcast_in_dim3A_116 in 1 : vector<256x64xf32>, vector<256x1xf32>, vector<256x63xf32> -> vector<256x128xf32>
    %swap3A = arith.constant 0 : index
    %swap3A_117 = arith.constant 0 : index
    %swap3A_118 = arith.constant 0 : index
    %swap3A_119 = arith.constant 0 : index
    %swap3A_120 = vector.load %arg7[%swap3A, %swap3A_117, %swap3A_118, %swap3A_119] : memref<1x1x256x128xf32, #tpu.memory_space<vmem>>, vector<1x1x256x128xf32>
    %swap3A_121 = vector.shape_cast %swap3A_120 : vector<1x1x256x128xf32> to vector<256x128xf32>
    %swap3A_122 = vector.shape_cast %concatenate3A : vector<256x128xf32> to vector<1x1x256x128xf32>
    tpu.vector_store %arg7[%swap3A, %swap3A_117, %swap3A_118, %swap3A_119], %swap3A_122 {strides = array<i32>} : memref<1x1x256x128xf32, #tpu.memory_space<vmem>>, vector<1x1x256x128xf32>,
    return
  }
  func.func @transform_0(%arg0: i32, %arg1: i32, %arg2: i32) -> (i32, i32, i32, i32) {
    %c0_i32 = arith.constant 0 : i32
    %c0_i32_0 = arith.constant 0 : i32
    return %arg0, %arg1, %arg2, %c0_i32 : i32, i32, i32, i32
  }
  func.func @transform_1(%arg0: i32, %arg1: i32, %arg2: i32) -> (i32, i32, i32, i32) {
    %c0_i32 = arith.constant 0 : i32
    %c0_i32_0 = arith.constant 0 : i32
    %c0_i32_1 = arith.constant 0 : i32
    return %arg0, %arg1, %c0_i32, %c0_i32_0 : i32, i32, i32, i32
  }
  func.func @transform_2(%arg0: i32, %arg1: i32, %arg2: i32) -> (i32, i32, i32, i32) {
    %c0_i32 = arith.constant 0 : i32
    %c0_i32_0 = arith.constant 0 : i32
    return %arg0, %arg1, %arg2, %c0_i32 : i32, i32, i32, i32
  }
  func.func @transform_3(%arg0: i32, %arg1: i32, %arg2: i32) -> (i32, i32, i32, i32) {
    %c0_i32 = arith.constant 0 : i32
    %c0_i32_0 = arith.constant 0 : i32
    %c0_i32_1 = arith.constant 0 : i32
    return %arg0, %arg1, %c0_i32, %c0_i32_0 : i32, i32, i32, i32
  }
  func.func @transform_4(%arg0: i32, %arg1: i32, %arg2: i32) -> (i32, i32, i32, i32) {
    %c0_i32 = arith.constant 0 : i32
    %c0_i32_0 = arith.constant 0 : i32
    return %arg0, %arg1, %arg2, %c0_i32 : i32, i32, i32, i32
  }
}

module attributes {stable_mosaic.version = 14 : i64} {
  func.func @_outln_kernel(%arg0: i32, %arg1: memref<512x1024xf32, #tpu.memory_space<vmem>>, %arg2: memref<1024x1024xf32, #tpu.memory_space<vmem>>, %arg3: memref<1024xf32, #tpu.memory_space<vmem>>, %arg4: memref<512x1024xf32, #tpu.memory_space<vmem>>, %arg5: memref<1024xf32, #tpu.memory_space<vmem>>, %arg6: memref<1024xf32, #tpu.memory_space<vmem>>, %arg7: memref<512x1024xf32, #tpu.memory_space<vmem>>) attributes {dimension_semantics = [#tpu.dimension_semantics<arbitrary>], iteration_bounds = array<i64: 8>, scalar_prefetch = 0 : i64, scratch_operands = 0 : i64, tpu.core_type = #tpu.core_type<tc>, window_params = [{transform_indices = @transform_0, window_bounds = array<i64: 512, 1024>}, {pipeline_mode = #tpu.pipeline_mode<synchronous>, transform_indices = @transform_1, window_bounds = array<i64: 1024, 1024>}, {pipeline_mode = #tpu.pipeline_mode<synchronous>, transform_indices = @transform_2, window_bounds = array<i64: 1024>}, {transform_indices = @transform_3, window_bounds = array<i64: 512, 1024>}, {pipeline_mode = #tpu.pipeline_mode<synchronous>, transform_indices = @transform_4, window_bounds = array<i64: 1024>}, {pipeline_mode = #tpu.pipeline_mode<synchronous>, transform_indices = @transform_5, window_bounds = array<i64: 1024>}, {transform_indices = @transform_6, window_bounds = array<i64: 512, 1024>}]} {
    %get3A = arith.constant 0 : index
    %get3A_0 = arith.constant 0 : index
    %get3A_1 = vector.load %arg1[%get3A, %get3A_0] : memref<512x1024xf32, #tpu.memory_space<vmem>>, vector<512x1024xf32>
    %get3A_2 = arith.constant 0 : index
    %get3A_3 = arith.constant 0 : index
    %get3A_4 = vector.load %arg2[%get3A_2, %get3A_3] : memref<1024x1024xf32, #tpu.memory_space<vmem>>, vector<1024x1024xf32>
    %dot_general3A = arith.constant dense<0.000000e+00> : vector<512x1024xf32>
    %dot_general3A_5 = tpu.matmul %get3A_1, %get3A_4, %dot_general3A {dimension_numbers = #tpu.dot_dimension_numbers<[1], [0], [0], [1], [0, 0, 1, 1], [], []>, transpose_lhs_hint = false} : vector<512x1024xf32>, vector<1024x1024xf32>, vector<512x1024xf32> -> vector<512x1024xf32>
    %get3A_6 = arith.constant 0 : index
    %get3A_7 = vector.load %arg3[%get3A_6] : memref<1024xf32, #tpu.memory_space<vmem>>, vector<1024xf32>
    %broadcast_in_dim3A = vector.shape_cast %get3A_7 : vector<1024xf32> to vector<1x1024xf32>
    %add3A = vector.broadcast %broadcast_in_dim3A : vector<1x1024xf32> to vector<512x1024xf32>
    %add3A_8 = arith.addf %dot_general3A_5, %add3A : vector<512x1024xf32>
    %get3A_9 = arith.constant 0 : index
    %get3A_10 = arith.constant 0 : index
    %get3A_11 = vector.load %arg4[%get3A_9, %get3A_10] : memref<512x1024xf32, #tpu.memory_space<vmem>>, vector<512x1024xf32>
    %add3A_12 = arith.addf %add3A_8, %get3A_11 : vector<512x1024xf32>
    %reduce_sum3A = arith.constant dense<0.000000e+00> : vector<512xf32>
    %reduce_sum3A_13 = vector.multi_reduction <add>, %add3A_12, %reduce_sum3A [1] : vector<512x1024xf32> to vector<512xf32>
    %broadcast_in_dim3A_14 = vector.shape_cast %reduce_sum3A_13 : vector<512xf32> to vector<512x1xf32>
    %div3A = arith.constant 1.024000e+03 : f32
    %div3A_15 = vector.broadcast %div3A : f32 to vector<512x1xf32>
    %div3A_16 = arith.divf %broadcast_in_dim3A_14, %div3A_15 : vector<512x1xf32>
    %sub3A = vector.broadcast %div3A_16 : vector<512x1xf32> to vector<512x1024xf32>
    %sub3A_17 = arith.subf %add3A_12, %sub3A : vector<512x1024xf32>
    %integer_pow3A = arith.mulf %sub3A_17, %sub3A_17 : vector<512x1024xf32>
    %reduce_sum3A_18 = arith.constant dense<0.000000e+00> : vector<512xf32>
    %reduce_sum3A_19 = vector.multi_reduction <add>, %integer_pow3A, %reduce_sum3A_18 [1] : vector<512x1024xf32> to vector<512xf32>
    %broadcast_in_dim3A_20 = vector.shape_cast %reduce_sum3A_19 : vector<512xf32> to vector<512x1xf32>
    %div3A_21 = arith.constant 1.024000e+03 : f32
    %div3A_22 = vector.broadcast %div3A_21 : f32 to vector<512x1xf32>
    %div3A_23 = arith.divf %broadcast_in_dim3A_20, %div3A_22 : vector<512x1xf32>
    %sub3A_24 = vector.broadcast %div3A_16 : vector<512x1xf32> to vector<512x1024xf32>
    %sub3A_25 = arith.subf %add3A_12, %sub3A_24 : vector<512x1024xf32>
    %add3A_26 = arith.constant 9.99999974E-6 : f32
    %add3A_27 = vector.broadcast %add3A_26 : f32 to vector<512x1xf32>
    %add3A_28 = arith.addf %div3A_23, %add3A_27 : vector<512x1xf32>
    %sqrt3A = math.sqrt %add3A_28 : vector<512x1xf32>
    %div3A_29 = vector.broadcast %sqrt3A : vector<512x1xf32> to vector<512x1024xf32>
    %div3A_30 = arith.divf %sub3A_25, %div3A_29 : vector<512x1024xf32>
    %get3A_31 = arith.constant 0 : index
    %get3A_32 = vector.load %arg5[%get3A_31] : memref<1024xf32, #tpu.memory_space<vmem>>, vector<1024xf32>
    %broadcast_in_dim3A_33 = vector.shape_cast %get3A_32 : vector<1024xf32> to vector<1x1024xf32>
    %mul3A = vector.broadcast %broadcast_in_dim3A_33 : vector<1x1024xf32> to vector<512x1024xf32>
    %mul3A_34 = arith.mulf %div3A_30, %mul3A : vector<512x1024xf32>
    %get3A_35 = arith.constant 0 : index
    %get3A_36 = vector.load %arg6[%get3A_35] : memref<1024xf32, #tpu.memory_space<vmem>>, vector<1024xf32>
    %broadcast_in_dim3A_37 = vector.shape_cast %get3A_36 : vector<1024xf32> to vector<1x1024xf32>
    %add3A_38 = vector.broadcast %broadcast_in_dim3A_37 : vector<1x1024xf32> to vector<512x1024xf32>
    %add3A_39 = arith.addf %mul3A_34, %add3A_38 : vector<512x1024xf32>
    %swap3A = arith.constant 0 : index
    %swap3A_40 = arith.constant 0 : index
    %swap3A_41 = vector.load %arg7[%swap3A, %swap3A_40] : memref<512x1024xf32, #tpu.memory_space<vmem>>, vector<512x1024xf32>
    tpu.vector_store %arg7[%swap3A, %swap3A_40], %add3A_39 {strides = array<i32>} : memref<512x1024xf32, #tpu.memory_space<vmem>>, vector<512x1024xf32>,
    return
  }
  func.func @transform_0(%arg0: i32) -> (i32, i32) {
    %c0_i32 = arith.constant 0 : i32
    %c0_i32_0 = arith.constant 0 : i32
    return %arg0, %c0_i32 : i32, i32
  }
  func.func @transform_1(%arg0: i32) -> (i32, i32) {
    %c0_i32 = arith.constant 0 : i32
    %c0_i32_0 = arith.constant 0 : i32
    %c0_i32_1 = arith.constant 0 : i32
    return %c0_i32, %c0_i32_0 : i32, i32
  }
  func.func @transform_2(%arg0: i32) -> i32 {
    %c0_i32 = arith.constant 0 : i32
    %c0_i32_0 = arith.constant 0 : i32
    return %c0_i32 : i32
  }
  func.func @transform_3(%arg0: i32) -> (i32, i32) {
    %c0_i32 = arith.constant 0 : i32
    %c0_i32_0 = arith.constant 0 : i32
    return %arg0, %c0_i32 : i32, i32
  }
  func.func @transform_4(%arg0: i32) -> i32 {
    %c0_i32 = arith.constant 0 : i32
    %c0_i32_0 = arith.constant 0 : i32
    return %c0_i32 : i32
  }
  func.func @transform_5(%arg0: i32) -> i32 {
    %c0_i32 = arith.constant 0 : i32
    %c0_i32_0 = arith.constant 0 : i32
    return %c0_i32 : i32
  }
  func.func @transform_6(%arg0: i32) -> (i32, i32) {
    %c0_i32 = arith.constant 0 : i32
    %c0_i32_0 = arith.constant 0 : i32
    return %arg0, %c0_i32 : i32, i32
  }
}

module attributes {stable_mosaic.version = 14 : i64} {
  func.func @_ffn_kernel(%arg0: i32, %arg1: memref<512x1024xf32, #tpu.memory_space<vmem>>, %arg2: memref<1024x2048xf32, #tpu.memory_space<vmem>>, %arg3: memref<2048xf32, #tpu.memory_space<vmem>>, %arg4: memref<2048x1024xf32, #tpu.memory_space<vmem>>, %arg5: memref<1024xf32, #tpu.memory_space<vmem>>, %arg6: memref<1024xf32, #tpu.memory_space<vmem>>, %arg7: memref<1024xf32, #tpu.memory_space<vmem>>, %arg8: memref<512x1024xf32, #tpu.memory_space<vmem>>) attributes {dimension_semantics = [#tpu.dimension_semantics<arbitrary>], iteration_bounds = array<i64: 8>, scalar_prefetch = 0 : i64, scratch_operands = 0 : i64, tpu.core_type = #tpu.core_type<tc>, window_params = [{transform_indices = @transform_0, window_bounds = array<i64: 512, 1024>}, {pipeline_mode = #tpu.pipeline_mode<synchronous>, transform_indices = @transform_1, window_bounds = array<i64: 1024, 2048>}, {pipeline_mode = #tpu.pipeline_mode<synchronous>, transform_indices = @transform_2, window_bounds = array<i64: 2048>}, {pipeline_mode = #tpu.pipeline_mode<synchronous>, transform_indices = @transform_3, window_bounds = array<i64: 2048, 1024>}, {pipeline_mode = #tpu.pipeline_mode<synchronous>, transform_indices = @transform_4, window_bounds = array<i64: 1024>}, {pipeline_mode = #tpu.pipeline_mode<synchronous>, transform_indices = @transform_5, window_bounds = array<i64: 1024>}, {pipeline_mode = #tpu.pipeline_mode<synchronous>, transform_indices = @transform_6, window_bounds = array<i64: 1024>}, {transform_indices = @transform_7, window_bounds = array<i64: 512, 1024>}]} {
    %get3A = arith.constant 0 : index
    %get3A_0 = arith.constant 0 : index
    %get3A_1 = vector.load %arg1[%get3A, %get3A_0] : memref<512x1024xf32, #tpu.memory_space<vmem>>, vector<512x1024xf32>
    %get3A_2 = arith.constant 0 : index
    %get3A_3 = arith.constant 0 : index
    %get3A_4 = vector.load %arg2[%get3A_2, %get3A_3] : memref<1024x2048xf32, #tpu.memory_space<vmem>>, vector<1024x2048xf32>
    %dot_general3A = arith.constant dense<0.000000e+00> : vector<512x2048xf32>
    %dot_general3A_5 = tpu.matmul %get3A_1, %get3A_4, %dot_general3A {dimension_numbers = #tpu.dot_dimension_numbers<[1], [0], [0], [1], [0, 0, 1, 1], [], []>, transpose_lhs_hint = false} : vector<512x1024xf32>, vector<1024x2048xf32>, vector<512x2048xf32> -> vector<512x2048xf32>
    %get3A_6 = arith.constant 0 : index
    %get3A_7 = vector.load %arg3[%get3A_6] : memref<2048xf32, #tpu.memory_space<vmem>>, vector<2048xf32>
    %broadcast_in_dim3A = vector.shape_cast %get3A_7 : vector<2048xf32> to vector<1x2048xf32>
    %add3A = vector.broadcast %broadcast_in_dim3A : vector<1x2048xf32> to vector<512x2048xf32>
    %add3A_8 = arith.addf %dot_general3A_5, %add3A : vector<512x2048xf32>
    %mul3A = arith.constant 5.000000e-01 : f32
    %mul3A_9 = vector.broadcast %mul3A : f32 to vector<512x2048xf32>
    %mul3A_10 = arith.mulf %mul3A_9, %add3A_8 : vector<512x2048xf32>
    %mul3A_11 = arith.constant 0.707106769 : f32
    %mul3A_12 = vector.broadcast %mul3A_11 : f32 to vector<512x2048xf32>
    %mul3A_13 = arith.mulf %add3A_8, %mul3A_12 : vector<512x2048xf32>
    %erf3A = math.erf %mul3A_13 : vector<512x2048xf32>
    %add3A_14 = arith.constant 1.000000e+00 : f32
    %add3A_15 = vector.broadcast %add3A_14 : f32 to vector<512x2048xf32>
    %add3A_16 = arith.addf %add3A_15, %erf3A : vector<512x2048xf32>
    %mul3A_17 = arith.mulf %mul3A_10, %add3A_16 : vector<512x2048xf32>
    %get3A_18 = arith.constant 0 : index
    %get3A_19 = arith.constant 0 : index
    %get3A_20 = vector.load %arg4[%get3A_18, %get3A_19] : memref<2048x1024xf32, #tpu.memory_space<vmem>>, vector<2048x1024xf32>
    %dot_general3A_21 = arith.constant dense<0.000000e+00> : vector<512x1024xf32>
    %dot_general3A_22 = tpu.matmul %mul3A_17, %get3A_20, %dot_general3A_21 {dimension_numbers = #tpu.dot_dimension_numbers<[1], [0], [0], [1], [0, 0, 1, 1], [], []>, transpose_lhs_hint = false} : vector<512x2048xf32>, vector<2048x1024xf32>, vector<512x1024xf32> -> vector<512x1024xf32>
    %get3A_23 = arith.constant 0 : index
    %get3A_24 = vector.load %arg5[%get3A_23] : memref<1024xf32, #tpu.memory_space<vmem>>, vector<1024xf32>
    %broadcast_in_dim3A_25 = vector.shape_cast %get3A_24 : vector<1024xf32> to vector<1x1024xf32>
    %add3A_26 = vector.broadcast %broadcast_in_dim3A_25 : vector<1x1024xf32> to vector<512x1024xf32>
    %add3A_27 = arith.addf %dot_general3A_22, %add3A_26 : vector<512x1024xf32>
    %add3A_28 = arith.addf %add3A_27, %get3A_1 : vector<512x1024xf32>
    %reduce_sum3A = arith.constant dense<0.000000e+00> : vector<512xf32>
    %reduce_sum3A_29 = vector.multi_reduction <add>, %add3A_28, %reduce_sum3A [1] : vector<512x1024xf32> to vector<512xf32>
    %broadcast_in_dim3A_30 = vector.shape_cast %reduce_sum3A_29 : vector<512xf32> to vector<512x1xf32>
    %div3A = arith.constant 1.024000e+03 : f32
    %div3A_31 = vector.broadcast %div3A : f32 to vector<512x1xf32>
    %div3A_32 = arith.divf %broadcast_in_dim3A_30, %div3A_31 : vector<512x1xf32>
    %sub3A = vector.broadcast %div3A_32 : vector<512x1xf32> to vector<512x1024xf32>
    %sub3A_33 = arith.subf %add3A_28, %sub3A : vector<512x1024xf32>
    %integer_pow3A = arith.mulf %sub3A_33, %sub3A_33 : vector<512x1024xf32>
    %reduce_sum3A_34 = arith.constant dense<0.000000e+00> : vector<512xf32>
    %reduce_sum3A_35 = vector.multi_reduction <add>, %integer_pow3A, %reduce_sum3A_34 [1] : vector<512x1024xf32> to vector<512xf32>
    %broadcast_in_dim3A_36 = vector.shape_cast %reduce_sum3A_35 : vector<512xf32> to vector<512x1xf32>
    %div3A_37 = arith.constant 1.024000e+03 : f32
    %div3A_38 = vector.broadcast %div3A_37 : f32 to vector<512x1xf32>
    %div3A_39 = arith.divf %broadcast_in_dim3A_36, %div3A_38 : vector<512x1xf32>
    %sub3A_40 = vector.broadcast %div3A_32 : vector<512x1xf32> to vector<512x1024xf32>
    %sub3A_41 = arith.subf %add3A_28, %sub3A_40 : vector<512x1024xf32>
    %add3A_42 = arith.constant 9.99999974E-6 : f32
    %add3A_43 = vector.broadcast %add3A_42 : f32 to vector<512x1xf32>
    %add3A_44 = arith.addf %div3A_39, %add3A_43 : vector<512x1xf32>
    %sqrt3A = math.sqrt %add3A_44 : vector<512x1xf32>
    %div3A_45 = vector.broadcast %sqrt3A : vector<512x1xf32> to vector<512x1024xf32>
    %div3A_46 = arith.divf %sub3A_41, %div3A_45 : vector<512x1024xf32>
    %get3A_47 = arith.constant 0 : index
    %get3A_48 = vector.load %arg6[%get3A_47] : memref<1024xf32, #tpu.memory_space<vmem>>, vector<1024xf32>
    %broadcast_in_dim3A_49 = vector.shape_cast %get3A_48 : vector<1024xf32> to vector<1x1024xf32>
    %mul3A_50 = vector.broadcast %broadcast_in_dim3A_49 : vector<1x1024xf32> to vector<512x1024xf32>
    %mul3A_51 = arith.mulf %div3A_46, %mul3A_50 : vector<512x1024xf32>
    %get3A_52 = arith.constant 0 : index
    %get3A_53 = vector.load %arg7[%get3A_52] : memref<1024xf32, #tpu.memory_space<vmem>>, vector<1024xf32>
    %broadcast_in_dim3A_54 = vector.shape_cast %get3A_53 : vector<1024xf32> to vector<1x1024xf32>
    %add3A_55 = vector.broadcast %broadcast_in_dim3A_54 : vector<1x1024xf32> to vector<512x1024xf32>
    %add3A_56 = arith.addf %mul3A_51, %add3A_55 : vector<512x1024xf32>
    %swap3A = arith.constant 0 : index
    %swap3A_57 = arith.constant 0 : index
    %swap3A_58 = vector.load %arg8[%swap3A, %swap3A_57] : memref<512x1024xf32, #tpu.memory_space<vmem>>, vector<512x1024xf32>
    tpu.vector_store %arg8[%swap3A, %swap3A_57], %add3A_56 {strides = array<i32>} : memref<512x1024xf32, #tpu.memory_space<vmem>>, vector<512x1024xf32>,
    return
  }
  func.func @transform_0(%arg0: i32) -> (i32, i32) {
    %c0_i32 = arith.constant 0 : i32
    %c0_i32_0 = arith.constant 0 : i32
    return %arg0, %c0_i32 : i32, i32
  }
  func.func @transform_1(%arg0: i32) -> (i32, i32) {
    %c0_i32 = arith.constant 0 : i32
    %c0_i32_0 = arith.constant 0 : i32
    %c0_i32_1 = arith.constant 0 : i32
    return %c0_i32, %c0_i32_0 : i32, i32
  }
  func.func @transform_2(%arg0: i32) -> i32 {
    %c0_i32 = arith.constant 0 : i32
    %c0_i32_0 = arith.constant 0 : i32
    return %c0_i32 : i32
  }
  func.func @transform_3(%arg0: i32) -> (i32, i32) {
    %c0_i32 = arith.constant 0 : i32
    %c0_i32_0 = arith.constant 0 : i32
    %c0_i32_1 = arith.constant 0 : i32
    return %c0_i32, %c0_i32_0 : i32, i32
  }
  func.func @transform_4(%arg0: i32) -> i32 {
    %c0_i32 = arith.constant 0 : i32
    %c0_i32_0 = arith.constant 0 : i32
    return %c0_i32 : i32
  }
  func.func @transform_5(%arg0: i32) -> i32 {
    %c0_i32 = arith.constant 0 : i32
    %c0_i32_0 = arith.constant 0 : i32
    return %c0_i32 : i32
  }
  func.func @transform_6(%arg0: i32) -> i32 {
    %c0_i32 = arith.constant 0 : i32
    %c0_i32_0 = arith.constant 0 : i32
    return %c0_i32 : i32
  }
  func.func @transform_7(%arg0: i32) -> (i32, i32) {
    %c0_i32 = arith.constant 0 : i32
    %c0_i32_0 = arith.constant 0 : i32
    return %arg0, %c0_i32 : i32, i32
  }
}

module attributes {stable_mosaic.version = 14 : i64} {
  func.func @_finproj_kernel(%arg0: i32, %arg1: memref<512x1024xf32, #tpu.memory_space<vmem>>, %arg2: memref<1024xf32, #tpu.memory_space<vmem>>, %arg3: memref<1024xf32, #tpu.memory_space<vmem>>, %arg4: memref<1024x128xf32, #tpu.memory_space<vmem>>, %arg5: memref<128xf32, #tpu.memory_space<vmem>>, %arg6: memref<512x128xf32, #tpu.memory_space<vmem>>) attributes {dimension_semantics = [#tpu.dimension_semantics<arbitrary>], iteration_bounds = array<i64: 2>, scalar_prefetch = 0 : i64, scratch_operands = 0 : i64, tpu.core_type = #tpu.core_type<tc>, window_params = [{transform_indices = @transform_0, window_bounds = array<i64: 512, 1024>}, {pipeline_mode = #tpu.pipeline_mode<synchronous>, transform_indices = @transform_1, window_bounds = array<i64: 1024>}, {pipeline_mode = #tpu.pipeline_mode<synchronous>, transform_indices = @transform_2, window_bounds = array<i64: 1024>}, {pipeline_mode = #tpu.pipeline_mode<synchronous>, transform_indices = @transform_3, window_bounds = array<i64: 1024, 128>}, {pipeline_mode = #tpu.pipeline_mode<synchronous>, transform_indices = @transform_4, window_bounds = array<i64: 128>}, {transform_indices = @transform_5, window_bounds = array<i64: 512, 128>}]} {
    %get3A = arith.constant 0 : index
    %get3A_0 = arith.constant 0 : index
    %get3A_1 = vector.load %arg1[%get3A, %get3A_0] : memref<512x1024xf32, #tpu.memory_space<vmem>>, vector<512x1024xf32>
    %reduce_sum3A = arith.constant dense<0.000000e+00> : vector<512xf32>
    %reduce_sum3A_2 = vector.multi_reduction <add>, %get3A_1, %reduce_sum3A [1] : vector<512x1024xf32> to vector<512xf32>
    %broadcast_in_dim3A = vector.shape_cast %reduce_sum3A_2 : vector<512xf32> to vector<512x1xf32>
    %div3A = arith.constant 1.024000e+03 : f32
    %div3A_3 = vector.broadcast %div3A : f32 to vector<512x1xf32>
    %div3A_4 = arith.divf %broadcast_in_dim3A, %div3A_3 : vector<512x1xf32>
    %sub3A = vector.broadcast %div3A_4 : vector<512x1xf32> to vector<512x1024xf32>
    %sub3A_5 = arith.subf %get3A_1, %sub3A : vector<512x1024xf32>
    %integer_pow3A = arith.mulf %sub3A_5, %sub3A_5 : vector<512x1024xf32>
    %reduce_sum3A_6 = arith.constant dense<0.000000e+00> : vector<512xf32>
    %reduce_sum3A_7 = vector.multi_reduction <add>, %integer_pow3A, %reduce_sum3A_6 [1] : vector<512x1024xf32> to vector<512xf32>
    %broadcast_in_dim3A_8 = vector.shape_cast %reduce_sum3A_7 : vector<512xf32> to vector<512x1xf32>
    %div3A_9 = arith.constant 1.024000e+03 : f32
    %div3A_10 = vector.broadcast %div3A_9 : f32 to vector<512x1xf32>
    %div3A_11 = arith.divf %broadcast_in_dim3A_8, %div3A_10 : vector<512x1xf32>
    %sub3A_12 = vector.broadcast %div3A_4 : vector<512x1xf32> to vector<512x1024xf32>
    %sub3A_13 = arith.subf %get3A_1, %sub3A_12 : vector<512x1024xf32>
    %add3A = arith.constant 9.99999974E-6 : f32
    %add3A_14 = vector.broadcast %add3A : f32 to vector<512x1xf32>
    %add3A_15 = arith.addf %div3A_11, %add3A_14 : vector<512x1xf32>
    %sqrt3A = math.sqrt %add3A_15 : vector<512x1xf32>
    %div3A_16 = vector.broadcast %sqrt3A : vector<512x1xf32> to vector<512x1024xf32>
    %div3A_17 = arith.divf %sub3A_13, %div3A_16 : vector<512x1024xf32>
    %get3A_18 = arith.constant 0 : index
    %get3A_19 = vector.load %arg2[%get3A_18] : memref<1024xf32, #tpu.memory_space<vmem>>, vector<1024xf32>
    %broadcast_in_dim3A_20 = vector.shape_cast %get3A_19 : vector<1024xf32> to vector<1x1024xf32>
    %mul3A = vector.broadcast %broadcast_in_dim3A_20 : vector<1x1024xf32> to vector<512x1024xf32>
    %mul3A_21 = arith.mulf %div3A_17, %mul3A : vector<512x1024xf32>
    %get3A_22 = arith.constant 0 : index
    %get3A_23 = vector.load %arg3[%get3A_22] : memref<1024xf32, #tpu.memory_space<vmem>>, vector<1024xf32>
    %broadcast_in_dim3A_24 = vector.shape_cast %get3A_23 : vector<1024xf32> to vector<1x1024xf32>
    %add3A_25 = vector.broadcast %broadcast_in_dim3A_24 : vector<1x1024xf32> to vector<512x1024xf32>
    %add3A_26 = arith.addf %mul3A_21, %add3A_25 : vector<512x1024xf32>
    %get3A_27 = arith.constant 0 : index
    %get3A_28 = arith.constant 0 : index
    %get3A_29 = vector.load %arg4[%get3A_27, %get3A_28] : memref<1024x128xf32, #tpu.memory_space<vmem>>, vector<1024x128xf32>
    %dot_general3A = arith.constant dense<0.000000e+00> : vector<512x128xf32>
    %dot_general3A_30 = tpu.matmul %add3A_26, %get3A_29, %dot_general3A {dimension_numbers = #tpu.dot_dimension_numbers<[1], [0], [0], [1], [0, 0, 1, 1], [], []>, transpose_lhs_hint = false} : vector<512x1024xf32>, vector<1024x128xf32>, vector<512x128xf32> -> vector<512x128xf32>
    %get3A_31 = arith.constant 0 : index
    %get3A_32 = vector.load %arg5[%get3A_31] : memref<128xf32, #tpu.memory_space<vmem>>, vector<128xf32>
    %broadcast_in_dim3A_33 = vector.shape_cast %get3A_32 : vector<128xf32> to vector<1x128xf32>
    %add3A_34 = vector.broadcast %broadcast_in_dim3A_33 : vector<1x128xf32> to vector<512x128xf32>
    %add3A_35 = arith.addf %dot_general3A_30, %add3A_34 : vector<512x128xf32>
    %swap3A = arith.constant 0 : index
    %swap3A_36 = arith.constant 0 : index
    %swap3A_37 = vector.load %arg6[%swap3A, %swap3A_36] : memref<512x128xf32, #tpu.memory_space<vmem>>, vector<512x128xf32>
    tpu.vector_store %arg6[%swap3A, %swap3A_36], %add3A_35 {strides = array<i32>} : memref<512x128xf32, #tpu.memory_space<vmem>>, vector<512x128xf32>,
    return
  }
  func.func @transform_0(%arg0: i32) -> (i32, i32) {
    %c0_i32 = arith.constant 0 : i32
    %c0_i32_0 = arith.constant 0 : i32
    return %arg0, %c0_i32 : i32, i32
  }
  func.func @transform_1(%arg0: i32) -> i32 {
    %c0_i32 = arith.constant 0 : i32
    %c0_i32_0 = arith.constant 0 : i32
    return %c0_i32 : i32
  }
  func.func @transform_2(%arg0: i32) -> i32 {
    %c0_i32 = arith.constant 0 : i32
    %c0_i32_0 = arith.constant 0 : i32
    return %c0_i32 : i32
  }
  func.func @transform_3(%arg0: i32) -> (i32, i32) {
    %c0_i32 = arith.constant 0 : i32
    %c0_i32_0 = arith.constant 0 : i32
    %c0_i32_1 = arith.constant 0 : i32
    return %c0_i32, %c0_i32_0 : i32, i32
  }
  func.func @transform_4(%arg0: i32) -> i32 {
    %c0_i32 = arith.constant 0 : i32
    %c0_i32_0 = arith.constant 0 : i32
    return %c0_i32 : i32
  }
  func.func @transform_5(%arg0: i32) -> (i32, i32) {
    %c0_i32 = arith.constant 0 : i32
    %c0_i32_0 = arith.constant 0 : i32
    return %arg0, %c0_i32 : i32, i32
  }
}

</mosaic_0001>

<sc_bundles>
// kernel: kernel.18.cloned.1.call-start
scs
__scs_entry_jumppad:
0x0: {  	(pc) =	sbr.rel $0x88, $3  }
0x1: {  	(tag) =	ssettag $0x0;
	lr =	simm.s32 $0x1  }
0x2: {  	[smem:$0x3F7F] =	sst lr;
	_ =	strace $0xD0000000  }
0x3: {  	_ = 	snop  }
0x4: {  	_ = 	snop  }
0x5: {  	_ = 	snop  }
0x6: {  	_ = 	snop  }
0x7: {  	_ = 	snop  }
__scs_overlays_trampoline_lowered:
0x8: {  	[smem:$0x3F8E] =	sst s0  }
0x9: {  	[smem:$0x3F8F] =	sst s1  }
0xa: {  	[smem:$0x3F90] =	sst s2  }
0xb: {  	[smem:$0x3F91] =	sst s3  }
0xc: {  	[smem:$0x3F92] =	sst s4  }
0xd: {  	[smem:$0x3F93] =	sst s5  }
0xe: {  	[smem:$0x3F94] =	sst s6  }
0xf: {  	[smem:$0x3F95] =	sst s7  }
0x10: {  	[smem:$0x3F96] =	sst s8  }
0x11: {  	[smem:$0x3F97] =	sst s9;
	s0 =	simm.s32 @!p0 $0x0  }
0x12: {  	s1 =	sld [smem:$0x3F7D];
	s0 =	simm.s32 @p0 $0x1  }
0x13: {  	[smem:$0x3F98] =	sst s0;
	s0 =	simm.s32 @!p1 $0x0  }
0x14: {  	s2 =	sld [smem:$0x3F7C];
	s0 =	simm.s32 @p1 $0x1  }
0x15: {  	[smem:$0x3F99] =	sst s0;
	s0 =	simm.s32 @!p2 $0x0  }
0x16: {  	s3 =	sld [smem:$0x3FDB];
	s0 =	simm.s32 @p2 $0x1  }
0x17: {  	s4 =	simm.s32 $0x1BF5;
	[smem:$0x3F9B] =	sst s0  }
0x18: {  	s0 =	sld [smem:$0x3F7E];
	_ =	swait.ge [sflag:s4], $0x0  }
0x19: {  	s7 =	sld [smem:$0x3F7F]  }
0x1a: {  	s8 =	sadd.s32 $0xFFFFE003, lr  }
0x1b: {  	s9 =	sadd.s32 $0xFFFFFEF7, lr;
	s5 =	simm.s32 $0xFFFFFFFF;
	p2 =	slt.u32 s8, $0xFFFFF086  }
0x1c: {  	p1 =	slt.u32 s9, $0xF7A;
	s5 =	simm.s32 @!p2 $0x0  }
0x1d: {  	s5 =	simm.s32 @p1 $0x1;
	p0 =	seq.s32 s7, s2  }
0x1e: {  	s7 =	smul.u32 @!p0 $0xF7A, s2;
	p2 =	seq.s32 @!p0 s5, $0x0  }
0x1f: {  	s9 =	smul.u32 $0xF7A, s1;
	s8 =	simm.s32 @!p0 $0x1BF5;
	p2 =	por !p2, p0  }
0x20: {  	[sflag:s8] =	ssyncset.s32 @!p0 $0xFFFFF086;
	s6 =	sadd.s32 @!p0 s3, s7;
	s7 =	simm.s32 @!p0 $0x108  }
0x21: {  	s3 =	sadd.s32 s3, s9;
	s6 =	sadd.s32 @!p0 $0x88, s6;
	s7 =	simm.s32 @p2 $0x1082  }
0x22: {  	[simem:s7], [sflag:s8] =	dma.local @!p0 [hbm:s6], $0xF7A  }
0x23: {  	s9 =	sor.u32 $0xD0000000, s2;
	s6 =	simm.s32 $0x108;
	_ =	swait.ge @!p0 [sflag:s8], $0x0  }
0x24: {  	s3 =	sadd.s32 $0x88, s3;
	s6 =	simm.s32 @!p1 $0x1082;
	[sflag:s4] =	ssyncset.s32 $0xFFFFF086  }
0x25: {  	[simem:s6], [sflag:s4] =	dma.local [hbm:s3], $0xF7A  }
0x26: {  	[smem:$0x3F7F] =	sst s1;
	(tag) =	ssettag s2;
	_ =	strace s9  }
0x27: {  	s1 =	sld [smem:$0x3F8F]  }
0x28: {  	s2 =	sld [smem:$0x3F90]  }
0x29: {  	s4 =	sld [smem:$0x3F92]  }
0x2a: {  	p0 =	seq.s32 s5, $0x0;
	s5 =	sld [smem:$0x3F93]  }
0x2b: {  	s6 =	sld [smem:$0x3F94]  }
0x2c: {  	s7 =	sld [smem:$0x3F95]  }
0x2d: {  	s3 =	simm.s32 $0x108;
	s8 =	sld [smem:$0x3F96]  }
0x2e: {  	s3 =	simm.s32 @!p0 $0x1082;
	s9 =	sld [smem:$0x3F97]  }
0x2f: {  	lr =	sadd.s32 s0, s3;
	s0 =	sld [smem:$0x3F8E]  }
0x30: {  	s3 =	sld [smem:$0x3F91]  }
0x31: {  	[smem:$0x3F9A] =	sst s10  }
0x32: {  	s10 =	sld [smem:$0x3F98];
	_ =	sdelay $0x3  }
0x33: {  	p0 =	seq.s32 s10, $0x1;
	s10 =	sld [smem:$0x3F9A];
	_ =	sdelay $0x3  }
0x34: {  	[smem:$0x3F9A] =	sst s10  }
0x35: {  	s10 =	sld [smem:$0x3F99];
	_ =	sdelay $0x3  }
0x36: {  	p1 =	seq.s32 s10, $0x1;
	s10 =	sld [smem:$0x3F9A];
	_ =	sdelay $0x3  }
0x37: {  	[smem:$0x3F9A] =	sst s10  }
0x38: {  	s10 =	sld [smem:$0x3F9B]  }
0x39: {  	_ = 	snop;
	(pc) =	sbr.ind lr, $3  }
0x3a: {  	_ = 	snop  }
0x3b: {  	_ = 	snop  }
0x3c: {  	p2 =	seq.s32 s10, $0x1;
	s10 =	sld [smem:$0x3F9A]  }
0x3d: {  	_ =	shalt  }
0x3e: {  	_ =	shalt  }
0x3f: {  	_ =	shalt  }
0x40: {  	_ =	shalt  }
0x41: {  	_ =	shalt  }
0x42: {  	_ =	shalt  }
0x43: {  	_ =	shalt  }
0x44: {  	_ =	shalt  }
0x45: {  	_ =	shalt  }
0x46: {  	_ =	shalt  }
0x47: {  	_ =	shalt  }
0x48: {  	_ =	shalt  }
0x49: {  	_ =	shalt  }
0x4a: {  	_ =	shalt  }
0x4b: {  	_ =	shalt  }
0x4c: {  	_ =	shalt  }
0x4d: {  	_ =	shalt  }
0x4e: {  	_ =	shalt  }
0x4f: {  	_ =	shalt  }
0x50: {  	_ =	shalt  }
0x51: {  	_ =	shalt  }
0x52: {  	_ =	shalt  }
0x53: {  	_ =	shalt  }
0x54: {  	_ =	shalt  }
0x55: {  	_ =	shalt  }
0x56: {  	_ =	shalt  }
0x57: {  	_ =	shalt  }
0x58: {  	_ =	shalt  }
0x59: {  	_ =	shalt  }
0x5a: {  	_ =	shalt  }
0x5b: {  	_ =	shalt  }
0x5c: {  	_ =	shalt  }
0x5d: {  	_ =	shalt  }
0x5e: {  	_ =	shalt  }
0x5f: {  	_ =	shalt  }
0x60: {  	_ =	shalt  }
0x61: {  	_ =	shalt  }
0x62: {  	_ =	shalt  }
0x63: {  	_ =	shalt  }
0x64: {  	_ =	shalt  }
0x65: {  	_ =	shalt  }
0x66: {  	_ =	shalt  }
0x67: {  	_ =	shalt  }
0x68: {  	_ =	shalt  }
0x69: {  	_ =	shalt  }
0x6a: {  	_ =	shalt  }
0x6b: {  	_ =	shalt  }
0x6c: {  	_ =	shalt  }
0x6d: {  	_ =	shalt  }
0x6e: {  	_ =	shalt  }
0x6f: {  	_ =	shalt  }
0x70: {  	_ =	shalt  }
0x71: {  	_ =	shalt  }
0x72: {  	_ =	shalt  }
0x73: {  	_ =	shalt  }
0x74: {  	_ =	shalt  }
0x75: {  	_ =	shalt  }
0x76: {  	_ =	shalt  }
0x77: {  	_ =	shalt  }
0x78: {  	_ =	shalt  }
0x79: {  	_ =	shalt  }
0x7a: {  	_ =	shalt  }
0x7b: {  	_ =	shalt  }
0x7c: {  	_ =	shalt  }
0x7d: {  	_ =	shalt  }
0x7e: {  	_ =	shalt  }
0x7f: {  	_ =	shalt  }
0x80: {  	_ =	shalt  }
0x81: {  	_ =	shalt  }
0x82: {  	_ =	shalt  }
0x83: {  	_ =	shalt  }
0x84: {  	_ =	shalt  }
0x85: {  	_ =	shalt  }
0x86: {  	_ =	shalt  }
0x87: {  	_ =	shalt  }
.Lfunc_end0:
.L_simem_size_0:
called_computation_lowered:
.L_overlay_start_0:
0x88: {  	s2 =	sld [smem:$0x3FD9]  }
0x89: {  	s3 =	sld [smem:$0x3FFE];
	_ =	sdelay $0x1  }
0x8a: {  	s1 =	srdreg.scid  }
0x8b: {  	s0 =	sand.u32 $0x1, s1  }
0x8c: {  	s16 =	sshll.u32 s0, $0xA;
	s2 =	sadd.s32 s3, s2  }
0x8d: {  	s2 =	sadd.s32 s2, s16  }
0x8e: {  	[smem:$0x3FA6] =	sst s2  }
0x8f: {  	_ = 	snop  }
0x90: {  	(tm) =	ssettm $0x1  }
0x91: {  	s17 =	sld [smem:$0x3FFB];
	_ =	sdelay $0x3  }
0x92: {  	_ =	strace s17  }
0x93: {  	s2 =	sld [smem:$0x3FFC];
	_ =	sdelay $0x3  }
0x94: {  	_ =	strace s2  }
0x95: {  	s2 =	sld [smem:$0x3FFD];
	_ =	sdelay $0x3  }
0x96: {  	_ =	strace s2  }
0x97: {  	_ =	strace $0x8FFFFFFF  }
0x98: {  	s18 =	sld [smem:$0x3FDB];
	_ =	sdelay $0x1  }
0x99: {  	s19 =	simm.s32 $_scs_section_size  }
0x9a: {  	s4 =	simm.s32 $_size__tile_overlayer_lowered;
	s5 =	simm.s32 $_tile_overlayer_lowered  }
0x9b: {  	s22 =	simm.s32 $0x1BFF;
	s21 =	sshll.u32 s5, $0x1;
	s2 =	sadd.s32 s19, s18  }
0x9c: {  	s6 =	simm.s32 $0x0;
	s20 =	sshll.u32 s4, $0x1;
	s4 =	sadd.s32 s21, s2  }
0x9d: {  	[timem:s6], [sflag:s22] =	dma.local [hbm:s4], s20  }
0x9e: {  	_ =	swait.ge [sflag:s22], s20  }
0x9f: {  	s3 =	ssub.s32 $0x0, s20;
	[sflag:s22] =	ssyncset.done $0x0  }
0xa0: {  	[sflag:s22] =	ssyncadd.s32 s3;
	_ =	sdelay $0x1  }
0xa1: {  	s23 =	simm.s32 $0x1B8B  }
0xa2: {  	_ =	swait.ge [sflag:s23], $0x1  }
0xa3: {  	[sflag:s23] =	ssyncset.done $0x0  }
0xa4: {  	s25 =	simm.s32 $0x1B8E;
	s24 =	sld [smem:$0x3FFE];
	[sflag:s23] =	ssyncadd.s32 $0xFFFFFFFF  }
0xa5: {  	s26 =	simm.s32 $execute0_lowered;
	[smem:$0x3FD2] =	sst s25  }
0xa6: {  	s4 =	sshll.u32 s26, $0x1;
	_ =	strace $0x80000046;
	[dreg:$0x1] =	wrdreg $0xFFFFFFFF  }
0xa7: {  	s28 =	simm.s32 $_size_execute0_lowered;
	s2 =	sadd.s32 s2, s4;
	[dreg:$0x0] =	wrdreg $0x0  }
0xa8: {  	s4 =	sshll.u32 s28, $0x1;
	[dreg:$0x2] =	wrdreg s2  }
0xa9: {  	[dreg:$0x3] =	wrdreg s4  }
0xaa: {  	[dreg:$0x4] =	wrdreg $0xC0  }
0xab: {  	_ =	task [dreg:s6], $0x5FFFF  }
0xac: {  	[dreg:$0x1] =	wrdreg $0xFFFFFFFF  }
0xad: {  	[dreg:$0x0] =	wrdreg $0x60  }
0xae: {  	[dreg:$0x2] =	wrdreg s24  }
0xaf: {  	[dreg:$0x3] =	wrdreg $0x9  }
0xb0: {  	_ =	task.clear_ibuf [dreg:s6], $0x4FFFF;
	_ =	strace $0x90000046  }
0xb1: {  	s29 =	simm.s32 $0x9;
	_ =	strace $0x80000048  }
0xb2: {  	_ =	swait.ge [sflag:s29], $0x1  }
0xb3: {  	[sflag:s29] =	ssyncadd.s32 $0xFFFFFFFF  }
0xb4: {  	_ =	strace $0x90000048  }
0xb5: {  	_ =	sfence  }
0xb6: {  	s30 =	sld [smem:$0x0];
	_ =	sdelay $0x2  }
0xb7: {  	s31 =	sshll.u32 s1, $0xD;
	s1 =	sshrl.u32 s1, $0x2  }
0xb8: {  	s3 =	sand.u32 $0x4000, s31;
	s1 =	sadd.s32 s1, s30  }
0xb9: {  	s0 =	sor.u32 s3, s0;
	s1 =	sshll.u32 s1, $0x11  }
0xba: {  	s0 =	sor.u32 s1, s0  }
0xbb: {  	s0 =	sadd.s32 $0x8F2B, s0  }
0xbc: {  	[sflag:s0] =	ssyncadd.remote.s32 $0x1  }
0xbd: {  	_ =	sfence.sel $0xFFFF  }
0xbe: {  	[dreg:$0x0] =	wrdreg $0xFFFFFFFF;
	(pc) =	sbr.abs _section_cstart, $3  }
0xbf: {  	[dreg:$0x1] =	wrdreg $0xFFFFFFFF  }
0xc0: {  	_ =	task.clear_ibuf [dreg:s6], $0x2FFFF;
	_ =	strace $0x9FFFFFFF  }
0xc1: {  	(tm) =	ssettm $0x7FFFFFFF  }
tec
execute0_lowered:
.L_overlay_start_1:
0x0: {  	(tag) =	ssettag $0x1  }
0x1: {  	s0 =	rddreg [dreg:$0x0]  }
0x2: {  	s1 =	simm.s32 $0x0;
	s3 =	srdreg.scid;
	s2 =	stileid.u32  }
0x3: {  	s22 =	simm.s32 $0x800;
	[smem:$0x7FF] =	sst s1;
	s12 =	sadd.s32 $0x187E00, s0  }
0x4: {  	s13 =	sadd.s32 $0x18FE00, s0;
	s3 =	sand.u32 $0x1, s3;
	s4 =	sshll.u32 s2, $0x1  }
0x5: {  	s0 =	sadd.s32 $0x197E00, s0;
	_ =	strace $0x80000047;
	s5 =	ssub.s32 $0x2, s3  }
0x6: {  	s8 =	sor.u32 s3, s4;
	s3 =	sshll.u32 s3, $0x9;
	s23 =	sshrl.u32 s5, $0x1  }
0x7: {  	s6 =	sshll.u32 s8, $0x2;
	s15 =	sshll.u32 s8, $0xD;
	s17 =	sshll.u32 s8, $0xB  }
0x8: {  	s14 =	sshllo.u32 s8, $0x2;
	s7 =	sand.u32 $0x3C000, s15;
	s9 =	sor.u32 $0x1, s6  }
0x9: {  	s16 =	ssub.s32 s5, s23;
	s11 =	sor.u32 $0x2, s6;
	s29 =	sshll.u32 s14, $0x7  }
0xa: {  	s21 =	sshll.u32 s14, $0xB;
	v1 =	vmov s17;
	s17 =	simm.s32 $0x400;
	s23 =	simm.s32 $0x0  }
0xb: {  	s3 =	sor.u32 s3, s7;
	s24 =	sshll.u32 s9, $0x7;
	s18 =	sshll.u32 s9, $0xB  }
0xc: {  	s28 =	sshll.u32 s11, $0x7;
	s19 =	sshll.u32 s11, $0xB;
	s20 =	sor.u32 s15, s29  }
0xd: {  	v4 =	vmov s21;
	s21 =	simm.s32 $0x1000;
	s25 =	sshrl.u32 s3, $0x3;
	s26 =	sor.u32 s15, s24  }
0xe: {  	v0 =	vmov s15;
	s9 =	sor.u32 s15, s28;
	s20 =	sand.u32 $0x3C380, s20;
	s15 =	smax.u32 s16, $0x1  }
0xf: {  	v2 =	vmov s18;
	s16 =	simm.s32 $0x80;
	v3 =	vmov s19;
	s18 =	simm.s32 $0x1;
	s19 =	simm.s32 $0x1800  }
0x10: {  	s3 =	sadd.s32 s12, s25;
	s4 =	sadd.s32 s13, s25;
	s7 =	sand.u32 $0x3C280, s26  }
0x11: {  	s5 =	sadd.s32 s0, s25;
	s9 =	sand.u32 $0x3C300, s9;
	s31 =	sshrl.u32 s20, $0x3  }
0x12: {  	s20 =	simm.s32 $0x3800;
	s10 =	sshrl.u32 s7, $0x3;
	s30 =	sshrl.u32 s9, $0x3  }
0x13: {  	s14 =	sadd.s32 s0, s31;
	s6 =	sadd.s32 s12, s10;
	s7 =	sadd.s32 s13, s10  }
0x14: {  	v5 =	vlaneseq.u32;
	s8 =	sadd.s32 s0, s10;
	s9 =	sadd.s32 s12, s30;
	s10 =	sadd.s32 s13, s30  }
0x15: {  	v6 =	vimm.s32 $0x0;
	v8 =	vimm.s32 $0x1;
	v7 =	vmul.u32 $0x80, v5;
	s11 =	sadd.s32 s0, s30;
	s12 =	sadd.s32 s12, s31;
	s13 =	sadd.s32 s13, s31  }
.LBB2_1:
0x16: {  	[tilespmem:s1], [sflag:$0x1] =	stream.strided.gather [hbm4b:s3+s16], $0x800, s17, s16, $0x38;
	[tilespmem:$0x5800] =	vst v63  }
0x17: {  	_ =	swait.ge [sflag:s18], $0x800  }
0x18: {  	[sflag:s18] =	ssyncset.done $0x0  }
0x19: {  	s0 =	simm.s32 $0x200;
	s25 =	simm.s32 $0x0;
	[sflag:s18] =	ssyncadd.s32 $0xFFFFF800  }
.LBB2_2:
0x1a: {  	p0 =	sne.s32 s0, $0x7E00;
	[tilespmem:s25+$0x1800] =	vst v6;
	s24 =	smov.u32 s0;
	s0 =	sadd.s32 $0x200, s0  }
.Ltmp0:
0x1b: {  	(pc) =	sbr.rel @p0 .LBB2_2-.Ltmp0, $2  }
0x1c: {  	_ =	sdelay $0x2  }
0x1d: {  	s25 =	sshra.s32 s24, $0x2  }
0x1e: {  	s24 =	simm.s32 $0x0  }
0x1f: {  	v9 =	vor.u32 s24, v7;
	_ =	sdelay $0x3  }
0x20: {  	[tilespmem:s25+$0x1800] =	vst v6  }
0x21: {  	v9 =	vld.idx.msk [tilespmem:v9+s24+$0x0], $0xffff;
	_ =	sdelay $0x4  }
0x22: {  	v9 =	vshll.u32 v9, $0x7  }
0x23: {  	s0 =	simm.s32 $0x1;
	v9 =	vor.u32 v5, v9  }
0x24: {  	v10 =	vor.u32 s0, v7;
	s0 =	simm.s32 $0x2  }
.LBB2_4:
0x25: {  	p0 =	sne.s32 s0, $0x7F;
	_ =	sdelay $0x2  }
0x26: {  	[tilespmem:v9+s19+$0x0] =	vst.idx.add.s32.msk $0xffff, v8  }
0x27: {  	v9 =	vld.idx.msk [tilespmem:v10+s24+$0x0], $0xffff;
	_ =	sdelay $0x3  }
.Ltmp1:
0x28: {  	(pc) =	sbr.rel @p0 .LBB2_4-.Ltmp1, $4  }
0x29: {  	_ = 	snop  }
0x2a: {  	v9 =	vshll.u32 v9, $0x7  }
0x2b: {  	v9 =	vor.u32 v5, v9  }
0x2c: {  	v10 =	vor.u32 s0, v7;
	s0 =	sadd.s32 $0x1, s0  }
0x2d: {  	_ =	sdelay $0x3  }
0x2e: {  	[tilespmem:v9+s19+$0x0] =	vst.idx.add.s32.msk $0xffff, v8  }
0x2f: {  	v9 =	vld.idx.msk [tilespmem:v10+s24+$0x0], $0xffff;
	_ =	sdelay $0x4  }
0x30: {  	v9 =	vshll.u32 v9, $0x7  }
0x31: {  	v9 =	vor.u32 v5, v9;
	_ =	sdelay $0x4  }
0x32: {  	s28 =	simm.s32 $0x0;
	[tilespmem:v9+s19+$0x0] =	vst.idx.add.s32.msk $0xffff, v8  }
0x33: {  	s25 =	simm.s32 $0x80;
	v11 =	vld [tilespmem:s28+$0x1800]  }
0x34: {  	v9 =	vld [tilespmem:s25+$0x1800];
	_ =	sdelay $0x3  }
0x35: {  	(xrf0) =	vadd.scan.msk.s32 $0xffff, v11  }
0x36: {  	(xrf0) =	vadd.scan.msk.s32 $0xffff, v9;
	_ =	sdelay $0x4  }
0x37: {  	s26 =	simm.s32 $0x100;
	v14, _, _ =	vpop (xrf0)  }
0x38: {  	v12 =	vld [tilespmem:s26+$0x1800];
	(v2sf) =	vpush v14, $0xF;
	v13, _, _ =	vpop (xrf0)  }
0x39: {  	(v2sf) =	vpush v13, $0xF;
	_ =	sdelay $0x3  }
0x3a: {  	s29 =	simm.s32 $0x180;
	(xrf0) =	vadd.scan.msk.s32 $0xffff, v12  }
0x3b: {  	v10 =	vld [tilespmem:s29+$0x1800];
	_ =	sdelay $0x3  }
0x3c: {  	s0 =	simm.s32 $0x800  }
.LBB2_6:
0x3d: {  	s30 =	sshra.s32 s0, $0x2;
	p0 =	sne.s32 s0, $0x7E00;
	s0 =	sadd.s32 $0x200, s0;
	(xrf0) =	vadd.scan.msk.s32 $0xffff, v10;
	v15, _, _ =	vpop (xrf0);
	v16 =	vsub.s32 s24, v11;
	v11 =	vmov v9;
	v9 =	vmov v12  }
.Ltmp2:
0x3e: {  	v12 =	vmovc v10;
	(v2sf) =	vpush v15, $0xF;
	v16 =	vadd.s32 v14, v16;
	v14 =	vmovc v13;
	v13 =	vmov v15;
	v10 =	vld [tilespmem:s30+$0x1800];
	(pc) =	sbr.rel @p0 .LBB2_6-.Ltmp2, $4  }
0x3f: {  	[tilespmem:s28+$0x3800] =	vst v16;
	s28 =	smov.u32 s25;
	s25 =	smov.u32 s26;
	s26 =	smov.u32 s29  }
0x40: {  	s29 =	smov.u32 s30  }
0x41: {  	s30 =	spop (v2sf)  }
0x42: {  	s24 =	sadd.s32 s24, s30  }
0x43: {  	v15, _, _ =	vpop (xrf0)  }
0x44: {  	(v2sf) =	vpush v15, $0xF;
	_ =	sdelay $0xa  }
0x45: {  	(xrf0) =	vadd.scan.msk.s32 $0xffff, v10;
	_ =	sdelay $0x1  }
0x46: {  	s0 =	spop (v2sf)  }
0x47: {  	v11 =	vsub.s32 s24, v11;
	s30 =	simm.s32 $0x0;
	s0 =	sadd.s32 s24, s0;
	s31 =	spop (v2sf)  }
0x48: {  	v11 =	vadd.s32 v14, v11;
	v16 =	vsub.s32 s0, v9;
	v9 =	vor.u32 s30, v7;
	s0 =	sadd.s32 s0, s31;
	s2 =	spop (v2sf)  }
0x49: {  	[tilespmem:s28+$0x3800] =	vst v11;
	v11 =	vadd.s32 v13, v16;
	v12 =	vsub.s32 s0, v12;
	s0 =	sadd.s32 s0, s2  }
0x4a: {  	[tilespmem:s25+$0x3800] =	vst v11;
	v13, _, _ =	vpop (xrf0);
	v11 =	vadd.s32 v15, v12;
	v10 =	vsub.s32 s0, v10  }
0x4b: {  	[tilespmem:s26+$0x3800] =	vst v11;
	v10 =	vadd.s32 v13, v10  }
0x4c: {  	[tilespmem:s29+$0x3800] =	vst v10  }
0x4d: {  	v10 =	vld.idx.msk [tilespmem:v9+s1+$0x0], $0xffff  }
0x4e: {  	(v2sf) =	vpush v13, $0xF;
	_ =	sdelay $0x3  }
0x4f: {  	v10 =	vshll.u32 v10, $0x7  }
0x50: {  	v12 =	vor.u32 v5, v10;
	_ =	sdelay $0x4  }
0x51: {  	v11 =	vld.idx.msk [tilespmem:v12+s20+$0x0], $0xffff;
	_ =	sdelay $0x3  }
0x52: {  	s30 =	simm.s32 $0x1  }
0x53: {  	s0 =	simm.s32 $0x2;
	s31 =	spop (v2sf);
	v10 =	vor.u32 s30, v7;
	v13 =	vadd.s32 $0x1, v11  }
.LBB2_8:
0x54: {  	p0 =	sne.s32 s0, $0x7F;
	[tilespmem:v12+s20+$0x0] =	vst.idx.msk $0xffff, v13;
	v12 =	vadd.s32 v0, v11  }
0x55: {  	[tilespmem:v9+s21+$0x0] =	vst.idx.msk $0xffff, v12;
	v12 =	vor.u32 v1, v9;
	v9 =	vmov v10  }
0x56: {  	[tilespmem:v11+s22+$0x0] =	vst.idx.msk $0xffff, v12  }
0x57: {  	v10 =	vld.idx.msk [tilespmem:v10+s1+$0x0], $0xffff;
	_ =	sdelay $0x5  }
0x58: {  	v10 =	vshll.u32 v10, $0x7  }
0x59: {  	v12 =	vor.u32 v5, v10;
	_ =	sdelay $0x4  }
0x5a: {  	v11 =	vld.idx.msk [tilespmem:v12+s20+$0x0], $0xffff;
	_ =	sdelay $0x1  }
.Ltmp3:
0x5b: {  	(pc) =	sbr.rel @p0 .LBB2_8-.Ltmp3, $3  }
0x5c: {  	_ =	sdelay $0x1  }
0x5d: {  	v10 =	vor.u32 s0, v7  }
0x5e: {  	s0 =	sadd.s32 $0x1, s0;
	v13 =	vadd.s32 $0x1, v11  }
0x5f: {  	_ =	sdelay $0x3  }
0x60: {  	[tilespmem:v12+s20+$0x0] =	vst.idx.msk $0xffff, v13;
	v62 =	vadd.s32 v0, v11  }
0x61: {  	[tilespmem:v9+s21+$0x0] =	vst.idx.msk $0xffff, v62;
	v9 =	vor.u32 v1, v9  }
0x62: {  	[tilespmem:v11+s22+$0x0] =	vst.idx.msk $0xffff, v9  }
0x63: {  	v9 =	vld.idx.msk [tilespmem:v10+s1+$0x0], $0xffff;
	_ =	sdelay $0x4  }
0x64: {  	v9 =	vshll.u32 v9, $0x7  }
0x65: {  	v9 =	vor.u32 v5, v9;
	_ =	sdelay $0x4  }
0x66: {  	v11 =	vld.idx.msk [tilespmem:v9+s20+$0x0], $0xffff;
	_ =	sdelay $0x4  }
0x67: {  	v63 =	vadd.s32 $0x1, v11  }
0x68: {  	[tilespmem:v9+s20+$0x0] =	vst.idx.msk $0xffff, v63;
	v9 =	vadd.s32 v0, v11  }
0x69: {  	[tilespmem:v10+s21+$0x0] =	vst.idx.msk $0xffff, v9;
	v9 =	vor.u32 v1, v10  }
0x6a: {  	[tilespmem:v11+s22+$0x0] =	vst.idx.msk $0xffff, v9  }
0x6b: {  	[hbm4b:s4+s16] =	stream.strided.scatter [tilespmem:s22], [sflag:$0x1], $0x800, s17, s16, $0x38;
	[tilespmem:$0x5800] =	vst v63  }
0x6c: {  	_ =	swait.ge [sflag:s18], $0x800  }
0x6d: {  	[sflag:s18] =	ssyncset.done $0x0  }
0x6e: {  	[sflag:s18] =	ssyncadd.s32 $0xFFFFF800  }
0x6f: {  	[hbm4b:s5+s16] =	stream.strided.scatter [tilespmem:s21], [sflag:$0x1], $0x800, s17, s16, $0x38;
	[tilespmem:$0x5800] =	vst v63  }
0x70: {  	_ =	swait.ge [sflag:s18], $0x800  }
0x71: {  	[sflag:s18] =	ssyncset.done $0x0  }
0x72: {  	s0 =	simm.s32 $0x0;
	[sflag:s18] =	ssyncadd.s32 $0xFFFFF800  }
0x73: {  	[tilespmem:s0], [sflag:$0x1] =	stream.strided.gather [hbm4b:s6+s16], $0x800, s17, s16, $0x38;
	[tilespmem:$0x5800] =	vst v63  }
0x74: {  	_ =	swait.ge [sflag:s18], $0x800  }
0x75: {  	[sflag:s18] =	ssyncset.done $0x0  }
0x76: {  	s24 =	simm.s32 $0x200;
	s25 =	simm.s32 $0x0;
	[sflag:s18] =	ssyncadd.s32 $0xFFFFF800  }
.LBB2_10:
0x77: {  	p0 =	sne.s32 s24, $0x7E00;
	[tilespmem:s25+$0x1800] =	vst v6;
	s25 =	smov.u32 s24;
	s24 =	sadd.s32 $0x200, s24  }
.Ltmp4:
0x78: {  	(pc) =	sbr.rel @p0 .LBB2_10-.Ltmp4, $2  }
0x79: {  	_ =	sdelay $0x2  }
0x7a: {  	s25 =	sshra.s32 s25, $0x2  }
0x7b: {  	v9 =	vor.u32 s0, v7;
	_ =	sdelay $0x3  }
0x7c: {  	[tilespmem:s25+$0x1800] =	vst v6;
	s0 =	simm.s32 $0x0  }
0x7d: {  	v9 =	vld.idx.msk [tilespmem:v9+s0+$0x0], $0xffff;
	_ =	sdelay $0x4  }
0x7e: {  	v9 =	vshll.u32 v9, $0x7  }
0x7f: {  	s24 =	simm.s32 $0x1;
	v9 =	vor.u32 v5, v9  }
0x80: {  	v10 =	vor.u32 s24, v7;
	s24 =	simm.s32 $0x2  }
.LBB2_12:
0x81: {  	p0 =	sne.s32 s24, $0x7F;
	_ =	sdelay $0x2  }
0x82: {  	[tilespmem:v9+s19+$0x0] =	vst.idx.add.s32.msk $0xffff, v8  }
0x83: {  	v9 =	vld.idx.msk [tilespmem:v10+s0+$0x0], $0xffff;
	_ =	sdelay $0x3  }
.Ltmp5:
0x84: {  	(pc) =	sbr.rel @p0 .LBB2_12-.Ltmp5, $4  }
0x85: {  	_ = 	snop  }
0x86: {  	v9 =	vshll.u32 v9, $0x7  }
0x87: {  	v9 =	vor.u32 v5, v9  }
0x88: {  	v10 =	vor.u32 s24, v7;
	s24 =	sadd.s32 $0x1, s24  }
0x89: {  	_ =	sdelay $0x3  }
0x8a: {  	s24 =	simm.s32 $0x0;
	[tilespmem:v9+s19+$0x0] =	vst.idx.add.s32.msk $0xffff, v8  }
0x8b: {  	v9 =	vld.idx.msk [tilespmem:v10+s24+$0x0], $0xffff;
	_ =	sdelay $0x4  }
0x8c: {  	v9 =	vshll.u32 v9, $0x7  }
0x8d: {  	v9 =	vor.u32 v5, v9  }
0x8e: {  	p3 =	por $0x1, $0x1  }
.Ltmp6:
0x8f: {  	_ = 	snop;
	(pc) =	sbr.rel @!p3 .LBB2_14-.Ltmp6, $3  }
0x90: {  	_ =	sdelay $0x1  }
0x91: {  	s26 =	simm.s32 $0x0;
	[tilespmem:v9+s19+$0x0] =	vst.idx.add.s32.msk $0xffff, v8  }
0x92: {  	p1 =	por $0x0, $0x0;
	p2 =	por $0x0, $0x0;
	p0 =	por $0x0, $0x0;
	v11 =	vld [tilespmem:s26+$0x1800]  }
0x93: {  	s31 =	simm.s32 $0x80;
	p3 =	por $0x1, $0x1  }
.Ltmp7:
0x94: {  	v10 =	vld [tilespmem:s31+$0x1800];
	(pc) =	sbr.rel @!p3 .LBB2_16-.Ltmp7, $2  }
0x95: {  	_ =	sdelay $0x2  }
0x96: {  	p1 =	por $0x1, $0x1;
	(xrf0) =	vadd.scan.msk.s32 $0xffff, v11  }
0x97: {  	_ =	sdelay $0x4  }
0x98: {  	v12, _, _ =	vpop (xrf0)  }
0x99: {  	(v2sf) =	vpush v12, $0xF;
	_ =	sdelay $0x4  }
0x9a: {  	s28 =	simm.s32 $0x100;
	p3 =	por $0x1, $0x1  }
.Ltmp8:
0x9b: {  	v17 =	vld [tilespmem:s28+$0x1800];
	(pc) =	sbr.rel @!p3 .LBB2_18-.Ltmp8, $2  }
0x9c: {  	_ =	sdelay $0x2  }
0x9d: {  	p2 =	por $0x1, $0x1;
	(xrf0) =	vadd.scan.msk.s32 $0xffff, v10  }
0x9e: {  	_ =	sdelay $0x4  }
0x9f: {  	v13, _, _ =	vpop (xrf0)  }
0xa0: {  	(v2sf) =	vpush v13, $0xF;
	_ =	sdelay $0x3  }
0xa1: {  	s25 =	simm.s32 $0x180;
	p4 =	por $0x1, $0x1;
	(xrf0) =	vadd.scan.msk.s32 $0xffff, v17  }
.Ltmp9:
0xa2: {  	v9 =	vld [tilespmem:s25+$0x1800];
	(pc) =	sbr.rel @!p4 .LBB2_20-.Ltmp9, $3  }
0xa3: {  	_ =	sdelay $0x1  }
0xa4: {  	s0 =	simm.s32 $0x800  }
0xa5: {  	p3 =	por $0x1, $0x1;
	s29 =	simm.s32 $0x0;
	v14 =	vmov v11;
	v15 =	vmov v12;
	s30 =	simm.s32 $0x0  }
.LBB2_21:
0xa6: {  	s2 =	sshra.s32 s0, $0x2;
	p4 =	sne.s32 s0, $0x7E00;
	s0 =	sadd.s32 $0x200, s0;
	(xrf0) =	vadd.scan.msk.s32 $0xffff, v9;
	v16, _, _ =	vpop (xrf0);
	v18 =	vsub.s32 s29, v14;
	v14 =	vmov v10;
	v10 =	vmov v17  }
.Ltmp10:
0xa7: {  	v17 =	vmovc v9;
	(v2sf) =	vpush v16, $0xF;
	v18 =	vadd.s32 v15, v18;
	v15 =	vmovc v13;
	v13 =	vmov v16;
	v9 =	vld [tilespmem:s2+$0x1800];
	(pc) =	sbr.rel @p4 .LBB2_21-.Ltmp10, $4  }
0xa8: {  	[tilespmem:s30+$0x3800] =	vst v18;
	s30 =	smov.u32 s31;
	s31 =	smov.u32 s28;
	s28 =	smov.u32 s25  }
0xa9: {  	s25 =	smov.u32 s2  }
0xaa: {  	s2 =	spop (v2sf)  }
0xab: {  	s29 =	sadd.s32 s29, s2  }
0xac: {  	v16 =	vmov v10;
	s0 =	smov.u32 s31;
	v10 =	vmov v17;
	s31 =	smov.u32 s25  }
.LBB2_23:
0xad: {  	v17, _, _ =	vpop @p1 (xrf0)  }
0xae: {  	(xrf0) =	vadd.scan.msk.s32 $0xffff, v9;
	(v2sf) =	vpush @p1 v17, $0xF;
	_ =	sdelay $0x5  }
0xaf: {  	v18, _, _ =	vpop (xrf0)  }
0xb0: {  	(v2sf) =	vpush v18, $0xF;
	_ =	sdelay $0x2  }
0xb1: {  	s2 =	spop @p3 (v2sf)  }
0xb2: {  	s25 =	simm.s32 $0x0;
	s2 =	sadd.s32 @p3 s29, s2  }
0xb3: {  	v10 =	vpsel p1, v10, v11;
	v16 =	vpsel p2, v16, v0;
	s25 =	smov.u32 @p3 s2;
	s2 =	spop @p2 (v2sf)  }
0xb4: {  	v11 =	vsub.s32 @p3 s29, v14;
	v13 =	vpsel p2, v13, v0;
	v14 =	vmovc @p1 v17;
	s29 =	simm.s32 $0x0;
	v16 =	vsub.s32 @p2 s25, v16;
	s2 =	sadd.s32 @p2 s25, s2;
	s25 =	smov.u32 @p1 s28  }
0xb5: {  	v11 =	vadd.s32 @p3 v15, v11;
	v12 =	vpsel p1, v14, v12;
	v14 =	vpsel p1, v10, v0;
	s29 =	smov.u32 @p2 s2;
	s26 =	smov.u32 @p1 s25  }
0xb6: {  	s0 =	smov.u32 @p2 s0;
	[tilespmem:s30+$0x3800] =	vst @p3 v11;
	v12 =	vpsel p1, v12, v0;
	v11 =	vadd.s32 @p2 v13, v16;
	s25 =	smov.u32 @p1 s26;
	v13 =	vsub.s32 @p1 s29, v14;
	s2 =	spop @p1 (v2sf)  }
0xb7: {  	[tilespmem:s0+$0x3800] =	vst @p2 v11;
	s0 =	smov.u32 @p1 s25;
	v11 =	vadd.s32 @p1 v12, v13;
	s2 =	sadd.s32 @p1 s29, s2  }
0xb8: {  	v10 =	vor.u32 s24, v7;
	[tilespmem:s0+$0x3800] =	vst @p1 v11;
	s24 =	smov.u32 @p1 s2;
	p1 =	por $0x1, $0x1  }
.Ltmp11:
0xb9: {  	_ = 	snop;
	(pc) =	sbr.rel @!p1 .LBB2_24-.Ltmp11, $4  }
0xba: {  	_ = 	snop  }
0xbb: {  	v9 =	vsub.s32 s24, v9  }
0xbc: {  	v9 =	vadd.s32 v18, v9  }
0xbd: {  	s0 =	simm.s32 $0x1;
	[tilespmem:s31+$0x3800] =	vst v9;
	s31 =	spop (v2sf)  }
0xbe: {  	_ =	sdelay $0x3  }
0xbf: {  	v9 =	vld.idx.msk [tilespmem:v10+s1+$0x0], $0xffff;
	_ =	sdelay $0x4  }
0xc0: {  	v9 =	vshll.u32 v9, $0x7  }
0xc1: {  	v11 =	vor.u32 v5, v9;
	_ =	sdelay $0x4  }
0xc2: {  	p1 =	por $0x1, $0x1;
	v9 =	vld.idx.msk [tilespmem:v11+s20+$0x0], $0xffff  }
.Ltmp12:
0xc3: {  	_ = 	snop;
	(pc) =	sbr.rel @!p1 .LBB2_26-.Ltmp12, $2  }
0xc4: {  	_ =	sdelay $0x2  }
0xc5: {  	v12 =	vor.u32 s0, v7;
	s0 =	simm.s32 $0x2;
	p0 =	por $0x1, $0x1;
	v13 =	vadd.s32 $0x1, v9  }
.LBB2_27:
0xc6: {  	p1 =	sne.s32 s0, $0x7F;
	[tilespmem:v11+s20+$0x0] =	vst.idx.msk $0xffff, v13;
	v11 =	vadd.s32 v2, v9  }
0xc7: {  	[tilespmem:v10+s21+$0x0] =	vst.idx.msk $0xffff, v11;
	v11 =	vor.u32 v1, v10;
	v10 =	vmov v12  }
0xc8: {  	[tilespmem:v9+s22+$0x0] =	vst.idx.msk $0xffff, v11  }
0xc9: {  	v9 =	vld.idx.msk [tilespmem:v12+s1+$0x0], $0xffff;
	_ =	sdelay $0x5  }
0xca: {  	v9 =	vshll.u32 v9, $0x7  }
0xcb: {  	v11 =	vor.u32 v5, v9;
	_ =	sdelay $0x4  }
0xcc: {  	v9 =	vld.idx.msk [tilespmem:v11+s20+$0x0], $0xffff;
	_ =	sdelay $0x1  }
.Ltmp13:
0xcd: {  	(pc) =	sbr.rel @p1 .LBB2_27-.Ltmp13, $3  }
0xce: {  	_ =	sdelay $0x1  }
0xcf: {  	v12 =	vor.u32 s0, v7  }
0xd0: {  	s0 =	sadd.s32 $0x1, s0;
	v13 =	vadd.s32 $0x1, v9  }
0xd1: {  	v14 =	vmov v10;
	v10 =	vmov v12  }
.LBB2_29:
0xd2: {  	_ =	sdelay $0x3  }
0xd3: {  	[tilespmem:v11+s20+$0x0] =	vst.idx.msk @p0 $0xffff, v13;
	v11 =	vadd.s32 @p0 v2, v9  }
0xd4: {  	[tilespmem:v14+s21+$0x0] =	vst.idx.msk @p0 $0xffff, v11;
	v11 =	vor.u32 @p0 v1, v14  }
0xd5: {  	[tilespmem:v9+s22+$0x0] =	vst.idx.msk @p0 $0xffff, v11  }
0xd6: {  	v9 =	vld.idx.msk [tilespmem:v10+s1+$0x0], $0xffff;
	_ =	sdelay $0x4  }
0xd7: {  	v9 =	vshll.u32 v9, $0x7  }
0xd8: {  	v9 =	vor.u32 v5, v9;
	_ =	sdelay $0x4  }
0xd9: {  	v11 =	vld.idx.msk [tilespmem:v9+s20+$0x0], $0xffff;
	_ =	sdelay $0x4  }
0xda: {  	v12 =	vadd.s32 $0x1, v11  }
0xdb: {  	[tilespmem:v9+s20+$0x0] =	vst.idx.msk $0xffff, v12;
	v9 =	vadd.s32 v2, v11  }
0xdc: {  	[tilespmem:v10+s21+$0x0] =	vst.idx.msk $0xffff, v9;
	v9 =	vor.u32 v1, v10  }
0xdd: {  	[tilespmem:v11+s22+$0x0] =	vst.idx.msk $0xffff, v9  }
0xde: {  	[hbm4b:s7+s16] =	stream.strided.scatter [tilespmem:s22], [sflag:$0x1], $0x800, s17, s16, $0x38;
	[tilespmem:$0x5800] =	vst v63  }
0xdf: {  	_ =	swait.ge [sflag:s18], $0x800  }
0xe0: {  	[sflag:s18] =	ssyncset.done $0x0  }
0xe1: {  	[sflag:s18] =	ssyncadd.s32 $0xFFFFF800  }
0xe2: {  	[hbm4b:s8+s16] =	stream.strided.scatter [tilespmem:s21], [sflag:$0x1], $0x800, s17, s16, $0x38;
	[tilespmem:$0x5800] =	vst v63  }
0xe3: {  	_ =	swait.ge [sflag:s18], $0x800  }
0xe4: {  	[sflag:s18] =	ssyncset.done $0x0  }
0xe5: {  	s0 =	simm.s32 $0x0;
	[sflag:s18] =	ssyncadd.s32 $0xFFFFF800  }
0xe6: {  	[tilespmem:s0], [sflag:$0x1] =	stream.strided.gather [hbm4b:s9+s16], $0x800, s17, s16, $0x38;
	[tilespmem:$0x5800] =	vst v63  }
0xe7: {  	_ =	swait.ge [sflag:s18], $0x800  }
0xe8: {  	[sflag:s18] =	ssyncset.done $0x0  }
0xe9: {  	s24 =	simm.s32 $0x200;
	s25 =	simm.s32 $0x0;
	[sflag:s18] =	ssyncadd.s32 $0xFFFFF800  }
.LBB2_30:
0xea: {  	p0 =	sne.s32 s24, $0x7E00;
	[tilespmem:s25+$0x1800] =	vst v6;
	s2 =	smov.u32 s24;
	s24 =	sadd.s32 $0x200, s24  }
.Ltmp14:
0xeb: {  	(pc) =	sbr.rel @p0 .LBB2_30-.Ltmp14, $2  }
0xec: {  	_ =	sdelay $0x2  }
0xed: {  	s25 =	sshra.s32 s2, $0x2  }
0xee: {  	v9 =	vor.u32 s0, v7;
	_ =	sdelay $0x3  }
0xef: {  	[tilespmem:s25+$0x1800] =	vst v6;
	s0 =	simm.s32 $0x0  }
0xf0: {  	v9 =	vld.idx.msk [tilespmem:v9+s0+$0x0], $0xffff;
	_ =	sdelay $0x4  }
0xf1: {  	v9 =	vshll.u32 v9, $0x7  }
0xf2: {  	s2 =	simm.s32 $0x1;
	v9 =	vor.u32 v5, v9  }
0xf3: {  	s24 =	simm.s32 $0x2;
	v10 =	vor.u32 s2, v7  }
.LBB2_32:
0xf4: {  	p0 =	sne.s32 s24, $0x7F;
	_ =	sdelay $0x2  }
0xf5: {  	[tilespmem:v9+s19+$0x0] =	vst.idx.add.s32.msk $0xffff, v8  }
0xf6: {  	v9 =	vld.idx.msk [tilespmem:v10+s0+$0x0], $0xffff;
	_ =	sdelay $0x3  }
.Ltmp15:
0xf7: {  	(pc) =	sbr.rel @p0 .LBB2_32-.Ltmp15, $4  }
0xf8: {  	_ = 	snop  }
0xf9: {  	v9 =	vshll.u32 v9, $0x7  }
0xfa: {  	v9 =	vor.u32 v5, v9  }
0xfb: {  	v10 =	vor.u32 s24, v7;
	s24 =	sadd.s32 $0x1, s24  }
0xfc: {  	_ =	sdelay $0x3  }
0xfd: {  	s24 =	simm.s32 $0x0;
	[tilespmem:v9+s19+$0x0] =	vst.idx.add.s32.msk $0xffff, v8  }
0xfe: {  	v9 =	vld.idx.msk [tilespmem:v10+s24+$0x0], $0xffff;
	_ =	sdelay $0x4  }
0xff: {  	v9 =	vshll.u32 v9, $0x7  }
0x100: {  	v9 =	vor.u32 v5, v9  }
0x101: {  	p3 =	por $0x1, $0x1  }
.Ltmp16:
0x102: {  	_ = 	snop;
	(pc) =	sbr.rel @!p3 .LBB2_34-.Ltmp16, $3  }
0x103: {  	_ =	sdelay $0x1  }
0x104: {  	s26 =	simm.s32 $0x0;
	[tilespmem:v9+s19+$0x0] =	vst.idx.add.s32.msk $0xffff, v8  }
0x105: {  	p1 =	por $0x0, $0x0;
	p2 =	por $0x0, $0x0;
	p0 =	por $0x0, $0x0;
	v11 =	vld [tilespmem:s26+$0x1800]  }
0x106: {  	s25 =	simm.s32 $0x80;
	p3 =	por $0x1, $0x1  }
.Ltmp17:
0x107: {  	v10 =	vld [tilespmem:s25+$0x1800];
	(pc) =	sbr.rel @!p3 .LBB2_36-.Ltmp17, $2  }
0x108: {  	_ =	sdelay $0x2  }
0x109: {  	p1 =	por $0x1, $0x1;
	(xrf0) =	vadd.scan.msk.s32 $0xffff, v11  }
0x10a: {  	_ =	sdelay $0x4  }
0x10b: {  	v12, _, _ =	vpop (xrf0)  }
0x10c: {  	(v2sf) =	vpush v12, $0xF;
	_ =	sdelay $0x4  }
0x10d: {  	s28 =	simm.s32 $0x100;
	p3 =	por $0x1, $0x1  }
.Ltmp18:
0x10e: {  	v17 =	vld [tilespmem:s28+$0x1800];
	(pc) =	sbr.rel @!p3 .LBB2_38-.Ltmp18, $2  }
0x10f: {  	_ =	sdelay $0x2  }
0x110: {  	p2 =	por $0x1, $0x1;
	(xrf0) =	vadd.scan.msk.s32 $0xffff, v10  }
0x111: {  	_ =	sdelay $0x4  }
0x112: {  	v13, _, _ =	vpop (xrf0)  }
0x113: {  	(v2sf) =	vpush v13, $0xF;
	_ =	sdelay $0x3  }
0x114: {  	s0 =	simm.s32 $0x180;
	p4 =	por $0x1, $0x1;
	(xrf0) =	vadd.scan.msk.s32 $0xffff, v17  }
.Ltmp19:
0x115: {  	v9 =	vld [tilespmem:s0+$0x1800];
	(pc) =	sbr.rel @!p4 .LBB2_40-.Ltmp19, $3  }
0x116: {  	_ =	sdelay $0x1  }
0x117: {  	s31 =	simm.s32 $0x800  }
0x118: {  	p3 =	por $0x1, $0x1;
	s29 =	simm.s32 $0x0;
	v14 =	vmov v11;
	v15 =	vmov v12;
	s30 =	simm.s32 $0x0  }
.LBB2_41:
0x119: {  	s2 =	sshra.s32 s31, $0x2;
	p4 =	sne.s32 s31, $0x7E00;
	s31 =	sadd.s32 $0x200, s31;
	(xrf0) =	vadd.scan.msk.s32 $0xffff, v9;
	v16, _, _ =	vpop (xrf0);
	v18 =	vsub.s32 s29, v14;
	v14 =	vmov v10;
	v10 =	vmov v17  }
.Ltmp20:
0x11a: {  	v17 =	vmovc v9;
	(v2sf) =	vpush v16, $0xF;
	v18 =	vadd.s32 v15, v18;
	v15 =	vmovc v13;
	v13 =	vmov v16;
	v9 =	vld [tilespmem:s2+$0x1800];
	(pc) =	sbr.rel @p4 .LBB2_41-.Ltmp20, $4  }
0x11b: {  	[tilespmem:s30+$0x3800] =	vst v18;
	s30 =	smov.u32 s25;
	s25 =	smov.u32 s28;
	s28 =	smov.u32 s0  }
0x11c: {  	s0 =	smov.u32 s2  }
0x11d: {  	s2 =	spop (v2sf)  }
0x11e: {  	s29 =	sadd.s32 s29, s2  }
0x11f: {  	v16 =	vmov v10;
	s31 =	smov.u32 s25;
	v10 =	vmov v17;
	s25 =	smov.u32 s0  }
.LBB2_43:
0x120: {  	v17, _, _ =	vpop @p1 (xrf0)  }
0x121: {  	(v2sf) =	vpush @p1 v17, $0xF  }
0x122: {  	(xrf0) =	vadd.scan.msk.s32 $0xffff, v9;
	_ =	sdelay $0x5  }
0x123: {  	v18, _, _ =	vpop (xrf0)  }
0x124: {  	(v2sf) =	vpush v18, $0xF;
	_ =	sdelay $0x1  }
0x125: {  	s0 =	spop @p3 (v2sf)  }
0x126: {  	s2 =	simm.s32 $0x0;
	s0 =	sadd.s32 @p3 s29, s0  }
0x127: {  	s2 =	smov.u32 @p3 s0;
	s0 =	spop @p2 (v2sf)  }
0x128: {  	v10 =	vpsel p1, v10, v11;
	v11 =	vsub.s32 @p3 s29, v14;
	v16 =	vpsel p2, v16, v0;
	s29 =	simm.s32 $0x0;
	s0 =	sadd.s32 @p2 s2, s0  }
0x129: {  	v13 =	vpsel p2, v13, v0;
	v14 =	vmov @p1 v17;
	v16 =	vsub.s32 @p2 s2, v16;
	s2 =	smov.u32 @p1 s28;
	s29 =	smov.u32 @p2 s0  }
0x12a: {  	v11 =	vadd.s32 @p3 v15, v11;
	v12 =	vpsel p1, v14, v12;
	v14 =	vpsel p1, v10, v0;
	s26 =	smov.u32 @p1 s2;
	s2 =	smov.u32 @p2 s31;
	s0 =	spop @p1 (v2sf)  }
0x12b: {  	[tilespmem:s30+$0x3800] =	vst @p3 v11;
	v12 =	vpsel p1, v12, v0;
	v11 =	vadd.s32 @p2 v13, v16;
	s2 =	smov.u32 @p2 s2;
	v13 =	vsub.s32 @p1 s29, v14;
	s0 =	sadd.s32 @p1 s29, s0  }
0x12c: {  	v10 =	vor.u32 s24, v7;
	[tilespmem:s2+$0x3800] =	vst @p2 v11;
	v11 =	vadd.s32 @p1 v12, v13;
	s24 =	smov.u32 @p1 s0;
	s0 =	smov.u32 @p1 s26  }
0x12d: {  	[tilespmem:s0+$0x3800] =	vst @p1 v11;
	p1 =	por $0x1, $0x1  }
.Ltmp21:
0x12e: {  	_ = 	snop;
	(pc) =	sbr.rel @!p1 .LBB2_44-.Ltmp21, $4  }
0x12f: {  	_ = 	snop  }
0x130: {  	v9 =	vsub.s32 s24, v9  }
0x131: {  	v9 =	vadd.s32 v18, v9  }
0x132: {  	s0 =	simm.s32 $0x1;
	[tilespmem:s25+$0x3800] =	vst v9;
	s31 =	spop (v2sf)  }
0x133: {  	_ =	sdelay $0x3  }
0x134: {  	v9 =	vld.idx.msk [tilespmem:v10+s1+$0x0], $0xffff;
	_ =	sdelay $0x4  }
0x135: {  	v9 =	vshll.u32 v9, $0x7  }
0x136: {  	v11 =	vor.u32 v5, v9;
	_ =	sdelay $0x4  }
0x137: {  	p1 =	por $0x1, $0x1;
	v9 =	vld.idx.msk [tilespmem:v11+s20+$0x0], $0xffff  }
.Ltmp22:
0x138: {  	_ = 	snop;
	(pc) =	sbr.rel @!p1 .LBB2_46-.Ltmp22, $2  }
0x139: {  	_ =	sdelay $0x2  }
0x13a: {  	v12 =	vor.u32 s0, v7;
	s0 =	simm.s32 $0x2;
	p0 =	por $0x1, $0x1;
	v13 =	vadd.s32 $0x1, v9  }
.LBB2_47:
0x13b: {  	p1 =	sne.s32 s0, $0x7F;
	[tilespmem:v11+s20+$0x0] =	vst.idx.msk $0xffff, v13;
	v11 =	vadd.s32 v3, v9  }
0x13c: {  	[tilespmem:v10+s21+$0x0] =	vst.idx.msk $0xffff, v11;
	v11 =	vor.u32 v1, v10;
	v10 =	vmov v12  }
0x13d: {  	[tilespmem:v9+s22+$0x0] =	vst.idx.msk $0xffff, v11  }
0x13e: {  	v9 =	vld.idx.msk [tilespmem:v12+s1+$0x0], $0xffff;
	_ =	sdelay $0x5  }
0x13f: {  	v9 =	vshll.u32 v9, $0x7  }
0x140: {  	v11 =	vor.u32 v5, v9;
	_ =	sdelay $0x4  }
0x141: {  	v9 =	vld.idx.msk [tilespmem:v11+s20+$0x0], $0xffff;
	_ =	sdelay $0x1  }
.Ltmp23:
0x142: {  	(pc) =	sbr.rel @p1 .LBB2_47-.Ltmp23, $3  }
0x143: {  	_ =	sdelay $0x1  }
0x144: {  	v12 =	vor.u32 s0, v7  }
0x145: {  	s0 =	sadd.s32 $0x1, s0;
	v13 =	vadd.s32 $0x1, v9  }
0x146: {  	v14 =	vmov v10;
	v10 =	vmov v12  }
.LBB2_49:
0x147: {  	_ =	sdelay $0x3  }
0x148: {  	[tilespmem:v11+s20+$0x0] =	vst.idx.msk @p0 $0xffff, v13;
	v11 =	vadd.s32 @p0 v3, v9  }
0x149: {  	[tilespmem:v14+s21+$0x0] =	vst.idx.msk @p0 $0xffff, v11;
	v11 =	vor.u32 @p0 v1, v14  }
0x14a: {  	[tilespmem:v9+s22+$0x0] =	vst.idx.msk @p0 $0xffff, v11  }
0x14b: {  	v9 =	vld.idx.msk [tilespmem:v10+s1+$0x0], $0xffff;
	_ =	sdelay $0x4  }
0x14c: {  	v9 =	vshll.u32 v9, $0x7  }
0x14d: {  	v9 =	vor.u32 v5, v9;
	_ =	sdelay $0x4  }
0x14e: {  	v11 =	vld.idx.msk [tilespmem:v9+s20+$0x0], $0xffff;
	_ =	sdelay $0x4  }
0x14f: {  	v12 =	vadd.s32 $0x1, v11  }
0x150: {  	[tilespmem:v9+s20+$0x0] =	vst.idx.msk $0xffff, v12;
	v9 =	vadd.s32 v3, v11  }
0x151: {  	[tilespmem:v10+s21+$0x0] =	vst.idx.msk $0xffff, v9;
	v9 =	vor.u32 v1, v10  }
0x152: {  	[tilespmem:v11+s22+$0x0] =	vst.idx.msk $0xffff, v9  }
0x153: {  	[hbm4b:s10+s16] =	stream.strided.scatter [tilespmem:s22], [sflag:$0x1], $0x800, s17, s16, $0x38;
	[tilespmem:$0x5800] =	vst v63  }
0x154: {  	_ =	swait.ge [sflag:s18], $0x800  }
0x155: {  	[sflag:s18] =	ssyncset.done $0x0  }
0x156: {  	[sflag:s18] =	ssyncadd.s32 $0xFFFFF800  }
0x157: {  	[hbm4b:s11+s16] =	stream.strided.scatter [tilespmem:s21], [sflag:$0x1], $0x800, s17, s16, $0x38;
	[tilespmem:$0x5800] =	vst v63  }
0x158: {  	_ =	swait.ge [sflag:s18], $0x800  }
0x159: {  	[sflag:s18] =	ssyncset.done $0x0  }
0x15a: {  	s0 =	simm.s32 $0x0;
	[sflag:s18] =	ssyncadd.s32 $0xFFFFF800  }
0x15b: {  	[tilespmem:s0], [sflag:$0x1] =	stream.strided.gather [hbm4b:s12+s16], $0x800, s17, s16, $0x38;
	[tilespmem:$0x5800] =	vst v63  }
0x15c: {  	_ =	swait.ge [sflag:s18], $0x800  }
0x15d: {  	[sflag:s18] =	ssyncset.done $0x0  }
0x15e: {  	s24 =	simm.s32 $0x200;
	s25 =	simm.s32 $0x0;
	[sflag:s18] =	ssyncadd.s32 $0xFFFFF800  }
.LBB2_50:
0x15f: {  	p0 =	sne.s32 s24, $0x7E00;
	[tilespmem:s25+$0x1800] =	vst v6;
	s2 =	smov.u32 s24;
	s24 =	sadd.s32 $0x200, s24  }
.Ltmp24:
0x160: {  	(pc) =	sbr.rel @p0 .LBB2_50-.Ltmp24, $2  }
0x161: {  	_ =	sdelay $0x2  }
0x162: {  	s25 =	sshra.s32 s2, $0x2  }
0x163: {  	v9 =	vor.u32 s0, v7;
	_ =	sdelay $0x3  }
0x164: {  	[tilespmem:s25+$0x1800] =	vst v6;
	s0 =	simm.s32 $0x0  }
0x165: {  	v9 =	vld.idx.msk [tilespmem:v9+s0+$0x0], $0xffff;
	_ =	sdelay $0x4  }
0x166: {  	v9 =	vshll.u32 v9, $0x7  }
0x167: {  	s2 =	simm.s32 $0x1;
	v9 =	vor.u32 v5, v9  }
0x168: {  	s24 =	simm.s32 $0x2;
	v10 =	vor.u32 s2, v7  }
.LBB2_52:
0x169: {  	p0 =	sne.s32 s24, $0x7F;
	_ =	sdelay $0x2  }
0x16a: {  	[tilespmem:v9+s19+$0x0] =	vst.idx.add.s32.msk $0xffff, v8  }
0x16b: {  	v9 =	vld.idx.msk [tilespmem:v10+s0+$0x0], $0xffff;
	_ =	sdelay $0x3  }
.Ltmp25:
0x16c: {  	(pc) =	sbr.rel @p0 .LBB2_52-.Ltmp25, $4  }
0x16d: {  	_ = 	snop  }
0x16e: {  	v9 =	vshll.u32 v9, $0x7  }
0x16f: {  	v9 =	vor.u32 v5, v9  }
0x170: {  	v10 =	vor.u32 s24, v7;
	s24 =	sadd.s32 $0x1, s24  }
0x171: {  	_ =	sdelay $0x3  }
0x172: {  	s24 =	simm.s32 $0x0;
	[tilespmem:v9+s19+$0x0] =	vst.idx.add.s32.msk $0xffff, v8  }
0x173: {  	v9 =	vld.idx.msk [tilespmem:v10+s24+$0x0], $0xffff;
	_ =	sdelay $0x4  }
0x174: {  	v9 =	vshll.u32 v9, $0x7  }
0x175: {  	v9 =	vor.u32 v5, v9  }
0x176: {  	p3 =	por $0x1, $0x1  }
.Ltmp26:
0x177: {  	_ = 	snop;
	(pc) =	sbr.rel @!p3 .LBB2_54-.Ltmp26, $3  }
0x178: {  	_ =	sdelay $0x1  }
0x179: {  	s26 =	simm.s32 $0x0;
	[tilespmem:v9+s19+$0x0] =	vst.idx.add.s32.msk $0xffff, v8  }
0x17a: {  	p1 =	por $0x0, $0x0;
	p2 =	por $0x0, $0x0;
	p0 =	por $0x0, $0x0;
	v11 =	vld [tilespmem:s26+$0x1800]  }
0x17b: {  	s25 =	simm.s32 $0x80;
	p3 =	por $0x1, $0x1  }
.Ltmp27:
0x17c: {  	v10 =	vld [tilespmem:s25+$0x1800];
	(pc) =	sbr.rel @!p3 .LBB2_56-.Ltmp27, $2  }
0x17d: {  	_ =	sdelay $0x2  }
0x17e: {  	p1 =	por $0x1, $0x1;
	(xrf0) =	vadd.scan.msk.s32 $0xffff, v11  }
0x17f: {  	_ =	sdelay $0x4  }
0x180: {  	v12, _, _ =	vpop (xrf0)  }
0x181: {  	(v2sf) =	vpush v12, $0xF;
	_ =	sdelay $0x4  }
0x182: {  	s28 =	simm.s32 $0x100;
	p3 =	por $0x1, $0x1  }
.Ltmp28:
0x183: {  	v17 =	vld [tilespmem:s28+$0x1800];
	(pc) =	sbr.rel @!p3 .LBB2_58-.Ltmp28, $2  }
0x184: {  	_ =	sdelay $0x2  }
0x185: {  	p2 =	por $0x1, $0x1;
	(xrf0) =	vadd.scan.msk.s32 $0xffff, v10  }
0x186: {  	_ =	sdelay $0x4  }
0x187: {  	v13, _, _ =	vpop (xrf0)  }
0x188: {  	(v2sf) =	vpush v13, $0xF;
	_ =	sdelay $0x3  }
0x189: {  	s0 =	simm.s32 $0x180;
	p4 =	por $0x1, $0x1;
	(xrf0) =	vadd.scan.msk.s32 $0xffff, v17  }
.Ltmp29:
0x18a: {  	v9 =	vld [tilespmem:s0+$0x1800];
	(pc) =	sbr.rel @!p4 .LBB2_60-.Ltmp29, $3  }
0x18b: {  	_ =	sdelay $0x1  }
0x18c: {  	s31 =	simm.s32 $0x800  }
0x18d: {  	p3 =	por $0x1, $0x1;
	s29 =	simm.s32 $0x0;
	v14 =	vmov v11;
	v15 =	vmov v12;
	s30 =	simm.s32 $0x0  }
.LBB2_61:
0x18e: {  	s2 =	sshra.s32 s31, $0x2;
	p4 =	sne.s32 s31, $0x7E00;
	s31 =	sadd.s32 $0x200, s31;
	(xrf0) =	vadd.scan.msk.s32 $0xffff, v9;
	v16, _, _ =	vpop (xrf0);
	v18 =	vsub.s32 s29, v14;
	v14 =	vmov v10;
	v10 =	vmov v17  }
.Ltmp30:
0x18f: {  	v17 =	vmovc v9;
	(v2sf) =	vpush v16, $0xF;
	v18 =	vadd.s32 v15, v18;
	v15 =	vmovc v13;
	v13 =	vmov v16;
	v9 =	vld [tilespmem:s2+$0x1800];
	(pc) =	sbr.rel @p4 .LBB2_61-.Ltmp30, $4  }
0x190: {  	[tilespmem:s30+$0x3800] =	vst v18;
	s30 =	smov.u32 s25;
	s25 =	smov.u32 s28;
	s28 =	smov.u32 s0  }
0x191: {  	s0 =	smov.u32 s2  }
0x192: {  	s2 =	spop (v2sf)  }
0x193: {  	s29 =	sadd.s32 s29, s2  }
0x194: {  	v16 =	vmov v10;
	s31 =	smov.u32 s25;
	v10 =	vmov v17;
	s25 =	smov.u32 s0  }
.LBB2_63:
0x195: {  	v17, _, _ =	vpop @p1 (xrf0)  }
0x196: {  	(v2sf) =	vpush @p1 v17, $0xF  }
0x197: {  	(xrf0) =	vadd.scan.msk.s32 $0xffff, v9;
	_ =	sdelay $0x5  }
0x198: {  	v18, _, _ =	vpop (xrf0)  }
0x199: {  	(v2sf) =	vpush v18, $0xF;
	_ =	sdelay $0x1  }
0x19a: {  	s0 =	spop @p3 (v2sf)  }
0x19b: {  	s2 =	simm.s32 $0x0;
	s0 =	sadd.s32 @p3 s29, s0  }
0x19c: {  	s2 =	smov.u32 @p3 s0;
	s0 =	spop @p2 (v2sf)  }
0x19d: {  	v10 =	vpsel p1, v10, v11;
	v11 =	vsub.s32 @p3 s29, v14;
	v16 =	vpsel p2, v16, v0;
	s29 =	simm.s32 $0x0;
	s0 =	sadd.s32 @p2 s2, s0  }
0x19e: {  	v13 =	vpsel p2, v13, v0;
	v14 =	vmov @p1 v17;
	v16 =	vsub.s32 @p2 s2, v16;
	s2 =	smov.u32 @p1 s28;
	s29 =	smov.u32 @p2 s0  }
0x19f: {  	v11 =	vadd.s32 @p3 v15, v11;
	v12 =	vpsel p1, v14, v12;
	v14 =	vpsel p1, v10, v0;
	s26 =	smov.u32 @p1 s2;
	s2 =	smov.u32 @p2 s31;
	s0 =	spop @p1 (v2sf)  }
0x1a0: {  	[tilespmem:s30+$0x3800] =	vst @p3 v11;
	v12 =	vpsel p1, v12, v0;
	v11 =	vadd.s32 @p2 v13, v16;
	s2 =	smov.u32 @p2 s2;
	v13 =	vsub.s32 @p1 s29, v14;
	s0 =	sadd.s32 @p1 s29, s0  }
0x1a1: {  	v10 =	vor.u32 s24, v7;
	[tilespmem:s2+$0x3800] =	vst @p2 v11;
	v11 =	vadd.s32 @p1 v12, v13;
	s24 =	smov.u32 @p1 s0;
	s0 =	smov.u32 @p1 s26  }
0x1a2: {  	[tilespmem:s0+$0x3800] =	vst @p1 v11;
	p1 =	por $0x1, $0x1  }
.Ltmp31:
0x1a3: {  	_ = 	snop;
	(pc) =	sbr.rel @!p1 .LBB2_64-.Ltmp31, $4  }
0x1a4: {  	_ = 	snop  }
0x1a5: {  	v9 =	vsub.s32 s24, v9  }
0x1a6: {  	v9 =	vadd.s32 v18, v9  }
0x1a7: {  	s0 =	simm.s32 $0x1;
	[tilespmem:s25+$0x3800] =	vst v9;
	s31 =	spop (v2sf)  }
0x1a8: {  	_ =	sdelay $0x3  }
0x1a9: {  	v9 =	vld.idx.msk [tilespmem:v10+s1+$0x0], $0xffff;
	_ =	sdelay $0x4  }
0x1aa: {  	v9 =	vshll.u32 v9, $0x7  }
0x1ab: {  	v11 =	vor.u32 v5, v9;
	_ =	sdelay $0x4  }
0x1ac: {  	p1 =	por $0x1, $0x1;
	v9 =	vld.idx.msk [tilespmem:v11+s20+$0x0], $0xffff  }
.Ltmp32:
0x1ad: {  	_ = 	snop;
	(pc) =	sbr.rel @!p1 .LBB2_66-.Ltmp32, $2  }
0x1ae: {  	_ =	sdelay $0x2  }
0x1af: {  	v12 =	vor.u32 s0, v7;
	s0 =	simm.s32 $0x2;
	p0 =	por $0x1, $0x1;
	v13 =	vadd.s32 $0x1, v9  }
.LBB2_67:
0x1b0: {  	p1 =	sne.s32 s0, $0x7F;
	[tilespmem:v11+s20+$0x0] =	vst.idx.msk $0xffff, v13;
	v11 =	vadd.s32 v4, v9  }
0x1b1: {  	[tilespmem:v10+s21+$0x0] =	vst.idx.msk $0xffff, v11;
	v11 =	vor.u32 v1, v10;
	v10 =	vmov v12  }
0x1b2: {  	[tilespmem:v9+s22+$0x0] =	vst.idx.msk $0xffff, v11  }
0x1b3: {  	v9 =	vld.idx.msk [tilespmem:v12+s1+$0x0], $0xffff;
	_ =	sdelay $0x5  }
0x1b4: {  	v9 =	vshll.u32 v9, $0x7  }
0x1b5: {  	v11 =	vor.u32 v5, v9;
	_ =	sdelay $0x4  }
0x1b6: {  	v9 =	vld.idx.msk [tilespmem:v11+s20+$0x0], $0xffff;
	_ =	sdelay $0x1  }
.Ltmp33:
0x1b7: {  	(pc) =	sbr.rel @p1 .LBB2_67-.Ltmp33, $3  }
0x1b8: {  	_ =	sdelay $0x1  }
0x1b9: {  	v12 =	vor.u32 s0, v7  }
0x1ba: {  	s0 =	sadd.s32 $0x1, s0;
	v13 =	vadd.s32 $0x1, v9  }
0x1bb: {  	v14 =	vmov v10;
	v10 =	vmov v12  }
.LBB2_69:
0x1bc: {  	_ =	sdelay $0x3  }
0x1bd: {  	[tilespmem:v11+s20+$0x0] =	vst.idx.msk @p0 $0xffff, v13;
	v11 =	vadd.s32 @p0 v4, v9  }
0x1be: {  	[tilespmem:v14+s21+$0x0] =	vst.idx.msk @p0 $0xffff, v11;
	v11 =	vor.u32 @p0 v1, v14  }
0x1bf: {  	[tilespmem:v9+s22+$0x0] =	vst.idx.msk @p0 $0xffff, v11  }
0x1c0: {  	v9 =	vld.idx.msk [tilespmem:v10+s1+$0x0], $0xffff;
	_ =	sdelay $0x4  }
0x1c1: {  	v9 =	vshll.u32 v9, $0x7  }
0x1c2: {  	v9 =	vor.u32 v5, v9;
	_ =	sdelay $0x4  }
0x1c3: {  	v11 =	vld.idx.msk [tilespmem:v9+s20+$0x0], $0xffff;
	_ =	sdelay $0x4  }
0x1c4: {  	v12 =	vadd.s32 $0x1, v11  }
0x1c5: {  	[tilespmem:v9+s20+$0x0] =	vst.idx.msk $0xffff, v12;
	v9 =	vadd.s32 v4, v11  }
0x1c6: {  	[tilespmem:v10+s21+$0x0] =	vst.idx.msk $0xffff, v9;
	v9 =	vor.u32 v1, v10  }
0x1c7: {  	[tilespmem:v11+s22+$0x0] =	vst.idx.msk $0xffff, v9  }
0x1c8: {  	[hbm4b:s13+s16] =	stream.strided.scatter [tilespmem:s22], [sflag:$0x1], $0x800, s17, s16, $0x38;
	[tilespmem:$0x5800] =	vst v63  }
0x1c9: {  	_ =	swait.ge [sflag:s18], $0x800  }
0x1ca: {  	s23 =	sadd.s32 $0x1, s23;
	[sflag:s18] =	ssyncset.done $0x0  }
0x1cb: {  	p0 =	sne.s32 s23, s15;
	[sflag:s18] =	ssyncadd.s32 $0xFFFFF800  }
0x1cc: {  	[hbm4b:s14+s16] =	stream.strided.scatter [tilespmem:s21], [sflag:$0x1], $0x800, s17, s16, $0x38;
	[tilespmem:$0x5800] =	vst v63  }
.Ltmp34:
0x1cd: {  	_ = 	snop;
	(pc) =	sbr.rel @p0 .LBB2_1-.Ltmp34, $4  }
.Ltmp35:
0x1ce: {  	_ = 	snop;
	(pc) =	sbr.rel @!p0 .LBB2_70-.Ltmp35, $4  }
0x1cf: {  	_ =	swait.ge [sflag:s18], $0x800  }
0x1d0: {  	[sflag:s18] =	ssyncset.done $0x0  }
0x1d1: {  	[sflag:s18] =	ssyncadd.s32 $0xFFFFF800  }
0x1d2: {  	_ = 	snop  }
.LBB2_14:
.Ltmp36:
0x1d3: {  	_ = 	snop;
	(pc) =	sbr.rel .LBB2_23-.Ltmp36, $2  }
0x1d4: {  	_ =	sdelay $0x2  }
0x1d5: {  	s29 =	simm.s32 $0x0;
	s31 =	simm.s32 $0x0;
	p3 =	por $0x0, $0x0;
	v9 =	vmov v11  }
.LBB2_24:
.Ltmp37:
0x1d6: {  	(pc) =	sbr.rel .LBB2_29-.Ltmp37, $2  }
0x1d7: {  	_ =	sdelay $0x2  }
0x1d8: {  	_ = 	snop  }
.LBB2_34:
.Ltmp38:
0x1d9: {  	_ = 	snop;
	(pc) =	sbr.rel .LBB2_43-.Ltmp38, $2  }
0x1da: {  	_ =	sdelay $0x2  }
0x1db: {  	s29 =	simm.s32 $0x0;
	s25 =	simm.s32 $0x0;
	p3 =	por $0x0, $0x0;
	v9 =	vmov v11  }
.LBB2_44:
.Ltmp39:
0x1dc: {  	(pc) =	sbr.rel .LBB2_49-.Ltmp39, $2  }
0x1dd: {  	_ =	sdelay $0x2  }
0x1de: {  	_ = 	snop  }
.LBB2_54:
.Ltmp40:
0x1df: {  	_ = 	snop;
	(pc) =	sbr.rel .LBB2_63-.Ltmp40, $2  }
0x1e0: {  	_ =	sdelay $0x2  }
0x1e1: {  	s29 =	simm.s32 $0x0;
	s25 =	simm.s32 $0x0;
	p3 =	por $0x0, $0x0;
	v9 =	vmov v11  }
.LBB2_64:
.Ltmp41:
0x1e2: {  	(pc) =	sbr.rel .LBB2_69-.Ltmp41, $2  }
0x1e3: {  	_ =	sdelay $0x2  }
0x1e4: {  	_ = 	snop  }
.LBB2_16:
.Ltmp42:
0x1e5: {  	(pc) =	sbr.rel .LBB2_23-.Ltmp42, $2  }
0x1e6: {  	_ =	sdelay $0x2  }
0x1e7: {  	v9 =	vmov v10;
	v10 =	vmov v11;
	s29 =	simm.s32 $0x0;
	s28 =	simm.s32 $0x0;
	p3 =	por $0x0, $0x0  }
.LBB2_26:
.Ltmp43:
0x1e8: {  	(pc) =	sbr.rel .LBB2_29-.Ltmp43, $2  }
0x1e9: {  	_ =	sdelay $0x2  }
0x1ea: {  	v14 =	vmov v10;
	v10 =	vmov v12  }
.LBB2_36:
.Ltmp44:
0x1eb: {  	(pc) =	sbr.rel .LBB2_43-.Ltmp44, $2  }
0x1ec: {  	_ =	sdelay $0x2  }
0x1ed: {  	v9 =	vmov v10;
	v10 =	vmov v11;
	s29 =	simm.s32 $0x0;
	s28 =	simm.s32 $0x0;
	p3 =	por $0x0, $0x0  }
.LBB2_46:
.Ltmp45:
0x1ee: {  	(pc) =	sbr.rel .LBB2_49-.Ltmp45, $2  }
0x1ef: {  	_ =	sdelay $0x2  }
0x1f0: {  	v14 =	vmov v10;
	v10 =	vmov v12  }
.LBB2_56:
.Ltmp46:
0x1f1: {  	(pc) =	sbr.rel .LBB2_63-.Ltmp46, $2  }
0x1f2: {  	_ =	sdelay $0x2  }
0x1f3: {  	v9 =	vmov v10;
	v10 =	vmov v11;
	s29 =	simm.s32 $0x0;
	s28 =	simm.s32 $0x0;
	p3 =	por $0x0, $0x0  }
.LBB2_66:
.Ltmp47:
0x1f4: {  	(pc) =	sbr.rel .LBB2_69-.Ltmp47, $2  }
0x1f5: {  	_ =	sdelay $0x2  }
0x1f6: {  	v14 =	vmov v10;
	v10 =	vmov v12  }
.LBB2_18:
.Ltmp48:
0x1f7: {  	(pc) =	sbr.rel .LBB2_23-.Ltmp48, $3  }
0x1f8: {  	_ =	sdelay $0x1  }
0x1f9: {  	s29 =	simm.s32 $0x0;
	s0 =	simm.s32 $0x0  }
0x1fa: {  	v9 =	vmov v17;
	v16 =	vmov v11;
	v13 =	vmov v12;
	s28 =	simm.s32 $0x80;
	s31 =	simm.s32 $0x100;
	p3 =	por $0x0, $0x0  }
.LBB2_38:
.Ltmp49:
0x1fb: {  	(pc) =	sbr.rel .LBB2_43-.Ltmp49, $3  }
0x1fc: {  	_ =	sdelay $0x1  }
0x1fd: {  	s29 =	simm.s32 $0x0;
	s31 =	simm.s32 $0x0  }
0x1fe: {  	v9 =	vmov v17;
	v16 =	vmov v11;
	v13 =	vmov v12;
	s28 =	simm.s32 $0x80;
	s25 =	simm.s32 $0x100;
	p3 =	por $0x0, $0x0  }
.LBB2_58:
.Ltmp50:
0x1ff: {  	(pc) =	sbr.rel .LBB2_63-.Ltmp50, $3  }
0x200: {  	_ =	sdelay $0x1  }
0x201: {  	s29 =	simm.s32 $0x0;
	s31 =	simm.s32 $0x0  }
0x202: {  	v9 =	vmov v17;
	v16 =	vmov v11;
	v13 =	vmov v12;
	s28 =	simm.s32 $0x80;
	s25 =	simm.s32 $0x100;
	p3 =	por $0x0, $0x0  }
.LBB2_20:
.Ltmp51:
0x203: {  	(pc) =	sbr.rel .LBB2_23-.Ltmp51, $3  }
0x204: {  	_ =	sdelay $0x1  }
0x205: {  	s29 =	simm.s32 $0x0  }
0x206: {  	v16 =	vmovc v10;
	v14 =	vmov v11;
	v10 =	vmov v17;
	v15 =	vmov v12;
	s30 =	simm.s32 $0x0;
	s0 =	simm.s32 $0x80;
	s31 =	simm.s32 $0x180  }
.LBB2_40:
.Ltmp52:
0x207: {  	(pc) =	sbr.rel .LBB2_43-.Ltmp52, $3  }
0x208: {  	_ =	sdelay $0x1  }
0x209: {  	s29 =	simm.s32 $0x0  }
0x20a: {  	v16 =	vmovc v10;
	v14 =	vmov v11;
	v10 =	vmov v17;
	v15 =	vmov v12;
	s30 =	simm.s32 $0x0;
	s31 =	simm.s32 $0x80;
	s25 =	simm.s32 $0x180  }
.LBB2_60:
.Ltmp53:
0x20b: {  	(pc) =	sbr.rel .LBB2_63-.Ltmp53, $3  }
0x20c: {  	_ =	sdelay $0x1  }
0x20d: {  	s29 =	simm.s32 $0x0  }
0x20e: {  	v16 =	vmovc v10;
	v14 =	vmov v11;
	v10 =	vmov v17;
	v15 =	vmov v12;
	s30 =	simm.s32 $0x0;
	s31 =	simm.s32 $0x80;
	s25 =	simm.s32 $0x180  }
.LBB2_70:
0x20f: {  	_ =	sfence.sel $0x180000  }
0x210: {  	[bflag:$0x0] =	sbarrier.arrive $0xFFFF  }
0x211: {  	_ =	strace $0x90000047  }
0x212: {  	s0 =	stileid.u32;
	[bflag:$0x2] =	sbarrier.arrive $0xFFFF  }
0x213: {  	p0 =	sne.s32 s0, $0x0;
	s0 =	rddreg [dreg:$0x1]  }
0x214: {  	s0 =	sadd.s32 @!p0 $0x100000, s0  }
0x215: {  	[sflag:s0] =	ssyncadd.tile.s32 @!p0 $0x1;
	_ =	shalt  }
.Lfunc_end2:
_tile_overlayer_lowered:
.L_overlay_start_2:
0x216: {  	(tag) =	ssettag $0x2  }
0x217: {  	s0 =	rddreg [dreg:$0x0];
	s2 =	stileid.u32  }
0x218: {  	s1 =	rddreg [dreg:$0x1];
	p0 =	sne.s32 s2, $0x0  }
0x219: {  	s3 =	rddreg [dreg:$0x2];
	[bflag:$0x3] =	sbarrier.arrive $0xFFFF;
	s2 =	simm.s32 @!p0 $0x1C01  }
0x21a: {  	[timem:s3], [sflag:s2] =	dma.local @!p0 [hbm:s0], s1  }
0x21b: {  	s0 =	simm.s32 @!p0 $0x1  }
0x21c: {  	_ =	swait.ge @!p0 [sflag:s0], s1  }
0x21d: {  	s1 =	ssub.s32 @!p0 $0x0, s1;
	[sflag:s0] =	ssyncset.done @!p0 $0x0  }
0x21e: {  	[sflag:s0] =	ssyncadd.s32 @!p0 s1  }
0x21f: {  	[bflag:$0x3] =	sbarrier.arrive $0xFFFF  }
0x220: {  	_ =	shalt  }

// kernel: kernel.21.cloned.1.call-start
scs
__scs_entry_jumppad:
0x0: {  	(pc) =	sbr.rel $0x88, $3  }
0x1: {  	(tag) =	ssettag $0x0;
	lr =	simm.s32 $0x1  }
0x2: {  	[smem:$0x3F7F] =	sst lr;
	_ =	strace $0xD0000000  }
0x3: {  	_ = 	snop  }
0x4: {  	_ = 	snop  }
0x5: {  	_ = 	snop  }
0x6: {  	_ = 	snop  }
0x7: {  	_ = 	snop  }
__scs_overlays_trampoline_lowered:
0x8: {  	[smem:$0x3F8E] =	sst s0  }
0x9: {  	[smem:$0x3F8F] =	sst s1  }
0xa: {  	[smem:$0x3F90] =	sst s2  }
0xb: {  	[smem:$0x3F91] =	sst s3  }
0xc: {  	[smem:$0x3F92] =	sst s4  }
0xd: {  	[smem:$0x3F93] =	sst s5  }
0xe: {  	[smem:$0x3F94] =	sst s6  }
0xf: {  	[smem:$0x3F95] =	sst s7  }
0x10: {  	[smem:$0x3F96] =	sst s8  }
0x11: {  	[smem:$0x3F97] =	sst s9;
	s0 =	simm.s32 @!p0 $0x0  }
0x12: {  	s1 =	sld [smem:$0x3F7D];
	s0 =	simm.s32 @p0 $0x1  }
0x13: {  	[smem:$0x3F98] =	sst s0;
	s0 =	simm.s32 @!p1 $0x0  }
0x14: {  	s2 =	sld [smem:$0x3F7C];
	s0 =	simm.s32 @p1 $0x1  }
0x15: {  	[smem:$0x3F99] =	sst s0;
	s0 =	simm.s32 @!p2 $0x0  }
0x16: {  	s3 =	sld [smem:$0x3FDB];
	s0 =	simm.s32 @p2 $0x1  }
0x17: {  	s4 =	simm.s32 $0x1BF5;
	[smem:$0x3F9B] =	sst s0  }
0x18: {  	s0 =	sld [smem:$0x3F7E];
	_ =	swait.ge [sflag:s4], $0x0  }
0x19: {  	s7 =	sld [smem:$0x3F7F]  }
0x1a: {  	s8 =	sadd.s32 $0xFFFFE003, lr  }
0x1b: {  	s9 =	sadd.s32 $0xFFFFFEF7, lr;
	s5 =	simm.s32 $0xFFFFFFFF;
	p2 =	slt.u32 s8, $0xFFFFF086  }
0x1c: {  	p1 =	slt.u32 s9, $0xF7A;
	s5 =	simm.s32 @!p2 $0x0  }
0x1d: {  	s5 =	simm.s32 @p1 $0x1;
	p0 =	seq.s32 s7, s2  }
0x1e: {  	s7 =	smul.u32 @!p0 $0xF7A, s2;
	p2 =	seq.s32 @!p0 s5, $0x0  }
0x1f: {  	s9 =	smul.u32 $0xF7A, s1;
	s8 =	simm.s32 @!p0 $0x1BF5;
	p2 =	por !p2, p0  }
0x20: {  	[sflag:s8] =	ssyncset.s32 @!p0 $0xFFFFF086;
	s6 =	sadd.s32 @!p0 s3, s7;
	s7 =	simm.s32 @!p0 $0x108  }
0x21: {  	s3 =	sadd.s32 s3, s9;
	s6 =	sadd.s32 @!p0 $0x88, s6;
	s7 =	simm.s32 @p2 $0x1082  }
0x22: {  	[simem:s7], [sflag:s8] =	dma.local @!p0 [hbm:s6], $0xF7A  }
0x23: {  	s9 =	sor.u32 $0xD0000000, s2;
	s6 =	simm.s32 $0x108;
	_ =	swait.ge @!p0 [sflag:s8], $0x0  }
0x24: {  	s3 =	sadd.s32 $0x88, s3;
	s6 =	simm.s32 @!p1 $0x1082;
	[sflag:s4] =	ssyncset.s32 $0xFFFFF086  }
0x25: {  	[simem:s6], [sflag:s4] =	dma.local [hbm:s3], $0xF7A  }
0x26: {  	[smem:$0x3F7F] =	sst s1;
	(tag) =	ssettag s2;
	_ =	strace s9  }
0x27: {  	s1 =	sld [smem:$0x3F8F]  }
0x28: {  	s2 =	sld [smem:$0x3F90]  }
0x29: {  	s4 =	sld [smem:$0x3F92]  }
0x2a: {  	p0 =	seq.s32 s5, $0x0;
	s5 =	sld [smem:$0x3F93]  }
0x2b: {  	s6 =	sld [smem:$0x3F94]  }
0x2c: {  	s7 =	sld [smem:$0x3F95]  }
0x2d: {  	s3 =	simm.s32 $0x108;
	s8 =	sld [smem:$0x3F96]  }
0x2e: {  	s3 =	simm.s32 @!p0 $0x1082;
	s9 =	sld [smem:$0x3F97]  }
0x2f: {  	lr =	sadd.s32 s0, s3;
	s0 =	sld [smem:$0x3F8E]  }
0x30: {  	s3 =	sld [smem:$0x3F91]  }
0x31: {  	[smem:$0x3F9A] =	sst s10  }
0x32: {  	s10 =	sld [smem:$0x3F98];
	_ =	sdelay $0x3  }
0x33: {  	p0 =	seq.s32 s10, $0x1;
	s10 =	sld [smem:$0x3F9A];
	_ =	sdelay $0x3  }
0x34: {  	[smem:$0x3F9A] =	sst s10  }
0x35: {  	s10 =	sld [smem:$0x3F99];
	_ =	sdelay $0x3  }
0x36: {  	p1 =	seq.s32 s10, $0x1;
	s10 =	sld [smem:$0x3F9A];
	_ =	sdelay $0x3  }
0x37: {  	[smem:$0x3F9A] =	sst s10  }
0x38: {  	s10 =	sld [smem:$0x3F9B]  }
0x39: {  	_ = 	snop;
	(pc) =	sbr.ind lr, $3  }
0x3a: {  	_ = 	snop  }
0x3b: {  	_ = 	snop  }
0x3c: {  	p2 =	seq.s32 s10, $0x1;
	s10 =	sld [smem:$0x3F9A]  }
0x3d: {  	_ =	shalt  }
0x3e: {  	_ =	shalt  }
0x3f: {  	_ =	shalt  }
0x40: {  	_ =	shalt  }
0x41: {  	_ =	shalt  }
0x42: {  	_ =	shalt  }
0x43: {  	_ =	shalt  }
0x44: {  	_ =	shalt  }
0x45: {  	_ =	shalt  }
0x46: {  	_ =	shalt  }
0x47: {  	_ =	shalt  }
0x48: {  	_ =	shalt  }
0x49: {  	_ =	shalt  }
0x4a: {  	_ =	shalt  }
0x4b: {  	_ =	shalt  }
0x4c: {  	_ =	shalt  }
0x4d: {  	_ =	shalt  }
0x4e: {  	_ =	shalt  }
0x4f: {  	_ =	shalt  }
0x50: {  	_ =	shalt  }
0x51: {  	_ =	shalt  }
0x52: {  	_ =	shalt  }
0x53: {  	_ =	shalt  }
0x54: {  	_ =	shalt  }
0x55: {  	_ =	shalt  }
0x56: {  	_ =	shalt  }
0x57: {  	_ =	shalt  }
0x58: {  	_ =	shalt  }
0x59: {  	_ =	shalt  }
0x5a: {  	_ =	shalt  }
0x5b: {  	_ =	shalt  }
0x5c: {  	_ =	shalt  }
0x5d: {  	_ =	shalt  }
0x5e: {  	_ =	shalt  }
0x5f: {  	_ =	shalt  }
0x60: {  	_ =	shalt  }
0x61: {  	_ =	shalt  }
0x62: {  	_ =	shalt  }
0x63: {  	_ =	shalt  }
0x64: {  	_ =	shalt  }
0x65: {  	_ =	shalt  }
0x66: {  	_ =	shalt  }
0x67: {  	_ =	shalt  }
0x68: {  	_ =	shalt  }
0x69: {  	_ =	shalt  }
0x6a: {  	_ =	shalt  }
0x6b: {  	_ =	shalt  }
0x6c: {  	_ =	shalt  }
0x6d: {  	_ =	shalt  }
0x6e: {  	_ =	shalt  }
0x6f: {  	_ =	shalt  }
0x70: {  	_ =	shalt  }
0x71: {  	_ =	shalt  }
0x72: {  	_ =	shalt  }
0x73: {  	_ =	shalt  }
0x74: {  	_ =	shalt  }
0x75: {  	_ =	shalt  }
0x76: {  	_ =	shalt  }
0x77: {  	_ =	shalt  }
0x78: {  	_ =	shalt  }
0x79: {  	_ =	shalt  }
0x7a: {  	_ =	shalt  }
0x7b: {  	_ =	shalt  }
0x7c: {  	_ =	shalt  }
0x7d: {  	_ =	shalt  }
0x7e: {  	_ =	shalt  }
0x7f: {  	_ =	shalt  }
0x80: {  	_ =	shalt  }
0x81: {  	_ =	shalt  }
0x82: {  	_ =	shalt  }
0x83: {  	_ =	shalt  }
0x84: {  	_ =	shalt  }
0x85: {  	_ =	shalt  }
0x86: {  	_ =	shalt  }
0x87: {  	_ =	shalt  }
.Lfunc_end0:
.L_simem_size_0:
called_computation.1_lowered:
.L_overlay_start_0:
0x88: {  	s2 =	sld [smem:$0x3FD9]  }
0x89: {  	s3 =	sld [smem:$0x3FFE];
	_ =	sdelay $0x1  }
0x8a: {  	s1 =	srdreg.scid  }
0x8b: {  	s0 =	sand.u32 $0x1, s1  }
0x8c: {  	s16 =	sshll.u32 s0, $0xA;
	s2 =	sadd.s32 s3, s2  }
0x8d: {  	s2 =	sadd.s32 s2, s16  }
0x8e: {  	[smem:$0x3FA6] =	sst s2  }
0x8f: {  	_ = 	snop  }
0x90: {  	(tm) =	ssettm $0x1  }
0x91: {  	s17 =	sld [smem:$0x3FFB];
	_ =	sdelay $0x3  }
0x92: {  	_ =	strace s17  }
0x93: {  	s2 =	sld [smem:$0x3FFC];
	_ =	sdelay $0x3  }
0x94: {  	_ =	strace s2  }
0x95: {  	s2 =	sld [smem:$0x3FFD];
	_ =	sdelay $0x3  }
0x96: {  	_ =	strace s2  }
0x97: {  	_ =	strace $0x8FFFFFFF  }
0x98: {  	s18 =	sld [smem:$0x3FDB];
	_ =	sdelay $0x1  }
0x99: {  	s19 =	simm.s32 $_scs_section_size  }
0x9a: {  	s4 =	simm.s32 $_size__tile_overlayer_lowered;
	s5 =	simm.s32 $_tile_overlayer_lowered  }
0x9b: {  	s22 =	simm.s32 $0x1BFF;
	s21 =	sshll.u32 s5, $0x1;
	s2 =	sadd.s32 s19, s18  }
0x9c: {  	s6 =	simm.s32 $0x0;
	s20 =	sshll.u32 s4, $0x1;
	s4 =	sadd.s32 s21, s2  }
0x9d: {  	[timem:s6], [sflag:s22] =	dma.local [hbm:s4], s20  }
0x9e: {  	_ =	swait.ge [sflag:s22], s20  }
0x9f: {  	s3 =	ssub.s32 $0x0, s20;
	[sflag:s22] =	ssyncset.done $0x0  }
0xa0: {  	[sflag:s22] =	ssyncadd.s32 s3;
	_ =	sdelay $0x1  }
0xa1: {  	s23 =	simm.s32 $0x1B8B  }
0xa2: {  	_ =	swait.ge [sflag:s23], $0x1  }
0xa3: {  	[sflag:s23] =	ssyncset.done $0x0  }
0xa4: {  	s25 =	simm.s32 $0x1B8E;
	s24 =	sld [smem:$0x3FFE];
	[sflag:s23] =	ssyncadd.s32 $0xFFFFFFFF  }
0xa5: {  	s26 =	simm.s32 $execute0_lowered;
	[smem:$0x3FD2] =	sst s25  }
0xa6: {  	s4 =	sshll.u32 s26, $0x1;
	_ =	strace $0x80000049;
	[dreg:$0x1] =	wrdreg $0xFFFFFFFF  }
0xa7: {  	s28 =	simm.s32 $_size_execute0_lowered;
	s2 =	sadd.s32 s2, s4;
	[dreg:$0x0] =	wrdreg $0x0  }
0xa8: {  	s4 =	sshll.u32 s28, $0x1;
	[dreg:$0x2] =	wrdreg s2  }
0xa9: {  	[dreg:$0x3] =	wrdreg s4  }
0xaa: {  	[dreg:$0x4] =	wrdreg $0xC0  }
0xab: {  	_ =	task [dreg:s6], $0x5FFFF  }
0xac: {  	[dreg:$0x1] =	wrdreg $0xFFFFFFFF  }
0xad: {  	[dreg:$0x0] =	wrdreg $0x60  }
0xae: {  	[dreg:$0x2] =	wrdreg s24  }
0xaf: {  	[dreg:$0x3] =	wrdreg $0x9  }
0xb0: {  	_ =	task.clear_ibuf [dreg:s6], $0x4FFFF;
	_ =	strace $0x90000049  }
0xb1: {  	s29 =	simm.s32 $0x9;
	_ =	strace $0x8000004B  }
0xb2: {  	_ =	swait.ge [sflag:s29], $0x1  }
0xb3: {  	[sflag:s29] =	ssyncadd.s32 $0xFFFFFFFF  }
0xb4: {  	_ =	strace $0x9000004B  }
0xb5: {  	_ =	sfence  }
0xb6: {  	s30 =	sld [smem:$0x0];
	_ =	sdelay $0x2  }
0xb7: {  	s31 =	sshll.u32 s1, $0xD;
	s1 =	sshrl.u32 s1, $0x2  }
0xb8: {  	s3 =	sand.u32 $0x4000, s31;
	s1 =	sadd.s32 s1, s30  }
0xb9: {  	s0 =	sor.u32 s3, s0;
	s1 =	sshll.u32 s1, $0x11  }
0xba: {  	s0 =	sor.u32 s1, s0  }
0xbb: {  	s0 =	sadd.s32 $0x8F2B, s0  }
0xbc: {  	[sflag:s0] =	ssyncadd.remote.s32 $0x1  }
0xbd: {  	_ =	sfence.sel $0xFFFF  }
0xbe: {  	[dreg:$0x0] =	wrdreg $0xFFFFFFFF;
	(pc) =	sbr.abs _section_cstart, $3  }
0xbf: {  	[dreg:$0x1] =	wrdreg $0xFFFFFFFF  }
0xc0: {  	_ =	task.clear_ibuf [dreg:s6], $0x2FFFF;
	_ =	strace $0x9FFFFFFF  }
0xc1: {  	(tm) =	ssettm $0x7FFFFFFF  }
tec
execute0_lowered:
.L_overlay_start_1:
0x0: {  	(tag) =	ssettag $0x1  }
0x1: {  	s4 =	rddreg [dreg:$0x0]  }
0x2: {  	s0 =	rddreg [dreg:$0x1];
	s1 =	simm.s32 $0x0  }
0x3: {  	s5 =	srdreg.scid;
	s2 =	stileid.u32;
	s13 =	simm.s32 $0x2  }
0x4: {  	s14 =	simm.s32 $0x80;
	s15 =	simm.s32 $0x1;
	s16 =	simm.s32 $0x0  }
0x5: {  	[smem:$0x7FF] =	sst s1;
	s3 =	sadd.s32 $0x29FE00, s4;
	s6 =	sand.u32 $0x1, s5  }
0x6: {  	s7 =	sshll.u32 s2, $0xB;
	s8 =	sshll.u32 s2, $0x12;
	s30 =	sshll.u32 s5, $0x6  }
0x7: {  	_ =	strace $0x8000004A;
	s9 =	ssub.s32 $0x2, s6;
	s7 =	sadd.s32 s7, s4  }
0x8: {  	s8 =	sadd.s32 s8, s4;
	s29 =	sshll.u32 s6, $0x6;
	s6 =	sshll.u32 s6, $0x11  }
0x9: {  	s31 =	sor.u32 $0x20, s30;
	s28 =	sshrl.u32 s9, $0x1;
	s11 =	sadd.s32 s6, s8  }
0xa: {  	s10 =	sadd.s32 $0x18FE00, s7;
	s12 =	sand.u32 $0x60, s31;
	s4 =	ssub.s32 s9, s28  }
0xb: {  	s5 =	sadd.s32 $0x39FE00, s11;
	s6 =	sadd.s32 s29, s10;
	s7 =	sadd.s32 $0x3A7E00, s11  }
0xc: {  	s9 =	sadd.s32 $0x3AFE00, s11;
	s10 =	sadd.s32 s12, s10;
	s11 =	sadd.s32 $0x3B7E00, s11  }
0xd: {  	s4 =	smax.u32 s4, $0x1;
	s8 =	sadd.s32 $0x10, s6;
	s12 =	sadd.s32 $0x30, s6  }
.LBB2_1:
0xe: {  	s17 =	sadd.s32 $0x0, s6  }
0xf: {  	[tilespmem:s1], [sflag:$0x2] =	stream.linear.gather [hbm4b:s17+s1], $0x80, $0x38;
	[tilespmem:$0x4080] =	vst v63  }
0x10: {  	_ =	swait.ge [sflag:s13], $0x80  }
0x11: {  	[sflag:s13] =	ssyncset.done $0x0  }
0x12: {  	[sflag:s13] =	ssyncadd.s32 $0xFFFFFF80  }
0x13: {  	[tilespmem:s14], [sflag:$0x1] =	stream.indirect.gather [hbm4b:s3+s14], $0x80, s1, s14, $0xb8;
	[tilespmem:$0x4080] =	vst v63  }
0x14: {  	_ =	swait.ge [sflag:s15], $0x4000  }
0x15: {  	[sflag:s15] =	ssyncset.done $0x0  }
0x16: {  	[sflag:s15] =	ssyncadd.s32 $0xFFFFC000  }
0x17: {  	[hbm4b:s5+s1] =	stream.linear.scatter [tilespmem:s14], [sflag:$0x2], $0x4000, $0x38;
	[tilespmem:$0x4080] =	vst v63  }
0x18: {  	s20 =	sadd.s32 $0x80, s6;
	_ =	swait.ge [sflag:s13], $0x4000  }
0x19: {  	s19 =	simm.s32 $0x100;
	s18 =	sadd.s32 $0x800, s5;
	[sflag:s13] =	ssyncset.done $0x0  }
.LBB2_2:
0x1a: {  	s21 =	sadd.s32 s19, s6;
	s17 =	simm.s32 $0x0;
	[sflag:s13] =	ssyncadd.s32 $0xFFFFC000  }
0x1b: {  	[tilespmem:s17], [sflag:$0x2] =	stream.linear.gather [hbm4b:s20+s17], $0x80, $0x38;
	[tilespmem:$0x4080] =	vst v63  }
0x1c: {  	p0 =	sne.s32 s19, $0x780;
	s19 =	sadd.s32 $0x80, s19;
	_ =	swait.ge [sflag:s13], $0x80  }
0x1d: {  	s20 =	smov.u32 s21;
	[sflag:s13] =	ssyncset.done $0x0  }
0x1e: {  	[sflag:s13] =	ssyncadd.s32 $0xFFFFFF80  }
0x1f: {  	[tilespmem:s14], [sflag:$0x1] =	stream.indirect.gather [hbm4b:s3+s14], $0x80, s17, s14, $0xb8;
	[tilespmem:$0x4080] =	vst v63  }
0x20: {  	_ =	swait.ge [sflag:s15], $0x4000  }
.Ltmp0:
0x21: {  	[sflag:s15] =	ssyncset.done $0x0;
	(pc) =	sbr.rel @p0 .LBB2_2-.Ltmp0, $4  }
0x22: {  	[sflag:s15] =	ssyncadd.s32 $0xFFFFC000  }
0x23: {  	[hbm4b:s18+s17] =	stream.linear.scatter [tilespmem:s14], [sflag:$0x2], $0x4000, $0x38;
	[tilespmem:$0x4080] =	vst v63  }
0x24: {  	_ =	swait.ge [sflag:s13], $0x4000  }
0x25: {  	s18 =	sadd.s32 $0x800, s18;
	[sflag:s13] =	ssyncset.done $0x0  }
0x26: {  	[sflag:s13] =	ssyncadd.s32 $0xFFFFC000  }
0x27: {  	[tilespmem:s17], [sflag:$0x2] =	stream.linear.gather [hbm4b:s20+s17], $0x80, $0x38;
	[tilespmem:$0x4080] =	vst v63  }
0x28: {  	_ =	swait.ge [sflag:s13], $0x80  }
0x29: {  	[sflag:s13] =	ssyncset.done $0x0  }
0x2a: {  	[sflag:s13] =	ssyncadd.s32 $0xFFFFFF80  }
0x2b: {  	[tilespmem:s14], [sflag:$0x1] =	stream.indirect.gather [hbm4b:s3+s14], $0x80, s17, s14, $0xb8;
	[tilespmem:$0x4080] =	vst v63  }
0x2c: {  	_ =	swait.ge [sflag:s15], $0x4000  }
0x2d: {  	p1 =	por $0x1, $0x1;
	[sflag:s15] =	ssyncset.done $0x0  }
.Ltmp1:
0x2e: {  	[sflag:s15] =	ssyncadd.s32 $0xFFFFC000;
	(pc) =	sbr.rel @!p1 .LBB2_8-.Ltmp1, $4  }
0x2f: {  	[hbm4b:s18+s17] =	stream.linear.scatter [tilespmem:s14], [sflag:$0x2], $0x4000, $0x38;
	[tilespmem:$0x4080] =	vst v63  }
0x30: {  	p0 =	por $0x0, $0x0;
	_ =	swait.ge [sflag:s13], $0x4000  }
0x31: {  	s19 =	smov.u32 s7;
	p2 =	por $0x0, $0x0;
	[sflag:s13] =	ssyncset.done $0x0  }
0x32: {  	s20 =	simm.s32 $0x0;
	s18 =	simm.s32 $0x80;
	[sflag:s13] =	ssyncadd.s32 $0xFFFFC000  }
0x33: {  	s19 =	sadd.s32 $0x0, s8  }
0x34: {  	[tilespmem:s17], [sflag:$0x2] =	stream.linear.gather [hbm4b:s19+s17], $0x80, $0x38;
	[tilespmem:$0x4080] =	vst v63  }
0x35: {  	_ =	swait.ge [sflag:s13], $0x80  }
0x36: {  	[sflag:s13] =	ssyncset.done $0x0  }
0x37: {  	[sflag:s13] =	ssyncadd.s32 $0xFFFFFF80  }
0x38: {  	[tilespmem:s14], [sflag:$0x1] =	stream.indirect.gather [hbm4b:s3+s14], $0x80, s17, s14, $0xb8;
	[tilespmem:$0x4080] =	vst v63  }
0x39: {  	p3 =	por $0x1, $0x1;
	_ =	swait.ge [sflag:s15], $0x4000  }
.Ltmp2:
0x3a: {  	[sflag:s15] =	ssyncset.done $0x0;
	(pc) =	sbr.rel @!p3 .LBB2_5-.Ltmp2, $4  }
0x3b: {  	[sflag:s15] =	ssyncadd.s32 $0xFFFFC000  }
0x3c: {  	[hbm4b:s7+s17] =	stream.linear.scatter [tilespmem:s14], [sflag:$0x2], $0x4000, $0x38;
	[tilespmem:$0x4080] =	vst v63  }
0x3d: {  	s20 =	simm.s32 $0x100;
	_ =	swait.ge [sflag:s13], $0x4000  }
0x3e: {  	p2 =	por $0x1, $0x1;
	s19 =	sadd.s32 $0x800, s7;
	[sflag:s13] =	ssyncset.done $0x0  }
.LBB2_6:
0x3f: {  	s21 =	sadd.s32 s18, s8  }
0x40: {  	[sflag:s13] =	ssyncadd.s32 $0xFFFFC000;
	s18 =	smov.u32 s20;
	s22 =	sadd.s32 $0x80, s20  }
0x41: {  	[tilespmem:s17], [sflag:$0x2] =	stream.linear.gather [hbm4b:s21+s17], $0x80, $0x38;
	[tilespmem:$0x4080] =	vst v63  }
0x42: {  	p3 =	sne.s32 s20, $0x780;
	_ =	swait.ge [sflag:s13], $0x80  }
0x43: {  	[sflag:s13] =	ssyncset.done $0x0  }
0x44: {  	[sflag:s13] =	ssyncadd.s32 $0xFFFFFF80  }
0x45: {  	[tilespmem:s14], [sflag:$0x1] =	stream.indirect.gather [hbm4b:s3+s14], $0x80, s17, s14, $0xb8;
	[tilespmem:$0x4080] =	vst v63  }
0x46: {  	_ =	swait.ge [sflag:s15], $0x4000  }
.Ltmp3:
0x47: {  	[sflag:s15] =	ssyncset.done $0x0;
	(pc) =	sbr.rel @p3 .LBB2_6-.Ltmp3, $4  }
0x48: {  	[sflag:s15] =	ssyncadd.s32 $0xFFFFC000  }
0x49: {  	[hbm4b:s19+s17] =	stream.linear.scatter [tilespmem:s14], [sflag:$0x2], $0x4000, $0x38;
	[tilespmem:$0x4080] =	vst v63  }
0x4a: {  	_ =	swait.ge [sflag:s13], $0x4000  }
0x4b: {  	s20 =	smov.u32 s22;
	s19 =	sadd.s32 $0x800, s19;
	[sflag:s13] =	ssyncset.done $0x0  }
0x4c: {  	s20 =	smov.u32 s18  }
.LBB2_8:
0x4d: {  	s18 =	sadd.s32 s20, s8;
	[sflag:s13] =	ssyncadd.s32 @p2 $0xFFFFC000  }
0x4e: {  	[tilespmem:s17], [sflag:$0x2] =	stream.linear.gather [hbm4b:s18+s17], $0x80, $0x38;
	[tilespmem:$0x4080] =	vst v63  }
0x4f: {  	_ =	swait.ge [sflag:s13], $0x80  }
0x50: {  	[sflag:s13] =	ssyncset.done $0x0  }
0x51: {  	[sflag:s13] =	ssyncadd.s32 $0xFFFFFF80  }
0x52: {  	[tilespmem:s14], [sflag:$0x1] =	stream.indirect.gather [hbm4b:s3+s14], $0x80, s17, s14, $0xb8;
	[tilespmem:$0x4080] =	vst v63  }
0x53: {  	_ =	swait.ge [sflag:s15], $0x4000  }
0x54: {  	[sflag:s15] =	ssyncset.done $0x0  }
.Ltmp4:
0x55: {  	[sflag:s15] =	ssyncadd.s32 $0xFFFFC000;
	(pc) =	sbr.rel @!p1 .LBB2_9-.Ltmp4, $4  }
0x56: {  	[hbm4b:s19+s17] =	stream.linear.scatter [tilespmem:s14], [sflag:$0x2], $0x4000, $0x38;
	[tilespmem:$0x4080] =	vst v63  }
0x57: {  	_ =	swait.ge [sflag:s13], $0x4000  }
0x58: {  	[sflag:s13] =	ssyncset.done $0x0  }
0x59: {  	s20 =	sadd.s32 $0x0, s10;
	[sflag:s13] =	ssyncadd.s32 $0xFFFFC000  }
0x5a: {  	s18 =	simm.s32 $0x0  }
0x5b: {  	[tilespmem:s18], [sflag:$0x2] =	stream.linear.gather [hbm4b:s20+s18], $0x80, $0x38;
	[tilespmem:$0x4080] =	vst v63  }
0x5c: {  	_ =	swait.ge [sflag:s13], $0x80  }
0x5d: {  	[sflag:s13] =	ssyncset.done $0x0  }
0x5e: {  	[sflag:s13] =	ssyncadd.s32 $0xFFFFFF80  }
0x5f: {  	[tilespmem:s14], [sflag:$0x1] =	stream.indirect.gather [hbm4b:s3+s14], $0x80, s18, s14, $0xb8;
	[tilespmem:$0x4080] =	vst v63  }
0x60: {  	p1 =	por $0x1, $0x1;
	_ =	swait.ge [sflag:s15], $0x4000  }
.Ltmp5:
0x61: {  	[sflag:s15] =	ssyncset.done $0x0;
	(pc) =	sbr.rel @!p1 .LBB2_12-.Ltmp5, $4  }
0x62: {  	[sflag:s15] =	ssyncadd.s32 $0xFFFFC000  }
0x63: {  	[hbm4b:s9+s18] =	stream.linear.scatter [tilespmem:s14], [sflag:$0x2], $0x4000, $0x38;
	[tilespmem:$0x4080] =	vst v63  }
0x64: {  	s19 =	simm.s32 $0x100;
	s17 =	sadd.s32 $0x800, s9;
	_ =	swait.ge [sflag:s13], $0x4000  }
0x65: {  	p0 =	por $0x1, $0x1;
	s20 =	sadd.s32 $0x80, s10;
	[sflag:s13] =	ssyncset.done $0x0  }
.LBB2_11:
0x66: {  	s21 =	sadd.s32 s19, s10;
	[sflag:s13] =	ssyncadd.s32 $0xFFFFC000  }
0x67: {  	[tilespmem:s18], [sflag:$0x2] =	stream.linear.gather [hbm4b:s20+s18], $0x80, $0x38;
	[tilespmem:$0x4080] =	vst v63  }
0x68: {  	p1 =	sne.s32 s19, $0x780;
	s19 =	sadd.s32 $0x80, s19;
	_ =	swait.ge [sflag:s13], $0x80  }
0x69: {  	s20 =	smov.u32 s21;
	[sflag:s13] =	ssyncset.done $0x0  }
0x6a: {  	[sflag:s13] =	ssyncadd.s32 $0xFFFFFF80  }
0x6b: {  	[tilespmem:s14], [sflag:$0x1] =	stream.indirect.gather [hbm4b:s3+s14], $0x80, s18, s14, $0xb8;
	[tilespmem:$0x4080] =	vst v63  }
0x6c: {  	_ =	swait.ge [sflag:s15], $0x4000  }
.Ltmp6:
0x6d: {  	[sflag:s15] =	ssyncset.done $0x0;
	(pc) =	sbr.rel @p1 .LBB2_11-.Ltmp6, $4  }
0x6e: {  	[sflag:s15] =	ssyncadd.s32 $0xFFFFC000  }
0x6f: {  	[hbm4b:s17+s18] =	stream.linear.scatter [tilespmem:s14], [sflag:$0x2], $0x4000, $0x38;
	[tilespmem:$0x4080] =	vst v63  }
0x70: {  	_ =	swait.ge [sflag:s13], $0x4000  }
0x71: {  	s17 =	sadd.s32 $0x800, s17;
	[sflag:s13] =	ssyncset.done $0x0  }
.LBB2_12:
0x72: {  	s19 =	simm.s32 $0x0;
	[sflag:s13] =	ssyncadd.s32 @p0 $0xFFFFC000  }
0x73: {  	[tilespmem:s19], [sflag:$0x2] =	stream.linear.gather [hbm4b:s20+s19], $0x80, $0x38;
	[tilespmem:$0x4080] =	vst v63  }
0x74: {  	_ =	swait.ge [sflag:s13], $0x80  }
0x75: {  	[sflag:s13] =	ssyncset.done $0x0  }
0x76: {  	[sflag:s13] =	ssyncadd.s32 $0xFFFFFF80  }
0x77: {  	[tilespmem:s14], [sflag:$0x1] =	stream.indirect.gather [hbm4b:s3+s14], $0x80, s19, s14, $0xb8;
	[tilespmem:$0x4080] =	vst v63  }
0x78: {  	_ =	swait.ge [sflag:s15], $0x4000  }
0x79: {  	p1 =	por $0x1, $0x1;
	[sflag:s15] =	ssyncset.done $0x0  }
.Ltmp7:
0x7a: {  	[sflag:s15] =	ssyncadd.s32 $0xFFFFC000;
	(pc) =	sbr.rel @!p1 .LBB2_17-.Ltmp7, $4  }
0x7b: {  	[hbm4b:s17+s19] =	stream.linear.scatter [tilespmem:s14], [sflag:$0x2], $0x4000, $0x38;
	[tilespmem:$0x4080] =	vst v63  }
0x7c: {  	_ =	swait.ge [sflag:s13], $0x4000  }
0x7d: {  	p0 =	por $0x0, $0x0;
	[sflag:s13] =	ssyncset.done $0x0  }
0x7e: {  	s18 =	smov.u32 s11;
	s17 =	simm.s32 $0x80;
	[sflag:s13] =	ssyncadd.s32 $0xFFFFC000  }
0x7f: {  	s18 =	sadd.s32 $0x0, s12  }
0x80: {  	[tilespmem:s1], [sflag:$0x2] =	stream.linear.gather [hbm4b:s18+s1], $0x80, $0x38;
	[tilespmem:$0x4080] =	vst v63  }
0x81: {  	_ =	swait.ge [sflag:s13], $0x80  }
0x82: {  	[sflag:s13] =	ssyncset.done $0x0  }
0x83: {  	[sflag:s13] =	ssyncadd.s32 $0xFFFFFF80  }
0x84: {  	[tilespmem:s14], [sflag:$0x1] =	stream.indirect.gather [hbm4b:s3+s14], $0x80, s1, s14, $0xb8;
	[tilespmem:$0x4080] =	vst v63  }
0x85: {  	p1 =	por $0x1, $0x1;
	_ =	swait.ge [sflag:s15], $0x4000  }
.Ltmp8:
0x86: {  	[sflag:s15] =	ssyncset.done $0x0;
	(pc) =	sbr.rel @!p1 .LBB2_14-.Ltmp8, $4  }
0x87: {  	[sflag:s15] =	ssyncadd.s32 $0xFFFFC000  }
0x88: {  	[hbm4b:s11+s1] =	stream.linear.scatter [tilespmem:s14], [sflag:$0x2], $0x4000, $0x38;
	[tilespmem:$0x4080] =	vst v63  }
0x89: {  	s19 =	simm.s32 $0x100;
	_ =	swait.ge [sflag:s13], $0x4000  }
0x8a: {  	p0 =	por $0x1, $0x1;
	s18 =	sadd.s32 $0x800, s11;
	[sflag:s13] =	ssyncset.done $0x0  }
.LBB2_15:
0x8b: {  	s20 =	sadd.s32 s17, s12  }
0x8c: {  	[sflag:s13] =	ssyncadd.s32 $0xFFFFC000;
	s17 =	smov.u32 s19;
	s21 =	sadd.s32 $0x80, s19  }
0x8d: {  	[tilespmem:s1], [sflag:$0x2] =	stream.linear.gather [hbm4b:s20+s1], $0x80, $0x38;
	[tilespmem:$0x4080] =	vst v63  }
0x8e: {  	p1 =	sne.s32 s19, $0x780;
	_ =	swait.ge [sflag:s13], $0x80  }
0x8f: {  	[sflag:s13] =	ssyncset.done $0x0  }
0x90: {  	[sflag:s13] =	ssyncadd.s32 $0xFFFFFF80  }
0x91: {  	[tilespmem:s14], [sflag:$0x1] =	stream.indirect.gather [hbm4b:s3+s14], $0x80, s1, s14, $0xb8;
	[tilespmem:$0x4080] =	vst v63  }
0x92: {  	_ =	swait.ge [sflag:s15], $0x4000  }
.Ltmp9:
0x93: {  	[sflag:s15] =	ssyncset.done $0x0;
	(pc) =	sbr.rel @p1 .LBB2_15-.Ltmp9, $4  }
0x94: {  	[sflag:s15] =	ssyncadd.s32 $0xFFFFC000  }
0x95: {  	[hbm4b:s18+s1] =	stream.linear.scatter [tilespmem:s14], [sflag:$0x2], $0x4000, $0x38;
	[tilespmem:$0x4080] =	vst v63  }
0x96: {  	_ =	swait.ge [sflag:s13], $0x4000  }
0x97: {  	s19 =	smov.u32 s21;
	s18 =	sadd.s32 $0x800, s18;
	[sflag:s13] =	ssyncset.done $0x0  }
0x98: {  	s19 =	smov.u32 s17  }
.LBB2_17:
0x99: {  	s17 =	sadd.s32 s19, s12;
	[sflag:s13] =	ssyncadd.s32 @p0 $0xFFFFC000  }
0x9a: {  	[tilespmem:s1], [sflag:$0x2] =	stream.linear.gather [hbm4b:s17+s1], $0x80, $0x38;
	[tilespmem:$0x4080] =	vst v63  }
0x9b: {  	_ =	swait.ge [sflag:s13], $0x80  }
0x9c: {  	[sflag:s13] =	ssyncset.done $0x0  }
0x9d: {  	[sflag:s13] =	ssyncadd.s32 $0xFFFFFF80  }
0x9e: {  	[tilespmem:s14], [sflag:$0x1] =	stream.indirect.gather [hbm4b:s3+s14], $0x80, s1, s14, $0xb8;
	[tilespmem:$0x4080] =	vst v63  }
0x9f: {  	_ =	swait.ge [sflag:s15], $0x4000  }
0xa0: {  	s16 =	sadd.s32 $0x1, s16;
	[sflag:s15] =	ssyncset.done $0x0  }
0xa1: {  	p0 =	sne.s32 s16, s4;
	[sflag:s15] =	ssyncadd.s32 $0xFFFFC000  }
0xa2: {  	[hbm4b:s18+s1] =	stream.linear.scatter [tilespmem:s14], [sflag:$0x2], $0x4000, $0x38;
	[tilespmem:$0x4080] =	vst v63  }
.Ltmp10:
0xa3: {  	_ = 	snop;
	(pc) =	sbr.rel @p0 .LBB2_1-.Ltmp10, $4  }
.Ltmp11:
0xa4: {  	_ = 	snop;
	(pc) =	sbr.rel @!p0 .LBB2_18-.Ltmp11, $4  }
0xa5: {  	_ =	swait.ge [sflag:s13], $0x4000  }
0xa6: {  	[sflag:s13] =	ssyncset.done $0x0  }
0xa7: {  	[sflag:s13] =	ssyncadd.s32 $0xFFFFC000  }
0xa8: {  	_ = 	snop  }
.LBB2_9:
.Ltmp12:
0xa9: {  	(pc) =	sbr.rel .LBB2_12-.Ltmp12, $2  }
0xaa: {  	_ =	sdelay $0x2  }
0xab: {  	s17 =	smov.u32 s9  }
.LBB2_5:
.Ltmp13:
0xac: {  	(pc) =	sbr.rel .LBB2_8-.Ltmp13, $2  }
0xad: {  	_ =	sdelay $0x2  }
0xae: {  	s20 =	simm.s32 $0x80  }
.LBB2_14:
.Ltmp14:
0xaf: {  	(pc) =	sbr.rel .LBB2_17-.Ltmp14, $2  }
0xb0: {  	_ =	sdelay $0x2  }
0xb1: {  	s19 =	simm.s32 $0x80  }
.LBB2_18:
0xb2: {  	_ =	sfence.sel $0x180000  }
0xb3: {  	[bflag:$0x0] =	sbarrier.arrive $0xFFFF  }
0xb4: {  	p0 =	sne.s32 s2, $0x0;
	_ =	strace $0x9000004A  }
0xb5: {  	s0 =	sadd.s32 @!p0 $0x100000, s0;
	[bflag:$0x2] =	sbarrier.arrive $0xFFFF  }
0xb6: {  	[sflag:s0] =	ssyncadd.tile.s32 @!p0 $0x1;
	_ =	shalt  }
.Lfunc_end2:
_tile_overlayer_lowered:
.L_overlay_start_2:
0xb7: {  	(tag) =	ssettag $0x2  }
0xb8: {  	s0 =	rddreg [dreg:$0x0];
	s2 =	stileid.u32  }
0xb9: {  	s1 =	rddreg [dreg:$0x1];
	p0 =	sne.s32 s2, $0x0  }
0xba: {  	s3 =	rddreg [dreg:$0x2];
	[bflag:$0x3] =	sbarrier.arrive $0xFFFF;
	s2 =	simm.s32 @!p0 $0x1C02  }
0xbb: {  	[timem:s3], [sflag:s2] =	dma.local @!p0 [hbm:s0], s1  }
0xbc: {  	s0 =	simm.s32 @!p0 $0x2  }
0xbd: {  	_ =	swait.ge @!p0 [sflag:s0], s1  }
0xbe: {  	s1 =	ssub.s32 @!p0 $0x0, s1;
	[sflag:s0] =	ssyncset.done @!p0 $0x0  }
0xbf: {  	[sflag:s0] =	ssyncadd.s32 @!p0 s1  }
0xc0: {  	[bflag:$0x3] =	sbarrier.arrive $0xFFFF  }
0xc1: {  	_ =	shalt  }

// kernel: kernel.24.cloned.1.call-start
scs
__scs_entry_jumppad:
0x0: {  	(pc) =	sbr.rel $0x88, $3  }
0x1: {  	(tag) =	ssettag $0x0;
	lr =	simm.s32 $0x1  }
0x2: {  	[smem:$0x3F7F] =	sst lr;
	_ =	strace $0xD0000000  }
0x3: {  	_ = 	snop  }
0x4: {  	_ = 	snop  }
0x5: {  	_ = 	snop  }
0x6: {  	_ = 	snop  }
0x7: {  	_ = 	snop  }
__scs_overlays_trampoline_lowered:
0x8: {  	[smem:$0x3F8E] =	sst s0  }
0x9: {  	[smem:$0x3F8F] =	sst s1  }
0xa: {  	[smem:$0x3F90] =	sst s2  }
0xb: {  	[smem:$0x3F91] =	sst s3  }
0xc: {  	[smem:$0x3F92] =	sst s4  }
0xd: {  	[smem:$0x3F93] =	sst s5  }
0xe: {  	[smem:$0x3F94] =	sst s6  }
0xf: {  	[smem:$0x3F95] =	sst s7  }
0x10: {  	[smem:$0x3F96] =	sst s8  }
0x11: {  	[smem:$0x3F97] =	sst s9;
	s0 =	simm.s32 @!p0 $0x0  }
0x12: {  	s1 =	sld [smem:$0x3F7D];
	s0 =	simm.s32 @p0 $0x1  }
0x13: {  	[smem:$0x3F98] =	sst s0;
	s0 =	simm.s32 @!p1 $0x0  }
0x14: {  	s2 =	sld [smem:$0x3F7C];
	s0 =	simm.s32 @p1 $0x1  }
0x15: {  	[smem:$0x3F99] =	sst s0;
	s0 =	simm.s32 @!p2 $0x0  }
0x16: {  	s3 =	sld [smem:$0x3FDB];
	s0 =	simm.s32 @p2 $0x1  }
0x17: {  	s4 =	simm.s32 $0x1BF5;
	[smem:$0x3F9B] =	sst s0  }
0x18: {  	s0 =	sld [smem:$0x3F7E];
	_ =	swait.ge [sflag:s4], $0x0  }
0x19: {  	s7 =	sld [smem:$0x3F7F]  }
0x1a: {  	s8 =	sadd.s32 $0xFFFFE003, lr  }
0x1b: {  	s9 =	sadd.s32 $0xFFFFFEF7, lr;
	s5 =	simm.s32 $0xFFFFFFFF;
	p2 =	slt.u32 s8, $0xFFFFF086  }
0x1c: {  	p1 =	slt.u32 s9, $0xF7A;
	s5 =	simm.s32 @!p2 $0x0  }
0x1d: {  	s5 =	simm.s32 @p1 $0x1;
	p0 =	seq.s32 s7, s2  }
0x1e: {  	s7 =	smul.u32 @!p0 $0xF7A, s2;
	p2 =	seq.s32 @!p0 s5, $0x0  }
0x1f: {  	s9 =	smul.u32 $0xF7A, s1;
	s8 =	simm.s32 @!p0 $0x1BF5;
	p2 =	por !p2, p0  }
0x20: {  	[sflag:s8] =	ssyncset.s32 @!p0 $0xFFFFF086;
	s6 =	sadd.s32 @!p0 s3, s7;
	s7 =	simm.s32 @!p0 $0x108  }
0x21: {  	s3 =	sadd.s32 s3, s9;
	s6 =	sadd.s32 @!p0 $0x88, s6;
	s7 =	simm.s32 @p2 $0x1082  }
0x22: {  	[simem:s7], [sflag:s8] =	dma.local @!p0 [hbm:s6], $0xF7A  }
0x23: {  	s9 =	sor.u32 $0xD0000000, s2;
	s6 =	simm.s32 $0x108;
	_ =	swait.ge @!p0 [sflag:s8], $0x0  }
0x24: {  	s3 =	sadd.s32 $0x88, s3;
	s6 =	simm.s32 @!p1 $0x1082;
	[sflag:s4] =	ssyncset.s32 $0xFFFFF086  }
0x25: {  	[simem:s6], [sflag:s4] =	dma.local [hbm:s3], $0xF7A  }
0x26: {  	[smem:$0x3F7F] =	sst s1;
	(tag) =	ssettag s2;
	_ =	strace s9  }
0x27: {  	s1 =	sld [smem:$0x3F8F]  }
0x28: {  	s2 =	sld [smem:$0x3F90]  }
0x29: {  	s4 =	sld [smem:$0x3F92]  }
0x2a: {  	p0 =	seq.s32 s5, $0x0;
	s5 =	sld [smem:$0x3F93]  }
0x2b: {  	s6 =	sld [smem:$0x3F94]  }
0x2c: {  	s7 =	sld [smem:$0x3F95]  }
0x2d: {  	s3 =	simm.s32 $0x108;
	s8 =	sld [smem:$0x3F96]  }
0x2e: {  	s3 =	simm.s32 @!p0 $0x1082;
	s9 =	sld [smem:$0x3F97]  }
0x2f: {  	lr =	sadd.s32 s0, s3;
	s0 =	sld [smem:$0x3F8E]  }
0x30: {  	s3 =	sld [smem:$0x3F91]  }
0x31: {  	[smem:$0x3F9A] =	sst s10  }
0x32: {  	s10 =	sld [smem:$0x3F98];
	_ =	sdelay $0x3  }
0x33: {  	p0 =	seq.s32 s10, $0x1;
	s10 =	sld [smem:$0x3F9A];
	_ =	sdelay $0x3  }
0x34: {  	[smem:$0x3F9A] =	sst s10  }
0x35: {  	s10 =	sld [smem:$0x3F99];
	_ =	sdelay $0x3  }
0x36: {  	p1 =	seq.s32 s10, $0x1;
	s10 =	sld [smem:$0x3F9A];
	_ =	sdelay $0x3  }
0x37: {  	[smem:$0x3F9A] =	sst s10  }
0x38: {  	s10 =	sld [smem:$0x3F9B]  }
0x39: {  	_ = 	snop;
	(pc) =	sbr.ind lr, $3  }
0x3a: {  	_ = 	snop  }
0x3b: {  	_ = 	snop  }
0x3c: {  	p2 =	seq.s32 s10, $0x1;
	s10 =	sld [smem:$0x3F9A]  }
0x3d: {  	_ =	shalt  }
0x3e: {  	_ =	shalt  }
0x3f: {  	_ =	shalt  }
0x40: {  	_ =	shalt  }
0x41: {  	_ =	shalt  }
0x42: {  	_ =	shalt  }
0x43: {  	_ =	shalt  }
0x44: {  	_ =	shalt  }
0x45: {  	_ =	shalt  }
0x46: {  	_ =	shalt  }
0x47: {  	_ =	shalt  }
0x48: {  	_ =	shalt  }
0x49: {  	_ =	shalt  }
0x4a: {  	_ =	shalt  }
0x4b: {  	_ =	shalt  }
0x4c: {  	_ =	shalt  }
0x4d: {  	_ =	shalt  }
0x4e: {  	_ =	shalt  }
0x4f: {  	_ =	shalt  }
0x50: {  	_ =	shalt  }
0x51: {  	_ =	shalt  }
0x52: {  	_ =	shalt  }
0x53: {  	_ =	shalt  }
0x54: {  	_ =	shalt  }
0x55: {  	_ =	shalt  }
0x56: {  	_ =	shalt  }
0x57: {  	_ =	shalt  }
0x58: {  	_ =	shalt  }
0x59: {  	_ =	shalt  }
0x5a: {  	_ =	shalt  }
0x5b: {  	_ =	shalt  }
0x5c: {  	_ =	shalt  }
0x5d: {  	_ =	shalt  }
0x5e: {  	_ =	shalt  }
0x5f: {  	_ =	shalt  }
0x60: {  	_ =	shalt  }
0x61: {  	_ =	shalt  }
0x62: {  	_ =	shalt  }
0x63: {  	_ =	shalt  }
0x64: {  	_ =	shalt  }
0x65: {  	_ =	shalt  }
0x66: {  	_ =	shalt  }
0x67: {  	_ =	shalt  }
0x68: {  	_ =	shalt  }
0x69: {  	_ =	shalt  }
0x6a: {  	_ =	shalt  }
0x6b: {  	_ =	shalt  }
0x6c: {  	_ =	shalt  }
0x6d: {  	_ =	shalt  }
0x6e: {  	_ =	shalt  }
0x6f: {  	_ =	shalt  }
0x70: {  	_ =	shalt  }
0x71: {  	_ =	shalt  }
0x72: {  	_ =	shalt  }
0x73: {  	_ =	shalt  }
0x74: {  	_ =	shalt  }
0x75: {  	_ =	shalt  }
0x76: {  	_ =	shalt  }
0x77: {  	_ =	shalt  }
0x78: {  	_ =	shalt  }
0x79: {  	_ =	shalt  }
0x7a: {  	_ =	shalt  }
0x7b: {  	_ =	shalt  }
0x7c: {  	_ =	shalt  }
0x7d: {  	_ =	shalt  }
0x7e: {  	_ =	shalt  }
0x7f: {  	_ =	shalt  }
0x80: {  	_ =	shalt  }
0x81: {  	_ =	shalt  }
0x82: {  	_ =	shalt  }
0x83: {  	_ =	shalt  }
0x84: {  	_ =	shalt  }
0x85: {  	_ =	shalt  }
0x86: {  	_ =	shalt  }
0x87: {  	_ =	shalt  }
.Lfunc_end0:
.L_simem_size_0:
called_computation.2_lowered:
.L_overlay_start_0:
0x88: {  	s2 =	sld [smem:$0x3FD9]  }
0x89: {  	s3 =	sld [smem:$0x3FFE];
	_ =	sdelay $0x1  }
0x8a: {  	s1 =	srdreg.scid  }
0x8b: {  	s0 =	sand.u32 $0x1, s1  }
0x8c: {  	s16 =	sshll.u32 s0, $0xA;
	s2 =	sadd.s32 s3, s2  }
0x8d: {  	s2 =	sadd.s32 s2, s16  }
0x8e: {  	[smem:$0x3FA6] =	sst s2  }
0x8f: {  	_ = 	snop  }
0x90: {  	(tm) =	ssettm $0x1  }
0x91: {  	s17 =	sld [smem:$0x3FFB];
	_ =	sdelay $0x3  }
0x92: {  	_ =	strace s17  }
0x93: {  	s2 =	sld [smem:$0x3FFC];
	_ =	sdelay $0x3  }
0x94: {  	_ =	strace s2  }
0x95: {  	s2 =	sld [smem:$0x3FFD];
	_ =	sdelay $0x3  }
0x96: {  	_ =	strace s2  }
0x97: {  	_ =	strace $0x8FFFFFFF  }
0x98: {  	s18 =	sld [smem:$0x3FDB];
	_ =	sdelay $0x1  }
0x99: {  	s19 =	simm.s32 $_scs_section_size  }
0x9a: {  	s4 =	simm.s32 $_size__tile_overlayer_lowered;
	s5 =	simm.s32 $_tile_overlayer_lowered  }
0x9b: {  	s22 =	simm.s32 $0x1BFF;
	s21 =	sshll.u32 s5, $0x1;
	s2 =	sadd.s32 s19, s18  }
0x9c: {  	s6 =	simm.s32 $0x0;
	s20 =	sshll.u32 s4, $0x1;
	s4 =	sadd.s32 s21, s2  }
0x9d: {  	[timem:s6], [sflag:s22] =	dma.local [hbm:s4], s20  }
0x9e: {  	_ =	swait.ge [sflag:s22], s20  }
0x9f: {  	s3 =	ssub.s32 $0x0, s20;
	[sflag:s22] =	ssyncset.done $0x0  }
0xa0: {  	[sflag:s22] =	ssyncadd.s32 s3;
	_ =	sdelay $0x1  }
0xa1: {  	s23 =	simm.s32 $0x1B8B  }
0xa2: {  	_ =	swait.ge [sflag:s23], $0x1  }
0xa3: {  	[sflag:s23] =	ssyncset.done $0x0  }
0xa4: {  	s25 =	simm.s32 $0x1B8E;
	s24 =	sld [smem:$0x3FFE];
	[sflag:s23] =	ssyncadd.s32 $0xFFFFFFFF  }
0xa5: {  	s26 =	simm.s32 $execute0_lowered;
	[smem:$0x3FD2] =	sst s25  }
0xa6: {  	s4 =	sshll.u32 s26, $0x1;
	_ =	strace $0x8000004C;
	[dreg:$0x1] =	wrdreg $0xFFFFFFFF  }
0xa7: {  	s28 =	simm.s32 $_size_execute0_lowered;
	s2 =	sadd.s32 s2, s4;
	[dreg:$0x0] =	wrdreg $0x0  }
0xa8: {  	s4 =	sshll.u32 s28, $0x1;
	[dreg:$0x2] =	wrdreg s2  }
0xa9: {  	[dreg:$0x3] =	wrdreg s4  }
0xaa: {  	[dreg:$0x4] =	wrdreg $0xC0  }
0xab: {  	_ =	task [dreg:s6], $0x5FFFF  }
0xac: {  	[dreg:$0x1] =	wrdreg $0xFFFFFFFF  }
0xad: {  	[dreg:$0x0] =	wrdreg $0x60  }
0xae: {  	[dreg:$0x2] =	wrdreg s24  }
0xaf: {  	[dreg:$0x3] =	wrdreg $0x9  }
0xb0: {  	_ =	task.clear_ibuf [dreg:s6], $0x4FFFF;
	_ =	strace $0x9000004C  }
0xb1: {  	s29 =	simm.s32 $0x9;
	_ =	strace $0x8000004E  }
0xb2: {  	_ =	swait.ge [sflag:s29], $0x1  }
0xb3: {  	[sflag:s29] =	ssyncadd.s32 $0xFFFFFFFF  }
0xb4: {  	_ =	strace $0x9000004E  }
0xb5: {  	_ =	sfence  }
0xb6: {  	s30 =	sld [smem:$0x0];
	_ =	sdelay $0x2  }
0xb7: {  	s31 =	sshll.u32 s1, $0xD;
	s1 =	sshrl.u32 s1, $0x2  }
0xb8: {  	s3 =	sand.u32 $0x4000, s31;
	s1 =	sadd.s32 s1, s30  }
0xb9: {  	s0 =	sor.u32 s3, s0;
	s1 =	sshll.u32 s1, $0x11  }
0xba: {  	s0 =	sor.u32 s1, s0  }
0xbb: {  	s0 =	sadd.s32 $0x8F2B, s0  }
0xbc: {  	[sflag:s0] =	ssyncadd.remote.s32 $0x1  }
0xbd: {  	_ =	sfence.sel $0xFFFF  }
0xbe: {  	[dreg:$0x0] =	wrdreg $0xFFFFFFFF;
	(pc) =	sbr.abs _section_cstart, $3  }
0xbf: {  	[dreg:$0x1] =	wrdreg $0xFFFFFFFF  }
0xc0: {  	_ =	task.clear_ibuf [dreg:s6], $0x2FFFF;
	_ =	strace $0x9FFFFFFF  }
0xc1: {  	(tm) =	ssettm $0x7FFFFFFF  }
tec
execute0_lowered:
.L_overlay_start_1:
0x0: {  	(tag) =	ssettag $0x1  }
0x1: {  	s4 =	rddreg [dreg:$0x0]  }
0x2: {  	s0 =	rddreg [dreg:$0x1];
	s1 =	simm.s32 $0x0  }
0x3: {  	s5 =	srdreg.scid;
	s2 =	stileid.u32;
	s13 =	simm.s32 $0x2  }
0x4: {  	s14 =	simm.s32 $0x80;
	s15 =	simm.s32 $0x1;
	s16 =	simm.s32 $0x0  }
0x5: {  	[smem:$0x7FF] =	sst s1;
	s3 =	sadd.s32 $0xFAFE00, s4;
	s6 =	sand.u32 $0x1, s5  }
0x6: {  	s7 =	sshll.u32 s2, $0xB;
	s8 =	sshll.u32 s2, $0x12;
	s30 =	sshll.u32 s5, $0x6  }
0x7: {  	_ =	strace $0x8000004D;
	s9 =	ssub.s32 $0x2, s6;
	s7 =	sadd.s32 s7, s4  }
0x8: {  	s8 =	sadd.s32 s8, s4;
	s29 =	sshll.u32 s6, $0x6;
	s6 =	sshll.u32 s6, $0x11  }
0x9: {  	s31 =	sor.u32 $0x20, s30;
	s28 =	sshrl.u32 s9, $0x1;
	s11 =	sadd.s32 s6, s8  }
0xa: {  	s10 =	sadd.s32 $0x197E00, s7;
	s12 =	sand.u32 $0x60, s31;
	s4 =	ssub.s32 s9, s28  }
0xb: {  	s5 =	sadd.s32 $0x19FE00, s11;
	s6 =	sadd.s32 s29, s10;
	s7 =	sadd.s32 $0x1A7E00, s11  }
0xc: {  	s9 =	sadd.s32 $0x1AFE00, s11;
	s10 =	sadd.s32 s12, s10;
	s11 =	sadd.s32 $0x1B7E00, s11  }
0xd: {  	s4 =	smax.u32 s4, $0x1;
	s8 =	sadd.s32 $0x10, s6;
	s12 =	sadd.s32 $0x30, s6  }
.LBB2_1:
0xe: {  	s17 =	sadd.s32 $0x0, s6  }
0xf: {  	[tilespmem:s1], [sflag:$0x2] =	stream.linear.gather [hbm4b:s17+s1], $0x80, $0x38;
	[tilespmem:$0x4080] =	vst v63  }
0x10: {  	_ =	swait.ge [sflag:s13], $0x80  }
0x11: {  	[sflag:s13] =	ssyncset.done $0x0  }
0x12: {  	[sflag:s13] =	ssyncadd.s32 $0xFFFFFF80  }
0x13: {  	[tilespmem:s14], [sflag:$0x1] =	stream.indirect.gather [hbm4b:s3+s14], $0x80, s1, s14, $0xb8;
	[tilespmem:$0x4080] =	vst v63  }
0x14: {  	_ =	swait.ge [sflag:s15], $0x4000  }
0x15: {  	[sflag:s15] =	ssyncset.done $0x0  }
0x16: {  	[sflag:s15] =	ssyncadd.s32 $0xFFFFC000  }
0x17: {  	[hbm4b:s5+s1] =	stream.linear.scatter [tilespmem:s14], [sflag:$0x2], $0x4000, $0x38;
	[tilespmem:$0x4080] =	vst v63  }
0x18: {  	s20 =	sadd.s32 $0x80, s6;
	_ =	swait.ge [sflag:s13], $0x4000  }
0x19: {  	s19 =	simm.s32 $0x100;
	s18 =	sadd.s32 $0x800, s5;
	[sflag:s13] =	ssyncset.done $0x0  }
.LBB2_2:
0x1a: {  	s21 =	sadd.s32 s19, s6;
	s17 =	simm.s32 $0x0;
	[sflag:s13] =	ssyncadd.s32 $0xFFFFC000  }
0x1b: {  	[tilespmem:s17], [sflag:$0x2] =	stream.linear.gather [hbm4b:s20+s17], $0x80, $0x38;
	[tilespmem:$0x4080] =	vst v63  }
0x1c: {  	p0 =	sne.s32 s19, $0x780;
	s19 =	sadd.s32 $0x80, s19;
	_ =	swait.ge [sflag:s13], $0x80  }
0x1d: {  	s20 =	smov.u32 s21;
	[sflag:s13] =	ssyncset.done $0x0  }
0x1e: {  	[sflag:s13] =	ssyncadd.s32 $0xFFFFFF80  }
0x1f: {  	[tilespmem:s14], [sflag:$0x1] =	stream.indirect.gather [hbm4b:s3+s14], $0x80, s17, s14, $0xb8;
	[tilespmem:$0x4080] =	vst v63  }
0x20: {  	_ =	swait.ge [sflag:s15], $0x4000  }
.Ltmp0:
0x21: {  	[sflag:s15] =	ssyncset.done $0x0;
	(pc) =	sbr.rel @p0 .LBB2_2-.Ltmp0, $4  }
0x22: {  	[sflag:s15] =	ssyncadd.s32 $0xFFFFC000  }
0x23: {  	[hbm4b:s18+s17] =	stream.linear.scatter [tilespmem:s14], [sflag:$0x2], $0x4000, $0x38;
	[tilespmem:$0x4080] =	vst v63  }
0x24: {  	_ =	swait.ge [sflag:s13], $0x4000  }
0x25: {  	s18 =	sadd.s32 $0x800, s18;
	[sflag:s13] =	ssyncset.done $0x0  }
0x26: {  	[sflag:s13] =	ssyncadd.s32 $0xFFFFC000  }
0x27: {  	[tilespmem:s17], [sflag:$0x2] =	stream.linear.gather [hbm4b:s20+s17], $0x80, $0x38;
	[tilespmem:$0x4080] =	vst v63  }
0x28: {  	_ =	swait.ge [sflag:s13], $0x80  }
0x29: {  	[sflag:s13] =	ssyncset.done $0x0  }
0x2a: {  	[sflag:s13] =	ssyncadd.s32 $0xFFFFFF80  }
0x2b: {  	[tilespmem:s14], [sflag:$0x1] =	stream.indirect.gather [hbm4b:s3+s14], $0x80, s17, s14, $0xb8;
	[tilespmem:$0x4080] =	vst v63  }
0x2c: {  	_ =	swait.ge [sflag:s15], $0x4000  }
0x2d: {  	p1 =	por $0x1, $0x1;
	[sflag:s15] =	ssyncset.done $0x0  }
.Ltmp1:
0x2e: {  	[sflag:s15] =	ssyncadd.s32 $0xFFFFC000;
	(pc) =	sbr.rel @!p1 .LBB2_8-.Ltmp1, $4  }
0x2f: {  	[hbm4b:s18+s17] =	stream.linear.scatter [tilespmem:s14], [sflag:$0x2], $0x4000, $0x38;
	[tilespmem:$0x4080] =	vst v63  }
0x30: {  	p0 =	por $0x0, $0x0;
	_ =	swait.ge [sflag:s13], $0x4000  }
0x31: {  	s19 =	smov.u32 s7;
	p2 =	por $0x0, $0x0;
	[sflag:s13] =	ssyncset.done $0x0  }
0x32: {  	s20 =	simm.s32 $0x0;
	s18 =	simm.s32 $0x80;
	[sflag:s13] =	ssyncadd.s32 $0xFFFFC000  }
0x33: {  	s19 =	sadd.s32 $0x0, s8  }
0x34: {  	[tilespmem:s17], [sflag:$0x2] =	stream.linear.gather [hbm4b:s19+s17], $0x80, $0x38;
	[tilespmem:$0x4080] =	vst v63  }
0x35: {  	_ =	swait.ge [sflag:s13], $0x80  }
0x36: {  	[sflag:s13] =	ssyncset.done $0x0  }
0x37: {  	[sflag:s13] =	ssyncadd.s32 $0xFFFFFF80  }
0x38: {  	[tilespmem:s14], [sflag:$0x1] =	stream.indirect.gather [hbm4b:s3+s14], $0x80, s17, s14, $0xb8;
	[tilespmem:$0x4080] =	vst v63  }
0x39: {  	p3 =	por $0x1, $0x1;
	_ =	swait.ge [sflag:s15], $0x4000  }
.Ltmp2:
0x3a: {  	[sflag:s15] =	ssyncset.done $0x0;
	(pc) =	sbr.rel @!p3 .LBB2_5-.Ltmp2, $4  }
0x3b: {  	[sflag:s15] =	ssyncadd.s32 $0xFFFFC000  }
0x3c: {  	[hbm4b:s7+s17] =	stream.linear.scatter [tilespmem:s14], [sflag:$0x2], $0x4000, $0x38;
	[tilespmem:$0x4080] =	vst v63  }
0x3d: {  	s20 =	simm.s32 $0x100;
	_ =	swait.ge [sflag:s13], $0x4000  }
0x3e: {  	p2 =	por $0x1, $0x1;
	s19 =	sadd.s32 $0x800, s7;
	[sflag:s13] =	ssyncset.done $0x0  }
.LBB2_6:
0x3f: {  	s21 =	sadd.s32 s18, s8  }
0x40: {  	[sflag:s13] =	ssyncadd.s32 $0xFFFFC000;
	s18 =	smov.u32 s20;
	s22 =	sadd.s32 $0x80, s20  }
0x41: {  	[tilespmem:s17], [sflag:$0x2] =	stream.linear.gather [hbm4b:s21+s17], $0x80, $0x38;
	[tilespmem:$0x4080] =	vst v63  }
0x42: {  	p3 =	sne.s32 s20, $0x780;
	_ =	swait.ge [sflag:s13], $0x80  }
0x43: {  	[sflag:s13] =	ssyncset.done $0x0  }
0x44: {  	[sflag:s13] =	ssyncadd.s32 $0xFFFFFF80  }
0x45: {  	[tilespmem:s14], [sflag:$0x1] =	stream.indirect.gather [hbm4b:s3+s14], $0x80, s17, s14, $0xb8;
	[tilespmem:$0x4080] =	vst v63  }
0x46: {  	_ =	swait.ge [sflag:s15], $0x4000  }
.Ltmp3:
0x47: {  	[sflag:s15] =	ssyncset.done $0x0;
	(pc) =	sbr.rel @p3 .LBB2_6-.Ltmp3, $4  }
0x48: {  	[sflag:s15] =	ssyncadd.s32 $0xFFFFC000  }
0x49: {  	[hbm4b:s19+s17] =	stream.linear.scatter [tilespmem:s14], [sflag:$0x2], $0x4000, $0x38;
	[tilespmem:$0x4080] =	vst v63  }
0x4a: {  	_ =	swait.ge [sflag:s13], $0x4000  }
0x4b: {  	s20 =	smov.u32 s22;
	s19 =	sadd.s32 $0x800, s19;
	[sflag:s13] =	ssyncset.done $0x0  }
0x4c: {  	s20 =	smov.u32 s18  }
.LBB2_8:
0x4d: {  	s18 =	sadd.s32 s20, s8;
	[sflag:s13] =	ssyncadd.s32 @p2 $0xFFFFC000  }
0x4e: {  	[tilespmem:s17], [sflag:$0x2] =	stream.linear.gather [hbm4b:s18+s17], $0x80, $0x38;
	[tilespmem:$0x4080] =	vst v63  }
0x4f: {  	_ =	swait.ge [sflag:s13], $0x80  }
0x50: {  	[sflag:s13] =	ssyncset.done $0x0  }
0x51: {  	[sflag:s13] =	ssyncadd.s32 $0xFFFFFF80  }
0x52: {  	[tilespmem:s14], [sflag:$0x1] =	stream.indirect.gather [hbm4b:s3+s14], $0x80, s17, s14, $0xb8;
	[tilespmem:$0x4080] =	vst v63  }
0x53: {  	_ =	swait.ge [sflag:s15], $0x4000  }
0x54: {  	[sflag:s15] =	ssyncset.done $0x0  }
.Ltmp4:
0x55: {  	[sflag:s15] =	ssyncadd.s32 $0xFFFFC000;
	(pc) =	sbr.rel @!p1 .LBB2_9-.Ltmp4, $4  }
0x56: {  	[hbm4b:s19+s17] =	stream.linear.scatter [tilespmem:s14], [sflag:$0x2], $0x4000, $0x38;
	[tilespmem:$0x4080] =	vst v63  }
0x57: {  	_ =	swait.ge [sflag:s13], $0x4000  }
0x58: {  	[sflag:s13] =	ssyncset.done $0x0  }
0x59: {  	s20 =	sadd.s32 $0x0, s10;
	[sflag:s13] =	ssyncadd.s32 $0xFFFFC000  }
0x5a: {  	s18 =	simm.s32 $0x0  }
0x5b: {  	[tilespmem:s18], [sflag:$0x2] =	stream.linear.gather [hbm4b:s20+s18], $0x80, $0x38;
	[tilespmem:$0x4080] =	vst v63  }
0x5c: {  	_ =	swait.ge [sflag:s13], $0x80  }
0x5d: {  	[sflag:s13] =	ssyncset.done $0x0  }
0x5e: {  	[sflag:s13] =	ssyncadd.s32 $0xFFFFFF80  }
0x5f: {  	[tilespmem:s14], [sflag:$0x1] =	stream.indirect.gather [hbm4b:s3+s14], $0x80, s18, s14, $0xb8;
	[tilespmem:$0x4080] =	vst v63  }
0x60: {  	p1 =	por $0x1, $0x1;
	_ =	swait.ge [sflag:s15], $0x4000  }
.Ltmp5:
0x61: {  	[sflag:s15] =	ssyncset.done $0x0;
	(pc) =	sbr.rel @!p1 .LBB2_12-.Ltmp5, $4  }
0x62: {  	[sflag:s15] =	ssyncadd.s32 $0xFFFFC000  }
0x63: {  	[hbm4b:s9+s18] =	stream.linear.scatter [tilespmem:s14], [sflag:$0x2], $0x4000, $0x38;
	[tilespmem:$0x4080] =	vst v63  }
0x64: {  	s19 =	simm.s32 $0x100;
	s17 =	sadd.s32 $0x800, s9;
	_ =	swait.ge [sflag:s13], $0x4000  }
0x65: {  	p0 =	por $0x1, $0x1;
	s20 =	sadd.s32 $0x80, s10;
	[sflag:s13] =	ssyncset.done $0x0  }
.LBB2_11:
0x66: {  	s21 =	sadd.s32 s19, s10;
	[sflag:s13] =	ssyncadd.s32 $0xFFFFC000  }
0x67: {  	[tilespmem:s18], [sflag:$0x2] =	stream.linear.gather [hbm4b:s20+s18], $0x80, $0x38;
	[tilespmem:$0x4080] =	vst v63  }
0x68: {  	p1 =	sne.s32 s19, $0x780;
	s19 =	sadd.s32 $0x80, s19;
	_ =	swait.ge [sflag:s13], $0x80  }
0x69: {  	s20 =	smov.u32 s21;
	[sflag:s13] =	ssyncset.done $0x0  }
0x6a: {  	[sflag:s13] =	ssyncadd.s32 $0xFFFFFF80  }
0x6b: {  	[tilespmem:s14], [sflag:$0x1] =	stream.indirect.gather [hbm4b:s3+s14], $0x80, s18, s14, $0xb8;
	[tilespmem:$0x4080] =	vst v63  }
0x6c: {  	_ =	swait.ge [sflag:s15], $0x4000  }
.Ltmp6:
0x6d: {  	[sflag:s15] =	ssyncset.done $0x0;
	(pc) =	sbr.rel @p1 .LBB2_11-.Ltmp6, $4  }
0x6e: {  	[sflag:s15] =	ssyncadd.s32 $0xFFFFC000  }
0x6f: {  	[hbm4b:s17+s18] =	stream.linear.scatter [tilespmem:s14], [sflag:$0x2], $0x4000, $0x38;
	[tilespmem:$0x4080] =	vst v63  }
0x70: {  	_ =	swait.ge [sflag:s13], $0x4000  }
0x71: {  	s17 =	sadd.s32 $0x800, s17;
	[sflag:s13] =	ssyncset.done $0x0  }
.LBB2_12:
0x72: {  	s19 =	simm.s32 $0x0;
	[sflag:s13] =	ssyncadd.s32 @p0 $0xFFFFC000  }
0x73: {  	[tilespmem:s19], [sflag:$0x2] =	stream.linear.gather [hbm4b:s20+s19], $0x80, $0x38;
	[tilespmem:$0x4080] =	vst v63  }
0x74: {  	_ =	swait.ge [sflag:s13], $0x80  }
0x75: {  	[sflag:s13] =	ssyncset.done $0x0  }
0x76: {  	[sflag:s13] =	ssyncadd.s32 $0xFFFFFF80  }
0x77: {  	[tilespmem:s14], [sflag:$0x1] =	stream.indirect.gather [hbm4b:s3+s14], $0x80, s19, s14, $0xb8;
	[tilespmem:$0x4080] =	vst v63  }
0x78: {  	_ =	swait.ge [sflag:s15], $0x4000  }
0x79: {  	p1 =	por $0x1, $0x1;
	[sflag:s15] =	ssyncset.done $0x0  }
.Ltmp7:
0x7a: {  	[sflag:s15] =	ssyncadd.s32 $0xFFFFC000;
	(pc) =	sbr.rel @!p1 .LBB2_17-.Ltmp7, $4  }
0x7b: {  	[hbm4b:s17+s19] =	stream.linear.scatter [tilespmem:s14], [sflag:$0x2], $0x4000, $0x38;
	[tilespmem:$0x4080] =	vst v63  }
0x7c: {  	_ =	swait.ge [sflag:s13], $0x4000  }
0x7d: {  	p0 =	por $0x0, $0x0;
	[sflag:s13] =	ssyncset.done $0x0  }
0x7e: {  	s18 =	smov.u32 s11;
	s17 =	simm.s32 $0x80;
	[sflag:s13] =	ssyncadd.s32 $0xFFFFC000  }
0x7f: {  	s18 =	sadd.s32 $0x0, s12  }
0x80: {  	[tilespmem:s1], [sflag:$0x2] =	stream.linear.gather [hbm4b:s18+s1], $0x80, $0x38;
	[tilespmem:$0x4080] =	vst v63  }
0x81: {  	_ =	swait.ge [sflag:s13], $0x80  }
0x82: {  	[sflag:s13] =	ssyncset.done $0x0  }
0x83: {  	[sflag:s13] =	ssyncadd.s32 $0xFFFFFF80  }
0x84: {  	[tilespmem:s14], [sflag:$0x1] =	stream.indirect.gather [hbm4b:s3+s14], $0x80, s1, s14, $0xb8;
	[tilespmem:$0x4080] =	vst v63  }
0x85: {  	p1 =	por $0x1, $0x1;
	_ =	swait.ge [sflag:s15], $0x4000  }
.Ltmp8:
0x86: {  	[sflag:s15] =	ssyncset.done $0x0;
	(pc) =	sbr.rel @!p1 .LBB2_14-.Ltmp8, $4  }
0x87: {  	[sflag:s15] =	ssyncadd.s32 $0xFFFFC000  }
0x88: {  	[hbm4b:s11+s1] =	stream.linear.scatter [tilespmem:s14], [sflag:$0x2], $0x4000, $0x38;
	[tilespmem:$0x4080] =	vst v63  }
0x89: {  	s19 =	simm.s32 $0x100;
	_ =	swait.ge [sflag:s13], $0x4000  }
0x8a: {  	p0 =	por $0x1, $0x1;
	s18 =	sadd.s32 $0x800, s11;
	[sflag:s13] =	ssyncset.done $0x0  }
.LBB2_15:
0x8b: {  	s20 =	sadd.s32 s17, s12  }
0x8c: {  	[sflag:s13] =	ssyncadd.s32 $0xFFFFC000;
	s17 =	smov.u32 s19;
	s21 =	sadd.s32 $0x80, s19  }
0x8d: {  	[tilespmem:s1], [sflag:$0x2] =	stream.linear.gather [hbm4b:s20+s1], $0x80, $0x38;
	[tilespmem:$0x4080] =	vst v63  }
0x8e: {  	p1 =	sne.s32 s19, $0x780;
	_ =	swait.ge [sflag:s13], $0x80  }
0x8f: {  	[sflag:s13] =	ssyncset.done $0x0  }
0x90: {  	[sflag:s13] =	ssyncadd.s32 $0xFFFFFF80  }
0x91: {  	[tilespmem:s14], [sflag:$0x1] =	stream.indirect.gather [hbm4b:s3+s14], $0x80, s1, s14, $0xb8;
	[tilespmem:$0x4080] =	vst v63  }
0x92: {  	_ =	swait.ge [sflag:s15], $0x4000  }
.Ltmp9:
0x93: {  	[sflag:s15] =	ssyncset.done $0x0;
	(pc) =	sbr.rel @p1 .LBB2_15-.Ltmp9, $4  }
0x94: {  	[sflag:s15] =	ssyncadd.s32 $0xFFFFC000  }
0x95: {  	[hbm4b:s18+s1] =	stream.linear.scatter [tilespmem:s14], [sflag:$0x2], $0x4000, $0x38;
	[tilespmem:$0x4080] =	vst v63  }
0x96: {  	_ =	swait.ge [sflag:s13], $0x4000  }
0x97: {  	s19 =	smov.u32 s21;
	s18 =	sadd.s32 $0x800, s18;
	[sflag:s13] =	ssyncset.done $0x0  }
0x98: {  	s19 =	smov.u32 s17  }
.LBB2_17:
0x99: {  	s17 =	sadd.s32 s19, s12;
	[sflag:s13] =	ssyncadd.s32 @p0 $0xFFFFC000  }
0x9a: {  	[tilespmem:s1], [sflag:$0x2] =	stream.linear.gather [hbm4b:s17+s1], $0x80, $0x38;
	[tilespmem:$0x4080] =	vst v63  }
0x9b: {  	_ =	swait.ge [sflag:s13], $0x80  }
0x9c: {  	[sflag:s13] =	ssyncset.done $0x0  }
0x9d: {  	[sflag:s13] =	ssyncadd.s32 $0xFFFFFF80  }
0x9e: {  	[tilespmem:s14], [sflag:$0x1] =	stream.indirect.gather [hbm4b:s3+s14], $0x80, s1, s14, $0xb8;
	[tilespmem:$0x4080] =	vst v63  }
0x9f: {  	_ =	swait.ge [sflag:s15], $0x4000  }
0xa0: {  	s16 =	sadd.s32 $0x1, s16;
	[sflag:s15] =	ssyncset.done $0x0  }
0xa1: {  	p0 =	sne.s32 s16, s4;
	[sflag:s15] =	ssyncadd.s32 $0xFFFFC000  }
0xa2: {  	[hbm4b:s18+s1] =	stream.linear.scatter [tilespmem:s14], [sflag:$0x2], $0x4000, $0x38;
	[tilespmem:$0x4080] =	vst v63  }
.Ltmp10:
0xa3: {  	_ = 	snop;
	(pc) =	sbr.rel @p0 .LBB2_1-.Ltmp10, $4  }
.Ltmp11:
0xa4: {  	_ = 	snop;
	(pc) =	sbr.rel @!p0 .LBB2_18-.Ltmp11, $4  }
0xa5: {  	_ =	swait.ge [sflag:s13], $0x4000  }
0xa6: {  	[sflag:s13] =	ssyncset.done $0x0  }
0xa7: {  	[sflag:s13] =	ssyncadd.s32 $0xFFFFC000  }
0xa8: {  	_ = 	snop  }
.LBB2_9:
.Ltmp12:
0xa9: {  	(pc) =	sbr.rel .LBB2_12-.Ltmp12, $2  }
0xaa: {  	_ =	sdelay $0x2  }
0xab: {  	s17 =	smov.u32 s9  }
.LBB2_5:
.Ltmp13:
0xac: {  	(pc) =	sbr.rel .LBB2_8-.Ltmp13, $2  }
0xad: {  	_ =	sdelay $0x2  }
0xae: {  	s20 =	simm.s32 $0x80  }
.LBB2_14:
.Ltmp14:
0xaf: {  	(pc) =	sbr.rel .LBB2_17-.Ltmp14, $2  }
0xb0: {  	_ =	sdelay $0x2  }
0xb1: {  	s19 =	simm.s32 $0x80  }
.LBB2_18:
0xb2: {  	_ =	sfence.sel $0x180000  }
0xb3: {  	[bflag:$0x0] =	sbarrier.arrive $0xFFFF  }
0xb4: {  	p0 =	sne.s32 s2, $0x0;
	_ =	strace $0x9000004D  }
0xb5: {  	s0 =	sadd.s32 @!p0 $0x100000, s0;
	[bflag:$0x2] =	sbarrier.arrive $0xFFFF  }
0xb6: {  	[sflag:s0] =	ssyncadd.tile.s32 @!p0 $0x1;
	_ =	shalt  }
.Lfunc_end2:
_tile_overlayer_lowered:
.L_overlay_start_2:
0xb7: {  	(tag) =	ssettag $0x2  }
0xb8: {  	s0 =	rddreg [dreg:$0x0];
	s2 =	stileid.u32  }
0xb9: {  	s1 =	rddreg [dreg:$0x1];
	p0 =	sne.s32 s2, $0x0  }
0xba: {  	s3 =	rddreg [dreg:$0x2];
	[bflag:$0x3] =	sbarrier.arrive $0xFFFF;
	s2 =	simm.s32 @!p0 $0x1C02  }
0xbb: {  	[timem:s3], [sflag:s2] =	dma.local @!p0 [hbm:s0], s1  }
0xbc: {  	s0 =	simm.s32 @!p0 $0x2  }
0xbd: {  	_ =	swait.ge @!p0 [sflag:s0], s1  }
0xbe: {  	s1 =	ssub.s32 @!p0 $0x0, s1;
	[sflag:s0] =	ssyncset.done @!p0 $0x0  }
0xbf: {  	[sflag:s0] =	ssyncadd.s32 @!p0 s1  }
0xc0: {  	[bflag:$0x3] =	sbarrier.arrive $0xFFFF  }
0xc1: {  	_ =	shalt  }

// kernel: kernel.27.cloned.1.call-start
scs
__scs_entry_jumppad:
0x0: {  	(pc) =	sbr.rel $0x88, $3  }
0x1: {  	(tag) =	ssettag $0x0;
	lr =	simm.s32 $0x1  }
0x2: {  	[smem:$0x3F7F] =	sst lr;
	_ =	strace $0xD0000000  }
0x3: {  	_ = 	snop  }
0x4: {  	_ = 	snop  }
0x5: {  	_ = 	snop  }
0x6: {  	_ = 	snop  }
0x7: {  	_ = 	snop  }
__scs_overlays_trampoline_lowered:
0x8: {  	[smem:$0x3F8E] =	sst s0  }
0x9: {  	[smem:$0x3F8F] =	sst s1  }
0xa: {  	[smem:$0x3F90] =	sst s2  }
0xb: {  	[smem:$0x3F91] =	sst s3  }
0xc: {  	[smem:$0x3F92] =	sst s4  }
0xd: {  	[smem:$0x3F93] =	sst s5  }
0xe: {  	[smem:$0x3F94] =	sst s6  }
0xf: {  	[smem:$0x3F95] =	sst s7  }
0x10: {  	[smem:$0x3F96] =	sst s8  }
0x11: {  	[smem:$0x3F97] =	sst s9;
	s0 =	simm.s32 @!p0 $0x0  }
0x12: {  	s1 =	sld [smem:$0x3F7D];
	s0 =	simm.s32 @p0 $0x1  }
0x13: {  	[smem:$0x3F98] =	sst s0;
	s0 =	simm.s32 @!p1 $0x0  }
0x14: {  	s2 =	sld [smem:$0x3F7C];
	s0 =	simm.s32 @p1 $0x1  }
0x15: {  	[smem:$0x3F99] =	sst s0;
	s0 =	simm.s32 @!p2 $0x0  }
0x16: {  	s3 =	sld [smem:$0x3FDB];
	s0 =	simm.s32 @p2 $0x1  }
0x17: {  	s4 =	simm.s32 $0x1BF5;
	[smem:$0x3F9B] =	sst s0  }
0x18: {  	s0 =	sld [smem:$0x3F7E];
	_ =	swait.ge [sflag:s4], $0x0  }
0x19: {  	s7 =	sld [smem:$0x3F7F]  }
0x1a: {  	s8 =	sadd.s32 $0xFFFFE003, lr  }
0x1b: {  	s9 =	sadd.s32 $0xFFFFFEF7, lr;
	s5 =	simm.s32 $0xFFFFFFFF;
	p2 =	slt.u32 s8, $0xFFFFF086  }
0x1c: {  	p1 =	slt.u32 s9, $0xF7A;
	s5 =	simm.s32 @!p2 $0x0  }
0x1d: {  	s5 =	simm.s32 @p1 $0x1;
	p0 =	seq.s32 s7, s2  }
0x1e: {  	s7 =	smul.u32 @!p0 $0xF7A, s2;
	p2 =	seq.s32 @!p0 s5, $0x0  }
0x1f: {  	s9 =	smul.u32 $0xF7A, s1;
	s8 =	simm.s32 @!p0 $0x1BF5;
	p2 =	por !p2, p0  }
0x20: {  	[sflag:s8] =	ssyncset.s32 @!p0 $0xFFFFF086;
	s6 =	sadd.s32 @!p0 s3, s7;
	s7 =	simm.s32 @!p0 $0x108  }
0x21: {  	s3 =	sadd.s32 s3, s9;
	s6 =	sadd.s32 @!p0 $0x88, s6;
	s7 =	simm.s32 @p2 $0x1082  }
0x22: {  	[simem:s7], [sflag:s8] =	dma.local @!p0 [hbm:s6], $0xF7A  }
0x23: {  	s9 =	sor.u32 $0xD0000000, s2;
	s6 =	simm.s32 $0x108;
	_ =	swait.ge @!p0 [sflag:s8], $0x0  }
0x24: {  	s3 =	sadd.s32 $0x88, s3;
	s6 =	simm.s32 @!p1 $0x1082;
	[sflag:s4] =	ssyncset.s32 $0xFFFFF086  }
0x25: {  	[simem:s6], [sflag:s4] =	dma.local [hbm:s3], $0xF7A  }
0x26: {  	[smem:$0x3F7F] =	sst s1;
	(tag) =	ssettag s2;
	_ =	strace s9  }
0x27: {  	s1 =	sld [smem:$0x3F8F]  }
0x28: {  	s2 =	sld [smem:$0x3F90]  }
0x29: {  	s4 =	sld [smem:$0x3F92]  }
0x2a: {  	p0 =	seq.s32 s5, $0x0;
	s5 =	sld [smem:$0x3F93]  }
0x2b: {  	s6 =	sld [smem:$0x3F94]  }
0x2c: {  	s7 =	sld [smem:$0x3F95]  }
0x2d: {  	s3 =	simm.s32 $0x108;
	s8 =	sld [smem:$0x3F96]  }
0x2e: {  	s3 =	simm.s32 @!p0 $0x1082;
	s9 =	sld [smem:$0x3F97]  }
0x2f: {  	lr =	sadd.s32 s0, s3;
	s0 =	sld [smem:$0x3F8E]  }
0x30: {  	s3 =	sld [smem:$0x3F91]  }
0x31: {  	[smem:$0x3F9A] =	sst s10  }
0x32: {  	s10 =	sld [smem:$0x3F98];
	_ =	sdelay $0x3  }
0x33: {  	p0 =	seq.s32 s10, $0x1;
	s10 =	sld [smem:$0x3F9A];
	_ =	sdelay $0x3  }
0x34: {  	[smem:$0x3F9A] =	sst s10  }
0x35: {  	s10 =	sld [smem:$0x3F99];
	_ =	sdelay $0x3  }
0x36: {  	p1 =	seq.s32 s10, $0x1;
	s10 =	sld [smem:$0x3F9A];
	_ =	sdelay $0x3  }
0x37: {  	[smem:$0x3F9A] =	sst s10  }
0x38: {  	s10 =	sld [smem:$0x3F9B]  }
0x39: {  	_ = 	snop;
	(pc) =	sbr.ind lr, $3  }
0x3a: {  	_ = 	snop  }
0x3b: {  	_ = 	snop  }
0x3c: {  	p2 =	seq.s32 s10, $0x1;
	s10 =	sld [smem:$0x3F9A]  }
0x3d: {  	_ =	shalt  }
0x3e: {  	_ =	shalt  }
0x3f: {  	_ =	shalt  }
0x40: {  	_ =	shalt  }
0x41: {  	_ =	shalt  }
0x42: {  	_ =	shalt  }
0x43: {  	_ =	shalt  }
0x44: {  	_ =	shalt  }
0x45: {  	_ =	shalt  }
0x46: {  	_ =	shalt  }
0x47: {  	_ =	shalt  }
0x48: {  	_ =	shalt  }
0x49: {  	_ =	shalt  }
0x4a: {  	_ =	shalt  }
0x4b: {  	_ =	shalt  }
0x4c: {  	_ =	shalt  }
0x4d: {  	_ =	shalt  }
0x4e: {  	_ =	shalt  }
0x4f: {  	_ =	shalt  }
0x50: {  	_ =	shalt  }
0x51: {  	_ =	shalt  }
0x52: {  	_ =	shalt  }
0x53: {  	_ =	shalt  }
0x54: {  	_ =	shalt  }
0x55: {  	_ =	shalt  }
0x56: {  	_ =	shalt  }
0x57: {  	_ =	shalt  }
0x58: {  	_ =	shalt  }
0x59: {  	_ =	shalt  }
0x5a: {  	_ =	shalt  }
0x5b: {  	_ =	shalt  }
0x5c: {  	_ =	shalt  }
0x5d: {  	_ =	shalt  }
0x5e: {  	_ =	shalt  }
0x5f: {  	_ =	shalt  }
0x60: {  	_ =	shalt  }
0x61: {  	_ =	shalt  }
0x62: {  	_ =	shalt  }
0x63: {  	_ =	shalt  }
0x64: {  	_ =	shalt  }
0x65: {  	_ =	shalt  }
0x66: {  	_ =	shalt  }
0x67: {  	_ =	shalt  }
0x68: {  	_ =	shalt  }
0x69: {  	_ =	shalt  }
0x6a: {  	_ =	shalt  }
0x6b: {  	_ =	shalt  }
0x6c: {  	_ =	shalt  }
0x6d: {  	_ =	shalt  }
0x6e: {  	_ =	shalt  }
0x6f: {  	_ =	shalt  }
0x70: {  	_ =	shalt  }
0x71: {  	_ =	shalt  }
0x72: {  	_ =	shalt  }
0x73: {  	_ =	shalt  }
0x74: {  	_ =	shalt  }
0x75: {  	_ =	shalt  }
0x76: {  	_ =	shalt  }
0x77: {  	_ =	shalt  }
0x78: {  	_ =	shalt  }
0x79: {  	_ =	shalt  }
0x7a: {  	_ =	shalt  }
0x7b: {  	_ =	shalt  }
0x7c: {  	_ =	shalt  }
0x7d: {  	_ =	shalt  }
0x7e: {  	_ =	shalt  }
0x7f: {  	_ =	shalt  }
0x80: {  	_ =	shalt  }
0x81: {  	_ =	shalt  }
0x82: {  	_ =	shalt  }
0x83: {  	_ =	shalt  }
0x84: {  	_ =	shalt  }
0x85: {  	_ =	shalt  }
0x86: {  	_ =	shalt  }
0x87: {  	_ =	shalt  }
.Lfunc_end0:
.L_simem_size_0:
called_computation.3_lowered:
.L_overlay_start_0:
0x88: {  	s2 =	sld [smem:$0x3FD9]  }
0x89: {  	s3 =	sld [smem:$0x3FFE];
	_ =	sdelay $0x1  }
0x8a: {  	s1 =	srdreg.scid  }
0x8b: {  	s0 =	sand.u32 $0x1, s1  }
0x8c: {  	s16 =	sshll.u32 s0, $0xA;
	s2 =	sadd.s32 s3, s2  }
0x8d: {  	s2 =	sadd.s32 s2, s16  }
0x8e: {  	[smem:$0x3FA6] =	sst s2  }
0x8f: {  	_ = 	snop  }
0x90: {  	(tm) =	ssettm $0x1  }
0x91: {  	s17 =	sld [smem:$0x3FFB];
	_ =	sdelay $0x3  }
0x92: {  	_ =	strace s17  }
0x93: {  	s2 =	sld [smem:$0x3FFC];
	_ =	sdelay $0x3  }
0x94: {  	_ =	strace s2  }
0x95: {  	s2 =	sld [smem:$0x3FFD];
	_ =	sdelay $0x3  }
0x96: {  	_ =	strace s2  }
0x97: {  	_ =	strace $0x8FFFFFFF  }
0x98: {  	s18 =	sld [smem:$0x3FDB];
	_ =	sdelay $0x1  }
0x99: {  	s19 =	simm.s32 $_scs_section_size  }
0x9a: {  	s4 =	simm.s32 $_size__tile_overlayer_lowered;
	s5 =	simm.s32 $_tile_overlayer_lowered  }
0x9b: {  	s22 =	simm.s32 $0x1BFF;
	s21 =	sshll.u32 s5, $0x1;
	s2 =	sadd.s32 s19, s18  }
0x9c: {  	s6 =	simm.s32 $0x0;
	s20 =	sshll.u32 s4, $0x1;
	s4 =	sadd.s32 s21, s2  }
0x9d: {  	[timem:s6], [sflag:s22] =	dma.local [hbm:s4], s20  }
0x9e: {  	_ =	swait.ge [sflag:s22], s20  }
0x9f: {  	s3 =	ssub.s32 $0x0, s20;
	[sflag:s22] =	ssyncset.done $0x0  }
0xa0: {  	[sflag:s22] =	ssyncadd.s32 s3;
	_ =	sdelay $0x1  }
0xa1: {  	s23 =	simm.s32 $0x1B8B  }
0xa2: {  	_ =	swait.ge [sflag:s23], $0x1  }
0xa3: {  	[sflag:s23] =	ssyncset.done $0x0  }
0xa4: {  	s25 =	simm.s32 $0x1B8E;
	s24 =	sld [smem:$0x3FFE];
	[sflag:s23] =	ssyncadd.s32 $0xFFFFFFFF  }
0xa5: {  	s26 =	simm.s32 $execute0_lowered;
	[smem:$0x3FD2] =	sst s25  }
0xa6: {  	s4 =	sshll.u32 s26, $0x1;
	_ =	strace $0x8000004F;
	[dreg:$0x1] =	wrdreg $0xFFFFFFFF  }
0xa7: {  	s28 =	simm.s32 $_size_execute0_lowered;
	s2 =	sadd.s32 s2, s4;
	[dreg:$0x0] =	wrdreg $0x0  }
0xa8: {  	s4 =	sshll.u32 s28, $0x1;
	[dreg:$0x2] =	wrdreg s2  }
0xa9: {  	[dreg:$0x3] =	wrdreg s4  }
0xaa: {  	[dreg:$0x4] =	wrdreg $0xC0  }
0xab: {  	_ =	task [dreg:s6], $0x5FFFF  }
0xac: {  	[dreg:$0x1] =	wrdreg $0xFFFFFFFF  }
0xad: {  	[dreg:$0x0] =	wrdreg $0x60  }
0xae: {  	[dreg:$0x2] =	wrdreg s24  }
0xaf: {  	[dreg:$0x3] =	wrdreg $0x9  }
0xb0: {  	_ =	task.clear_ibuf [dreg:s6], $0x4FFFF;
	_ =	strace $0x9000004F  }
0xb1: {  	s29 =	simm.s32 $0x9;
	_ =	strace $0x80000051  }
0xb2: {  	_ =	swait.ge [sflag:s29], $0x1  }
0xb3: {  	[sflag:s29] =	ssyncadd.s32 $0xFFFFFFFF  }
0xb4: {  	_ =	strace $0x90000051  }
0xb5: {  	_ =	sfence  }
0xb6: {  	s30 =	sld [smem:$0x0];
	_ =	sdelay $0x2  }
0xb7: {  	s31 =	sshll.u32 s1, $0xD;
	s1 =	sshrl.u32 s1, $0x2  }
0xb8: {  	s3 =	sand.u32 $0x4000, s31;
	s1 =	sadd.s32 s1, s30  }
0xb9: {  	s0 =	sor.u32 s3, s0;
	s1 =	sshll.u32 s1, $0x11  }
0xba: {  	s0 =	sor.u32 s1, s0  }
0xbb: {  	s0 =	sadd.s32 $0x8F2B, s0  }
0xbc: {  	[sflag:s0] =	ssyncadd.remote.s32 $0x1  }
0xbd: {  	_ =	sfence.sel $0xFFFF  }
0xbe: {  	[dreg:$0x0] =	wrdreg $0xFFFFFFFF;
	(pc) =	sbr.abs _section_cstart, $3  }
0xbf: {  	[dreg:$0x1] =	wrdreg $0xFFFFFFFF  }
0xc0: {  	_ =	task.clear_ibuf [dreg:s6], $0x2FFFF;
	_ =	strace $0x9FFFFFFF  }
0xc1: {  	(tm) =	ssettm $0x7FFFFFFF  }
tec
execute0_lowered:
.L_overlay_start_1:
0x0: {  	(tag) =	ssettag $0x1  }
0x1: {  	s0 =	rddreg [dreg:$0x0]  }
0x2: {  	s1 =	simm.s32 $0x0;
	s3 =	srdreg.scid;
	s2 =	stileid.u32  }
0x3: {  	s22 =	simm.s32 $0x800;
	[smem:$0x7FF] =	sst s1;
	s12 =	sadd.s32 $0x187E00, s0  }
0x4: {  	s13 =	sadd.s32 $0x18FE00, s0;
	s3 =	sand.u32 $0x1, s3;
	s4 =	sshll.u32 s2, $0x1  }
0x5: {  	s0 =	sadd.s32 $0x197E00, s0;
	_ =	strace $0x80000050;
	s5 =	ssub.s32 $0x2, s3  }
0x6: {  	s8 =	sor.u32 s3, s4;
	s3 =	sshll.u32 s3, $0x9;
	s23 =	sshrl.u32 s5, $0x1  }
0x7: {  	s6 =	sshll.u32 s8, $0x2;
	s15 =	sshll.u32 s8, $0xD;
	s17 =	sshll.u32 s8, $0xB  }
0x8: {  	s14 =	sshllo.u32 s8, $0x2;
	s7 =	sand.u32 $0x3C000, s15;
	s9 =	sor.u32 $0x1, s6  }
0x9: {  	s16 =	ssub.s32 s5, s23;
	s11 =	sor.u32 $0x2, s6;
	s29 =	sshll.u32 s14, $0x7  }
0xa: {  	s21 =	sshll.u32 s14, $0xB;
	v1 =	vmov s17;
	s17 =	simm.s32 $0x400;
	s23 =	simm.s32 $0x0  }
0xb: {  	s3 =	sor.u32 s3, s7;
	s24 =	sshll.u32 s9, $0x7;
	s18 =	sshll.u32 s9, $0xB  }
0xc: {  	s28 =	sshll.u32 s11, $0x7;
	s19 =	sshll.u32 s11, $0xB;
	s20 =	sor.u32 s15, s29  }
0xd: {  	v4 =	vmov s21;
	s21 =	simm.s32 $0x1000;
	s25 =	sshrl.u32 s3, $0x3;
	s26 =	sor.u32 s15, s24  }
0xe: {  	v0 =	vmov s15;
	s9 =	sor.u32 s15, s28;
	s20 =	sand.u32 $0x3C380, s20;
	s15 =	smax.u32 s16, $0x1  }
0xf: {  	v2 =	vmov s18;
	s16 =	simm.s32 $0x80;
	v3 =	vmov s19;
	s18 =	simm.s32 $0x1;
	s19 =	simm.s32 $0x1800  }
0x10: {  	s3 =	sadd.s32 s12, s25;
	s4 =	sadd.s32 s13, s25;
	s7 =	sand.u32 $0x3C280, s26  }
0x11: {  	s5 =	sadd.s32 s0, s25;
	s9 =	sand.u32 $0x3C300, s9;
	s31 =	sshrl.u32 s20, $0x3  }
0x12: {  	s20 =	simm.s32 $0x3800;
	s10 =	sshrl.u32 s7, $0x3;
	s30 =	sshrl.u32 s9, $0x3  }
0x13: {  	s14 =	sadd.s32 s0, s31;
	s6 =	sadd.s32 s12, s10;
	s7 =	sadd.s32 s13, s10  }
0x14: {  	v5 =	vlaneseq.u32;
	s8 =	sadd.s32 s0, s10;
	s9 =	sadd.s32 s12, s30;
	s10 =	sadd.s32 s13, s30  }
0x15: {  	v6 =	vimm.s32 $0x0;
	v8 =	vimm.s32 $0x1;
	v7 =	vmul.u32 $0x80, v5;
	s11 =	sadd.s32 s0, s30;
	s12 =	sadd.s32 s12, s31;
	s13 =	sadd.s32 s13, s31  }
.LBB2_1:
0x16: {  	[tilespmem:s1], [sflag:$0x1] =	stream.strided.gather [hbm4b:s3+s16], $0x800, s17, s16, $0x38;
	[tilespmem:$0x5800] =	vst v63  }
0x17: {  	_ =	swait.ge [sflag:s18], $0x800  }
0x18: {  	[sflag:s18] =	ssyncset.done $0x0  }
0x19: {  	s0 =	simm.s32 $0x200;
	s25 =	simm.s32 $0x0;
	[sflag:s18] =	ssyncadd.s32 $0xFFFFF800  }
.LBB2_2:
0x1a: {  	p0 =	sne.s32 s0, $0x7E00;
	[tilespmem:s25+$0x1800] =	vst v6;
	s24 =	smov.u32 s0;
	s0 =	sadd.s32 $0x200, s0  }
.Ltmp0:
0x1b: {  	(pc) =	sbr.rel @p0 .LBB2_2-.Ltmp0, $2  }
0x1c: {  	_ =	sdelay $0x2  }
0x1d: {  	s25 =	sshra.s32 s24, $0x2  }
0x1e: {  	s24 =	simm.s32 $0x0  }
0x1f: {  	v9 =	vor.u32 s24, v7;
	_ =	sdelay $0x3  }
0x20: {  	[tilespmem:s25+$0x1800] =	vst v6  }
0x21: {  	v9 =	vld.idx.msk [tilespmem:v9+s24+$0x0], $0xffff;
	_ =	sdelay $0x4  }
0x22: {  	v9 =	vshll.u32 v9, $0x7  }
0x23: {  	s0 =	simm.s32 $0x1;
	v9 =	vor.u32 v5, v9  }
0x24: {  	v10 =	vor.u32 s0, v7;
	s0 =	simm.s32 $0x2  }
.LBB2_4:
0x25: {  	p0 =	sne.s32 s0, $0x7F;
	_ =	sdelay $0x2  }
0x26: {  	[tilespmem:v9+s19+$0x0] =	vst.idx.add.s32.msk $0xffff, v8  }
0x27: {  	v9 =	vld.idx.msk [tilespmem:v10+s24+$0x0], $0xffff;
	_ =	sdelay $0x3  }
.Ltmp1:
0x28: {  	(pc) =	sbr.rel @p0 .LBB2_4-.Ltmp1, $4  }
0x29: {  	_ = 	snop  }
0x2a: {  	v9 =	vshll.u32 v9, $0x7  }
0x2b: {  	v9 =	vor.u32 v5, v9  }
0x2c: {  	v10 =	vor.u32 s0, v7;
	s0 =	sadd.s32 $0x1, s0  }
0x2d: {  	_ =	sdelay $0x3  }
0x2e: {  	[tilespmem:v9+s19+$0x0] =	vst.idx.add.s32.msk $0xffff, v8  }
0x2f: {  	v9 =	vld.idx.msk [tilespmem:v10+s24+$0x0], $0xffff;
	_ =	sdelay $0x4  }
0x30: {  	v9 =	vshll.u32 v9, $0x7  }
0x31: {  	v9 =	vor.u32 v5, v9;
	_ =	sdelay $0x4  }
0x32: {  	s28 =	simm.s32 $0x0;
	[tilespmem:v9+s19+$0x0] =	vst.idx.add.s32.msk $0xffff, v8  }
0x33: {  	s25 =	simm.s32 $0x80;
	v11 =	vld [tilespmem:s28+$0x1800]  }
0x34: {  	v9 =	vld [tilespmem:s25+$0x1800];
	_ =	sdelay $0x3  }
0x35: {  	(xrf0) =	vadd.scan.msk.s32 $0xffff, v11  }
0x36: {  	(xrf0) =	vadd.scan.msk.s32 $0xffff, v9;
	_ =	sdelay $0x4  }
0x37: {  	s26 =	simm.s32 $0x100;
	v14, _, _ =	vpop (xrf0)  }
0x38: {  	v12 =	vld [tilespmem:s26+$0x1800];
	(v2sf) =	vpush v14, $0xF;
	v13, _, _ =	vpop (xrf0)  }
0x39: {  	(v2sf) =	vpush v13, $0xF;
	_ =	sdelay $0x3  }
0x3a: {  	s29 =	simm.s32 $0x180;
	(xrf0) =	vadd.scan.msk.s32 $0xffff, v12  }
0x3b: {  	v10 =	vld [tilespmem:s29+$0x1800];
	_ =	sdelay $0x3  }
0x3c: {  	s0 =	simm.s32 $0x800  }
.LBB2_6:
0x3d: {  	s30 =	sshra.s32 s0, $0x2;
	p0 =	sne.s32 s0, $0x7E00;
	s0 =	sadd.s32 $0x200, s0;
	(xrf0) =	vadd.scan.msk.s32 $0xffff, v10;
	v15, _, _ =	vpop (xrf0);
	v16 =	vsub.s32 s24, v11;
	v11 =	vmov v9;
	v9 =	vmov v12  }
.Ltmp2:
0x3e: {  	v12 =	vmovc v10;
	(v2sf) =	vpush v15, $0xF;
	v16 =	vadd.s32 v14, v16;
	v14 =	vmovc v13;
	v13 =	vmov v15;
	v10 =	vld [tilespmem:s30+$0x1800];
	(pc) =	sbr.rel @p0 .LBB2_6-.Ltmp2, $4  }
0x3f: {  	[tilespmem:s28+$0x3800] =	vst v16;
	s28 =	smov.u32 s25;
	s25 =	smov.u32 s26;
	s26 =	smov.u32 s29  }
0x40: {  	s29 =	smov.u32 s30  }
0x41: {  	s30 =	spop (v2sf)  }
0x42: {  	s24 =	sadd.s32 s24, s30  }
0x43: {  	v15, _, _ =	vpop (xrf0)  }
0x44: {  	(v2sf) =	vpush v15, $0xF;
	_ =	sdelay $0xa  }
0x45: {  	(xrf0) =	vadd.scan.msk.s32 $0xffff, v10;
	_ =	sdelay $0x1  }
0x46: {  	s0 =	spop (v2sf)  }
0x47: {  	v11 =	vsub.s32 s24, v11;
	s30 =	simm.s32 $0x0;
	s0 =	sadd.s32 s24, s0;
	s31 =	spop (v2sf)  }
0x48: {  	v11 =	vadd.s32 v14, v11;
	v16 =	vsub.s32 s0, v9;
	v9 =	vor.u32 s30, v7;
	s0 =	sadd.s32 s0, s31;
	s2 =	spop (v2sf)  }
0x49: {  	[tilespmem:s28+$0x3800] =	vst v11;
	v11 =	vadd.s32 v13, v16;
	v12 =	vsub.s32 s0, v12;
	s0 =	sadd.s32 s0, s2  }
0x4a: {  	[tilespmem:s25+$0x3800] =	vst v11;
	v13, _, _ =	vpop (xrf0);
	v11 =	vadd.s32 v15, v12;
	v10 =	vsub.s32 s0, v10  }
0x4b: {  	[tilespmem:s26+$0x3800] =	vst v11;
	v10 =	vadd.s32 v13, v10  }
0x4c: {  	[tilespmem:s29+$0x3800] =	vst v10  }
0x4d: {  	v10 =	vld.idx.msk [tilespmem:v9+s1+$0x0], $0xffff  }
0x4e: {  	(v2sf) =	vpush v13, $0xF;
	_ =	sdelay $0x3  }
0x4f: {  	v10 =	vshll.u32 v10, $0x7  }
0x50: {  	v12 =	vor.u32 v5, v10;
	_ =	sdelay $0x4  }
0x51: {  	v11 =	vld.idx.msk [tilespmem:v12+s20+$0x0], $0xffff;
	_ =	sdelay $0x3  }
0x52: {  	s30 =	simm.s32 $0x1  }
0x53: {  	s0 =	simm.s32 $0x2;
	s31 =	spop (v2sf);
	v10 =	vor.u32 s30, v7;
	v13 =	vadd.s32 $0x1, v11  }
.LBB2_8:
0x54: {  	p0 =	sne.s32 s0, $0x7F;
	[tilespmem:v12+s20+$0x0] =	vst.idx.msk $0xffff, v13;
	v12 =	vadd.s32 v0, v11  }
0x55: {  	[tilespmem:v9+s21+$0x0] =	vst.idx.msk $0xffff, v12;
	v12 =	vor.u32 v1, v9;
	v9 =	vmov v10  }
0x56: {  	[tilespmem:v11+s22+$0x0] =	vst.idx.msk $0xffff, v12  }
0x57: {  	v10 =	vld.idx.msk [tilespmem:v10+s1+$0x0], $0xffff;
	_ =	sdelay $0x5  }
0x58: {  	v10 =	vshll.u32 v10, $0x7  }
0x59: {  	v12 =	vor.u32 v5, v10;
	_ =	sdelay $0x4  }
0x5a: {  	v11 =	vld.idx.msk [tilespmem:v12+s20+$0x0], $0xffff;
	_ =	sdelay $0x1  }
.Ltmp3:
0x5b: {  	(pc) =	sbr.rel @p0 .LBB2_8-.Ltmp3, $3  }
0x5c: {  	_ =	sdelay $0x1  }
0x5d: {  	v10 =	vor.u32 s0, v7  }
0x5e: {  	s0 =	sadd.s32 $0x1, s0;
	v13 =	vadd.s32 $0x1, v11  }
0x5f: {  	_ =	sdelay $0x3  }
0x60: {  	[tilespmem:v12+s20+$0x0] =	vst.idx.msk $0xffff, v13;
	v62 =	vadd.s32 v0, v11  }
0x61: {  	[tilespmem:v9+s21+$0x0] =	vst.idx.msk $0xffff, v62;
	v9 =	vor.u32 v1, v9  }
0x62: {  	[tilespmem:v11+s22+$0x0] =	vst.idx.msk $0xffff, v9  }
0x63: {  	v9 =	vld.idx.msk [tilespmem:v10+s1+$0x0], $0xffff;
	_ =	sdelay $0x4  }
0x64: {  	v9 =	vshll.u32 v9, $0x7  }
0x65: {  	v9 =	vor.u32 v5, v9;
	_ =	sdelay $0x4  }
0x66: {  	v11 =	vld.idx.msk [tilespmem:v9+s20+$0x0], $0xffff;
	_ =	sdelay $0x4  }
0x67: {  	v63 =	vadd.s32 $0x1, v11  }
0x68: {  	[tilespmem:v9+s20+$0x0] =	vst.idx.msk $0xffff, v63;
	v9 =	vadd.s32 v0, v11  }
0x69: {  	[tilespmem:v10+s21+$0x0] =	vst.idx.msk $0xffff, v9;
	v9 =	vor.u32 v1, v10  }
0x6a: {  	[tilespmem:v11+s22+$0x0] =	vst.idx.msk $0xffff, v9  }
0x6b: {  	[hbm4b:s4+s16] =	stream.strided.scatter [tilespmem:s22], [sflag:$0x1], $0x800, s17, s16, $0x38;
	[tilespmem:$0x5800] =	vst v63  }
0x6c: {  	_ =	swait.ge [sflag:s18], $0x800  }
0x6d: {  	[sflag:s18] =	ssyncset.done $0x0  }
0x6e: {  	[sflag:s18] =	ssyncadd.s32 $0xFFFFF800  }
0x6f: {  	[hbm4b:s5+s16] =	stream.strided.scatter [tilespmem:s21], [sflag:$0x1], $0x800, s17, s16, $0x38;
	[tilespmem:$0x5800] =	vst v63  }
0x70: {  	_ =	swait.ge [sflag:s18], $0x800  }
0x71: {  	[sflag:s18] =	ssyncset.done $0x0  }
0x72: {  	s0 =	simm.s32 $0x0;
	[sflag:s18] =	ssyncadd.s32 $0xFFFFF800  }
0x73: {  	[tilespmem:s0], [sflag:$0x1] =	stream.strided.gather [hbm4b:s6+s16], $0x800, s17, s16, $0x38;
	[tilespmem:$0x5800] =	vst v63  }
0x74: {  	_ =	swait.ge [sflag:s18], $0x800  }
0x75: {  	[sflag:s18] =	ssyncset.done $0x0  }
0x76: {  	s24 =	simm.s32 $0x200;
	s25 =	simm.s32 $0x0;
	[sflag:s18] =	ssyncadd.s32 $0xFFFFF800  }
.LBB2_10:
0x77: {  	p0 =	sne.s32 s24, $0x7E00;
	[tilespmem:s25+$0x1800] =	vst v6;
	s25 =	smov.u32 s24;
	s24 =	sadd.s32 $0x200, s24  }
.Ltmp4:
0x78: {  	(pc) =	sbr.rel @p0 .LBB2_10-.Ltmp4, $2  }
0x79: {  	_ =	sdelay $0x2  }
0x7a: {  	s25 =	sshra.s32 s25, $0x2  }
0x7b: {  	v9 =	vor.u32 s0, v7;
	_ =	sdelay $0x3  }
0x7c: {  	[tilespmem:s25+$0x1800] =	vst v6;
	s0 =	simm.s32 $0x0  }
0x7d: {  	v9 =	vld.idx.msk [tilespmem:v9+s0+$0x0], $0xffff;
	_ =	sdelay $0x4  }
0x7e: {  	v9 =	vshll.u32 v9, $0x7  }
0x7f: {  	s24 =	simm.s32 $0x1;
	v9 =	vor.u32 v5, v9  }
0x80: {  	v10 =	vor.u32 s24, v7;
	s24 =	simm.s32 $0x2  }
.LBB2_12:
0x81: {  	p0 =	sne.s32 s24, $0x7F;
	_ =	sdelay $0x2  }
0x82: {  	[tilespmem:v9+s19+$0x0] =	vst.idx.add.s32.msk $0xffff, v8  }
0x83: {  	v9 =	vld.idx.msk [tilespmem:v10+s0+$0x0], $0xffff;
	_ =	sdelay $0x3  }
.Ltmp5:
0x84: {  	(pc) =	sbr.rel @p0 .LBB2_12-.Ltmp5, $4  }
0x85: {  	_ = 	snop  }
0x86: {  	v9 =	vshll.u32 v9, $0x7  }
0x87: {  	v9 =	vor.u32 v5, v9  }
0x88: {  	v10 =	vor.u32 s24, v7;
	s24 =	sadd.s32 $0x1, s24  }
0x89: {  	_ =	sdelay $0x3  }
0x8a: {  	s24 =	simm.s32 $0x0;
	[tilespmem:v9+s19+$0x0] =	vst.idx.add.s32.msk $0xffff, v8  }
0x8b: {  	v9 =	vld.idx.msk [tilespmem:v10+s24+$0x0], $0xffff;
	_ =	sdelay $0x4  }
0x8c: {  	v9 =	vshll.u32 v9, $0x7  }
0x8d: {  	v9 =	vor.u32 v5, v9  }
0x8e: {  	p3 =	por $0x1, $0x1  }
.Ltmp6:
0x8f: {  	_ = 	snop;
	(pc) =	sbr.rel @!p3 .LBB2_14-.Ltmp6, $3  }
0x90: {  	_ =	sdelay $0x1  }
0x91: {  	s26 =	simm.s32 $0x0;
	[tilespmem:v9+s19+$0x0] =	vst.idx.add.s32.msk $0xffff, v8  }
0x92: {  	p1 =	por $0x0, $0x0;
	p2 =	por $0x0, $0x0;
	p0 =	por $0x0, $0x0;
	v11 =	vld [tilespmem:s26+$0x1800]  }
0x93: {  	s31 =	simm.s32 $0x80;
	p3 =	por $0x1, $0x1  }
.Ltmp7:
0x94: {  	v10 =	vld [tilespmem:s31+$0x1800];
	(pc) =	sbr.rel @!p3 .LBB2_16-.Ltmp7, $2  }
0x95: {  	_ =	sdelay $0x2  }
0x96: {  	p1 =	por $0x1, $0x1;
	(xrf0) =	vadd.scan.msk.s32 $0xffff, v11  }
0x97: {  	_ =	sdelay $0x4  }
0x98: {  	v12, _, _ =	vpop (xrf0)  }
0x99: {  	(v2sf) =	vpush v12, $0xF;
	_ =	sdelay $0x4  }
0x9a: {  	s28 =	simm.s32 $0x100;
	p3 =	por $0x1, $0x1  }
.Ltmp8:
0x9b: {  	v17 =	vld [tilespmem:s28+$0x1800];
	(pc) =	sbr.rel @!p3 .LBB2_18-.Ltmp8, $2  }
0x9c: {  	_ =	sdelay $0x2  }
0x9d: {  	p2 =	por $0x1, $0x1;
	(xrf0) =	vadd.scan.msk.s32 $0xffff, v10  }
0x9e: {  	_ =	sdelay $0x4  }
0x9f: {  	v13, _, _ =	vpop (xrf0)  }
0xa0: {  	(v2sf) =	vpush v13, $0xF;
	_ =	sdelay $0x3  }
0xa1: {  	s25 =	simm.s32 $0x180;
	p4 =	por $0x1, $0x1;
	(xrf0) =	vadd.scan.msk.s32 $0xffff, v17  }
.Ltmp9:
0xa2: {  	v9 =	vld [tilespmem:s25+$0x1800];
	(pc) =	sbr.rel @!p4 .LBB2_20-.Ltmp9, $3  }
0xa3: {  	_ =	sdelay $0x1  }
0xa4: {  	s0 =	simm.s32 $0x800  }
0xa5: {  	p3 =	por $0x1, $0x1;
	s29 =	simm.s32 $0x0;
	v14 =	vmov v11;
	v15 =	vmov v12;
	s30 =	simm.s32 $0x0  }
.LBB2_21:
0xa6: {  	s2 =	sshra.s32 s0, $0x2;
	p4 =	sne.s32 s0, $0x7E00;
	s0 =	sadd.s32 $0x200, s0;
	(xrf0) =	vadd.scan.msk.s32 $0xffff, v9;
	v16, _, _ =	vpop (xrf0);
	v18 =	vsub.s32 s29, v14;
	v14 =	vmov v10;
	v10 =	vmov v17  }
.Ltmp10:
0xa7: {  	v17 =	vmovc v9;
	(v2sf) =	vpush v16, $0xF;
	v18 =	vadd.s32 v15, v18;
	v15 =	vmovc v13;
	v13 =	vmov v16;
	v9 =	vld [tilespmem:s2+$0x1800];
	(pc) =	sbr.rel @p4 .LBB2_21-.Ltmp10, $4  }
0xa8: {  	[tilespmem:s30+$0x3800] =	vst v18;
	s30 =	smov.u32 s31;
	s31 =	smov.u32 s28;
	s28 =	smov.u32 s25  }
0xa9: {  	s25 =	smov.u32 s2  }
0xaa: {  	s2 =	spop (v2sf)  }
0xab: {  	s29 =	sadd.s32 s29, s2  }
0xac: {  	v16 =	vmov v10;
	s0 =	smov.u32 s31;
	v10 =	vmov v17;
	s31 =	smov.u32 s25  }
.LBB2_23:
0xad: {  	v17, _, _ =	vpop @p1 (xrf0)  }
0xae: {  	(xrf0) =	vadd.scan.msk.s32 $0xffff, v9;
	(v2sf) =	vpush @p1 v17, $0xF;
	_ =	sdelay $0x5  }
0xaf: {  	v18, _, _ =	vpop (xrf0)  }
0xb0: {  	(v2sf) =	vpush v18, $0xF;
	_ =	sdelay $0x2  }
0xb1: {  	s2 =	spop @p3 (v2sf)  }
0xb2: {  	s25 =	simm.s32 $0x0;
	s2 =	sadd.s32 @p3 s29, s2  }
0xb3: {  	v10 =	vpsel p1, v10, v11;
	v16 =	vpsel p2, v16, v0;
	s25 =	smov.u32 @p3 s2;
	s2 =	spop @p2 (v2sf)  }
0xb4: {  	v11 =	vsub.s32 @p3 s29, v14;
	v13 =	vpsel p2, v13, v0;
	v14 =	vmovc @p1 v17;
	s29 =	simm.s32 $0x0;
	v16 =	vsub.s32 @p2 s25, v16;
	s2 =	sadd.s32 @p2 s25, s2;
	s25 =	smov.u32 @p1 s28  }
0xb5: {  	v11 =	vadd.s32 @p3 v15, v11;
	v12 =	vpsel p1, v14, v12;
	v14 =	vpsel p1, v10, v0;
	s29 =	smov.u32 @p2 s2;
	s26 =	smov.u32 @p1 s25  }
0xb6: {  	s0 =	smov.u32 @p2 s0;
	[tilespmem:s30+$0x3800] =	vst @p3 v11;
	v12 =	vpsel p1, v12, v0;
	v11 =	vadd.s32 @p2 v13, v16;
	s25 =	smov.u32 @p1 s26;
	v13 =	vsub.s32 @p1 s29, v14;
	s2 =	spop @p1 (v2sf)  }
0xb7: {  	[tilespmem:s0+$0x3800] =	vst @p2 v11;
	s0 =	smov.u32 @p1 s25;
	v11 =	vadd.s32 @p1 v12, v13;
	s2 =	sadd.s32 @p1 s29, s2  }
0xb8: {  	v10 =	vor.u32 s24, v7;
	[tilespmem:s0+$0x3800] =	vst @p1 v11;
	s24 =	smov.u32 @p1 s2;
	p1 =	por $0x1, $0x1  }
.Ltmp11:
0xb9: {  	_ = 	snop;
	(pc) =	sbr.rel @!p1 .LBB2_24-.Ltmp11, $4  }
0xba: {  	_ = 	snop  }
0xbb: {  	v9 =	vsub.s32 s24, v9  }
0xbc: {  	v9 =	vadd.s32 v18, v9  }
0xbd: {  	s0 =	simm.s32 $0x1;
	[tilespmem:s31+$0x3800] =	vst v9;
	s31 =	spop (v2sf)  }
0xbe: {  	_ =	sdelay $0x3  }
0xbf: {  	v9 =	vld.idx.msk [tilespmem:v10+s1+$0x0], $0xffff;
	_ =	sdelay $0x4  }
0xc0: {  	v9 =	vshll.u32 v9, $0x7  }
0xc1: {  	v11 =	vor.u32 v5, v9;
	_ =	sdelay $0x4  }
0xc2: {  	p1 =	por $0x1, $0x1;
	v9 =	vld.idx.msk [tilespmem:v11+s20+$0x0], $0xffff  }
.Ltmp12:
0xc3: {  	_ = 	snop;
	(pc) =	sbr.rel @!p1 .LBB2_26-.Ltmp12, $2  }
0xc4: {  	_ =	sdelay $0x2  }
0xc5: {  	v12 =	vor.u32 s0, v7;
	s0 =	simm.s32 $0x2;
	p0 =	por $0x1, $0x1;
	v13 =	vadd.s32 $0x1, v9  }
.LBB2_27:
0xc6: {  	p1 =	sne.s32 s0, $0x7F;
	[tilespmem:v11+s20+$0x0] =	vst.idx.msk $0xffff, v13;
	v11 =	vadd.s32 v2, v9  }
0xc7: {  	[tilespmem:v10+s21+$0x0] =	vst.idx.msk $0xffff, v11;
	v11 =	vor.u32 v1, v10;
	v10 =	vmov v12  }
0xc8: {  	[tilespmem:v9+s22+$0x0] =	vst.idx.msk $0xffff, v11  }
0xc9: {  	v9 =	vld.idx.msk [tilespmem:v12+s1+$0x0], $0xffff;
	_ =	sdelay $0x5  }
0xca: {  	v9 =	vshll.u32 v9, $0x7  }
0xcb: {  	v11 =	vor.u32 v5, v9;
	_ =	sdelay $0x4  }
0xcc: {  	v9 =	vld.idx.msk [tilespmem:v11+s20+$0x0], $0xffff;
	_ =	sdelay $0x1  }
.Ltmp13:
0xcd: {  	(pc) =	sbr.rel @p1 .LBB2_27-.Ltmp13, $3  }
0xce: {  	_ =	sdelay $0x1  }
0xcf: {  	v12 =	vor.u32 s0, v7  }
0xd0: {  	s0 =	sadd.s32 $0x1, s0;
	v13 =	vadd.s32 $0x1, v9  }
0xd1: {  	v14 =	vmov v10;
	v10 =	vmov v12  }
.LBB2_29:
0xd2: {  	_ =	sdelay $0x3  }
0xd3: {  	[tilespmem:v11+s20+$0x0] =	vst.idx.msk @p0 $0xffff, v13;
	v11 =	vadd.s32 @p0 v2, v9  }
0xd4: {  	[tilespmem:v14+s21+$0x0] =	vst.idx.msk @p0 $0xffff, v11;
	v11 =	vor.u32 @p0 v1, v14  }
0xd5: {  	[tilespmem:v9+s22+$0x0] =	vst.idx.msk @p0 $0xffff, v11  }
0xd6: {  	v9 =	vld.idx.msk [tilespmem:v10+s1+$0x0], $0xffff;
	_ =	sdelay $0x4  }
0xd7: {  	v9 =	vshll.u32 v9, $0x7  }
0xd8: {  	v9 =	vor.u32 v5, v9;
	_ =	sdelay $0x4  }
0xd9: {  	v11 =	vld.idx.msk [tilespmem:v9+s20+$0x0], $0xffff;
	_ =	sdelay $0x4  }
0xda: {  	v12 =	vadd.s32 $0x1, v11  }
0xdb: {  	[tilespmem:v9+s20+$0x0] =	vst.idx.msk $0xffff, v12;
	v9 =	vadd.s32 v2, v11  }
0xdc: {  	[tilespmem:v10+s21+$0x0] =	vst.idx.msk $0xffff, v9;
	v9 =	vor.u32 v1, v10  }
0xdd: {  	[tilespmem:v11+s22+$0x0] =	vst.idx.msk $0xffff, v9  }
0xde: {  	[hbm4b:s7+s16] =	stream.strided.scatter [tilespmem:s22], [sflag:$0x1], $0x800, s17, s16, $0x38;
	[tilespmem:$0x5800] =	vst v63  }
0xdf: {  	_ =	swait.ge [sflag:s18], $0x800  }
0xe0: {  	[sflag:s18] =	ssyncset.done $0x0  }
0xe1: {  	[sflag:s18] =	ssyncadd.s32 $0xFFFFF800  }
0xe2: {  	[hbm4b:s8+s16] =	stream.strided.scatter [tilespmem:s21], [sflag:$0x1], $0x800, s17, s16, $0x38;
	[tilespmem:$0x5800] =	vst v63  }
0xe3: {  	_ =	swait.ge [sflag:s18], $0x800  }
0xe4: {  	[sflag:s18] =	ssyncset.done $0x0  }
0xe5: {  	s0 =	simm.s32 $0x0;
	[sflag:s18] =	ssyncadd.s32 $0xFFFFF800  }
0xe6: {  	[tilespmem:s0], [sflag:$0x1] =	stream.strided.gather [hbm4b:s9+s16], $0x800, s17, s16, $0x38;
	[tilespmem:$0x5800] =	vst v63  }
0xe7: {  	_ =	swait.ge [sflag:s18], $0x800  }
0xe8: {  	[sflag:s18] =	ssyncset.done $0x0  }
0xe9: {  	s24 =	simm.s32 $0x200;
	s25 =	simm.s32 $0x0;
	[sflag:s18] =	ssyncadd.s32 $0xFFFFF800  }
.LBB2_30:
0xea: {  	p0 =	sne.s32 s24, $0x7E00;
	[tilespmem:s25+$0x1800] =	vst v6;
	s2 =	smov.u32 s24;
	s24 =	sadd.s32 $0x200, s24  }
.Ltmp14:
0xeb: {  	(pc) =	sbr.rel @p0 .LBB2_30-.Ltmp14, $2  }
0xec: {  	_ =	sdelay $0x2  }
0xed: {  	s25 =	sshra.s32 s2, $0x2  }
0xee: {  	v9 =	vor.u32 s0, v7;
	_ =	sdelay $0x3  }
0xef: {  	[tilespmem:s25+$0x1800] =	vst v6;
	s0 =	simm.s32 $0x0  }
0xf0: {  	v9 =	vld.idx.msk [tilespmem:v9+s0+$0x0], $0xffff;
	_ =	sdelay $0x4  }
0xf1: {  	v9 =	vshll.u32 v9, $0x7  }
0xf2: {  	s2 =	simm.s32 $0x1;
	v9 =	vor.u32 v5, v9  }
0xf3: {  	s24 =	simm.s32 $0x2;
	v10 =	vor.u32 s2, v7  }
.LBB2_32:
0xf4: {  	p0 =	sne.s32 s24, $0x7F;
	_ =	sdelay $0x2  }
0xf5: {  	[tilespmem:v9+s19+$0x0] =	vst.idx.add.s32.msk $0xffff, v8  }
0xf6: {  	v9 =	vld.idx.msk [tilespmem:v10+s0+$0x0], $0xffff;
	_ =	sdelay $0x3  }
.Ltmp15:
0xf7: {  	(pc) =	sbr.rel @p0 .LBB2_32-.Ltmp15, $4  }
0xf8: {  	_ = 	snop  }
0xf9: {  	v9 =	vshll.u32 v9, $0x7  }
0xfa: {  	v9 =	vor.u32 v5, v9  }
0xfb: {  	v10 =	vor.u32 s24, v7;
	s24 =	sadd.s32 $0x1, s24  }
0xfc: {  	_ =	sdelay $0x3  }
0xfd: {  	s24 =	simm.s32 $0x0;
	[tilespmem:v9+s19+$0x0] =	vst.idx.add.s32.msk $0xffff, v8  }
0xfe: {  	v9 =	vld.idx.msk [tilespmem:v10+s24+$0x0], $0xffff;
	_ =	sdelay $0x4  }
0xff: {  	v9 =	vshll.u32 v9, $0x7  }
0x100: {  	v9 =	vor.u32 v5, v9  }
0x101: {  	p3 =	por $0x1, $0x1  }
.Ltmp16:
0x102: {  	_ = 	snop;
	(pc) =	sbr.rel @!p3 .LBB2_34-.Ltmp16, $3  }
0x103: {  	_ =	sdelay $0x1  }
0x104: {  	s26 =	simm.s32 $0x0;
	[tilespmem:v9+s19+$0x0] =	vst.idx.add.s32.msk $0xffff, v8  }
0x105: {  	p1 =	por $0x0, $0x0;
	p2 =	por $0x0, $0x0;
	p0 =	por $0x0, $0x0;
	v11 =	vld [tilespmem:s26+$0x1800]  }
0x106: {  	s25 =	simm.s32 $0x80;
	p3 =	por $0x1, $0x1  }
.Ltmp17:
0x107: {  	v10 =	vld [tilespmem:s25+$0x1800];
	(pc) =	sbr.rel @!p3 .LBB2_36-.Ltmp17, $2  }
0x108: {  	_ =	sdelay $0x2  }
0x109: {  	p1 =	por $0x1, $0x1;
	(xrf0) =	vadd.scan.msk.s32 $0xffff, v11  }
0x10a: {  	_ =	sdelay $0x4  }
0x10b: {  	v12, _, _ =	vpop (xrf0)  }
0x10c: {  	(v2sf) =	vpush v12, $0xF;
	_ =	sdelay $0x4  }
0x10d: {  	s28 =	simm.s32 $0x100;
	p3 =	por $0x1, $0x1  }
.Ltmp18:
0x10e: {  	v17 =	vld [tilespmem:s28+$0x1800];
	(pc) =	sbr.rel @!p3 .LBB2_38-.Ltmp18, $2  }
0x10f: {  	_ =	sdelay $0x2  }
0x110: {  	p2 =	por $0x1, $0x1;
	(xrf0) =	vadd.scan.msk.s32 $0xffff, v10  }
0x111: {  	_ =	sdelay $0x4  }
0x112: {  	v13, _, _ =	vpop (xrf0)  }
0x113: {  	(v2sf) =	vpush v13, $0xF;
	_ =	sdelay $0x3  }
0x114: {  	s0 =	simm.s32 $0x180;
	p4 =	por $0x1, $0x1;
	(xrf0) =	vadd.scan.msk.s32 $0xffff, v17  }
.Ltmp19:
0x115: {  	v9 =	vld [tilespmem:s0+$0x1800];
	(pc) =	sbr.rel @!p4 .LBB2_40-.Ltmp19, $3  }
0x116: {  	_ =	sdelay $0x1  }
0x117: {  	s31 =	simm.s32 $0x800  }
0x118: {  	p3 =	por $0x1, $0x1;
	s29 =	simm.s32 $0x0;
	v14 =	vmov v11;
	v15 =	vmov v12;
	s30 =	simm.s32 $0x0  }
.LBB2_41:
0x119: {  	s2 =	sshra.s32 s31, $0x2;
	p4 =	sne.s32 s31, $0x7E00;
	s31 =	sadd.s32 $0x200, s31;
	(xrf0) =	vadd.scan.msk.s32 $0xffff, v9;
	v16, _, _ =	vpop (xrf0);
	v18 =	vsub.s32 s29, v14;
	v14 =	vmov v10;
	v10 =	vmov v17  }
.Ltmp20:
0x11a: {  	v17 =	vmovc v9;
	(v2sf) =	vpush v16, $0xF;
	v18 =	vadd.s32 v15, v18;
	v15 =	vmovc v13;
	v13 =	vmov v16;
	v9 =	vld [tilespmem:s2+$0x1800];
	(pc) =	sbr.rel @p4 .LBB2_41-.Ltmp20, $4  }
0x11b: {  	[tilespmem:s30+$0x3800] =	vst v18;
	s30 =	smov.u32 s25;
	s25 =	smov.u32 s28;
	s28 =	smov.u32 s0  }
0x11c: {  	s0 =	smov.u32 s2  }
0x11d: {  	s2 =	spop (v2sf)  }
0x11e: {  	s29 =	sadd.s32 s29, s2  }
0x11f: {  	v16 =	vmov v10;
	s31 =	smov.u32 s25;
	v10 =	vmov v17;
	s25 =	smov.u32 s0  }
.LBB2_43:
0x120: {  	v17, _, _ =	vpop @p1 (xrf0)  }
0x121: {  	(v2sf) =	vpush @p1 v17, $0xF  }
0x122: {  	(xrf0) =	vadd.scan.msk.s32 $0xffff, v9;
	_ =	sdelay $0x5  }
0x123: {  	v18, _, _ =	vpop (xrf0)  }
0x124: {  	(v2sf) =	vpush v18, $0xF;
	_ =	sdelay $0x1  }
0x125: {  	s0 =	spop @p3 (v2sf)  }
0x126: {  	s2 =	simm.s32 $0x0;
	s0 =	sadd.s32 @p3 s29, s0  }
0x127: {  	s2 =	smov.u32 @p3 s0;
	s0 =	spop @p2 (v2sf)  }
0x128: {  	v10 =	vpsel p1, v10, v11;
	v11 =	vsub.s32 @p3 s29, v14;
	v16 =	vpsel p2, v16, v0;
	s29 =	simm.s32 $0x0;
	s0 =	sadd.s32 @p2 s2, s0  }
0x129: {  	v13 =	vpsel p2, v13, v0;
	v14 =	vmov @p1 v17;
	v16 =	vsub.s32 @p2 s2, v16;
	s2 =	smov.u32 @p1 s28;
	s29 =	smov.u32 @p2 s0  }
0x12a: {  	v11 =	vadd.s32 @p3 v15, v11;
	v12 =	vpsel p1, v14, v12;
	v14 =	vpsel p1, v10, v0;
	s26 =	smov.u32 @p1 s2;
	s2 =	smov.u32 @p2 s31;
	s0 =	spop @p1 (v2sf)  }
0x12b: {  	[tilespmem:s30+$0x3800] =	vst @p3 v11;
	v12 =	vpsel p1, v12, v0;
	v11 =	vadd.s32 @p2 v13, v16;
	s2 =	smov.u32 @p2 s2;
	v13 =	vsub.s32 @p1 s29, v14;
	s0 =	sadd.s32 @p1 s29, s0  }
0x12c: {  	v10 =	vor.u32 s24, v7;
	[tilespmem:s2+$0x3800] =	vst @p2 v11;
	v11 =	vadd.s32 @p1 v12, v13;
	s24 =	smov.u32 @p1 s0;
	s0 =	smov.u32 @p1 s26  }
0x12d: {  	[tilespmem:s0+$0x3800] =	vst @p1 v11;
	p1 =	por $0x1, $0x1  }
.Ltmp21:
0x12e: {  	_ = 	snop;
	(pc) =	sbr.rel @!p1 .LBB2_44-.Ltmp21, $4  }
0x12f: {  	_ = 	snop  }
0x130: {  	v9 =	vsub.s32 s24, v9  }
0x131: {  	v9 =	vadd.s32 v18, v9  }
0x132: {  	s0 =	simm.s32 $0x1;
	[tilespmem:s25+$0x3800] =	vst v9;
	s31 =	spop (v2sf)  }
0x133: {  	_ =	sdelay $0x3  }
0x134: {  	v9 =	vld.idx.msk [tilespmem:v10+s1+$0x0], $0xffff;
	_ =	sdelay $0x4  }
0x135: {  	v9 =	vshll.u32 v9, $0x7  }
0x136: {  	v11 =	vor.u32 v5, v9;
	_ =	sdelay $0x4  }
0x137: {  	p1 =	por $0x1, $0x1;
	v9 =	vld.idx.msk [tilespmem:v11+s20+$0x0], $0xffff  }
.Ltmp22:
0x138: {  	_ = 	snop;
	(pc) =	sbr.rel @!p1 .LBB2_46-.Ltmp22, $2  }
0x139: {  	_ =	sdelay $0x2  }
0x13a: {  	v12 =	vor.u32 s0, v7;
	s0 =	simm.s32 $0x2;
	p0 =	por $0x1, $0x1;
	v13 =	vadd.s32 $0x1, v9  }
.LBB2_47:
0x13b: {  	p1 =	sne.s32 s0, $0x7F;
	[tilespmem:v11+s20+$0x0] =	vst.idx.msk $0xffff, v13;
	v11 =	vadd.s32 v3, v9  }
0x13c: {  	[tilespmem:v10+s21+$0x0] =	vst.idx.msk $0xffff, v11;
	v11 =	vor.u32 v1, v10;
	v10 =	vmov v12  }
0x13d: {  	[tilespmem:v9+s22+$0x0] =	vst.idx.msk $0xffff, v11  }
0x13e: {  	v9 =	vld.idx.msk [tilespmem:v12+s1+$0x0], $0xffff;
	_ =	sdelay $0x5  }
0x13f: {  	v9 =	vshll.u32 v9, $0x7  }
0x140: {  	v11 =	vor.u32 v5, v9;
	_ =	sdelay $0x4  }
0x141: {  	v9 =	vld.idx.msk [tilespmem:v11+s20+$0x0], $0xffff;
	_ =	sdelay $0x1  }
.Ltmp23:
0x142: {  	(pc) =	sbr.rel @p1 .LBB2_47-.Ltmp23, $3  }
0x143: {  	_ =	sdelay $0x1  }
0x144: {  	v12 =	vor.u32 s0, v7  }
0x145: {  	s0 =	sadd.s32 $0x1, s0;
	v13 =	vadd.s32 $0x1, v9  }
0x146: {  	v14 =	vmov v10;
	v10 =	vmov v12  }
.LBB2_49:
0x147: {  	_ =	sdelay $0x3  }
0x148: {  	[tilespmem:v11+s20+$0x0] =	vst.idx.msk @p0 $0xffff, v13;
	v11 =	vadd.s32 @p0 v3, v9  }
0x149: {  	[tilespmem:v14+s21+$0x0] =	vst.idx.msk @p0 $0xffff, v11;
	v11 =	vor.u32 @p0 v1, v14  }
0x14a: {  	[tilespmem:v9+s22+$0x0] =	vst.idx.msk @p0 $0xffff, v11  }
0x14b: {  	v9 =	vld.idx.msk [tilespmem:v10+s1+$0x0], $0xffff;
	_ =	sdelay $0x4  }
0x14c: {  	v9 =	vshll.u32 v9, $0x7  }
0x14d: {  	v9 =	vor.u32 v5, v9;
	_ =	sdelay $0x4  }
0x14e: {  	v11 =	vld.idx.msk [tilespmem:v9+s20+$0x0], $0xffff;
	_ =	sdelay $0x4  }
0x14f: {  	v12 =	vadd.s32 $0x1, v11  }
0x150: {  	[tilespmem:v9+s20+$0x0] =	vst.idx.msk $0xffff, v12;
	v9 =	vadd.s32 v3, v11  }
0x151: {  	[tilespmem:v10+s21+$0x0] =	vst.idx.msk $0xffff, v9;
	v9 =	vor.u32 v1, v10  }
0x152: {  	[tilespmem:v11+s22+$0x0] =	vst.idx.msk $0xffff, v9  }
0x153: {  	[hbm4b:s10+s16] =	stream.strided.scatter [tilespmem:s22], [sflag:$0x1], $0x800, s17, s16, $0x38;
	[tilespmem:$0x5800] =	vst v63  }
0x154: {  	_ =	swait.ge [sflag:s18], $0x800  }
0x155: {  	[sflag:s18] =	ssyncset.done $0x0  }
0x156: {  	[sflag:s18] =	ssyncadd.s32 $0xFFFFF800  }
0x157: {  	[hbm4b:s11+s16] =	stream.strided.scatter [tilespmem:s21], [sflag:$0x1], $0x800, s17, s16, $0x38;
	[tilespmem:$0x5800] =	vst v63  }
0x158: {  	_ =	swait.ge [sflag:s18], $0x800  }
0x159: {  	[sflag:s18] =	ssyncset.done $0x0  }
0x15a: {  	s0 =	simm.s32 $0x0;
	[sflag:s18] =	ssyncadd.s32 $0xFFFFF800  }
0x15b: {  	[tilespmem:s0], [sflag:$0x1] =	stream.strided.gather [hbm4b:s12+s16], $0x800, s17, s16, $0x38;
	[tilespmem:$0x5800] =	vst v63  }
0x15c: {  	_ =	swait.ge [sflag:s18], $0x800  }
0x15d: {  	[sflag:s18] =	ssyncset.done $0x0  }
0x15e: {  	s24 =	simm.s32 $0x200;
	s25 =	simm.s32 $0x0;
	[sflag:s18] =	ssyncadd.s32 $0xFFFFF800  }
.LBB2_50:
0x15f: {  	p0 =	sne.s32 s24, $0x7E00;
	[tilespmem:s25+$0x1800] =	vst v6;
	s2 =	smov.u32 s24;
	s24 =	sadd.s32 $0x200, s24  }
.Ltmp24:
0x160: {  	(pc) =	sbr.rel @p0 .LBB2_50-.Ltmp24, $2  }
0x161: {  	_ =	sdelay $0x2  }
0x162: {  	s25 =	sshra.s32 s2, $0x2  }
0x163: {  	v9 =	vor.u32 s0, v7;
	_ =	sdelay $0x3  }
0x164: {  	[tilespmem:s25+$0x1800] =	vst v6;
	s0 =	simm.s32 $0x0  }
0x165: {  	v9 =	vld.idx.msk [tilespmem:v9+s0+$0x0], $0xffff;
	_ =	sdelay $0x4  }
0x166: {  	v9 =	vshll.u32 v9, $0x7  }
0x167: {  	s2 =	simm.s32 $0x1;
	v9 =	vor.u32 v5, v9  }
0x168: {  	s24 =	simm.s32 $0x2;
	v10 =	vor.u32 s2, v7  }
.LBB2_52:
0x169: {  	p0 =	sne.s32 s24, $0x7F;
	_ =	sdelay $0x2  }
0x16a: {  	[tilespmem:v9+s19+$0x0] =	vst.idx.add.s32.msk $0xffff, v8  }
0x16b: {  	v9 =	vld.idx.msk [tilespmem:v10+s0+$0x0], $0xffff;
	_ =	sdelay $0x3  }
.Ltmp25:
0x16c: {  	(pc) =	sbr.rel @p0 .LBB2_52-.Ltmp25, $4  }
0x16d: {  	_ = 	snop  }
0x16e: {  	v9 =	vshll.u32 v9, $0x7  }
0x16f: {  	v9 =	vor.u32 v5, v9  }
0x170: {  	v10 =	vor.u32 s24, v7;
	s24 =	sadd.s32 $0x1, s24  }
0x171: {  	_ =	sdelay $0x3  }
0x172: {  	s24 =	simm.s32 $0x0;
	[tilespmem:v9+s19+$0x0] =	vst.idx.add.s32.msk $0xffff, v8  }
0x173: {  	v9 =	vld.idx.msk [tilespmem:v10+s24+$0x0], $0xffff;
	_ =	sdelay $0x4  }
0x174: {  	v9 =	vshll.u32 v9, $0x7  }
0x175: {  	v9 =	vor.u32 v5, v9  }
0x176: {  	p3 =	por $0x1, $0x1  }
.Ltmp26:
0x177: {  	_ = 	snop;
	(pc) =	sbr.rel @!p3 .LBB2_54-.Ltmp26, $3  }
0x178: {  	_ =	sdelay $0x1  }
0x179: {  	s26 =	simm.s32 $0x0;
	[tilespmem:v9+s19+$0x0] =	vst.idx.add.s32.msk $0xffff, v8  }
0x17a: {  	p1 =	por $0x0, $0x0;
	p2 =	por $0x0, $0x0;
	p0 =	por $0x0, $0x0;
	v11 =	vld [tilespmem:s26+$0x1800]  }
0x17b: {  	s25 =	simm.s32 $0x80;
	p3 =	por $0x1, $0x1  }
.Ltmp27:
0x17c: {  	v10 =	vld [tilespmem:s25+$0x1800];
	(pc) =	sbr.rel @!p3 .LBB2_56-.Ltmp27, $2  }
0x17d: {  	_ =	sdelay $0x2  }
0x17e: {  	p1 =	por $0x1, $0x1;
	(xrf0) =	vadd.scan.msk.s32 $0xffff, v11  }
0x17f: {  	_ =	sdelay $0x4  }
0x180: {  	v12, _, _ =	vpop (xrf0)  }
0x181: {  	(v2sf) =	vpush v12, $0xF;
	_ =	sdelay $0x4  }
0x182: {  	s28 =	simm.s32 $0x100;
	p3 =	por $0x1, $0x1  }
.Ltmp28:
0x183: {  	v17 =	vld [tilespmem:s28+$0x1800];
	(pc) =	sbr.rel @!p3 .LBB2_58-.Ltmp28, $2  }
0x184: {  	_ =	sdelay $0x2  }
0x185: {  	p2 =	por $0x1, $0x1;
	(xrf0) =	vadd.scan.msk.s32 $0xffff, v10  }
0x186: {  	_ =	sdelay $0x4  }
0x187: {  	v13, _, _ =	vpop (xrf0)  }
0x188: {  	(v2sf) =	vpush v13, $0xF;
	_ =	sdelay $0x3  }
0x189: {  	s0 =	simm.s32 $0x180;
	p4 =	por $0x1, $0x1;
	(xrf0) =	vadd.scan.msk.s32 $0xffff, v17  }
.Ltmp29:
0x18a: {  	v9 =	vld [tilespmem:s0+$0x1800];
	(pc) =	sbr.rel @!p4 .LBB2_60-.Ltmp29, $3  }
0x18b: {  	_ =	sdelay $0x1  }
0x18c: {  	s31 =	simm.s32 $0x800  }
0x18d: {  	p3 =	por $0x1, $0x1;
	s29 =	simm.s32 $0x0;
	v14 =	vmov v11;
	v15 =	vmov v12;
	s30 =	simm.s32 $0x0  }
.LBB2_61:
0x18e: {  	s2 =	sshra.s32 s31, $0x2;
	p4 =	sne.s32 s31, $0x7E00;
	s31 =	sadd.s32 $0x200, s31;
	(xrf0) =	vadd.scan.msk.s32 $0xffff, v9;
	v16, _, _ =	vpop (xrf0);
	v18 =	vsub.s32 s29, v14;
	v14 =	vmov v10;
	v10 =	vmov v17  }
.Ltmp30:
0x18f: {  	v17 =	vmovc v9;
	(v2sf) =	vpush v16, $0xF;
	v18 =	vadd.s32 v15, v18;
	v15 =	vmovc v13;
	v13 =	vmov v16;
	v9 =	vld [tilespmem:s2+$0x1800];
	(pc) =	sbr.rel @p4 .LBB2_61-.Ltmp30, $4  }
0x190: {  	[tilespmem:s30+$0x3800] =	vst v18;
	s30 =	smov.u32 s25;
	s25 =	smov.u32 s28;
	s28 =	smov.u32 s0  }
0x191: {  	s0 =	smov.u32 s2  }
0x192: {  	s2 =	spop (v2sf)  }
0x193: {  	s29 =	sadd.s32 s29, s2  }
0x194: {  	v16 =	vmov v10;
	s31 =	smov.u32 s25;
	v10 =	vmov v17;
	s25 =	smov.u32 s0  }
.LBB2_63:
0x195: {  	v17, _, _ =	vpop @p1 (xrf0)  }
0x196: {  	(v2sf) =	vpush @p1 v17, $0xF  }
0x197: {  	(xrf0) =	vadd.scan.msk.s32 $0xffff, v9;
	_ =	sdelay $0x5  }
0x198: {  	v18, _, _ =	vpop (xrf0)  }
0x199: {  	(v2sf) =	vpush v18, $0xF;
	_ =	sdelay $0x1  }
0x19a: {  	s0 =	spop @p3 (v2sf)  }
0x19b: {  	s2 =	simm.s32 $0x0;
	s0 =	sadd.s32 @p3 s29, s0  }
0x19c: {  	s2 =	smov.u32 @p3 s0;
	s0 =	spop @p2 (v2sf)  }
0x19d: {  	v10 =	vpsel p1, v10, v11;
	v11 =	vsub.s32 @p3 s29, v14;
	v16 =	vpsel p2, v16, v0;
	s29 =	simm.s32 $0x0;
	s0 =	sadd.s32 @p2 s2, s0  }
0x19e: {  	v13 =	vpsel p2, v13, v0;
	v14 =	vmov @p1 v17;
	v16 =	vsub.s32 @p2 s2, v16;
	s2 =	smov.u32 @p1 s28;
	s29 =	smov.u32 @p2 s0  }
0x19f: {  	v11 =	vadd.s32 @p3 v15, v11;
	v12 =	vpsel p1, v14, v12;
	v14 =	vpsel p1, v10, v0;
	s26 =	smov.u32 @p1 s2;
	s2 =	smov.u32 @p2 s31;
	s0 =	spop @p1 (v2sf)  }
0x1a0: {  	[tilespmem:s30+$0x3800] =	vst @p3 v11;
	v12 =	vpsel p1, v12, v0;
	v11 =	vadd.s32 @p2 v13, v16;
	s2 =	smov.u32 @p2 s2;
	v13 =	vsub.s32 @p1 s29, v14;
	s0 =	sadd.s32 @p1 s29, s0  }
0x1a1: {  	v10 =	vor.u32 s24, v7;
	[tilespmem:s2+$0x3800] =	vst @p2 v11;
	v11 =	vadd.s32 @p1 v12, v13;
	s24 =	smov.u32 @p1 s0;
	s0 =	smov.u32 @p1 s26  }
0x1a2: {  	[tilespmem:s0+$0x3800] =	vst @p1 v11;
	p1 =	por $0x1, $0x1  }
.Ltmp31:
0x1a3: {  	_ = 	snop;
	(pc) =	sbr.rel @!p1 .LBB2_64-.Ltmp31, $4  }
0x1a4: {  	_ = 	snop  }
0x1a5: {  	v9 =	vsub.s32 s24, v9  }
0x1a6: {  	v9 =	vadd.s32 v18, v9  }
0x1a7: {  	s0 =	simm.s32 $0x1;
	[tilespmem:s25+$0x3800] =	vst v9;
	s31 =	spop (v2sf)  }
0x1a8: {  	_ =	sdelay $0x3  }
0x1a9: {  	v9 =	vld.idx.msk [tilespmem:v10+s1+$0x0], $0xffff;
	_ =	sdelay $0x4  }
0x1aa: {  	v9 =	vshll.u32 v9, $0x7  }
0x1ab: {  	v11 =	vor.u32 v5, v9;
	_ =	sdelay $0x4  }
0x1ac: {  	p1 =	por $0x1, $0x1;
	v9 =	vld.idx.msk [tilespmem:v11+s20+$0x0], $0xffff  }
.Ltmp32:
0x1ad: {  	_ = 	snop;
	(pc) =	sbr.rel @!p1 .LBB2_66-.Ltmp32, $2  }
0x1ae: {  	_ =	sdelay $0x2  }
0x1af: {  	v12 =	vor.u32 s0, v7;
	s0 =	simm.s32 $0x2;
	p0 =	por $0x1, $0x1;
	v13 =	vadd.s32 $0x1, v9  }
.LBB2_67:
0x1b0: {  	p1 =	sne.s32 s0, $0x7F;
	[tilespmem:v11+s20+$0x0] =	vst.idx.msk $0xffff, v13;
	v11 =	vadd.s32 v4, v9  }
0x1b1: {  	[tilespmem:v10+s21+$0x0] =	vst.idx.msk $0xffff, v11;
	v11 =	vor.u32 v1, v10;
	v10 =	vmov v12  }
0x1b2: {  	[tilespmem:v9+s22+$0x0] =	vst.idx.msk $0xffff, v11  }
0x1b3: {  	v9 =	vld.idx.msk [tilespmem:v12+s1+$0x0], $0xffff;
	_ =	sdelay $0x5  }
0x1b4: {  	v9 =	vshll.u32 v9, $0x7  }
0x1b5: {  	v11 =	vor.u32 v5, v9;
	_ =	sdelay $0x4  }
0x1b6: {  	v9 =	vld.idx.msk [tilespmem:v11+s20+$0x0], $0xffff;
	_ =	sdelay $0x1  }
.Ltmp33:
0x1b7: {  	(pc) =	sbr.rel @p1 .LBB2_67-.Ltmp33, $3  }
0x1b8: {  	_ =	sdelay $0x1  }
0x1b9: {  	v12 =	vor.u32 s0, v7  }
0x1ba: {  	s0 =	sadd.s32 $0x1, s0;
	v13 =	vadd.s32 $0x1, v9  }
0x1bb: {  	v14 =	vmov v10;
	v10 =	vmov v12  }
.LBB2_69:
0x1bc: {  	_ =	sdelay $0x3  }
0x1bd: {  	[tilespmem:v11+s20+$0x0] =	vst.idx.msk @p0 $0xffff, v13;
	v11 =	vadd.s32 @p0 v4, v9  }
0x1be: {  	[tilespmem:v14+s21+$0x0] =	vst.idx.msk @p0 $0xffff, v11;
	v11 =	vor.u32 @p0 v1, v14  }
0x1bf: {  	[tilespmem:v9+s22+$0x0] =	vst.idx.msk @p0 $0xffff, v11  }
0x1c0: {  	v9 =	vld.idx.msk [tilespmem:v10+s1+$0x0], $0xffff;
	_ =	sdelay $0x4  }
0x1c1: {  	v9 =	vshll.u32 v9, $0x7  }
0x1c2: {  	v9 =	vor.u32 v5, v9;
	_ =	sdelay $0x4  }
0x1c3: {  	v11 =	vld.idx.msk [tilespmem:v9+s20+$0x0], $0xffff;
	_ =	sdelay $0x4  }
0x1c4: {  	v12 =	vadd.s32 $0x1, v11  }
0x1c5: {  	[tilespmem:v9+s20+$0x0] =	vst.idx.msk $0xffff, v12;
	v9 =	vadd.s32 v4, v11  }
0x1c6: {  	[tilespmem:v10+s21+$0x0] =	vst.idx.msk $0xffff, v9;
	v9 =	vor.u32 v1, v10  }
0x1c7: {  	[tilespmem:v11+s22+$0x0] =	vst.idx.msk $0xffff, v9  }
0x1c8: {  	[hbm4b:s13+s16] =	stream.strided.scatter [tilespmem:s22], [sflag:$0x1], $0x800, s17, s16, $0x38;
	[tilespmem:$0x5800] =	vst v63  }
0x1c9: {  	_ =	swait.ge [sflag:s18], $0x800  }
0x1ca: {  	s23 =	sadd.s32 $0x1, s23;
	[sflag:s18] =	ssyncset.done $0x0  }
0x1cb: {  	p0 =	sne.s32 s23, s15;
	[sflag:s18] =	ssyncadd.s32 $0xFFFFF800  }
0x1cc: {  	[hbm4b:s14+s16] =	stream.strided.scatter [tilespmem:s21], [sflag:$0x1], $0x800, s17, s16, $0x38;
	[tilespmem:$0x5800] =	vst v63  }
.Ltmp34:
0x1cd: {  	_ = 	snop;
	(pc) =	sbr.rel @p0 .LBB2_1-.Ltmp34, $4  }
.Ltmp35:
0x1ce: {  	_ = 	snop;
	(pc) =	sbr.rel @!p0 .LBB2_70-.Ltmp35, $4  }
0x1cf: {  	_ =	swait.ge [sflag:s18], $0x800  }
0x1d0: {  	[sflag:s18] =	ssyncset.done $0x0  }
0x1d1: {  	[sflag:s18] =	ssyncadd.s32 $0xFFFFF800  }
0x1d2: {  	_ = 	snop  }
.LBB2_14:
.Ltmp36:
0x1d3: {  	_ = 	snop;
	(pc) =	sbr.rel .LBB2_23-.Ltmp36, $2  }
0x1d4: {  	_ =	sdelay $0x2  }
0x1d5: {  	s29 =	simm.s32 $0x0;
	s31 =	simm.s32 $0x0;
	p3 =	por $0x0, $0x0;
	v9 =	vmov v11  }
.LBB2_24:
.Ltmp37:
0x1d6: {  	(pc) =	sbr.rel .LBB2_29-.Ltmp37, $2  }
0x1d7: {  	_ =	sdelay $0x2  }
0x1d8: {  	_ = 	snop  }
.LBB2_34:
.Ltmp38:
0x1d9: {  	_ = 	snop;
	(pc) =	sbr.rel .LBB2_43-.Ltmp38, $2  }
0x1da: {  	_ =	sdelay $0x2  }
0x1db: {  	s29 =	simm.s32 $0x0;
	s25 =	simm.s32 $0x0;
	p3 =	por $0x0, $0x0;
	v9 =	vmov v11  }
.LBB2_44:
.Ltmp39:
0x1dc: {  	(pc) =	sbr.rel .LBB2_49-.Ltmp39, $2  }
0x1dd: {  	_ =	sdelay $0x2  }
0x1de: {  	_ = 	snop  }
.LBB2_54:
.Ltmp40:
0x1df: {  	_ = 	snop;
	(pc) =	sbr.rel .LBB2_63-.Ltmp40, $2  }
0x1e0: {  	_ =	sdelay $0x2  }
0x1e1: {  	s29 =	simm.s32 $0x0;
	s25 =	simm.s32 $0x0;
	p3 =	por $0x0, $0x0;
	v9 =	vmov v11  }
.LBB2_64:
.Ltmp41:
0x1e2: {  	(pc) =	sbr.rel .LBB2_69-.Ltmp41, $2  }
0x1e3: {  	_ =	sdelay $0x2  }
0x1e4: {  	_ = 	snop  }
.LBB2_16:
.Ltmp42:
0x1e5: {  	(pc) =	sbr.rel .LBB2_23-.Ltmp42, $2  }
0x1e6: {  	_ =	sdelay $0x2  }
0x1e7: {  	v9 =	vmov v10;
	v10 =	vmov v11;
	s29 =	simm.s32 $0x0;
	s28 =	simm.s32 $0x0;
	p3 =	por $0x0, $0x0  }
.LBB2_26:
.Ltmp43:
0x1e8: {  	(pc) =	sbr.rel .LBB2_29-.Ltmp43, $2  }
0x1e9: {  	_ =	sdelay $0x2  }
0x1ea: {  	v14 =	vmov v10;
	v10 =	vmov v12  }
.LBB2_36:
.Ltmp44:
0x1eb: {  	(pc) =	sbr.rel .LBB2_43-.Ltmp44, $2  }
0x1ec: {  	_ =	sdelay $0x2  }
0x1ed: {  	v9 =	vmov v10;
	v10 =	vmov v11;
	s29 =	simm.s32 $0x0;
	s28 =	simm.s32 $0x0;
	p3 =	por $0x0, $0x0  }
.LBB2_46:
.Ltmp45:
0x1ee: {  	(pc) =	sbr.rel .LBB2_49-.Ltmp45, $2  }
0x1ef: {  	_ =	sdelay $0x2  }
0x1f0: {  	v14 =	vmov v10;
	v10 =	vmov v12  }
.LBB2_56:
.Ltmp46:
0x1f1: {  	(pc) =	sbr.rel .LBB2_63-.Ltmp46, $2  }
0x1f2: {  	_ =	sdelay $0x2  }
0x1f3: {  	v9 =	vmov v10;
	v10 =	vmov v11;
	s29 =	simm.s32 $0x0;
	s28 =	simm.s32 $0x0;
	p3 =	por $0x0, $0x0  }
.LBB2_66:
.Ltmp47:
0x1f4: {  	(pc) =	sbr.rel .LBB2_69-.Ltmp47, $2  }
0x1f5: {  	_ =	sdelay $0x2  }
0x1f6: {  	v14 =	vmov v10;
	v10 =	vmov v12  }
.LBB2_18:
.Ltmp48:
0x1f7: {  	(pc) =	sbr.rel .LBB2_23-.Ltmp48, $3  }
0x1f8: {  	_ =	sdelay $0x1  }
0x1f9: {  	s29 =	simm.s32 $0x0;
	s0 =	simm.s32 $0x0  }
0x1fa: {  	v9 =	vmov v17;
	v16 =	vmov v11;
	v13 =	vmov v12;
	s28 =	simm.s32 $0x80;
	s31 =	simm.s32 $0x100;
	p3 =	por $0x0, $0x0  }
.LBB2_38:
.Ltmp49:
0x1fb: {  	(pc) =	sbr.rel .LBB2_43-.Ltmp49, $3  }
0x1fc: {  	_ =	sdelay $0x1  }
0x1fd: {  	s29 =	simm.s32 $0x0;
	s31 =	simm.s32 $0x0  }
0x1fe: {  	v9 =	vmov v17;
	v16 =	vmov v11;
	v13 =	vmov v12;
	s28 =	simm.s32 $0x80;
	s25 =	simm.s32 $0x100;
	p3 =	por $0x0, $0x0  }
.LBB2_58:
.Ltmp50:
0x1ff: {  	(pc) =	sbr.rel .LBB2_63-.Ltmp50, $3  }
0x200: {  	_ =	sdelay $0x1  }
0x201: {  	s29 =	simm.s32 $0x0;
	s31 =	simm.s32 $0x0  }
0x202: {  	v9 =	vmov v17;
	v16 =	vmov v11;
	v13 =	vmov v12;
	s28 =	simm.s32 $0x80;
	s25 =	simm.s32 $0x100;
	p3 =	por $0x0, $0x0  }
.LBB2_20:
.Ltmp51:
0x203: {  	(pc) =	sbr.rel .LBB2_23-.Ltmp51, $3  }
0x204: {  	_ =	sdelay $0x1  }
0x205: {  	s29 =	simm.s32 $0x0  }
0x206: {  	v16 =	vmovc v10;
	v14 =	vmov v11;
	v10 =	vmov v17;
	v15 =	vmov v12;
	s30 =	simm.s32 $0x0;
	s0 =	simm.s32 $0x80;
	s31 =	simm.s32 $0x180  }
.LBB2_40:
.Ltmp52:
0x207: {  	(pc) =	sbr.rel .LBB2_43-.Ltmp52, $3  }
0x208: {  	_ =	sdelay $0x1  }
0x209: {  	s29 =	simm.s32 $0x0  }
0x20a: {  	v16 =	vmovc v10;
	v14 =	vmov v11;
	v10 =	vmov v17;
	v15 =	vmov v12;
	s30 =	simm.s32 $0x0;
	s31 =	simm.s32 $0x80;
	s25 =	simm.s32 $0x180  }
.LBB2_60:
.Ltmp53:
0x20b: {  	(pc) =	sbr.rel .LBB2_63-.Ltmp53, $3  }
0x20c: {  	_ =	sdelay $0x1  }
0x20d: {  	s29 =	simm.s32 $0x0  }
0x20e: {  	v16 =	vmovc v10;
	v14 =	vmov v11;
	v10 =	vmov v17;
	v15 =	vmov v12;
	s30 =	simm.s32 $0x0;
	s31 =	simm.s32 $0x80;
	s25 =	simm.s32 $0x180  }
.LBB2_70:
0x20f: {  	_ =	sfence.sel $0x180000  }
0x210: {  	[bflag:$0x0] =	sbarrier.arrive $0xFFFF  }
0x211: {  	_ =	strace $0x90000050  }
0x212: {  	s0 =	stileid.u32;
	[bflag:$0x2] =	sbarrier.arrive $0xFFFF  }
0x213: {  	p0 =	sne.s32 s0, $0x0;
	s0 =	rddreg [dreg:$0x1]  }
0x214: {  	s0 =	sadd.s32 @!p0 $0x100000, s0  }
0x215: {  	[sflag:s0] =	ssyncadd.tile.s32 @!p0 $0x1;
	_ =	shalt  }
.Lfunc_end2:
_tile_overlayer_lowered:
.L_overlay_start_2:
0x216: {  	(tag) =	ssettag $0x2  }
0x217: {  	s0 =	rddreg [dreg:$0x0];
	s2 =	stileid.u32  }
0x218: {  	s1 =	rddreg [dreg:$0x1];
	p0 =	sne.s32 s2, $0x0  }
0x219: {  	s3 =	rddreg [dreg:$0x2];
	[bflag:$0x3] =	sbarrier.arrive $0xFFFF;
	s2 =	simm.s32 @!p0 $0x1C01  }
0x21a: {  	[timem:s3], [sflag:s2] =	dma.local @!p0 [hbm:s0], s1  }
0x21b: {  	s0 =	simm.s32 @!p0 $0x1  }
0x21c: {  	_ =	swait.ge @!p0 [sflag:s0], s1  }
0x21d: {  	s1 =	ssub.s32 @!p0 $0x0, s1;
	[sflag:s0] =	ssyncset.done @!p0 $0x0  }
0x21e: {  	[sflag:s0] =	ssyncadd.s32 @!p0 s1  }
0x21f: {  	[bflag:$0x3] =	sbarrier.arrive $0xFFFF  }
0x220: {  	_ =	shalt  }

// kernel: kernel.30.cloned.1.call-start
scs
__scs_entry_jumppad:
0x0: {  	(pc) =	sbr.rel $0x88, $3  }
0x1: {  	(tag) =	ssettag $0x0;
	lr =	simm.s32 $0x1  }
0x2: {  	[smem:$0x3F7F] =	sst lr;
	_ =	strace $0xD0000000  }
0x3: {  	_ = 	snop  }
0x4: {  	_ = 	snop  }
0x5: {  	_ = 	snop  }
0x6: {  	_ = 	snop  }
0x7: {  	_ = 	snop  }
__scs_overlays_trampoline_lowered:
0x8: {  	[smem:$0x3F8E] =	sst s0  }
0x9: {  	[smem:$0x3F8F] =	sst s1  }
0xa: {  	[smem:$0x3F90] =	sst s2  }
0xb: {  	[smem:$0x3F91] =	sst s3  }
0xc: {  	[smem:$0x3F92] =	sst s4  }
0xd: {  	[smem:$0x3F93] =	sst s5  }
0xe: {  	[smem:$0x3F94] =	sst s6  }
0xf: {  	[smem:$0x3F95] =	sst s7  }
0x10: {  	[smem:$0x3F96] =	sst s8  }
0x11: {  	[smem:$0x3F97] =	sst s9;
	s0 =	simm.s32 @!p0 $0x0  }
0x12: {  	s1 =	sld [smem:$0x3F7D];
	s0 =	simm.s32 @p0 $0x1  }
0x13: {  	[smem:$0x3F98] =	sst s0;
	s0 =	simm.s32 @!p1 $0x0  }
0x14: {  	s2 =	sld [smem:$0x3F7C];
	s0 =	simm.s32 @p1 $0x1  }
0x15: {  	[smem:$0x3F99] =	sst s0;
	s0 =	simm.s32 @!p2 $0x0  }
0x16: {  	s3 =	sld [smem:$0x3FDB];
	s0 =	simm.s32 @p2 $0x1  }
0x17: {  	s4 =	simm.s32 $0x1BF5;
	[smem:$0x3F9B] =	sst s0  }
0x18: {  	s0 =	sld [smem:$0x3F7E];
	_ =	swait.ge [sflag:s4], $0x0  }
0x19: {  	s7 =	sld [smem:$0x3F7F]  }
0x1a: {  	s8 =	sadd.s32 $0xFFFFE003, lr  }
0x1b: {  	s9 =	sadd.s32 $0xFFFFFEF7, lr;
	s5 =	simm.s32 $0xFFFFFFFF;
	p2 =	slt.u32 s8, $0xFFFFF086  }
0x1c: {  	p1 =	slt.u32 s9, $0xF7A;
	s5 =	simm.s32 @!p2 $0x0  }
0x1d: {  	s5 =	simm.s32 @p1 $0x1;
	p0 =	seq.s32 s7, s2  }
0x1e: {  	s7 =	smul.u32 @!p0 $0xF7A, s2;
	p2 =	seq.s32 @!p0 s5, $0x0  }
0x1f: {  	s9 =	smul.u32 $0xF7A, s1;
	s8 =	simm.s32 @!p0 $0x1BF5;
	p2 =	por !p2, p0  }
0x20: {  	[sflag:s8] =	ssyncset.s32 @!p0 $0xFFFFF086;
	s6 =	sadd.s32 @!p0 s3, s7;
	s7 =	simm.s32 @!p0 $0x108  }
0x21: {  	s3 =	sadd.s32 s3, s9;
	s6 =	sadd.s32 @!p0 $0x88, s6;
	s7 =	simm.s32 @p2 $0x1082  }
0x22: {  	[simem:s7], [sflag:s8] =	dma.local @!p0 [hbm:s6], $0xF7A  }
0x23: {  	s9 =	sor.u32 $0xD0000000, s2;
	s6 =	simm.s32 $0x108;
	_ =	swait.ge @!p0 [sflag:s8], $0x0  }
0x24: {  	s3 =	sadd.s32 $0x88, s3;
	s6 =	simm.s32 @!p1 $0x1082;
	[sflag:s4] =	ssyncset.s32 $0xFFFFF086  }
0x25: {  	[simem:s6], [sflag:s4] =	dma.local [hbm:s3], $0xF7A  }
0x26: {  	[smem:$0x3F7F] =	sst s1;
	(tag) =	ssettag s2;
	_ =	strace s9  }
0x27: {  	s1 =	sld [smem:$0x3F8F]  }
0x28: {  	s2 =	sld [smem:$0x3F90]  }
0x29: {  	s4 =	sld [smem:$0x3F92]  }
0x2a: {  	p0 =	seq.s32 s5, $0x0;
	s5 =	sld [smem:$0x3F93]  }
0x2b: {  	s6 =	sld [smem:$0x3F94]  }
0x2c: {  	s7 =	sld [smem:$0x3F95]  }
0x2d: {  	s3 =	simm.s32 $0x108;
	s8 =	sld [smem:$0x3F96]  }
0x2e: {  	s3 =	simm.s32 @!p0 $0x1082;
	s9 =	sld [smem:$0x3F97]  }
0x2f: {  	lr =	sadd.s32 s0, s3;
	s0 =	sld [smem:$0x3F8E]  }
0x30: {  	s3 =	sld [smem:$0x3F91]  }
0x31: {  	[smem:$0x3F9A] =	sst s10  }
0x32: {  	s10 =	sld [smem:$0x3F98];
	_ =	sdelay $0x3  }
0x33: {  	p0 =	seq.s32 s10, $0x1;
	s10 =	sld [smem:$0x3F9A];
	_ =	sdelay $0x3  }
0x34: {  	[smem:$0x3F9A] =	sst s10  }
0x35: {  	s10 =	sld [smem:$0x3F99];
	_ =	sdelay $0x3  }
0x36: {  	p1 =	seq.s32 s10, $0x1;
	s10 =	sld [smem:$0x3F9A];
	_ =	sdelay $0x3  }
0x37: {  	[smem:$0x3F9A] =	sst s10  }
0x38: {  	s10 =	sld [smem:$0x3F9B]  }
0x39: {  	_ = 	snop;
	(pc) =	sbr.ind lr, $3  }
0x3a: {  	_ = 	snop  }
0x3b: {  	_ = 	snop  }
0x3c: {  	p2 =	seq.s32 s10, $0x1;
	s10 =	sld [smem:$0x3F9A]  }
0x3d: {  	_ =	shalt  }
0x3e: {  	_ =	shalt  }
0x3f: {  	_ =	shalt  }
0x40: {  	_ =	shalt  }
0x41: {  	_ =	shalt  }
0x42: {  	_ =	shalt  }
0x43: {  	_ =	shalt  }
0x44: {  	_ =	shalt  }
0x45: {  	_ =	shalt  }
0x46: {  	_ =	shalt  }
0x47: {  	_ =	shalt  }
0x48: {  	_ =	shalt  }
0x49: {  	_ =	shalt  }
0x4a: {  	_ =	shalt  }
0x4b: {  	_ =	shalt  }
0x4c: {  	_ =	shalt  }
0x4d: {  	_ =	shalt  }
0x4e: {  	_ =	shalt  }
0x4f: {  	_ =	shalt  }
0x50: {  	_ =	shalt  }
0x51: {  	_ =	shalt  }
0x52: {  	_ =	shalt  }
0x53: {  	_ =	shalt  }
0x54: {  	_ =	shalt  }
0x55: {  	_ =	shalt  }
0x56: {  	_ =	shalt  }
0x57: {  	_ =	shalt  }
0x58: {  	_ =	shalt  }
0x59: {  	_ =	shalt  }
0x5a: {  	_ =	shalt  }
0x5b: {  	_ =	shalt  }
0x5c: {  	_ =	shalt  }
0x5d: {  	_ =	shalt  }
0x5e: {  	_ =	shalt  }
0x5f: {  	_ =	shalt  }
0x60: {  	_ =	shalt  }
0x61: {  	_ =	shalt  }
0x62: {  	_ =	shalt  }
0x63: {  	_ =	shalt  }
0x64: {  	_ =	shalt  }
0x65: {  	_ =	shalt  }
0x66: {  	_ =	shalt  }
0x67: {  	_ =	shalt  }
0x68: {  	_ =	shalt  }
0x69: {  	_ =	shalt  }
0x6a: {  	_ =	shalt  }
0x6b: {  	_ =	shalt  }
0x6c: {  	_ =	shalt  }
0x6d: {  	_ =	shalt  }
0x6e: {  	_ =	shalt  }
0x6f: {  	_ =	shalt  }
0x70: {  	_ =	shalt  }
0x71: {  	_ =	shalt  }
0x72: {  	_ =	shalt  }
0x73: {  	_ =	shalt  }
0x74: {  	_ =	shalt  }
0x75: {  	_ =	shalt  }
0x76: {  	_ =	shalt  }
0x77: {  	_ =	shalt  }
0x78: {  	_ =	shalt  }
0x79: {  	_ =	shalt  }
0x7a: {  	_ =	shalt  }
0x7b: {  	_ =	shalt  }
0x7c: {  	_ =	shalt  }
0x7d: {  	_ =	shalt  }
0x7e: {  	_ =	shalt  }
0x7f: {  	_ =	shalt  }
0x80: {  	_ =	shalt  }
0x81: {  	_ =	shalt  }
0x82: {  	_ =	shalt  }
0x83: {  	_ =	shalt  }
0x84: {  	_ =	shalt  }
0x85: {  	_ =	shalt  }
0x86: {  	_ =	shalt  }
0x87: {  	_ =	shalt  }
.Lfunc_end0:
.L_simem_size_0:
called_computation.4_lowered:
.L_overlay_start_0:
0x88: {  	s2 =	sld [smem:$0x3FD9]  }
0x89: {  	s3 =	sld [smem:$0x3FFE];
	_ =	sdelay $0x1  }
0x8a: {  	s1 =	srdreg.scid  }
0x8b: {  	s0 =	sand.u32 $0x1, s1  }
0x8c: {  	s16 =	sshll.u32 s0, $0xA;
	s2 =	sadd.s32 s3, s2  }
0x8d: {  	s2 =	sadd.s32 s2, s16  }
0x8e: {  	[smem:$0x3FA6] =	sst s2  }
0x8f: {  	_ = 	snop  }
0x90: {  	(tm) =	ssettm $0x1  }
0x91: {  	s17 =	sld [smem:$0x3FFB];
	_ =	sdelay $0x3  }
0x92: {  	_ =	strace s17  }
0x93: {  	s2 =	sld [smem:$0x3FFC];
	_ =	sdelay $0x3  }
0x94: {  	_ =	strace s2  }
0x95: {  	s2 =	sld [smem:$0x3FFD];
	_ =	sdelay $0x3  }
0x96: {  	_ =	strace s2  }
0x97: {  	_ =	strace $0x8FFFFFFF  }
0x98: {  	s18 =	sld [smem:$0x3FDB];
	_ =	sdelay $0x1  }
0x99: {  	s19 =	simm.s32 $_scs_section_size  }
0x9a: {  	s4 =	simm.s32 $_size__tile_overlayer_lowered;
	s5 =	simm.s32 $_tile_overlayer_lowered  }
0x9b: {  	s22 =	simm.s32 $0x1BFF;
	s21 =	sshll.u32 s5, $0x1;
	s2 =	sadd.s32 s19, s18  }
0x9c: {  	s6 =	simm.s32 $0x0;
	s20 =	sshll.u32 s4, $0x1;
	s4 =	sadd.s32 s21, s2  }
0x9d: {  	[timem:s6], [sflag:s22] =	dma.local [hbm:s4], s20  }
0x9e: {  	_ =	swait.ge [sflag:s22], s20  }
0x9f: {  	s3 =	ssub.s32 $0x0, s20;
	[sflag:s22] =	ssyncset.done $0x0  }
0xa0: {  	[sflag:s22] =	ssyncadd.s32 s3;
	_ =	sdelay $0x1  }
0xa1: {  	s23 =	simm.s32 $0x1B8B  }
0xa2: {  	_ =	swait.ge [sflag:s23], $0x1  }
0xa3: {  	[sflag:s23] =	ssyncset.done $0x0  }
0xa4: {  	s25 =	simm.s32 $0x1B8E;
	s24 =	sld [smem:$0x3FFE];
	[sflag:s23] =	ssyncadd.s32 $0xFFFFFFFF  }
0xa5: {  	s26 =	simm.s32 $execute0_lowered;
	[smem:$0x3FD2] =	sst s25  }
0xa6: {  	s4 =	sshll.u32 s26, $0x1;
	_ =	strace $0x80000052;
	[dreg:$0x1] =	wrdreg $0xFFFFFFFF  }
0xa7: {  	s28 =	simm.s32 $_size_execute0_lowered;
	s2 =	sadd.s32 s2, s4;
	[dreg:$0x0] =	wrdreg $0x0  }
0xa8: {  	s4 =	sshll.u32 s28, $0x1;
	[dreg:$0x2] =	wrdreg s2  }
0xa9: {  	[dreg:$0x3] =	wrdreg s4  }
0xaa: {  	[dreg:$0x4] =	wrdreg $0xC0  }
0xab: {  	_ =	task [dreg:s6], $0x5FFFF  }
0xac: {  	[dreg:$0x1] =	wrdreg $0xFFFFFFFF  }
0xad: {  	[dreg:$0x0] =	wrdreg $0x60  }
0xae: {  	[dreg:$0x2] =	wrdreg s24  }
0xaf: {  	[dreg:$0x3] =	wrdreg $0x9  }
0xb0: {  	_ =	task.clear_ibuf [dreg:s6], $0x4FFFF;
	_ =	strace $0x90000052  }
0xb1: {  	s29 =	simm.s32 $0x9;
	_ =	strace $0x80000054  }
0xb2: {  	_ =	swait.ge [sflag:s29], $0x1  }
0xb3: {  	[sflag:s29] =	ssyncadd.s32 $0xFFFFFFFF  }
0xb4: {  	_ =	strace $0x90000054  }
0xb5: {  	_ =	sfence  }
0xb6: {  	s30 =	sld [smem:$0x0];
	_ =	sdelay $0x2  }
0xb7: {  	s31 =	sshll.u32 s1, $0xD;
	s1 =	sshrl.u32 s1, $0x2  }
0xb8: {  	s3 =	sand.u32 $0x4000, s31;
	s1 =	sadd.s32 s1, s30  }
0xb9: {  	s0 =	sor.u32 s3, s0;
	s1 =	sshll.u32 s1, $0x11  }
0xba: {  	s0 =	sor.u32 s1, s0  }
0xbb: {  	s0 =	sadd.s32 $0x8F2B, s0  }
0xbc: {  	[sflag:s0] =	ssyncadd.remote.s32 $0x1  }
0xbd: {  	_ =	sfence.sel $0xFFFF  }
0xbe: {  	[dreg:$0x0] =	wrdreg $0xFFFFFFFF;
	(pc) =	sbr.abs _section_cstart, $3  }
0xbf: {  	[dreg:$0x1] =	wrdreg $0xFFFFFFFF  }
0xc0: {  	_ =	task.clear_ibuf [dreg:s6], $0x2FFFF;
	_ =	strace $0x9FFFFFFF  }
0xc1: {  	(tm) =	ssettm $0x7FFFFFFF  }
tec
execute0_lowered:
.L_overlay_start_1:
0x0: {  	(tag) =	ssettag $0x1  }
0x1: {  	s4 =	rddreg [dreg:$0x0]  }
0x2: {  	s0 =	rddreg [dreg:$0x1];
	s1 =	simm.s32 $0x0  }
0x3: {  	s5 =	srdreg.scid;
	s2 =	stileid.u32;
	s13 =	simm.s32 $0x2  }
0x4: {  	s14 =	simm.s32 $0x80;
	s15 =	simm.s32 $0x1;
	s16 =	simm.s32 $0x0  }
0x5: {  	[smem:$0x7FF] =	sst s1;
	s3 =	sadd.s32 $0x39FE00, s4;
	s6 =	sand.u32 $0x1, s5  }
0x6: {  	s7 =	sshll.u32 s2, $0xB;
	s8 =	sshll.u32 s2, $0x12;
	s30 =	sshll.u32 s5, $0x6  }
0x7: {  	_ =	strace $0x80000053;
	s9 =	ssub.s32 $0x2, s6;
	s7 =	sadd.s32 s7, s4  }
0x8: {  	s8 =	sadd.s32 s8, s4;
	s29 =	sshll.u32 s6, $0x6;
	s6 =	sshll.u32 s6, $0x11  }
0x9: {  	s31 =	sor.u32 $0x20, s30;
	s28 =	sshrl.u32 s9, $0x1;
	s11 =	sadd.s32 s6, s8  }
0xa: {  	s10 =	sadd.s32 $0x18FE00, s7;
	s12 =	sand.u32 $0x60, s31;
	s4 =	ssub.s32 s9, s28  }
0xb: {  	s5 =	sadd.s32 $0x49FE00, s11;
	s6 =	sadd.s32 s29, s10;
	s7 =	sadd.s32 $0x4A7E00, s11  }
0xc: {  	s9 =	sadd.s32 $0x4AFE00, s11;
	s10 =	sadd.s32 s12, s10;
	s11 =	sadd.s32 $0x4B7E00, s11  }
0xd: {  	s4 =	smax.u32 s4, $0x1;
	s8 =	sadd.s32 $0x10, s6;
	s12 =	sadd.s32 $0x30, s6  }
.LBB2_1:
0xe: {  	s17 =	sadd.s32 $0x0, s6  }
0xf: {  	[tilespmem:s1], [sflag:$0x2] =	stream.linear.gather [hbm4b:s17+s1], $0x80, $0x38;
	[tilespmem:$0x4080] =	vst v63  }
0x10: {  	_ =	swait.ge [sflag:s13], $0x80  }
0x11: {  	[sflag:s13] =	ssyncset.done $0x0  }
0x12: {  	[sflag:s13] =	ssyncadd.s32 $0xFFFFFF80  }
0x13: {  	[tilespmem:s14], [sflag:$0x1] =	stream.indirect.gather [hbm4b:s3+s14], $0x80, s1, s14, $0xb8;
	[tilespmem:$0x4080] =	vst v63  }
0x14: {  	_ =	swait.ge [sflag:s15], $0x4000  }
0x15: {  	[sflag:s15] =	ssyncset.done $0x0  }
0x16: {  	[sflag:s15] =	ssyncadd.s32 $0xFFFFC000  }
0x17: {  	[hbm4b:s5+s1] =	stream.linear.scatter [tilespmem:s14], [sflag:$0x2], $0x4000, $0x38;
	[tilespmem:$0x4080] =	vst v63  }
0x18: {  	s20 =	sadd.s32 $0x80, s6;
	_ =	swait.ge [sflag:s13], $0x4000  }
0x19: {  	s19 =	simm.s32 $0x100;
	s18 =	sadd.s32 $0x800, s5;
	[sflag:s13] =	ssyncset.done $0x0  }
.LBB2_2:
0x1a: {  	s21 =	sadd.s32 s19, s6;
	s17 =	simm.s32 $0x0;
	[sflag:s13] =	ssyncadd.s32 $0xFFFFC000  }
0x1b: {  	[tilespmem:s17], [sflag:$0x2] =	stream.linear.gather [hbm4b:s20+s17], $0x80, $0x38;
	[tilespmem:$0x4080] =	vst v63  }
0x1c: {  	p0 =	sne.s32 s19, $0x780;
	s19 =	sadd.s32 $0x80, s19;
	_ =	swait.ge [sflag:s13], $0x80  }
0x1d: {  	s20 =	smov.u32 s21;
	[sflag:s13] =	ssyncset.done $0x0  }
0x1e: {  	[sflag:s13] =	ssyncadd.s32 $0xFFFFFF80  }
0x1f: {  	[tilespmem:s14], [sflag:$0x1] =	stream.indirect.gather [hbm4b:s3+s14], $0x80, s17, s14, $0xb8;
	[tilespmem:$0x4080] =	vst v63  }
0x20: {  	_ =	swait.ge [sflag:s15], $0x4000  }
.Ltmp0:
0x21: {  	[sflag:s15] =	ssyncset.done $0x0;
	(pc) =	sbr.rel @p0 .LBB2_2-.Ltmp0, $4  }
0x22: {  	[sflag:s15] =	ssyncadd.s32 $0xFFFFC000  }
0x23: {  	[hbm4b:s18+s17] =	stream.linear.scatter [tilespmem:s14], [sflag:$0x2], $0x4000, $0x38;
	[tilespmem:$0x4080] =	vst v63  }
0x24: {  	_ =	swait.ge [sflag:s13], $0x4000  }
0x25: {  	s18 =	sadd.s32 $0x800, s18;
	[sflag:s13] =	ssyncset.done $0x0  }
0x26: {  	[sflag:s13] =	ssyncadd.s32 $0xFFFFC000  }
0x27: {  	[tilespmem:s17], [sflag:$0x2] =	stream.linear.gather [hbm4b:s20+s17], $0x80, $0x38;
	[tilespmem:$0x4080] =	vst v63  }
0x28: {  	_ =	swait.ge [sflag:s13], $0x80  }
0x29: {  	[sflag:s13] =	ssyncset.done $0x0  }
0x2a: {  	[sflag:s13] =	ssyncadd.s32 $0xFFFFFF80  }
0x2b: {  	[tilespmem:s14], [sflag:$0x1] =	stream.indirect.gather [hbm4b:s3+s14], $0x80, s17, s14, $0xb8;
	[tilespmem:$0x4080] =	vst v63  }
0x2c: {  	_ =	swait.ge [sflag:s15], $0x4000  }
0x2d: {  	p1 =	por $0x1, $0x1;
	[sflag:s15] =	ssyncset.done $0x0  }
.Ltmp1:
0x2e: {  	[sflag:s15] =	ssyncadd.s32 $0xFFFFC000;
	(pc) =	sbr.rel @!p1 .LBB2_8-.Ltmp1, $4  }
0x2f: {  	[hbm4b:s18+s17] =	stream.linear.scatter [tilespmem:s14], [sflag:$0x2], $0x4000, $0x38;
	[tilespmem:$0x4080] =	vst v63  }
0x30: {  	p0 =	por $0x0, $0x0;
	_ =	swait.ge [sflag:s13], $0x4000  }
0x31: {  	s19 =	smov.u32 s7;
	p2 =	por $0x0, $0x0;
	[sflag:s13] =	ssyncset.done $0x0  }
0x32: {  	s20 =	simm.s32 $0x0;
	s18 =	simm.s32 $0x80;
	[sflag:s13] =	ssyncadd.s32 $0xFFFFC000  }
0x33: {  	s19 =	sadd.s32 $0x0, s8  }
0x34: {  	[tilespmem:s17], [sflag:$0x2] =	stream.linear.gather [hbm4b:s19+s17], $0x80, $0x38;
	[tilespmem:$0x4080] =	vst v63  }
0x35: {  	_ =	swait.ge [sflag:s13], $0x80  }
0x36: {  	[sflag:s13] =	ssyncset.done $0x0  }
0x37: {  	[sflag:s13] =	ssyncadd.s32 $0xFFFFFF80  }
0x38: {  	[tilespmem:s14], [sflag:$0x1] =	stream.indirect.gather [hbm4b:s3+s14], $0x80, s17, s14, $0xb8;
	[tilespmem:$0x4080] =	vst v63  }
0x39: {  	p3 =	por $0x1, $0x1;
	_ =	swait.ge [sflag:s15], $0x4000  }
.Ltmp2:
0x3a: {  	[sflag:s15] =	ssyncset.done $0x0;
	(pc) =	sbr.rel @!p3 .LBB2_5-.Ltmp2, $4  }
0x3b: {  	[sflag:s15] =	ssyncadd.s32 $0xFFFFC000  }
0x3c: {  	[hbm4b:s7+s17] =	stream.linear.scatter [tilespmem:s14], [sflag:$0x2], $0x4000, $0x38;
	[tilespmem:$0x4080] =	vst v63  }
0x3d: {  	s20 =	simm.s32 $0x100;
	_ =	swait.ge [sflag:s13], $0x4000  }
0x3e: {  	p2 =	por $0x1, $0x1;
	s19 =	sadd.s32 $0x800, s7;
	[sflag:s13] =	ssyncset.done $0x0  }
.LBB2_6:
0x3f: {  	s21 =	sadd.s32 s18, s8  }
0x40: {  	[sflag:s13] =	ssyncadd.s32 $0xFFFFC000;
	s18 =	smov.u32 s20;
	s22 =	sadd.s32 $0x80, s20  }
0x41: {  	[tilespmem:s17], [sflag:$0x2] =	stream.linear.gather [hbm4b:s21+s17], $0x80, $0x38;
	[tilespmem:$0x4080] =	vst v63  }
0x42: {  	p3 =	sne.s32 s20, $0x780;
	_ =	swait.ge [sflag:s13], $0x80  }
0x43: {  	[sflag:s13] =	ssyncset.done $0x0  }
0x44: {  	[sflag:s13] =	ssyncadd.s32 $0xFFFFFF80  }
0x45: {  	[tilespmem:s14], [sflag:$0x1] =	stream.indirect.gather [hbm4b:s3+s14], $0x80, s17, s14, $0xb8;
	[tilespmem:$0x4080] =	vst v63  }
0x46: {  	_ =	swait.ge [sflag:s15], $0x4000  }
.Ltmp3:
0x47: {  	[sflag:s15] =	ssyncset.done $0x0;
	(pc) =	sbr.rel @p3 .LBB2_6-.Ltmp3, $4  }
0x48: {  	[sflag:s15] =	ssyncadd.s32 $0xFFFFC000  }
0x49: {  	[hbm4b:s19+s17] =	stream.linear.scatter [tilespmem:s14], [sflag:$0x2], $0x4000, $0x38;
	[tilespmem:$0x4080] =	vst v63  }
0x4a: {  	_ =	swait.ge [sflag:s13], $0x4000  }
0x4b: {  	s20 =	smov.u32 s22;
	s19 =	sadd.s32 $0x800, s19;
	[sflag:s13] =	ssyncset.done $0x0  }
0x4c: {  	s20 =	smov.u32 s18  }
.LBB2_8:
0x4d: {  	s18 =	sadd.s32 s20, s8;
	[sflag:s13] =	ssyncadd.s32 @p2 $0xFFFFC000  }
0x4e: {  	[tilespmem:s17], [sflag:$0x2] =	stream.linear.gather [hbm4b:s18+s17], $0x80, $0x38;
	[tilespmem:$0x4080] =	vst v63  }
0x4f: {  	_ =	swait.ge [sflag:s13], $0x80  }
0x50: {  	[sflag:s13] =	ssyncset.done $0x0  }
0x51: {  	[sflag:s13] =	ssyncadd.s32 $0xFFFFFF80  }
0x52: {  	[tilespmem:s14], [sflag:$0x1] =	stream.indirect.gather [hbm4b:s3+s14], $0x80, s17, s14, $0xb8;
	[tilespmem:$0x4080] =	vst v63  }
0x53: {  	_ =	swait.ge [sflag:s15], $0x4000  }
0x54: {  	[sflag:s15] =	ssyncset.done $0x0  }
.Ltmp4:
0x55: {  	[sflag:s15] =	ssyncadd.s32 $0xFFFFC000;
	(pc) =	sbr.rel @!p1 .LBB2_9-.Ltmp4, $4  }
0x56: {  	[hbm4b:s19+s17] =	stream.linear.scatter [tilespmem:s14], [sflag:$0x2], $0x4000, $0x38;
	[tilespmem:$0x4080] =	vst v63  }
0x57: {  	_ =	swait.ge [sflag:s13], $0x4000  }
0x58: {  	[sflag:s13] =	ssyncset.done $0x0  }
0x59: {  	s20 =	sadd.s32 $0x0, s10;
	[sflag:s13] =	ssyncadd.s32 $0xFFFFC000  }
0x5a: {  	s18 =	simm.s32 $0x0  }
0x5b: {  	[tilespmem:s18], [sflag:$0x2] =	stream.linear.gather [hbm4b:s20+s18], $0x80, $0x38;
	[tilespmem:$0x4080] =	vst v63  }
0x5c: {  	_ =	swait.ge [sflag:s13], $0x80  }
0x5d: {  	[sflag:s13] =	ssyncset.done $0x0  }
0x5e: {  	[sflag:s13] =	ssyncadd.s32 $0xFFFFFF80  }
0x5f: {  	[tilespmem:s14], [sflag:$0x1] =	stream.indirect.gather [hbm4b:s3+s14], $0x80, s18, s14, $0xb8;
	[tilespmem:$0x4080] =	vst v63  }
0x60: {  	p1 =	por $0x1, $0x1;
	_ =	swait.ge [sflag:s15], $0x4000  }
.Ltmp5:
0x61: {  	[sflag:s15] =	ssyncset.done $0x0;
	(pc) =	sbr.rel @!p1 .LBB2_12-.Ltmp5, $4  }
0x62: {  	[sflag:s15] =	ssyncadd.s32 $0xFFFFC000  }
0x63: {  	[hbm4b:s9+s18] =	stream.linear.scatter [tilespmem:s14], [sflag:$0x2], $0x4000, $0x38;
	[tilespmem:$0x4080] =	vst v63  }
0x64: {  	s19 =	simm.s32 $0x100;
	s17 =	sadd.s32 $0x800, s9;
	_ =	swait.ge [sflag:s13], $0x4000  }
0x65: {  	p0 =	por $0x1, $0x1;
	s20 =	sadd.s32 $0x80, s10;
	[sflag:s13] =	ssyncset.done $0x0  }
.LBB2_11:
0x66: {  	s21 =	sadd.s32 s19, s10;
	[sflag:s13] =	ssyncadd.s32 $0xFFFFC000  }
0x67: {  	[tilespmem:s18], [sflag:$0x2] =	stream.linear.gather [hbm4b:s20+s18], $0x80, $0x38;
	[tilespmem:$0x4080] =	vst v63  }
0x68: {  	p1 =	sne.s32 s19, $0x780;
	s19 =	sadd.s32 $0x80, s19;
	_ =	swait.ge [sflag:s13], $0x80  }
0x69: {  	s20 =	smov.u32 s21;
	[sflag:s13] =	ssyncset.done $0x0  }
0x6a: {  	[sflag:s13] =	ssyncadd.s32 $0xFFFFFF80  }
0x6b: {  	[tilespmem:s14], [sflag:$0x1] =	stream.indirect.gather [hbm4b:s3+s14], $0x80, s18, s14, $0xb8;
	[tilespmem:$0x4080] =	vst v63  }
0x6c: {  	_ =	swait.ge [sflag:s15], $0x4000  }
.Ltmp6:
0x6d: {  	[sflag:s15] =	ssyncset.done $0x0;
	(pc) =	sbr.rel @p1 .LBB2_11-.Ltmp6, $4  }
0x6e: {  	[sflag:s15] =	ssyncadd.s32 $0xFFFFC000  }
0x6f: {  	[hbm4b:s17+s18] =	stream.linear.scatter [tilespmem:s14], [sflag:$0x2], $0x4000, $0x38;
	[tilespmem:$0x4080] =	vst v63  }
0x70: {  	_ =	swait.ge [sflag:s13], $0x4000  }
0x71: {  	s17 =	sadd.s32 $0x800, s17;
	[sflag:s13] =	ssyncset.done $0x0  }
.LBB2_12:
0x72: {  	s19 =	simm.s32 $0x0;
	[sflag:s13] =	ssyncadd.s32 @p0 $0xFFFFC000  }
0x73: {  	[tilespmem:s19], [sflag:$0x2] =	stream.linear.gather [hbm4b:s20+s19], $0x80, $0x38;
	[tilespmem:$0x4080] =	vst v63  }
0x74: {  	_ =	swait.ge [sflag:s13], $0x80  }
0x75: {  	[sflag:s13] =	ssyncset.done $0x0  }
0x76: {  	[sflag:s13] =	ssyncadd.s32 $0xFFFFFF80  }
0x77: {  	[tilespmem:s14], [sflag:$0x1] =	stream.indirect.gather [hbm4b:s3+s14], $0x80, s19, s14, $0xb8;
	[tilespmem:$0x4080] =	vst v63  }
0x78: {  	_ =	swait.ge [sflag:s15], $0x4000  }
0x79: {  	p1 =	por $0x1, $0x1;
	[sflag:s15] =	ssyncset.done $0x0  }
.Ltmp7:
0x7a: {  	[sflag:s15] =	ssyncadd.s32 $0xFFFFC000;
	(pc) =	sbr.rel @!p1 .LBB2_17-.Ltmp7, $4  }
0x7b: {  	[hbm4b:s17+s19] =	stream.linear.scatter [tilespmem:s14], [sflag:$0x2], $0x4000, $0x38;
	[tilespmem:$0x4080] =	vst v63  }
0x7c: {  	_ =	swait.ge [sflag:s13], $0x4000  }
0x7d: {  	p0 =	por $0x0, $0x0;
	[sflag:s13] =	ssyncset.done $0x0  }
0x7e: {  	s18 =	smov.u32 s11;
	s17 =	simm.s32 $0x80;
	[sflag:s13] =	ssyncadd.s32 $0xFFFFC000  }
0x7f: {  	s18 =	sadd.s32 $0x0, s12  }
0x80: {  	[tilespmem:s1], [sflag:$0x2] =	stream.linear.gather [hbm4b:s18+s1], $0x80, $0x38;
	[tilespmem:$0x4080] =	vst v63  }
0x81: {  	_ =	swait.ge [sflag:s13], $0x80  }
0x82: {  	[sflag:s13] =	ssyncset.done $0x0  }
0x83: {  	[sflag:s13] =	ssyncadd.s32 $0xFFFFFF80  }
0x84: {  	[tilespmem:s14], [sflag:$0x1] =	stream.indirect.gather [hbm4b:s3+s14], $0x80, s1, s14, $0xb8;
	[tilespmem:$0x4080] =	vst v63  }
0x85: {  	p1 =	por $0x1, $0x1;
	_ =	swait.ge [sflag:s15], $0x4000  }
.Ltmp8:
0x86: {  	[sflag:s15] =	ssyncset.done $0x0;
	(pc) =	sbr.rel @!p1 .LBB2_14-.Ltmp8, $4  }
0x87: {  	[sflag:s15] =	ssyncadd.s32 $0xFFFFC000  }
0x88: {  	[hbm4b:s11+s1] =	stream.linear.scatter [tilespmem:s14], [sflag:$0x2], $0x4000, $0x38;
	[tilespmem:$0x4080] =	vst v63  }
0x89: {  	s19 =	simm.s32 $0x100;
	_ =	swait.ge [sflag:s13], $0x4000  }
0x8a: {  	p0 =	por $0x1, $0x1;
	s18 =	sadd.s32 $0x800, s11;
	[sflag:s13] =	ssyncset.done $0x0  }
.LBB2_15:
0x8b: {  	s20 =	sadd.s32 s17, s12  }
0x8c: {  	[sflag:s13] =	ssyncadd.s32 $0xFFFFC000;
	s17 =	smov.u32 s19;
	s21 =	sadd.s32 $0x80, s19  }
0x8d: {  	[tilespmem:s1], [sflag:$0x2] =	stream.linear.gather [hbm4b:s20+s1], $0x80, $0x38;
	[tilespmem:$0x4080] =	vst v63  }
0x8e: {  	p1 =	sne.s32 s19, $0x780;
	_ =	swait.ge [sflag:s13], $0x80  }
0x8f: {  	[sflag:s13] =	ssyncset.done $0x0  }
0x90: {  	[sflag:s13] =	ssyncadd.s32 $0xFFFFFF80  }
0x91: {  	[tilespmem:s14], [sflag:$0x1] =	stream.indirect.gather [hbm4b:s3+s14], $0x80, s1, s14, $0xb8;
	[tilespmem:$0x4080] =	vst v63  }
0x92: {  	_ =	swait.ge [sflag:s15], $0x4000  }
.Ltmp9:
0x93: {  	[sflag:s15] =	ssyncset.done $0x0;
	(pc) =	sbr.rel @p1 .LBB2_15-.Ltmp9, $4  }
0x94: {  	[sflag:s15] =	ssyncadd.s32 $0xFFFFC000  }
0x95: {  	[hbm4b:s18+s1] =	stream.linear.scatter [tilespmem:s14], [sflag:$0x2], $0x4000, $0x38;
	[tilespmem:$0x4080] =	vst v63  }
0x96: {  	_ =	swait.ge [sflag:s13], $0x4000  }
0x97: {  	s19 =	smov.u32 s21;
	s18 =	sadd.s32 $0x800, s18;
	[sflag:s13] =	ssyncset.done $0x0  }
0x98: {  	s19 =	smov.u32 s17  }
.LBB2_17:
0x99: {  	s17 =	sadd.s32 s19, s12;
	[sflag:s13] =	ssyncadd.s32 @p0 $0xFFFFC000  }
0x9a: {  	[tilespmem:s1], [sflag:$0x2] =	stream.linear.gather [hbm4b:s17+s1], $0x80, $0x38;
	[tilespmem:$0x4080] =	vst v63  }
0x9b: {  	_ =	swait.ge [sflag:s13], $0x80  }
0x9c: {  	[sflag:s13] =	ssyncset.done $0x0  }
0x9d: {  	[sflag:s13] =	ssyncadd.s32 $0xFFFFFF80  }
0x9e: {  	[tilespmem:s14], [sflag:$0x1] =	stream.indirect.gather [hbm4b:s3+s14], $0x80, s1, s14, $0xb8;
	[tilespmem:$0x4080] =	vst v63  }
0x9f: {  	_ =	swait.ge [sflag:s15], $0x4000  }
0xa0: {  	s16 =	sadd.s32 $0x1, s16;
	[sflag:s15] =	ssyncset.done $0x0  }
0xa1: {  	p0 =	sne.s32 s16, s4;
	[sflag:s15] =	ssyncadd.s32 $0xFFFFC000  }
0xa2: {  	[hbm4b:s18+s1] =	stream.linear.scatter [tilespmem:s14], [sflag:$0x2], $0x4000, $0x38;
	[tilespmem:$0x4080] =	vst v63  }
.Ltmp10:
0xa3: {  	_ = 	snop;
	(pc) =	sbr.rel @p0 .LBB2_1-.Ltmp10, $4  }
.Ltmp11:
0xa4: {  	_ = 	snop;
	(pc) =	sbr.rel @!p0 .LBB2_18-.Ltmp11, $4  }
0xa5: {  	_ =	swait.ge [sflag:s13], $0x4000  }
0xa6: {  	[sflag:s13] =	ssyncset.done $0x0  }
0xa7: {  	[sflag:s13] =	ssyncadd.s32 $0xFFFFC000  }
0xa8: {  	_ = 	snop  }
.LBB2_9:
.Ltmp12:
0xa9: {  	(pc) =	sbr.rel .LBB2_12-.Ltmp12, $2  }
0xaa: {  	_ =	sdelay $0x2  }
0xab: {  	s17 =	smov.u32 s9  }
.LBB2_5:
.Ltmp13:
0xac: {  	(pc) =	sbr.rel .LBB2_8-.Ltmp13, $2  }
0xad: {  	_ =	sdelay $0x2  }
0xae: {  	s20 =	simm.s32 $0x80  }
.LBB2_14:
.Ltmp14:
0xaf: {  	(pc) =	sbr.rel .LBB2_17-.Ltmp14, $2  }
0xb0: {  	_ =	sdelay $0x2  }
0xb1: {  	s19 =	simm.s32 $0x80  }
.LBB2_18:
0xb2: {  	_ =	sfence.sel $0x180000  }
0xb3: {  	[bflag:$0x0] =	sbarrier.arrive $0xFFFF  }
0xb4: {  	p0 =	sne.s32 s2, $0x0;
	_ =	strace $0x90000053  }
0xb5: {  	s0 =	sadd.s32 @!p0 $0x100000, s0;
	[bflag:$0x2] =	sbarrier.arrive $0xFFFF  }
0xb6: {  	[sflag:s0] =	ssyncadd.tile.s32 @!p0 $0x1;
	_ =	shalt  }
.Lfunc_end2:
_tile_overlayer_lowered:
.L_overlay_start_2:
0xb7: {  	(tag) =	ssettag $0x2  }
0xb8: {  	s0 =	rddreg [dreg:$0x0];
	s2 =	stileid.u32  }
0xb9: {  	s1 =	rddreg [dreg:$0x1];
	p0 =	sne.s32 s2, $0x0  }
0xba: {  	s3 =	rddreg [dreg:$0x2];
	[bflag:$0x3] =	sbarrier.arrive $0xFFFF;
	s2 =	simm.s32 @!p0 $0x1C02  }
0xbb: {  	[timem:s3], [sflag:s2] =	dma.local @!p0 [hbm:s0], s1  }
0xbc: {  	s0 =	simm.s32 @!p0 $0x2  }
0xbd: {  	_ =	swait.ge @!p0 [sflag:s0], s1  }
0xbe: {  	s1 =	ssub.s32 @!p0 $0x0, s1;
	[sflag:s0] =	ssyncset.done @!p0 $0x0  }
0xbf: {  	[sflag:s0] =	ssyncadd.s32 @!p0 s1  }
0xc0: {  	[bflag:$0x3] =	sbarrier.arrive $0xFFFF  }
0xc1: {  	_ =	shalt  }

// kernel: kernel.33.cloned.1.call-start
scs
__scs_entry_jumppad:
0x0: {  	(pc) =	sbr.rel $0x88, $3  }
0x1: {  	(tag) =	ssettag $0x0;
	lr =	simm.s32 $0x1  }
0x2: {  	[smem:$0x3F7F] =	sst lr;
	_ =	strace $0xD0000000  }
0x3: {  	_ = 	snop  }
0x4: {  	_ = 	snop  }
0x5: {  	_ = 	snop  }
0x6: {  	_ = 	snop  }
0x7: {  	_ = 	snop  }
__scs_overlays_trampoline_lowered:
0x8: {  	[smem:$0x3F8E] =	sst s0  }
0x9: {  	[smem:$0x3F8F] =	sst s1  }
0xa: {  	[smem:$0x3F90] =	sst s2  }
0xb: {  	[smem:$0x3F91] =	sst s3  }
0xc: {  	[smem:$0x3F92] =	sst s4  }
0xd: {  	[smem:$0x3F93] =	sst s5  }
0xe: {  	[smem:$0x3F94] =	sst s6  }
0xf: {  	[smem:$0x3F95] =	sst s7  }
0x10: {  	[smem:$0x3F96] =	sst s8  }
0x11: {  	[smem:$0x3F97] =	sst s9;
	s0 =	simm.s32 @!p0 $0x0  }
0x12: {  	s1 =	sld [smem:$0x3F7D];
	s0 =	simm.s32 @p0 $0x1  }
0x13: {  	[smem:$0x3F98] =	sst s0;
	s0 =	simm.s32 @!p1 $0x0  }
0x14: {  	s2 =	sld [smem:$0x3F7C];
	s0 =	simm.s32 @p1 $0x1  }
0x15: {  	[smem:$0x3F99] =	sst s0;
	s0 =	simm.s32 @!p2 $0x0  }
0x16: {  	s3 =	sld [smem:$0x3FDB];
	s0 =	simm.s32 @p2 $0x1  }
0x17: {  	s4 =	simm.s32 $0x1BF5;
	[smem:$0x3F9B] =	sst s0  }
0x18: {  	s0 =	sld [smem:$0x3F7E];
	_ =	swait.ge [sflag:s4], $0x0  }
0x19: {  	s7 =	sld [smem:$0x3F7F]  }
0x1a: {  	s8 =	sadd.s32 $0xFFFFE003, lr  }
0x1b: {  	s9 =	sadd.s32 $0xFFFFFEF7, lr;
	s5 =	simm.s32 $0xFFFFFFFF;
	p2 =	slt.u32 s8, $0xFFFFF086  }
0x1c: {  	p1 =	slt.u32 s9, $0xF7A;
	s5 =	simm.s32 @!p2 $0x0  }
0x1d: {  	s5 =	simm.s32 @p1 $0x1;
	p0 =	seq.s32 s7, s2  }
0x1e: {  	s7 =	smul.u32 @!p0 $0xF7A, s2;
	p2 =	seq.s32 @!p0 s5, $0x0  }
0x1f: {  	s9 =	smul.u32 $0xF7A, s1;
	s8 =	simm.s32 @!p0 $0x1BF5;
	p2 =	por !p2, p0  }
0x20: {  	[sflag:s8] =	ssyncset.s32 @!p0 $0xFFFFF086;
	s6 =	sadd.s32 @!p0 s3, s7;
	s7 =	simm.s32 @!p0 $0x108  }
0x21: {  	s3 =	sadd.s32 s3, s9;
	s6 =	sadd.s32 @!p0 $0x88, s6;
	s7 =	simm.s32 @p2 $0x1082  }
0x22: {  	[simem:s7], [sflag:s8] =	dma.local @!p0 [hbm:s6], $0xF7A  }
0x23: {  	s9 =	sor.u32 $0xD0000000, s2;
	s6 =	simm.s32 $0x108;
	_ =	swait.ge @!p0 [sflag:s8], $0x0  }
0x24: {  	s3 =	sadd.s32 $0x88, s3;
	s6 =	simm.s32 @!p1 $0x1082;
	[sflag:s4] =	ssyncset.s32 $0xFFFFF086  }
0x25: {  	[simem:s6], [sflag:s4] =	dma.local [hbm:s3], $0xF7A  }
0x26: {  	[smem:$0x3F7F] =	sst s1;
	(tag) =	ssettag s2;
	_ =	strace s9  }
0x27: {  	s1 =	sld [smem:$0x3F8F]  }
0x28: {  	s2 =	sld [smem:$0x3F90]  }
0x29: {  	s4 =	sld [smem:$0x3F92]  }
0x2a: {  	p0 =	seq.s32 s5, $0x0;
	s5 =	sld [smem:$0x3F93]  }
0x2b: {  	s6 =	sld [smem:$0x3F94]  }
0x2c: {  	s7 =	sld [smem:$0x3F95]  }
0x2d: {  	s3 =	simm.s32 $0x108;
	s8 =	sld [smem:$0x3F96]  }
0x2e: {  	s3 =	simm.s32 @!p0 $0x1082;
	s9 =	sld [smem:$0x3F97]  }
0x2f: {  	lr =	sadd.s32 s0, s3;
	s0 =	sld [smem:$0x3F8E]  }
0x30: {  	s3 =	sld [smem:$0x3F91]  }
0x31: {  	[smem:$0x3F9A] =	sst s10  }
0x32: {  	s10 =	sld [smem:$0x3F98];
	_ =	sdelay $0x3  }
0x33: {  	p0 =	seq.s32 s10, $0x1;
	s10 =	sld [smem:$0x3F9A];
	_ =	sdelay $0x3  }
0x34: {  	[smem:$0x3F9A] =	sst s10  }
0x35: {  	s10 =	sld [smem:$0x3F99];
	_ =	sdelay $0x3  }
0x36: {  	p1 =	seq.s32 s10, $0x1;
	s10 =	sld [smem:$0x3F9A];
	_ =	sdelay $0x3  }
0x37: {  	[smem:$0x3F9A] =	sst s10  }
0x38: {  	s10 =	sld [smem:$0x3F9B]  }
0x39: {  	_ = 	snop;
	(pc) =	sbr.ind lr, $3  }
0x3a: {  	_ = 	snop  }
0x3b: {  	_ = 	snop  }
0x3c: {  	p2 =	seq.s32 s10, $0x1;
	s10 =	sld [smem:$0x3F9A]  }
0x3d: {  	_ =	shalt  }
0x3e: {  	_ =	shalt  }
0x3f: {  	_ =	shalt  }
0x40: {  	_ =	shalt  }
0x41: {  	_ =	shalt  }
0x42: {  	_ =	shalt  }
0x43: {  	_ =	shalt  }
0x44: {  	_ =	shalt  }
0x45: {  	_ =	shalt  }
0x46: {  	_ =	shalt  }
0x47: {  	_ =	shalt  }
0x48: {  	_ =	shalt  }
0x49: {  	_ =	shalt  }
0x4a: {  	_ =	shalt  }
0x4b: {  	_ =	shalt  }
0x4c: {  	_ =	shalt  }
0x4d: {  	_ =	shalt  }
0x4e: {  	_ =	shalt  }
0x4f: {  	_ =	shalt  }
0x50: {  	_ =	shalt  }
0x51: {  	_ =	shalt  }
0x52: {  	_ =	shalt  }
0x53: {  	_ =	shalt  }
0x54: {  	_ =	shalt  }
0x55: {  	_ =	shalt  }
0x56: {  	_ =	shalt  }
0x57: {  	_ =	shalt  }
0x58: {  	_ =	shalt  }
0x59: {  	_ =	shalt  }
0x5a: {  	_ =	shalt  }
0x5b: {  	_ =	shalt  }
0x5c: {  	_ =	shalt  }
0x5d: {  	_ =	shalt  }
0x5e: {  	_ =	shalt  }
0x5f: {  	_ =	shalt  }
0x60: {  	_ =	shalt  }
0x61: {  	_ =	shalt  }
0x62: {  	_ =	shalt  }
0x63: {  	_ =	shalt  }
0x64: {  	_ =	shalt  }
0x65: {  	_ =	shalt  }
0x66: {  	_ =	shalt  }
0x67: {  	_ =	shalt  }
0x68: {  	_ =	shalt  }
0x69: {  	_ =	shalt  }
0x6a: {  	_ =	shalt  }
0x6b: {  	_ =	shalt  }
0x6c: {  	_ =	shalt  }
0x6d: {  	_ =	shalt  }
0x6e: {  	_ =	shalt  }
0x6f: {  	_ =	shalt  }
0x70: {  	_ =	shalt  }
0x71: {  	_ =	shalt  }
0x72: {  	_ =	shalt  }
0x73: {  	_ =	shalt  }
0x74: {  	_ =	shalt  }
0x75: {  	_ =	shalt  }
0x76: {  	_ =	shalt  }
0x77: {  	_ =	shalt  }
0x78: {  	_ =	shalt  }
0x79: {  	_ =	shalt  }
0x7a: {  	_ =	shalt  }
0x7b: {  	_ =	shalt  }
0x7c: {  	_ =	shalt  }
0x7d: {  	_ =	shalt  }
0x7e: {  	_ =	shalt  }
0x7f: {  	_ =	shalt  }
0x80: {  	_ =	shalt  }
0x81: {  	_ =	shalt  }
0x82: {  	_ =	shalt  }
0x83: {  	_ =	shalt  }
0x84: {  	_ =	shalt  }
0x85: {  	_ =	shalt  }
0x86: {  	_ =	shalt  }
0x87: {  	_ =	shalt  }
.Lfunc_end0:
.L_simem_size_0:
called_computation.5_lowered:
.L_overlay_start_0:
0x88: {  	s2 =	sld [smem:$0x3FD9]  }
0x89: {  	s3 =	sld [smem:$0x3FFE];
	_ =	sdelay $0x1  }
0x8a: {  	s1 =	srdreg.scid  }
0x8b: {  	s0 =	sand.u32 $0x1, s1  }
0x8c: {  	s16 =	sshll.u32 s0, $0xA;
	s2 =	sadd.s32 s3, s2  }
0x8d: {  	s2 =	sadd.s32 s2, s16  }
0x8e: {  	[smem:$0x3FA6] =	sst s2  }
0x8f: {  	_ = 	snop  }
0x90: {  	(tm) =	ssettm $0x1  }
0x91: {  	s17 =	sld [smem:$0x3FFB];
	_ =	sdelay $0x3  }
0x92: {  	_ =	strace s17  }
0x93: {  	s2 =	sld [smem:$0x3FFC];
	_ =	sdelay $0x3  }
0x94: {  	_ =	strace s2  }
0x95: {  	s2 =	sld [smem:$0x3FFD];
	_ =	sdelay $0x3  }
0x96: {  	_ =	strace s2  }
0x97: {  	_ =	strace $0x8FFFFFFF  }
0x98: {  	s18 =	sld [smem:$0x3FDB];
	_ =	sdelay $0x1  }
0x99: {  	s19 =	simm.s32 $_scs_section_size  }
0x9a: {  	s4 =	simm.s32 $_size__tile_overlayer_lowered;
	s5 =	simm.s32 $_tile_overlayer_lowered  }
0x9b: {  	s22 =	simm.s32 $0x1BFF;
	s21 =	sshll.u32 s5, $0x1;
	s2 =	sadd.s32 s19, s18  }
0x9c: {  	s6 =	simm.s32 $0x0;
	s20 =	sshll.u32 s4, $0x1;
	s4 =	sadd.s32 s21, s2  }
0x9d: {  	[timem:s6], [sflag:s22] =	dma.local [hbm:s4], s20  }
0x9e: {  	_ =	swait.ge [sflag:s22], s20  }
0x9f: {  	s3 =	ssub.s32 $0x0, s20;
	[sflag:s22] =	ssyncset.done $0x0  }
0xa0: {  	[sflag:s22] =	ssyncadd.s32 s3;
	_ =	sdelay $0x1  }
0xa1: {  	s23 =	simm.s32 $0x1B8B  }
0xa2: {  	_ =	swait.ge [sflag:s23], $0x1  }
0xa3: {  	[sflag:s23] =	ssyncset.done $0x0  }
0xa4: {  	s25 =	simm.s32 $0x1B8E;
	s24 =	sld [smem:$0x3FFE];
	[sflag:s23] =	ssyncadd.s32 $0xFFFFFFFF  }
0xa5: {  	s26 =	simm.s32 $execute0_lowered;
	[smem:$0x3FD2] =	sst s25  }
0xa6: {  	s4 =	sshll.u32 s26, $0x1;
	_ =	strace $0x80000055;
	[dreg:$0x1] =	wrdreg $0xFFFFFFFF  }
0xa7: {  	s28 =	simm.s32 $_size_execute0_lowered;
	s2 =	sadd.s32 s2, s4;
	[dreg:$0x0] =	wrdreg $0x0  }
0xa8: {  	s4 =	sshll.u32 s28, $0x1;
	[dreg:$0x2] =	wrdreg s2  }
0xa9: {  	[dreg:$0x3] =	wrdreg s4  }
0xaa: {  	[dreg:$0x4] =	wrdreg $0xC0  }
0xab: {  	_ =	task [dreg:s6], $0x5FFFF  }
0xac: {  	[dreg:$0x1] =	wrdreg $0xFFFFFFFF  }
0xad: {  	[dreg:$0x0] =	wrdreg $0x60  }
0xae: {  	[dreg:$0x2] =	wrdreg s24  }
0xaf: {  	[dreg:$0x3] =	wrdreg $0x9  }
0xb0: {  	_ =	task.clear_ibuf [dreg:s6], $0x4FFFF;
	_ =	strace $0x90000055  }
0xb1: {  	s29 =	simm.s32 $0x9;
	_ =	strace $0x80000057  }
0xb2: {  	_ =	swait.ge [sflag:s29], $0x1  }
0xb3: {  	[sflag:s29] =	ssyncadd.s32 $0xFFFFFFFF  }
0xb4: {  	_ =	strace $0x90000057  }
0xb5: {  	_ =	sfence  }
0xb6: {  	s30 =	sld [smem:$0x0];
	_ =	sdelay $0x2  }
0xb7: {  	s31 =	sshll.u32 s1, $0xD;
	s1 =	sshrl.u32 s1, $0x2  }
0xb8: {  	s3 =	sand.u32 $0x4000, s31;
	s1 =	sadd.s32 s1, s30  }
0xb9: {  	s0 =	sor.u32 s3, s0;
	s1 =	sshll.u32 s1, $0x11  }
0xba: {  	s0 =	sor.u32 s1, s0  }
0xbb: {  	s0 =	sadd.s32 $0x8F2B, s0  }
0xbc: {  	[sflag:s0] =	ssyncadd.remote.s32 $0x1  }
0xbd: {  	_ =	sfence.sel $0xFFFF  }
0xbe: {  	[dreg:$0x0] =	wrdreg $0xFFFFFFFF;
	(pc) =	sbr.abs _section_cstart, $3  }
0xbf: {  	[dreg:$0x1] =	wrdreg $0xFFFFFFFF  }
0xc0: {  	_ =	task.clear_ibuf [dreg:s6], $0x2FFFF;
	_ =	strace $0x9FFFFFFF  }
0xc1: {  	(tm) =	ssettm $0x7FFFFFFF  }
tec
execute0_lowered:
.L_overlay_start_1:
0x0: {  	(tag) =	ssettag $0x1  }
0x1: {  	s4 =	rddreg [dreg:$0x0]  }
0x2: {  	s0 =	rddreg [dreg:$0x1];
	s1 =	simm.s32 $0x0  }
0x3: {  	s5 =	srdreg.scid;
	s2 =	stileid.u32;
	s13 =	simm.s32 $0x2  }
0x4: {  	s14 =	simm.s32 $0x80;
	s15 =	simm.s32 $0x1;
	s16 =	simm.s32 $0x0  }
0x5: {  	[smem:$0x7FF] =	sst s1;
	s3 =	sadd.s32 $0x10AFE00, s4;
	s6 =	sand.u32 $0x1, s5  }
0x6: {  	s7 =	sshll.u32 s2, $0xB;
	s8 =	sshll.u32 s2, $0x12;
	s30 =	sshll.u32 s5, $0x6  }
0x7: {  	_ =	strace $0x80000056;
	s9 =	ssub.s32 $0x2, s6;
	s7 =	sadd.s32 s7, s4  }
0x8: {  	s8 =	sadd.s32 s8, s4;
	s29 =	sshll.u32 s6, $0x6;
	s6 =	sshll.u32 s6, $0x11  }
0x9: {  	s31 =	sor.u32 $0x20, s30;
	s28 =	sshrl.u32 s9, $0x1;
	s11 =	sadd.s32 s6, s8  }
0xa: {  	s10 =	sadd.s32 $0x197E00, s7;
	s12 =	sand.u32 $0x60, s31;
	s4 =	ssub.s32 s9, s28  }
0xb: {  	s5 =	sadd.s32 $0x19FE00, s11;
	s6 =	sadd.s32 s29, s10;
	s7 =	sadd.s32 $0x1A7E00, s11  }
0xc: {  	s9 =	sadd.s32 $0x1AFE00, s11;
	s10 =	sadd.s32 s12, s10;
	s11 =	sadd.s32 $0x1B7E00, s11  }
0xd: {  	s4 =	smax.u32 s4, $0x1;
	s8 =	sadd.s32 $0x10, s6;
	s12 =	sadd.s32 $0x30, s6  }
.LBB2_1:
0xe: {  	s17 =	sadd.s32 $0x0, s6  }
0xf: {  	[tilespmem:s1], [sflag:$0x2] =	stream.linear.gather [hbm4b:s17+s1], $0x80, $0x38;
	[tilespmem:$0x4080] =	vst v63  }
0x10: {  	_ =	swait.ge [sflag:s13], $0x80  }
0x11: {  	[sflag:s13] =	ssyncset.done $0x0  }
0x12: {  	[sflag:s13] =	ssyncadd.s32 $0xFFFFFF80  }
0x13: {  	[tilespmem:s14], [sflag:$0x1] =	stream.indirect.gather [hbm4b:s3+s14], $0x80, s1, s14, $0xb8;
	[tilespmem:$0x4080] =	vst v63  }
0x14: {  	_ =	swait.ge [sflag:s15], $0x4000  }
0x15: {  	[sflag:s15] =	ssyncset.done $0x0  }
0x16: {  	[sflag:s15] =	ssyncadd.s32 $0xFFFFC000  }
0x17: {  	[hbm4b:s5+s1] =	stream.linear.scatter [tilespmem:s14], [sflag:$0x2], $0x4000, $0x38;
	[tilespmem:$0x4080] =	vst v63  }
0x18: {  	s20 =	sadd.s32 $0x80, s6;
	_ =	swait.ge [sflag:s13], $0x4000  }
0x19: {  	s19 =	simm.s32 $0x100;
	s18 =	sadd.s32 $0x800, s5;
	[sflag:s13] =	ssyncset.done $0x0  }
.LBB2_2:
0x1a: {  	s21 =	sadd.s32 s19, s6;
	s17 =	simm.s32 $0x0;
	[sflag:s13] =	ssyncadd.s32 $0xFFFFC000  }
0x1b: {  	[tilespmem:s17], [sflag:$0x2] =	stream.linear.gather [hbm4b:s20+s17], $0x80, $0x38;
	[tilespmem:$0x4080] =	vst v63  }
0x1c: {  	p0 =	sne.s32 s19, $0x780;
	s19 =	sadd.s32 $0x80, s19;
	_ =	swait.ge [sflag:s13], $0x80  }
0x1d: {  	s20 =	smov.u32 s21;
	[sflag:s13] =	ssyncset.done $0x0  }
0x1e: {  	[sflag:s13] =	ssyncadd.s32 $0xFFFFFF80  }
0x1f: {  	[tilespmem:s14], [sflag:$0x1] =	stream.indirect.gather [hbm4b:s3+s14], $0x80, s17, s14, $0xb8;
	[tilespmem:$0x4080] =	vst v63  }
0x20: {  	_ =	swait.ge [sflag:s15], $0x4000  }
.Ltmp0:
0x21: {  	[sflag:s15] =	ssyncset.done $0x0;
	(pc) =	sbr.rel @p0 .LBB2_2-.Ltmp0, $4  }
0x22: {  	[sflag:s15] =	ssyncadd.s32 $0xFFFFC000  }
0x23: {  	[hbm4b:s18+s17] =	stream.linear.scatter [tilespmem:s14], [sflag:$0x2], $0x4000, $0x38;
	[tilespmem:$0x4080] =	vst v63  }
0x24: {  	_ =	swait.ge [sflag:s13], $0x4000  }
0x25: {  	s18 =	sadd.s32 $0x800, s18;
	[sflag:s13] =	ssyncset.done $0x0  }
0x26: {  	[sflag:s13] =	ssyncadd.s32 $0xFFFFC000  }
0x27: {  	[tilespmem:s17], [sflag:$0x2] =	stream.linear.gather [hbm4b:s20+s17], $0x80, $0x38;
	[tilespmem:$0x4080] =	vst v63  }
0x28: {  	_ =	swait.ge [sflag:s13], $0x80  }
0x29: {  	[sflag:s13] =	ssyncset.done $0x0  }
0x2a: {  	[sflag:s13] =	ssyncadd.s32 $0xFFFFFF80  }
0x2b: {  	[tilespmem:s14], [sflag:$0x1] =	stream.indirect.gather [hbm4b:s3+s14], $0x80, s17, s14, $0xb8;
	[tilespmem:$0x4080] =	vst v63  }
0x2c: {  	_ =	swait.ge [sflag:s15], $0x4000  }
0x2d: {  	p1 =	por $0x1, $0x1;
	[sflag:s15] =	ssyncset.done $0x0  }
.Ltmp1:
0x2e: {  	[sflag:s15] =	ssyncadd.s32 $0xFFFFC000;
	(pc) =	sbr.rel @!p1 .LBB2_8-.Ltmp1, $4  }
0x2f: {  	[hbm4b:s18+s17] =	stream.linear.scatter [tilespmem:s14], [sflag:$0x2], $0x4000, $0x38;
	[tilespmem:$0x4080] =	vst v63  }
0x30: {  	p0 =	por $0x0, $0x0;
	_ =	swait.ge [sflag:s13], $0x4000  }
0x31: {  	s19 =	smov.u32 s7;
	p2 =	por $0x0, $0x0;
	[sflag:s13] =	ssyncset.done $0x0  }
0x32: {  	s20 =	simm.s32 $0x0;
	s18 =	simm.s32 $0x80;
	[sflag:s13] =	ssyncadd.s32 $0xFFFFC000  }
0x33: {  	s19 =	sadd.s32 $0x0, s8  }
0x34: {  	[tilespmem:s17], [sflag:$0x2] =	stream.linear.gather [hbm4b:s19+s17], $0x80, $0x38;
	[tilespmem:$0x4080] =	vst v63  }
0x35: {  	_ =	swait.ge [sflag:s13], $0x80  }
0x36: {  	[sflag:s13] =	ssyncset.done $0x0  }
0x37: {  	[sflag:s13] =	ssyncadd.s32 $0xFFFFFF80  }
0x38: {  	[tilespmem:s14], [sflag:$0x1] =	stream.indirect.gather [hbm4b:s3+s14], $0x80, s17, s14, $0xb8;
	[tilespmem:$0x4080] =	vst v63  }
0x39: {  	p3 =	por $0x1, $0x1;
	_ =	swait.ge [sflag:s15], $0x4000  }
.Ltmp2:
0x3a: {  	[sflag:s15] =	ssyncset.done $0x0;
	(pc) =	sbr.rel @!p3 .LBB2_5-.Ltmp2, $4  }
0x3b: {  	[sflag:s15] =	ssyncadd.s32 $0xFFFFC000  }
0x3c: {  	[hbm4b:s7+s17] =	stream.linear.scatter [tilespmem:s14], [sflag:$0x2], $0x4000, $0x38;
	[tilespmem:$0x4080] =	vst v63  }
0x3d: {  	s20 =	simm.s32 $0x100;
	_ =	swait.ge [sflag:s13], $0x4000  }
0x3e: {  	p2 =	por $0x1, $0x1;
	s19 =	sadd.s32 $0x800, s7;
	[sflag:s13] =	ssyncset.done $0x0  }
.LBB2_6:
0x3f: {  	s21 =	sadd.s32 s18, s8  }
0x40: {  	[sflag:s13] =	ssyncadd.s32 $0xFFFFC000;
	s18 =	smov.u32 s20;
	s22 =	sadd.s32 $0x80, s20  }
0x41: {  	[tilespmem:s17], [sflag:$0x2] =	stream.linear.gather [hbm4b:s21+s17], $0x80, $0x38;
	[tilespmem:$0x4080] =	vst v63  }
0x42: {  	p3 =	sne.s32 s20, $0x780;
	_ =	swait.ge [sflag:s13], $0x80  }
0x43: {  	[sflag:s13] =	ssyncset.done $0x0  }
0x44: {  	[sflag:s13] =	ssyncadd.s32 $0xFFFFFF80  }
0x45: {  	[tilespmem:s14], [sflag:$0x1] =	stream.indirect.gather [hbm4b:s3+s14], $0x80, s17, s14, $0xb8;
	[tilespmem:$0x4080] =	vst v63  }
0x46: {  	_ =	swait.ge [sflag:s15], $0x4000  }
.Ltmp3:
0x47: {  	[sflag:s15] =	ssyncset.done $0x0;
	(pc) =	sbr.rel @p3 .LBB2_6-.Ltmp3, $4  }
0x48: {  	[sflag:s15] =	ssyncadd.s32 $0xFFFFC000  }
0x49: {  	[hbm4b:s19+s17] =	stream.linear.scatter [tilespmem:s14], [sflag:$0x2], $0x4000, $0x38;
	[tilespmem:$0x4080] =	vst v63  }
0x4a: {  	_ =	swait.ge [sflag:s13], $0x4000  }
0x4b: {  	s20 =	smov.u32 s22;
	s19 =	sadd.s32 $0x800, s19;
	[sflag:s13] =	ssyncset.done $0x0  }
0x4c: {  	s20 =	smov.u32 s18  }
.LBB2_8:
0x4d: {  	s18 =	sadd.s32 s20, s8;
	[sflag:s13] =	ssyncadd.s32 @p2 $0xFFFFC000  }
0x4e: {  	[tilespmem:s17], [sflag:$0x2] =	stream.linear.gather [hbm4b:s18+s17], $0x80, $0x38;
	[tilespmem:$0x4080] =	vst v63  }
0x4f: {  	_ =	swait.ge [sflag:s13], $0x80  }
0x50: {  	[sflag:s13] =	ssyncset.done $0x0  }
0x51: {  	[sflag:s13] =	ssyncadd.s32 $0xFFFFFF80  }
0x52: {  	[tilespmem:s14], [sflag:$0x1] =	stream.indirect.gather [hbm4b:s3+s14], $0x80, s17, s14, $0xb8;
	[tilespmem:$0x4080] =	vst v63  }
0x53: {  	_ =	swait.ge [sflag:s15], $0x4000  }
0x54: {  	[sflag:s15] =	ssyncset.done $0x0  }
.Ltmp4:
0x55: {  	[sflag:s15] =	ssyncadd.s32 $0xFFFFC000;
	(pc) =	sbr.rel @!p1 .LBB2_9-.Ltmp4, $4  }
0x56: {  	[hbm4b:s19+s17] =	stream.linear.scatter [tilespmem:s14], [sflag:$0x2], $0x4000, $0x38;
	[tilespmem:$0x4080] =	vst v63  }
0x57: {  	_ =	swait.ge [sflag:s13], $0x4000  }
0x58: {  	[sflag:s13] =	ssyncset.done $0x0  }
0x59: {  	s20 =	sadd.s32 $0x0, s10;
	[sflag:s13] =	ssyncadd.s32 $0xFFFFC000  }
0x5a: {  	s18 =	simm.s32 $0x0  }
0x5b: {  	[tilespmem:s18], [sflag:$0x2] =	stream.linear.gather [hbm4b:s20+s18], $0x80, $0x38;
	[tilespmem:$0x4080] =	vst v63  }
0x5c: {  	_ =	swait.ge [sflag:s13], $0x80  }
0x5d: {  	[sflag:s13] =	ssyncset.done $0x0  }
0x5e: {  	[sflag:s13] =	ssyncadd.s32 $0xFFFFFF80  }
0x5f: {  	[tilespmem:s14], [sflag:$0x1] =	stream.indirect.gather [hbm4b:s3+s14], $0x80, s18, s14, $0xb8;
	[tilespmem:$0x4080] =	vst v63  }
0x60: {  	p1 =	por $0x1, $0x1;
	_ =	swait.ge [sflag:s15], $0x4000  }
.Ltmp5:
0x61: {  	[sflag:s15] =	ssyncset.done $0x0;
	(pc) =	sbr.rel @!p1 .LBB2_12-.Ltmp5, $4  }
0x62: {  	[sflag:s15] =	ssyncadd.s32 $0xFFFFC000  }
0x63: {  	[hbm4b:s9+s18] =	stream.linear.scatter [tilespmem:s14], [sflag:$0x2], $0x4000, $0x38;
	[tilespmem:$0x4080] =	vst v63  }
0x64: {  	s19 =	simm.s32 $0x100;
	s17 =	sadd.s32 $0x800, s9;
	_ =	swait.ge [sflag:s13], $0x4000  }
0x65: {  	p0 =	por $0x1, $0x1;
	s20 =	sadd.s32 $0x80, s10;
	[sflag:s13] =	ssyncset.done $0x0  }
.LBB2_11:
0x66: {  	s21 =	sadd.s32 s19, s10;
	[sflag:s13] =	ssyncadd.s32 $0xFFFFC000  }
0x67: {  	[tilespmem:s18], [sflag:$0x2] =	stream.linear.gather [hbm4b:s20+s18], $0x80, $0x38;
	[tilespmem:$0x4080] =	vst v63  }
0x68: {  	p1 =	sne.s32 s19, $0x780;
	s19 =	sadd.s32 $0x80, s19;
	_ =	swait.ge [sflag:s13], $0x80  }
0x69: {  	s20 =	smov.u32 s21;
	[sflag:s13] =	ssyncset.done $0x0  }
0x6a: {  	[sflag:s13] =	ssyncadd.s32 $0xFFFFFF80  }
0x6b: {  	[tilespmem:s14], [sflag:$0x1] =	stream.indirect.gather [hbm4b:s3+s14], $0x80, s18, s14, $0xb8;
	[tilespmem:$0x4080] =	vst v63  }
0x6c: {  	_ =	swait.ge [sflag:s15], $0x4000  }
.Ltmp6:
0x6d: {  	[sflag:s15] =	ssyncset.done $0x0;
	(pc) =	sbr.rel @p1 .LBB2_11-.Ltmp6, $4  }
0x6e: {  	[sflag:s15] =	ssyncadd.s32 $0xFFFFC000  }
0x6f: {  	[hbm4b:s17+s18] =	stream.linear.scatter [tilespmem:s14], [sflag:$0x2], $0x4000, $0x38;
	[tilespmem:$0x4080] =	vst v63  }
0x70: {  	_ =	swait.ge [sflag:s13], $0x4000  }
0x71: {  	s17 =	sadd.s32 $0x800, s17;
	[sflag:s13] =	ssyncset.done $0x0  }
.LBB2_12:
0x72: {  	s19 =	simm.s32 $0x0;
	[sflag:s13] =	ssyncadd.s32 @p0 $0xFFFFC000  }
0x73: {  	[tilespmem:s19], [sflag:$0x2] =	stream.linear.gather [hbm4b:s20+s19], $0x80, $0x38;
	[tilespmem:$0x4080] =	vst v63  }
0x74: {  	_ =	swait.ge [sflag:s13], $0x80  }
0x75: {  	[sflag:s13] =	ssyncset.done $0x0  }
0x76: {  	[sflag:s13] =	ssyncadd.s32 $0xFFFFFF80  }
0x77: {  	[tilespmem:s14], [sflag:$0x1] =	stream.indirect.gather [hbm4b:s3+s14], $0x80, s19, s14, $0xb8;
	[tilespmem:$0x4080] =	vst v63  }
0x78: {  	_ =	swait.ge [sflag:s15], $0x4000  }
0x79: {  	p1 =	por $0x1, $0x1;
	[sflag:s15] =	ssyncset.done $0x0  }
.Ltmp7:
0x7a: {  	[sflag:s15] =	ssyncadd.s32 $0xFFFFC000;
	(pc) =	sbr.rel @!p1 .LBB2_17-.Ltmp7, $4  }
0x7b: {  	[hbm4b:s17+s19] =	stream.linear.scatter [tilespmem:s14], [sflag:$0x2], $0x4000, $0x38;
	[tilespmem:$0x4080] =	vst v63  }
0x7c: {  	_ =	swait.ge [sflag:s13], $0x4000  }
0x7d: {  	p0 =	por $0x0, $0x0;
	[sflag:s13] =	ssyncset.done $0x0  }
0x7e: {  	s18 =	smov.u32 s11;
	s17 =	simm.s32 $0x80;
	[sflag:s13] =	ssyncadd.s32 $0xFFFFC000  }
0x7f: {  	s18 =	sadd.s32 $0x0, s12  }
0x80: {  	[tilespmem:s1], [sflag:$0x2] =	stream.linear.gather [hbm4b:s18+s1], $0x80, $0x38;
	[tilespmem:$0x4080] =	vst v63  }
0x81: {  	_ =	swait.ge [sflag:s13], $0x80  }
0x82: {  	[sflag:s13] =	ssyncset.done $0x0  }
0x83: {  	[sflag:s13] =	ssyncadd.s32 $0xFFFFFF80  }
0x84: {  	[tilespmem:s14], [sflag:$0x1] =	stream.indirect.gather [hbm4b:s3+s14], $0x80, s1, s14, $0xb8;
	[tilespmem:$0x4080] =	vst v63  }
0x85: {  	p1 =	por $0x1, $0x1;
	_ =	swait.ge [sflag:s15], $0x4000  }
.Ltmp8:
0x86: {  	[sflag:s15] =	ssyncset.done $0x0;
	(pc) =	sbr.rel @!p1 .LBB2_14-.Ltmp8, $4  }
0x87: {  	[sflag:s15] =	ssyncadd.s32 $0xFFFFC000  }
0x88: {  	[hbm4b:s11+s1] =	stream.linear.scatter [tilespmem:s14], [sflag:$0x2], $0x4000, $0x38;
	[tilespmem:$0x4080] =	vst v63  }
0x89: {  	s19 =	simm.s32 $0x100;
	_ =	swait.ge [sflag:s13], $0x4000  }
0x8a: {  	p0 =	por $0x1, $0x1;
	s18 =	sadd.s32 $0x800, s11;
	[sflag:s13] =	ssyncset.done $0x0  }
.LBB2_15:
0x8b: {  	s20 =	sadd.s32 s17, s12  }
0x8c: {  	[sflag:s13] =	ssyncadd.s32 $0xFFFFC000;
	s17 =	smov.u32 s19;
	s21 =	sadd.s32 $0x80, s19  }
0x8d: {  	[tilespmem:s1], [sflag:$0x2] =	stream.linear.gather [hbm4b:s20+s1], $0x80, $0x38;
	[tilespmem:$0x4080] =	vst v63  }
0x8e: {  	p1 =	sne.s32 s19, $0x780;
	_ =	swait.ge [sflag:s13], $0x80  }
0x8f: {  	[sflag:s13] =	ssyncset.done $0x0  }
0x90: {  	[sflag:s13] =	ssyncadd.s32 $0xFFFFFF80  }
0x91: {  	[tilespmem:s14], [sflag:$0x1] =	stream.indirect.gather [hbm4b:s3+s14], $0x80, s1, s14, $0xb8;
	[tilespmem:$0x4080] =	vst v63  }
0x92: {  	_ =	swait.ge [sflag:s15], $0x4000  }
.Ltmp9:
0x93: {  	[sflag:s15] =	ssyncset.done $0x0;
	(pc) =	sbr.rel @p1 .LBB2_15-.Ltmp9, $4  }
0x94: {  	[sflag:s15] =	ssyncadd.s32 $0xFFFFC000  }
0x95: {  	[hbm4b:s18+s1] =	stream.linear.scatter [tilespmem:s14], [sflag:$0x2], $0x4000, $0x38;
	[tilespmem:$0x4080] =	vst v63  }
0x96: {  	_ =	swait.ge [sflag:s13], $0x4000  }
0x97: {  	s19 =	smov.u32 s21;
	s18 =	sadd.s32 $0x800, s18;
	[sflag:s13] =	ssyncset.done $0x0  }
0x98: {  	s19 =	smov.u32 s17  }
.LBB2_17:
0x99: {  	s17 =	sadd.s32 s19, s12;
	[sflag:s13] =	ssyncadd.s32 @p0 $0xFFFFC000  }
0x9a: {  	[tilespmem:s1], [sflag:$0x2] =	stream.linear.gather [hbm4b:s17+s1], $0x80, $0x38;
	[tilespmem:$0x4080] =	vst v63  }
0x9b: {  	_ =	swait.ge [sflag:s13], $0x80  }
0x9c: {  	[sflag:s13] =	ssyncset.done $0x0  }
0x9d: {  	[sflag:s13] =	ssyncadd.s32 $0xFFFFFF80  }
0x9e: {  	[tilespmem:s14], [sflag:$0x1] =	stream.indirect.gather [hbm4b:s3+s14], $0x80, s1, s14, $0xb8;
	[tilespmem:$0x4080] =	vst v63  }
0x9f: {  	_ =	swait.ge [sflag:s15], $0x4000  }
0xa0: {  	s16 =	sadd.s32 $0x1, s16;
	[sflag:s15] =	ssyncset.done $0x0  }
0xa1: {  	p0 =	sne.s32 s16, s4;
	[sflag:s15] =	ssyncadd.s32 $0xFFFFC000  }
0xa2: {  	[hbm4b:s18+s1] =	stream.linear.scatter [tilespmem:s14], [sflag:$0x2], $0x4000, $0x38;
	[tilespmem:$0x4080] =	vst v63  }
.Ltmp10:
0xa3: {  	_ = 	snop;
	(pc) =	sbr.rel @p0 .LBB2_1-.Ltmp10, $4  }
.Ltmp11:
0xa4: {  	_ = 	snop;
	(pc) =	sbr.rel @!p0 .LBB2_18-.Ltmp11, $4  }
0xa5: {  	_ =	swait.ge [sflag:s13], $0x4000  }
0xa6: {  	[sflag:s13] =	ssyncset.done $0x0  }
0xa7: {  	[sflag:s13] =	ssyncadd.s32 $0xFFFFC000  }
0xa8: {  	_ = 	snop  }
.LBB2_9:
.Ltmp12:
0xa9: {  	(pc) =	sbr.rel .LBB2_12-.Ltmp12, $2  }
0xaa: {  	_ =	sdelay $0x2  }
0xab: {  	s17 =	smov.u32 s9  }
.LBB2_5:
.Ltmp13:
0xac: {  	(pc) =	sbr.rel .LBB2_8-.Ltmp13, $2  }
0xad: {  	_ =	sdelay $0x2  }
0xae: {  	s20 =	simm.s32 $0x80  }
.LBB2_14:
.Ltmp14:
0xaf: {  	(pc) =	sbr.rel .LBB2_17-.Ltmp14, $2  }
0xb0: {  	_ =	sdelay $0x2  }
0xb1: {  	s19 =	simm.s32 $0x80  }
.LBB2_18:
0xb2: {  	_ =	sfence.sel $0x180000  }
0xb3: {  	[bflag:$0x0] =	sbarrier.arrive $0xFFFF  }
0xb4: {  	p0 =	sne.s32 s2, $0x0;
	_ =	strace $0x90000056  }
0xb5: {  	s0 =	sadd.s32 @!p0 $0x100000, s0;
	[bflag:$0x2] =	sbarrier.arrive $0xFFFF  }
0xb6: {  	[sflag:s0] =	ssyncadd.tile.s32 @!p0 $0x1;
	_ =	shalt  }
.Lfunc_end2:
_tile_overlayer_lowered:
.L_overlay_start_2:
0xb7: {  	(tag) =	ssettag $0x2  }
0xb8: {  	s0 =	rddreg [dreg:$0x0];
	s2 =	stileid.u32  }
0xb9: {  	s1 =	rddreg [dreg:$0x1];
	p0 =	sne.s32 s2, $0x0  }
0xba: {  	s3 =	rddreg [dreg:$0x2];
	[bflag:$0x3] =	sbarrier.arrive $0xFFFF;
	s2 =	simm.s32 @!p0 $0x1C02  }
0xbb: {  	[timem:s3], [sflag:s2] =	dma.local @!p0 [hbm:s0], s1  }
0xbc: {  	s0 =	simm.s32 @!p0 $0x2  }
0xbd: {  	_ =	swait.ge @!p0 [sflag:s0], s1  }
0xbe: {  	s1 =	ssub.s32 @!p0 $0x0, s1;
	[sflag:s0] =	ssyncset.done @!p0 $0x0  }
0xbf: {  	[sflag:s0] =	ssyncadd.s32 @!p0 s1  }
0xc0: {  	[bflag:$0x3] =	sbarrier.arrive $0xFFFF  }
0xc1: {  	_ =	shalt  }

</sc_bundles>
